<compile_context>
chip_gen: v7x
topology: tpu7x:2x2x1
jax: 0.10.2.dev20260603
libtpu: 0.0.44.dev20260713+nightly
codegen_flags: <defaults>
</compile_context>

<pallas_src>
import functools

import jax
import jax.numpy as jnp
from jax import lax
from jax.experimental import pallas as pl
from jax.experimental.pallas import tpu as pltpu
from jax.experimental.pallas import tpu_sc as plsc

N = 10000
E = 320000
D = 128
H = 64
G = 64
OUT = 2
EPS = 1e-5

NC = 2
NS = 16
NW = NC * NS
EPT = E // NW
C = 80
NCH = EPT // C
SROW = 624
SCNT = 640
ZR = 64
SPC = 5
NSC = NCH // SPC
BN_SCALE = float(1.0 / (1.0 + EPS) ** 0.5)


def _tc_pre_body(x_ref, w_ref, asc_ref, adc_ref, h_ref, avs_ref, avd_ref):
    h = jnp.dot(x_ref[...], w_ref[...], preferred_element_type=jnp.float32)
    h_ref[...] = h
    avs_ref[...] = jnp.dot(h, asc_ref[...], preferred_element_type=jnp.float32)
    avd_ref[...] = jnp.dot(h, adc_ref[...], preferred_element_type=jnp.float32)


_tc_pre = pl.pallas_call(
    _tc_pre_body,
    out_shape=[
        jax.ShapeDtypeStruct((N, H), jnp.float32),
        jax.ShapeDtypeStruct((N, 1), jnp.float32),
        jax.ShapeDtypeStruct((N, 1), jnp.float32),
    ],
)


def _sc_layer_body(src_hbm, dst_hbm, avs_hbm, avd_hbm, h_hbm,
                   acc_hbm, s_hbm,
                   acc_s, src_l, dst_l, e_all,
                   gsem_a, gsem_b, ssem_a, ssem_b):
    cid = lax.axis_index("c")
    sid = lax.axis_index("s")
    wid = cid * NS + sid

    pltpu.sync_copy(src_hbm.at[wid], src_l)
    pltpu.sync_copy(dst_hbm.at[wid], dst_l)
    base = sid * SROW
    zv = jnp.zeros((16,), jnp.float32)

    def reg_phase(avs_l, avd_l, s_l):
        pltpu.sync_copy(avs_hbm, avs_l)
        pltpu.sync_copy(avd_hbm, avd_l)

        def zs(i, _):
            s_l[pl.ds(i * 16, 16)] = zv
            return 0
        lax.fori_loop(0, N // 16, zs, 0)

        def reg_chunk(j, _):
            for i in range(C // 16):
                sv = src_l[j, pl.ds(i * 16, 16)]
                dv = dst_l[j, pl.ds(i * 16, 16)]
                a = (plsc.load_gather(avs_l, [sv])
                     + plsc.load_gather(avd_l, [dv]))
                a = jnp.where(a > 0, a, a * jnp.float32(0.2))
                ev = jnp.exp(a)
                e_all[pl.ds(j * C + i * 16, 16)] = ev
                plsc.addupdate_scatter(s_l, [dv], ev)
            return 0
        lax.fori_loop(0, NCH, reg_chunk, 0)
        pltpu.sync_copy(s_l, s_hbm.at[wid, 0])

    pl.run_scoped(reg_phase,
                  pltpu.VMEM((N,), jnp.float32),
                  pltpu.VMEM((N,), jnp.float32),
                  pltpu.VMEM((N,), jnp.float32))

    def stream_phase(rows_a, rows_b):
        def zrow(i, _):
            for q in range(H // 16):
                rows_a[i, pl.ds(q * 16, 16)] = zv
            return 0
        lax.fori_loop(0, SPC * C, zrow, 0)
        pltpu.sync_copy(rows_a, acc_s.at[pl.ds(base, SPC * C)])
        pltpu.sync_copy(rows_a.at[pl.ds(0, SCNT - SPC * C)],
                        acc_s.at[pl.ds(base + SPC * C, SCNT - SPC * C)])

        plsc.subcore_barrier()

        def issue_gathers(k, rows_buf, gsem):
            for b in range(SPC):
                pltpu.async_copy(h_hbm.at[src_l.at[k * SPC + b]],
                                 rows_buf.at[pl.ds(b * C, C)], gsem)

        def wait_gathers(k, rows_buf, gsem):
            for b in range(SPC):
                pltpu.make_async_copy(h_hbm.at[src_l.at[k * SPC + b]],
                                      rows_buf.at[pl.ds(b * C, C)],
                                      gsem).wait()

        def wait_scatters(k, rows_buf, ssem):
            for b in range(SPC):
                pltpu.make_async_copy(rows_buf.at[pl.ds(b * C, C)],
                                      acc_s.at[dst_l.at[k * SPC + b]],
                                      ssem).wait()

        def do_superchunk(k, rows_buf, gsem, ssem, other_rows, other_gsem,
                          other_ssem):
            @pl.when(k > 0)
            def _():
                wait_scatters(k - 1, other_rows, other_ssem)

            @pl.when(k < NSC - 1)
            def _():
                issue_gathers(k + 1, other_rows, other_gsem)
            wait_gathers(k, rows_buf, gsem)

            def rmul(r, _):
                eidx = jnp.full((16,), k * (SPC * C) + r, jnp.int32)
                ev = plsc.load_gather(e_all, [eidx])
                for q in range(H // 16):
                    rows_buf[r, pl.ds(q * 16, 16)] = (
                        rows_buf[r, pl.ds(q * 16, 16)] * ev)
                return 0
            lax.fori_loop(0, SPC * C, rmul, 0, unroll=8)
            for b in range(SPC):
                pltpu.async_copy(rows_buf.at[pl.ds(b * C, C)],
                                 acc_s.at[dst_l.at[k * SPC + b]], ssem,
                                 add=True)

        issue_gathers(0, rows_a, gsem_a)

        def step(k, _):
            @pl.when(k % 2 == 0)
            def _():
                do_superchunk(k, rows_a, gsem_a, ssem_a,
                              rows_b, gsem_b, ssem_b)

            @pl.when(k % 2 == 1)
            def _():
                do_superchunk(k, rows_b, gsem_b, ssem_b,
                              rows_a, gsem_a, ssem_a)
            return 0
        lax.fori_loop(0, NSC, step, 0)
        wait_scatters(NSC - 1, rows_a, ssem_a)

    pl.run_scoped(stream_phase,
                  pltpu.VMEM((SPC * C, H), jnp.float32),
                  pltpu.VMEM((SPC * C, H), jnp.float32))

    plsc.subcore_barrier()
    pltpu.sync_copy(acc_s.at[pl.ds(base, SCNT)],
                    acc_hbm.at[cid, pl.ds(base, SCNT)])


_sc_layer = pl.kernel(
    _sc_layer_body,
    out_type=[
        jax.ShapeDtypeStruct((NC, N, H), jnp.float32),
        jax.ShapeDtypeStruct((NW, 1, N), jnp.float32),
    ],
    mesh=plsc.VectorSubcoreMesh(core_axis_name="c", subcore_axis_name="s"),
    compiler_params=pltpu.CompilerParams(needs_layout_passes=False,
                                         use_tc_tiling_on_sc=False),
    scratch_types=[
        pltpu.VMEM_SHARED((N, H), jnp.float32),
        pltpu.VMEM((NCH, C), jnp.int32),
        pltpu.VMEM((NCH, C), jnp.int32),
        pltpu.VMEM((NCH * C,), jnp.float32),
        pltpu.SemaphoreType.DMA,
        pltpu.SemaphoreType.DMA,
        pltpu.SemaphoreType.DMA,
        pltpu.SemaphoreType.DMA,
    ],
)


def _sc_gat(src, dst, avs, avd, h):
    return _sc_layer(src, dst, avs, avd, h)


def _gat_epilogue(acc, st, avs, avd, h, b, g, be):
    stot = lax.dot_general(st, jnp.ones((NW, 1), jnp.float32),
                           (((0,), (0,)), ((), ())),
                           preferred_element_type=jnp.float32)
    ls = avs + avd
    ls = jnp.where(ls > 0, ls, ls * jnp.float32(0.2))
    eself = jnp.exp(ls)
    stot = stot + eself
    hout = (acc[0] + acc[1] + h * eself) / stot + b
    hout = jnp.maximum(hout, 0.0)
    return g * hout * jnp.float32(BN_SCALE) + be


def _tc_mid_body(acc_ref, st_ref, avs_ref, avd_ref, h_ref, b_ref, g_ref,
                 be_ref, w2_ref, asc_ref, adc_ref,
                 h2_ref, avs2_ref, avd2_ref):
    hout = _gat_epilogue(acc_ref[...], st_ref[...], avs_ref[...],
                         avd_ref[...], h_ref[...], b_ref[...], g_ref[...],
                         be_ref[...])
    h2 = jnp.dot(hout, w2_ref[...], preferred_element_type=jnp.float32)
    h2_ref[...] = h2
    avs2_ref[...] = jnp.dot(h2, asc_ref[...], preferred_element_type=jnp.float32)
    avd2_ref[...] = jnp.dot(h2, adc_ref[...], preferred_element_type=jnp.float32)


_tc_mid = pl.pallas_call(
    _tc_mid_body,
    out_shape=[
        jax.ShapeDtypeStruct((N, H), jnp.float32),
        jax.ShapeDtypeStruct((N, 1), jnp.float32),
        jax.ShapeDtypeStruct((N, 1), jnp.float32),
    ],
)


def _tc_fin_body(acc_ref, st_ref, avs_ref, avd_ref, h_ref, b_ref, g_ref,
                 be_ref, batch_ref, w3_ref, b3_ref, w4_ref, b4_ref,
                 w5_ref, b5_ref, w6_ref, b6_ref, out_ref):
    hout = _gat_epilogue(acc_ref[...], st_ref[...], avs_ref[...],
                         avd_ref[...], h_ref[...], b_ref[...], g_ref[...],
                         be_ref[...])
    gids = lax.broadcasted_iota(jnp.int32, (G, N), 0)
    onehot = jnp.where(gids == batch_ref[...], 1.0, 0.0).astype(jnp.float32)
    p = jnp.dot(onehot, hout, preferred_element_type=jnp.float32)
    p = jnp.maximum(jnp.dot(p, w3_ref[...], preferred_element_type=jnp.float32)
                    + b3_ref[...], 0.0)
    p = jnp.maximum(jnp.dot(p, w4_ref[...], preferred_element_type=jnp.float32)
                    + b4_ref[...], 0.0)
    p = jnp.maximum(jnp.dot(p, w5_ref[...], preferred_element_type=jnp.float32)
                    + b5_ref[...], 0.0)
    o = jnp.dot(p, w6_ref[...], preferred_element_type=jnp.float32) + b6_ref[...]
    m = jnp.max(o, axis=1, keepdims=True)
    lse = m + jnp.log(jnp.sum(jnp.exp(o - m), axis=1, keepdims=True))
    out_ref[...] = o - lse


_tc_fin = pl.pallas_call(
    _tc_fin_body,
    out_shape=jax.ShapeDtypeStruct((G, OUT), jnp.float32),
)


def kernel(x, edge_index, edge_attr, batch, W1, as1, ad1, b1, g1, be1,
           W2, as2, ad2, b2, g2, be2, W3, b3, W4, b4, W5, b5, W6, b6):
    src = edge_index[0].reshape(NW, NCH, C)
    dst = edge_index[1].reshape(NW, NCH, C)

    h1, avs1, avd1 = _tc_pre(x, W1, as1.reshape(H, 1), ad1.reshape(H, 1))
    acc1, s1 = _sc_gat(src, dst, avs1.reshape(N), avd1.reshape(N), h1)
    s1 = s1.reshape(NW, N)
    h2, avs2, avd2 = _tc_mid(acc1, s1, avs1, avd1, h1,
                             b1.reshape(1, H), g1.reshape(1, H),
                             be1.reshape(1, H), W2,
                             as2.reshape(H, 1), ad2.reshape(H, 1))
    acc2, s2 = _sc_gat(src, dst, avs2.reshape(N), avd2.reshape(N), h2)
    s2 = s2.reshape(NW, N)
    return _tc_fin(acc2, s2, avs2, avd2, h2,
                   b2.reshape(1, H), g2.reshape(1, H), be2.reshape(1, H),
                   batch.reshape(1, N), W3, b3.reshape(1, H),
                   W4, b4.reshape(1, H), W5, b5.reshape(1, H),
                   W6, b6.reshape(1, OUT))

# --- scband reference (transcript-rebuilt; emitter-appended) ---
"""Pipeline reference for scband-gatmodel-79688823210720 (READ-ONLY COPY).

The authoritative reference and input builder live on the scoring server;
editing this copy changes nothing except your own understanding.
"""

import jax, jax.numpy as jnp
import numpy as np

N = 10000
E = 320000
D = 128
H = 64
G = 64
OUT = 2
EPS = 1e-5


def setup_inputs(seed: int = 0) -> dict:
    key = jax.random.key(seed)
    ks = jax.random.split(key, 32)
    x = jax.random.normal(ks[0], (N, D), jnp.float32)
    edge_index = jax.random.randint(ks[1], (2, E), 0, N, dtype=jnp.int32)
    edge_attr = jax.random.normal(ks[2], (E, 16), jnp.float32)
    batch = jnp.sort(jax.random.randint(ks[3], (N,), 0, G, dtype=jnp.int32))
    s = 0.1
    inp = {
        'x': x, 'edge_index': edge_index, 'edge_attr': edge_attr, 'batch': batch,
        'W1': jax.random.normal(ks[4], (D, H), jnp.float32) * s,
        'as1': jax.random.normal(ks[5], (H,), jnp.float32) * s,
        'ad1': jax.random.normal(ks[6], (H,), jnp.float32) * s,
        'b1': jnp.zeros((H,), jnp.float32),
        'g1': jnp.ones((H,), jnp.float32),
        'be1': jnp.zeros((H,), jnp.float32),
        'W2': jax.random.normal(ks[7], (H, H), jnp.float32) * s,
        'as2': jax.random.normal(ks[8], (H,), jnp.float32) * s,
        'ad2': jax.random.normal(ks[9], (H,), jnp.float32) * s,
        'b2': jnp.zeros((H,), jnp.float32),
        'g2': jnp.ones((H,), jnp.float32),
        'be2': jnp.zeros((H,), jnp.float32),
        'W3': jax.random.normal(ks[10], (H, H), jnp.float32) * s,
        'b3': jnp.zeros((H,), jnp.float32),
        'W4': jax.random.normal(ks[11], (H, H), jnp.float32) * s,
        'b4': jnp.zeros((H,), jnp.float32),
        'W5': jax.random.normal(ks[12], (H, H), jnp.float32) * s,
        'b5': jnp.zeros((H,), jnp.float32),
        'W6': jax.random.normal(ks[13], (H, OUT), jnp.float32) * s,
        'b6': jnp.zeros((OUT,), jnp.float32),
    }
    return inp


def _segment_softmax(logits, seg, num_segments):
    m = jax.ops.segment_max(logits, seg, num_segments)
    m = jnp.where(jnp.isfinite(m), m, 0.0)
    e = jnp.exp(logits - m[seg])
    s = jax.ops.segment_sum(e, seg, num_segments)
    return e / (s[seg] + 1e-16)


def _gat_conv(x, edge_index, W, a_src, a_dst, b):
    n = x.shape[0]
    h = x @ W
    loop = jnp.arange(n, dtype=edge_index.dtype)
    src = jnp.concatenate([edge_index[0], loop])
    dst = jnp.concatenate([edge_index[1], loop])
    alpha_src = (h * a_src).sum(-1)
    alpha_dst = (h * a_dst).sum(-1)
    alpha = alpha_src[src] + alpha_dst[dst]
    alpha = jax.nn.leaky_relu(alpha, 0.2)
    alpha = _segment_softmax(alpha, dst, n)
    msg = h[src] * alpha[:, None]
    out = jax.ops.segment_sum(msg, dst, n)
    return out + b


def _bn_eval(x, gamma, beta):
    return gamma * x / jnp.sqrt(1.0 + EPS) + beta


def reference(x, edge_index, edge_attr, batch, W1, as1, ad1, b1, g1, be1,
              W2, as2, ad2, b2, g2, be2, W3, b3, W4, b4, W5, b5, W6, b6):
    h = _gat_conv(x, edge_index, W1, as1, ad1, b1)
    h = jax.nn.relu(h)
    h = _bn_eval(h, g1, be1)
    # dropout: eval mode identity
    h = _gat_conv(h, edge_index, W2, as2, ad2, b2)
    h = jax.nn.relu(h)
    h = _bn_eval(h, g2, be2)
    p = jax.ops.segment_sum(h, batch, G)
    p = jax.nn.relu(p @ W3 + b3)
    p = jax.nn.relu(p @ W4 + b4)
    p = jax.nn.relu(p @ W5 + b5)
    p = p @ W6 + b6
    return jax.nn.log_softmax(p, axis=1)

if __name__ == "__main__":
    import jax
    _d = setup_inputs()
    print(jax.jit(kernel)(*tuple(_d.values())))

</pallas_src>

<mosaic_0001>
#map = affine_map<(d0, d1) -> (0, 0, 0)>
#map1 = affine_map<(d0, d1) -> (0)>
#map2 = affine_map<(d0, d1) -> (0, 0)>
module attributes {stable_mosaic.version = 14 : i64} {
  func.func @_sc_layer_body(%arg0: i32, %arg1: i32, %arg2: memref<32x125x80xi32, #tpu.memory_space<hbm>>, %arg3: memref<32x125x80xi32, #tpu.memory_space<hbm>>, %arg4: memref<10000xf32, #tpu.memory_space<hbm>>, %arg5: memref<10000xf32, #tpu.memory_space<hbm>>, %arg6: memref<10000x64xf32, #tpu.memory_space<hbm>>, %arg7: memref<2x10000x64xf32, #tpu.memory_space<hbm>>, %arg8: memref<32x1x10000xf32, #tpu.memory_space<hbm>>, %arg9: memref<10000x64xf32, #tpu.memory_space<vmem_shared>>, %arg10: memref<125x80xi32, #tpu.memory_space<vmem>>, %arg11: memref<125x80xi32, #tpu.memory_space<vmem>>, %arg12: memref<10000xf32, #tpu.memory_space<vmem>>, %arg13: memref<!tpu.dma_semaphore, #tpu.memory_space<semaphore_mem>>, %arg14: memref<!tpu.dma_semaphore, #tpu.memory_space<semaphore_mem>>, %arg15: memref<!tpu.dma_semaphore, #tpu.memory_space<semaphore_mem>>, %arg16: memref<!tpu.dma_semaphore, #tpu.memory_space<semaphore_mem>>) attributes {dimension_semantics = [#tpu.dimension_semantics<core_parallel>, #tpu.dimension_semantics<subcore_parallel>], iteration_bounds = array<i64: 2, 16>, scalar_prefetch = 0 : i64, scratch_operands = 8 : i64, tpu.core_type = #tpu.core_type<sc_vector_subcore>, window_params = [{transform_indices = #map}, {transform_indices = #map}, {transform_indices = #map1}, {transform_indices = #map1}, {transform_indices = #map2}, {transform_indices = #map}, {transform_indices = #map}]} {
    %mul3A = arith.constant 16 : i32
    %mul3A_0 = arith.muli %arg0, %mul3A : i32
    %add3A = arith.addi %mul3A_0, %arg1 : i32
    "tpu.region"() ({
      %run_scoped3A = tpu.sem_alloc : memref<!tpu.dma_semaphore, #tpu.memory_space<semaphore_mem>>
      %dma_start3A = arith.constant 0 : i32
      %dma_start3A_4 = arith.constant 0 : i32
      %dma_start3A_5 = tpu.memref_slice %arg2[%add3A, %dma_start3A, %dma_start3A_4] : memref<32x125x80xi32, #tpu.memory_space<hbm>> -> memref<1x125x80xi32, #tpu.memory_space<hbm>>
      %dma_start3A_6 = tpu.memref_squeeze %dma_start3A_5 : memref<1x125x80xi32, #tpu.memory_space<hbm>> -> memref<125x80xi32, #tpu.memory_space<hbm>>
      %dma_start3A_7 = arith.constant 0 : i32
      %dma_start3A_8 = arith.constant 0 : i32
      %dma_start3A_9 = tpu.memref_slice %arg2[%add3A, %dma_start3A_7, %dma_start3A_8] : memref<32x125x80xi32, #tpu.memory_space<hbm>> -> memref<1x125x80xi32, #tpu.memory_space<hbm>>
      %dma_start3A_10 = tpu.memref_squeeze %dma_start3A_9 : memref<1x125x80xi32, #tpu.memory_space<hbm>> -> memref<125x80xi32, #tpu.memory_space<hbm>>
      tpu.enqueue_dma source(%dma_start3A_10 : memref<125x80xi32, #tpu.memory_space<hbm>>) target(%arg10 : memref<125x80xi32, #tpu.memory_space<vmem>>) target_semaphore(%run_scoped3A : memref<!tpu.dma_semaphore, #tpu.memory_space<semaphore_mem>>)
      %dma_wait3A = arith.constant 0 : i32
      %dma_wait3A_11 = arith.constant 0 : i32
      %dma_wait3A_12 = tpu.memref_slice %arg2[%add3A, %dma_wait3A, %dma_wait3A_11] : memref<32x125x80xi32, #tpu.memory_space<hbm>> -> memref<1x125x80xi32, #tpu.memory_space<hbm>>
      %dma_wait3A_13 = tpu.memref_squeeze %dma_wait3A_12 : memref<1x125x80xi32, #tpu.memory_space<hbm>> -> memref<125x80xi32, #tpu.memory_space<hbm>>
      %dma_wait3A_14 = arith.constant 0 : i32
      %dma_wait3A_15 = arith.constant 0 : i32
      %dma_wait3A_16 = tpu.memref_slice %arg2[%add3A, %dma_wait3A_14, %dma_wait3A_15] : memref<32x125x80xi32, #tpu.memory_space<hbm>> -> memref<1x125x80xi32, #tpu.memory_space<hbm>>
      %dma_wait3A_17 = tpu.memref_squeeze %dma_wait3A_16 : memref<1x125x80xi32, #tpu.memory_space<hbm>> -> memref<125x80xi32, #tpu.memory_space<hbm>>
      tpu.wait_dma2 semaphore(%run_scoped3A : memref<!tpu.dma_semaphore, #tpu.memory_space<semaphore_mem>>) src(%dma_wait3A_17 : memref<125x80xi32, #tpu.memory_space<hbm>>) dst(%arg10 : memref<125x80xi32, #tpu.memory_space<vmem>>)
      tpu.yield
    }) : () -> ()
    "tpu.region"() ({
      %run_scoped3A = tpu.sem_alloc : memref<!tpu.dma_semaphore, #tpu.memory_space<semaphore_mem>>
      %dma_start3A = arith.constant 0 : i32
      %dma_start3A_4 = arith.constant 0 : i32
      %dma_start3A_5 = tpu.memref_slice %arg3[%add3A, %dma_start3A, %dma_start3A_4] : memref<32x125x80xi32, #tpu.memory_space<hbm>> -> memref<1x125x80xi32, #tpu.memory_space<hbm>>
      %dma_start3A_6 = tpu.memref_squeeze %dma_start3A_5 : memref<1x125x80xi32, #tpu.memory_space<hbm>> -> memref<125x80xi32, #tpu.memory_space<hbm>>
      %dma_start3A_7 = arith.constant 0 : i32
      %dma_start3A_8 = arith.constant 0 : i32
      %dma_start3A_9 = tpu.memref_slice %arg3[%add3A, %dma_start3A_7, %dma_start3A_8] : memref<32x125x80xi32, #tpu.memory_space<hbm>> -> memref<1x125x80xi32, #tpu.memory_space<hbm>>
      %dma_start3A_10 = tpu.memref_squeeze %dma_start3A_9 : memref<1x125x80xi32, #tpu.memory_space<hbm>> -> memref<125x80xi32, #tpu.memory_space<hbm>>
      tpu.enqueue_dma source(%dma_start3A_10 : memref<125x80xi32, #tpu.memory_space<hbm>>) target(%arg11 : memref<125x80xi32, #tpu.memory_space<vmem>>) target_semaphore(%run_scoped3A : memref<!tpu.dma_semaphore, #tpu.memory_space<semaphore_mem>>)
      %dma_wait3A = arith.constant 0 : i32
      %dma_wait3A_11 = arith.constant 0 : i32
      %dma_wait3A_12 = tpu.memref_slice %arg3[%add3A, %dma_wait3A, %dma_wait3A_11] : memref<32x125x80xi32, #tpu.memory_space<hbm>> -> memref<1x125x80xi32, #tpu.memory_space<hbm>>
      %dma_wait3A_13 = tpu.memref_squeeze %dma_wait3A_12 : memref<1x125x80xi32, #tpu.memory_space<hbm>> -> memref<125x80xi32, #tpu.memory_space<hbm>>
      %dma_wait3A_14 = arith.constant 0 : i32
      %dma_wait3A_15 = arith.constant 0 : i32
      %dma_wait3A_16 = tpu.memref_slice %arg3[%add3A, %dma_wait3A_14, %dma_wait3A_15] : memref<32x125x80xi32, #tpu.memory_space<hbm>> -> memref<1x125x80xi32, #tpu.memory_space<hbm>>
      %dma_wait3A_17 = tpu.memref_squeeze %dma_wait3A_16 : memref<1x125x80xi32, #tpu.memory_space<hbm>> -> memref<125x80xi32, #tpu.memory_space<hbm>>
      tpu.wait_dma2 semaphore(%run_scoped3A : memref<!tpu.dma_semaphore, #tpu.memory_space<semaphore_mem>>) src(%dma_wait3A_17 : memref<125x80xi32, #tpu.memory_space<hbm>>) dst(%arg11 : memref<125x80xi32, #tpu.memory_space<vmem>>)
      tpu.yield
    }) : () -> ()
    %mul3A_1 = arith.constant 624 : i32
    %mul3A_2 = arith.muli %arg1, %mul3A_1 : i32
    %broadcast_in_dim3A = arith.constant 0.000000e+00 : f32
    %broadcast_in_dim3A_3 = vector.broadcast %broadcast_in_dim3A : f32 to vector<16xf32>
    "tpu.region"() ({
      %run_scoped3A = memref.alloca() : memref<10000xf32, #tpu.memory_space<vmem>>
      %run_scoped3A_4 = memref.alloca() : memref<10000xf32, #tpu.memory_space<vmem>>
      %run_scoped3A_5 = memref.alloca() : memref<10000xf32, #tpu.memory_space<vmem>>
      "tpu.region"() ({
        %run_scoped3A_20 = tpu.sem_alloc : memref<!tpu.dma_semaphore, #tpu.memory_space<semaphore_mem>>
        tpu.enqueue_dma source(%arg4 : memref<10000xf32, #tpu.memory_space<hbm>>) target(%run_scoped3A : memref<10000xf32, #tpu.memory_space<vmem>>) target_semaphore(%run_scoped3A_20 : memref<!tpu.dma_semaphore, #tpu.memory_space<semaphore_mem>>)
        tpu.wait_dma2 semaphore(%run_scoped3A_20 : memref<!tpu.dma_semaphore, #tpu.memory_space<semaphore_mem>>) src(%arg4 : memref<10000xf32, #tpu.memory_space<hbm>>) dst(%run_scoped3A : memref<10000xf32, #tpu.memory_space<vmem>>)
        tpu.yield
      }) : () -> ()
      "tpu.region"() ({
        %run_scoped3A_20 = tpu.sem_alloc : memref<!tpu.dma_semaphore, #tpu.memory_space<semaphore_mem>>
        tpu.enqueue_dma source(%arg5 : memref<10000xf32, #tpu.memory_space<hbm>>) target(%run_scoped3A_4 : memref<10000xf32, #tpu.memory_space<vmem>>) target_semaphore(%run_scoped3A_20 : memref<!tpu.dma_semaphore, #tpu.memory_space<semaphore_mem>>)
        tpu.wait_dma2 semaphore(%run_scoped3A_20 : memref<!tpu.dma_semaphore, #tpu.memory_space<semaphore_mem>>) src(%arg5 : memref<10000xf32, #tpu.memory_space<hbm>>) dst(%run_scoped3A_4 : memref<10000xf32, #tpu.memory_space<vmem>>)
        tpu.yield
      }) : () -> ()
      %scan3A = arith.constant 0 : i32
      %scan3A_6 = arith.constant 0 : i32
      %scan3A_7 = arith.constant 625 : i32
      %scan3A_8 = arith.addi %scan3A_6, %scan3A_7 : i32
      %scan3A_9 = arith.constant 1 : i32
      %scan3A_10 = scf.for %scan3A_20 = %scan3A_6 to %scan3A_8 step %scan3A_9 iter_args(%scan3A_21 = %scan3A) -> (i32)  : i32 {
        %mul3A_22 = arith.constant 16 : i32
        %mul3A_23 = arith.muli %scan3A_20, %mul3A_22 : i32
        %swap3A = arith.index_cast %mul3A_23 : i32 to index
        %swap3A_24 = tpu.vector_load %run_scoped3A_5[%swap3A] {strides = array<i32>} : memref<10000xf32, #tpu.memory_space<vmem>>, vector<16xf32>,
        tpu.vector_store %run_scoped3A_5[%swap3A], %broadcast_in_dim3A_3 {strides = array<i32>} : memref<10000xf32, #tpu.memory_space<vmem>>, vector<16xf32>,
        %scan3A_25 = arith.constant 0 : i32
        scf.yield %scan3A_25 : i32
      }
      %scan3A_11 = arith.constant 625 : i32
      %scan3A_12 = arith.constant 0 : i32
      %scan3A_13 = arith.constant 0 : i32
      %scan3A_14 = arith.constant 125 : i32
      %scan3A_15 = arith.addi %scan3A_13, %scan3A_14 : i32
      %scan3A_16 = arith.constant 1 : i32
      %scan3A_17 = scf.for %scan3A_20 = %scan3A_13 to %scan3A_15 step %scan3A_16 iter_args(%scan3A_21 = %scan3A_12) -> (i32)  : i32 {
        %get3A = arith.index_cast %scan3A_20 : i32 to index
        %get3A_22 = arith.constant 0 : index
        %get3A_23 = tpu.vector_load %arg10[%get3A, %get3A_22] {strides = array<i32>} : memref<125x80xi32, #tpu.memory_space<vmem>>, vector<16xi32>,
        %get3A_24 = arith.index_cast %scan3A_20 : i32 to index
        %get3A_25 = arith.constant 0 : index
        %get3A_26 = tpu.vector_load %arg11[%get3A_24, %get3A_25] {strides = array<i32>} : memref<125x80xi32, #tpu.memory_space<vmem>>, vector<16xi32>,
        %gather3A = tpu.vector_load_idx %run_scoped3A[%get3A_23] : memref<10000xf32, #tpu.memory_space<vmem>>[vector<16xi32>], vector<16xf32>,
        %gather3A_27 = tpu.vector_load_idx %run_scoped3A_4[%get3A_26] : memref<10000xf32, #tpu.memory_space<vmem>>[vector<16xi32>], vector<16xf32>,
        %add3A_28 = arith.addf %gather3A, %gather3A_27 : vector<16xf32>
        %gt3A = arith.constant 0.000000e+00 : f32
        %gt3A_29 = vector.broadcast %gt3A : f32 to vector<16xf32>
        %gt3A_30 = arith.cmpf ogt, %add3A_28, %gt3A_29 : vector<16xf32>
        %mul3A_31 = arith.constant 2.000000e-01 : f32
        %mul3A_32 = vector.broadcast %mul3A_31 : f32 to vector<16xf32>
        %mul3A_33 = arith.mulf %add3A_28, %mul3A_32 : vector<16xf32>
        %select_n3A = arith.select %gt3A_30, %add3A_28, %mul3A_33 : vector<16xi1>, vector<16xf32>
        %exp3A = math.exp %select_n3A : vector<16xf32>
        %mul3A_34 = arith.constant 80 : i32
        %mul3A_35 = arith.muli %scan3A_20, %mul3A_34 : i32
        %add3A_36 = arith.constant 0 : i32
        %add3A_37 = arith.addi %mul3A_35, %add3A_36 : i32
        %swap3A = arith.index_cast %add3A_37 : i32 to index
        %swap3A_38 = tpu.vector_load %arg12[%swap3A] {strides = array<i32>} : memref<10000xf32, #tpu.memory_space<vmem>>, vector<16xf32>,
        tpu.vector_store %arg12[%swap3A], %exp3A {strides = array<i32>} : memref<10000xf32, #tpu.memory_space<vmem>>, vector<16xf32>,
        tpu.vector_store_idx %run_scoped3A_5[%get3A_26], %exp3A {add = true} : memref<10000xf32, #tpu.memory_space<vmem>>[vector<16xi32>], vector<16xf32>,
        %get3A_39 = arith.index_cast %scan3A_20 : i32 to index
        %get3A_40 = arith.constant 16 : index
        %get3A_41 = tpu.vector_load %arg10[%get3A_39, %get3A_40] {strides = array<i32>} : memref<125x80xi32, #tpu.memory_space<vmem>>, vector<16xi32>,
        %get3A_42 = arith.index_cast %scan3A_20 : i32 to index
        %get3A_43 = arith.constant 16 : index
        %get3A_44 = tpu.vector_load %arg11[%get3A_42, %get3A_43] {strides = array<i32>} : memref<125x80xi32, #tpu.memory_space<vmem>>, vector<16xi32>,
        %gather3A_45 = tpu.vector_load_idx %run_scoped3A[%get3A_41] : memref<10000xf32, #tpu.memory_space<vmem>>[vector<16xi32>], vector<16xf32>,
        %gather3A_46 = tpu.vector_load_idx %run_scoped3A_4[%get3A_44] : memref<10000xf32, #tpu.memory_space<vmem>>[vector<16xi32>], vector<16xf32>,
        %add3A_47 = arith.addf %gather3A_45, %gather3A_46 : vector<16xf32>
        %gt3A_48 = arith.constant 0.000000e+00 : f32
        %gt3A_49 = vector.broadcast %gt3A_48 : f32 to vector<16xf32>
        %gt3A_50 = arith.cmpf ogt, %add3A_47, %gt3A_49 : vector<16xf32>
        %mul3A_51 = arith.constant 2.000000e-01 : f32
        %mul3A_52 = vector.broadcast %mul3A_51 : f32 to vector<16xf32>
        %mul3A_53 = arith.mulf %add3A_47, %mul3A_52 : vector<16xf32>
        %select_n3A_54 = arith.select %gt3A_50, %add3A_47, %mul3A_53 : vector<16xi1>, vector<16xf32>
        %exp3A_55 = math.exp %select_n3A_54 : vector<16xf32>
        %mul3A_56 = arith.constant 80 : i32
        %mul3A_57 = arith.muli %scan3A_20, %mul3A_56 : i32
        %add3A_58 = arith.constant 16 : i32
        %add3A_59 = arith.addi %mul3A_57, %add3A_58 : i32
        %swap3A_60 = arith.index_cast %add3A_59 : i32 to index
        %swap3A_61 = tpu.vector_load %arg12[%swap3A_60] {strides = array<i32>} : memref<10000xf32, #tpu.memory_space<vmem>>, vector<16xf32>,
        tpu.vector_store %arg12[%swap3A_60], %exp3A_55 {strides = array<i32>} : memref<10000xf32, #tpu.memory_space<vmem>>, vector<16xf32>,
        tpu.vector_store_idx %run_scoped3A_5[%get3A_44], %exp3A_55 {add = true} : memref<10000xf32, #tpu.memory_space<vmem>>[vector<16xi32>], vector<16xf32>,
        %get3A_62 = arith.index_cast %scan3A_20 : i32 to index
        %get3A_63 = arith.constant 32 : index
        %get3A_64 = tpu.vector_load %arg10[%get3A_62, %get3A_63] {strides = array<i32>} : memref<125x80xi32, #tpu.memory_space<vmem>>, vector<16xi32>,
        %get3A_65 = arith.index_cast %scan3A_20 : i32 to index
        %get3A_66 = arith.constant 32 : index
        %get3A_67 = tpu.vector_load %arg11[%get3A_65, %get3A_66] {strides = array<i32>} : memref<125x80xi32, #tpu.memory_space<vmem>>, vector<16xi32>,
        %gather3A_68 = tpu.vector_load_idx %run_scoped3A[%get3A_64] : memref<10000xf32, #tpu.memory_space<vmem>>[vector<16xi32>], vector<16xf32>,
        %gather3A_69 = tpu.vector_load_idx %run_scoped3A_4[%get3A_67] : memref<10000xf32, #tpu.memory_space<vmem>>[vector<16xi32>], vector<16xf32>,
        %add3A_70 = arith.addf %gather3A_68, %gather3A_69 : vector<16xf32>
        %gt3A_71 = arith.constant 0.000000e+00 : f32
        %gt3A_72 = vector.broadcast %gt3A_71 : f32 to vector<16xf32>
        %gt3A_73 = arith.cmpf ogt, %add3A_70, %gt3A_72 : vector<16xf32>
        %mul3A_74 = arith.constant 2.000000e-01 : f32
        %mul3A_75 = vector.broadcast %mul3A_74 : f32 to vector<16xf32>
        %mul3A_76 = arith.mulf %add3A_70, %mul3A_75 : vector<16xf32>
        %select_n3A_77 = arith.select %gt3A_73, %add3A_70, %mul3A_76 : vector<16xi1>, vector<16xf32>
        %exp3A_78 = math.exp %select_n3A_77 : vector<16xf32>
        %mul3A_79 = arith.constant 80 : i32
        %mul3A_80 = arith.muli %scan3A_20, %mul3A_79 : i32
        %add3A_81 = arith.constant 32 : i32
        %add3A_82 = arith.addi %mul3A_80, %add3A_81 : i32
        %swap3A_83 = arith.index_cast %add3A_82 : i32 to index
        %swap3A_84 = tpu.vector_load %arg12[%swap3A_83] {strides = array<i32>} : memref<10000xf32, #tpu.memory_space<vmem>>, vector<16xf32>,
        tpu.vector_store %arg12[%swap3A_83], %exp3A_78 {strides = array<i32>} : memref<10000xf32, #tpu.memory_space<vmem>>, vector<16xf32>,
        tpu.vector_store_idx %run_scoped3A_5[%get3A_67], %exp3A_78 {add = true} : memref<10000xf32, #tpu.memory_space<vmem>>[vector<16xi32>], vector<16xf32>,
        %get3A_85 = arith.index_cast %scan3A_20 : i32 to index
        %get3A_86 = arith.constant 48 : index
        %get3A_87 = tpu.vector_load %arg10[%get3A_85, %get3A_86] {strides = array<i32>} : memref<125x80xi32, #tpu.memory_space<vmem>>, vector<16xi32>,
        %get3A_88 = arith.index_cast %scan3A_20 : i32 to index
        %get3A_89 = arith.constant 48 : index
        %get3A_90 = tpu.vector_load %arg11[%get3A_88, %get3A_89] {strides = array<i32>} : memref<125x80xi32, #tpu.memory_space<vmem>>, vector<16xi32>,
        %gather3A_91 = tpu.vector_load_idx %run_scoped3A[%get3A_87] : memref<10000xf32, #tpu.memory_space<vmem>>[vector<16xi32>], vector<16xf32>,
        %gather3A_92 = tpu.vector_load_idx %run_scoped3A_4[%get3A_90] : memref<10000xf32, #tpu.memory_space<vmem>>[vector<16xi32>], vector<16xf32>,
        %add3A_93 = arith.addf %gather3A_91, %gather3A_92 : vector<16xf32>
        %gt3A_94 = arith.constant 0.000000e+00 : f32
        %gt3A_95 = vector.broadcast %gt3A_94 : f32 to vector<16xf32>
        %gt3A_96 = arith.cmpf ogt, %add3A_93, %gt3A_95 : vector<16xf32>
        %mul3A_97 = arith.constant 2.000000e-01 : f32
        %mul3A_98 = vector.broadcast %mul3A_97 : f32 to vector<16xf32>
        %mul3A_99 = arith.mulf %add3A_93, %mul3A_98 : vector<16xf32>
        %select_n3A_100 = arith.select %gt3A_96, %add3A_93, %mul3A_99 : vector<16xi1>, vector<16xf32>
        %exp3A_101 = math.exp %select_n3A_100 : vector<16xf32>
        %mul3A_102 = arith.constant 80 : i32
        %mul3A_103 = arith.muli %scan3A_20, %mul3A_102 : i32
        %add3A_104 = arith.constant 48 : i32
        %add3A_105 = arith.addi %mul3A_103, %add3A_104 : i32
        %swap3A_106 = arith.index_cast %add3A_105 : i32 to index
        %swap3A_107 = tpu.vector_load %arg12[%swap3A_106] {strides = array<i32>} : memref<10000xf32, #tpu.memory_space<vmem>>, vector<16xf32>,
        tpu.vector_store %arg12[%swap3A_106], %exp3A_101 {strides = array<i32>} : memref<10000xf32, #tpu.memory_space<vmem>>, vector<16xf32>,
        tpu.vector_store_idx %run_scoped3A_5[%get3A_90], %exp3A_101 {add = true} : memref<10000xf32, #tpu.memory_space<vmem>>[vector<16xi32>], vector<16xf32>,
        %get3A_108 = arith.index_cast %scan3A_20 : i32 to index
        %get3A_109 = arith.constant 64 : index
        %get3A_110 = tpu.vector_load %arg10[%get3A_108, %get3A_109] {strides = array<i32>} : memref<125x80xi32, #tpu.memory_space<vmem>>, vector<16xi32>,
        %get3A_111 = arith.index_cast %scan3A_20 : i32 to index
        %get3A_112 = arith.constant 64 : index
        %get3A_113 = tpu.vector_load %arg11[%get3A_111, %get3A_112] {strides = array<i32>} : memref<125x80xi32, #tpu.memory_space<vmem>>, vector<16xi32>,
        %gather3A_114 = tpu.vector_load_idx %run_scoped3A[%get3A_110] : memref<10000xf32, #tpu.memory_space<vmem>>[vector<16xi32>], vector<16xf32>,
        %gather3A_115 = tpu.vector_load_idx %run_scoped3A_4[%get3A_113] : memref<10000xf32, #tpu.memory_space<vmem>>[vector<16xi32>], vector<16xf32>,
        %add3A_116 = arith.addf %gather3A_114, %gather3A_115 : vector<16xf32>
        %gt3A_117 = arith.constant 0.000000e+00 : f32
        %gt3A_118 = vector.broadcast %gt3A_117 : f32 to vector<16xf32>
        %gt3A_119 = arith.cmpf ogt, %add3A_116, %gt3A_118 : vector<16xf32>
        %mul3A_120 = arith.constant 2.000000e-01 : f32
        %mul3A_121 = vector.broadcast %mul3A_120 : f32 to vector<16xf32>
        %mul3A_122 = arith.mulf %add3A_116, %mul3A_121 : vector<16xf32>
        %select_n3A_123 = arith.select %gt3A_119, %add3A_116, %mul3A_122 : vector<16xi1>, vector<16xf32>
        %exp3A_124 = math.exp %select_n3A_123 : vector<16xf32>
        %mul3A_125 = arith.constant 80 : i32
        %mul3A_126 = arith.muli %scan3A_20, %mul3A_125 : i32
        %add3A_127 = arith.constant 64 : i32
        %add3A_128 = arith.addi %mul3A_126, %add3A_127 : i32
        %swap3A_129 = arith.index_cast %add3A_128 : i32 to index
        %swap3A_130 = tpu.vector_load %arg12[%swap3A_129] {strides = array<i32>} : memref<10000xf32, #tpu.memory_space<vmem>>, vector<16xf32>,
        tpu.vector_store %arg12[%swap3A_129], %exp3A_124 {strides = array<i32>} : memref<10000xf32, #tpu.memory_space<vmem>>, vector<16xf32>,
        tpu.vector_store_idx %run_scoped3A_5[%get3A_113], %exp3A_124 {add = true} : memref<10000xf32, #tpu.memory_space<vmem>>[vector<16xi32>], vector<16xf32>,
        %scan3A_131 = arith.constant 0 : i32
        scf.yield %scan3A_131 : i32
      }
      %scan3A_18 = arith.constant 125 : i32
      %run_scoped3A_19 = arith.constant 0 : i32
      "tpu.region"() ({
        %run_scoped3A_20 = tpu.sem_alloc : memref<!tpu.dma_semaphore, #tpu.memory_space<semaphore_mem>>
        %dma_start3A = arith.constant 0 : i32
        %dma_start3A_21 = tpu.memref_slice %arg8[%add3A, %run_scoped3A_19, %dma_start3A] : memref<32x1x10000xf32, #tpu.memory_space<hbm>> -> memref<1x1x10000xf32, #tpu.memory_space<hbm>>
        %dma_start3A_22 = tpu.memref_squeeze %dma_start3A_21 : memref<1x1x10000xf32, #tpu.memory_space<hbm>> -> memref<10000xf32, #tpu.memory_space<hbm>>
        %dma_start3A_23 = arith.constant 0 : i32
        %dma_start3A_24 = tpu.memref_slice %arg8[%add3A, %run_scoped3A_19, %dma_start3A_23] : memref<32x1x10000xf32, #tpu.memory_space<hbm>> -> memref<1x1x10000xf32, #tpu.memory_space<hbm>>
        %dma_start3A_25 = tpu.memref_squeeze %dma_start3A_24 : memref<1x1x10000xf32, #tpu.memory_space<hbm>> -> memref<10000xf32, #tpu.memory_space<hbm>>
        tpu.enqueue_dma source(%run_scoped3A_5 : memref<10000xf32, #tpu.memory_space<vmem>>) target(%dma_start3A_25 : memref<10000xf32, #tpu.memory_space<hbm>>) target_semaphore(%run_scoped3A_20 : memref<!tpu.dma_semaphore, #tpu.memory_space<semaphore_mem>>)
        %dma_wait3A = arith.constant 0 : i32
        %dma_wait3A_26 = tpu.memref_slice %arg8[%add3A, %run_scoped3A_19, %dma_wait3A] : memref<32x1x10000xf32, #tpu.memory_space<hbm>> -> memref<1x1x10000xf32, #tpu.memory_space<hbm>>
        %dma_wait3A_27 = tpu.memref_squeeze %dma_wait3A_26 : memref<1x1x10000xf32, #tpu.memory_space<hbm>> -> memref<10000xf32, #tpu.memory_space<hbm>>
        %dma_wait3A_28 = arith.constant 0 : i32
        %dma_wait3A_29 = tpu.memref_slice %arg8[%add3A, %run_scoped3A_19, %dma_wait3A_28] : memref<32x1x10000xf32, #tpu.memory_space<hbm>> -> memref<1x1x10000xf32, #tpu.memory_space<hbm>>
        %dma_wait3A_30 = tpu.memref_squeeze %dma_wait3A_29 : memref<1x1x10000xf32, #tpu.memory_space<hbm>> -> memref<10000xf32, #tpu.memory_space<hbm>>
        tpu.wait_dma2 semaphore(%run_scoped3A_20 : memref<!tpu.dma_semaphore, #tpu.memory_space<semaphore_mem>>) src(%run_scoped3A_5 : memref<10000xf32, #tpu.memory_space<vmem>>) dst(%dma_wait3A_30 : memref<10000xf32, #tpu.memory_space<hbm>>)
        tpu.yield
      }) : () -> ()
      tpu.yield
    }) : () -> ()
    "tpu.region"() ({
      %run_scoped3A = memref.alloca() : memref<400x64xf32, #tpu.memory_space<vmem>>
      %run_scoped3A_4 = memref.alloca() : memref<400x64xf32, #tpu.memory_space<vmem>>
      %scan3A = arith.constant 0 : i32
      %scan3A_5 = arith.constant 0 : i32
      %scan3A_6 = arith.constant 400 : i32
      %scan3A_7 = arith.addi %scan3A_5, %scan3A_6 : i32
      %scan3A_8 = arith.constant 1 : i32
      %scan3A_9 = scf.for %scan3A_119 = %scan3A_5 to %scan3A_7 step %scan3A_8 iter_args(%scan3A_120 = %scan3A) -> (i32)  : i32 {
        %swap3A = arith.index_cast %scan3A_119 : i32 to index
        %swap3A_121 = arith.constant 0 : index
        %swap3A_122 = tpu.vector_load %run_scoped3A[%swap3A, %swap3A_121] {strides = array<i32>} : memref<400x64xf32, #tpu.memory_space<vmem>>, vector<16xf32>,
        tpu.vector_store %run_scoped3A[%swap3A, %swap3A_121], %broadcast_in_dim3A_3 {strides = array<i32>} : memref<400x64xf32, #tpu.memory_space<vmem>>, vector<16xf32>,
        %swap3A_123 = arith.index_cast %scan3A_119 : i32 to index
        %swap3A_124 = arith.constant 16 : index
        %swap3A_125 = tpu.vector_load %run_scoped3A[%swap3A_123, %swap3A_124] {strides = array<i32>} : memref<400x64xf32, #tpu.memory_space<vmem>>, vector<16xf32>,
        tpu.vector_store %run_scoped3A[%swap3A_123, %swap3A_124], %broadcast_in_dim3A_3 {strides = array<i32>} : memref<400x64xf32, #tpu.memory_space<vmem>>, vector<16xf32>,
        %swap3A_126 = arith.index_cast %scan3A_119 : i32 to index
        %swap3A_127 = arith.constant 32 : index
        %swap3A_128 = tpu.vector_load %run_scoped3A[%swap3A_126, %swap3A_127] {strides = array<i32>} : memref<400x64xf32, #tpu.memory_space<vmem>>, vector<16xf32>,
        tpu.vector_store %run_scoped3A[%swap3A_126, %swap3A_127], %broadcast_in_dim3A_3 {strides = array<i32>} : memref<400x64xf32, #tpu.memory_space<vmem>>, vector<16xf32>,
        %swap3A_129 = arith.index_cast %scan3A_119 : i32 to index
        %swap3A_130 = arith.constant 48 : index
        %swap3A_131 = tpu.vector_load %run_scoped3A[%swap3A_129, %swap3A_130] {strides = array<i32>} : memref<400x64xf32, #tpu.memory_space<vmem>>, vector<16xf32>,
        tpu.vector_store %run_scoped3A[%swap3A_129, %swap3A_130], %broadcast_in_dim3A_3 {strides = array<i32>} : memref<400x64xf32, #tpu.memory_space<vmem>>, vector<16xf32>,
        %scan3A_132 = arith.constant 0 : i32
        scf.yield %scan3A_132 : i32
      }
      %scan3A_10 = arith.constant 400 : i32
      "tpu.region"() ({
        %run_scoped3A_119 = tpu.sem_alloc : memref<!tpu.dma_semaphore, #tpu.memory_space<semaphore_mem>>
        %dma_start3A_120 = arith.constant 0 : i32
        %dma_start3A_121 = tpu.memref_slice %arg9[%mul3A_2, %dma_start3A_120] : memref<10000x64xf32, #tpu.memory_space<vmem_shared>> -> memref<400x64xf32, #tpu.memory_space<vmem_shared>>
        %dma_start3A_122 = arith.constant 0 : i32
        %dma_start3A_123 = tpu.memref_slice %arg9[%mul3A_2, %dma_start3A_122] : memref<10000x64xf32, #tpu.memory_space<vmem_shared>> -> memref<400x64xf32, #tpu.memory_space<vmem_shared>>
        tpu.enqueue_dma source(%run_scoped3A : memref<400x64xf32, #tpu.memory_space<vmem>>) target(%dma_start3A_123 : memref<400x64xf32, #tpu.memory_space<vmem_shared>>) target_semaphore(%run_scoped3A_119 : memref<!tpu.dma_semaphore, #tpu.memory_space<semaphore_mem>>)
        %dma_wait3A_124 = arith.constant 0 : i32
        %dma_wait3A_125 = tpu.memref_slice %arg9[%mul3A_2, %dma_wait3A_124] : memref<10000x64xf32, #tpu.memory_space<vmem_shared>> -> memref<400x64xf32, #tpu.memory_space<vmem_shared>>
        %dma_wait3A_126 = arith.constant 0 : i32
        %dma_wait3A_127 = tpu.memref_slice %arg9[%mul3A_2, %dma_wait3A_126] : memref<10000x64xf32, #tpu.memory_space<vmem_shared>> -> memref<400x64xf32, #tpu.memory_space<vmem_shared>>
        tpu.wait_dma2 semaphore(%run_scoped3A_119 : memref<!tpu.dma_semaphore, #tpu.memory_space<semaphore_mem>>) src(%run_scoped3A : memref<400x64xf32, #tpu.memory_space<vmem>>) dst(%dma_wait3A_127 : memref<400x64xf32, #tpu.memory_space<vmem_shared>>)
        tpu.yield
      }) : () -> ()
      %add3A_11 = arith.constant 400 : i32
      %add3A_12 = arith.addi %mul3A_2, %add3A_11 : i32
      "tpu.region"() ({
        %run_scoped3A_119 = tpu.sem_alloc : memref<!tpu.dma_semaphore, #tpu.memory_space<semaphore_mem>>
        %dma_start3A_120 = arith.constant 0 : i32
        %dma_start3A_121 = arith.constant 0 : i32
        %dma_start3A_122 = tpu.memref_slice %run_scoped3A[%dma_start3A_120, %dma_start3A_121] : memref<400x64xf32, #tpu.memory_space<vmem>> -> memref<240x64xf32, #tpu.memory_space<vmem>>
        %dma_start3A_123 = arith.constant 0 : i32
        %dma_start3A_124 = tpu.memref_slice %arg9[%add3A_12, %dma_start3A_123] : memref<10000x64xf32, #tpu.memory_space<vmem_shared>> -> memref<240x64xf32, #tpu.memory_space<vmem_shared>>
        %dma_start3A_125 = arith.constant 0 : i32
        %dma_start3A_126 = tpu.memref_slice %arg9[%add3A_12, %dma_start3A_125] : memref<10000x64xf32, #tpu.memory_space<vmem_shared>> -> memref<240x64xf32, #tpu.memory_space<vmem_shared>>
        %dma_start3A_127 = arith.constant 0 : i32
        %dma_start3A_128 = arith.constant 0 : i32
        %dma_start3A_129 = tpu.memref_slice %run_scoped3A[%dma_start3A_127, %dma_start3A_128] : memref<400x64xf32, #tpu.memory_space<vmem>> -> memref<240x64xf32, #tpu.memory_space<vmem>>
        tpu.enqueue_dma source(%dma_start3A_129 : memref<240x64xf32, #tpu.memory_space<vmem>>) target(%dma_start3A_126 : memref<240x64xf32, #tpu.memory_space<vmem_shared>>) target_semaphore(%run_scoped3A_119 : memref<!tpu.dma_semaphore, #tpu.memory_space<semaphore_mem>>)
        %dma_wait3A_130 = arith.constant 0 : i32
        %dma_wait3A_131 = arith.constant 0 : i32
        %dma_wait3A_132 = tpu.memref_slice %run_scoped3A[%dma_wait3A_130, %dma_wait3A_131] : memref<400x64xf32, #tpu.memory_space<vmem>> -> memref<240x64xf32, #tpu.memory_space<vmem>>
        %dma_wait3A_133 = arith.constant 0 : i32
        %dma_wait3A_134 = tpu.memref_slice %arg9[%add3A_12, %dma_wait3A_133] : memref<10000x64xf32, #tpu.memory_space<vmem_shared>> -> memref<240x64xf32, #tpu.memory_space<vmem_shared>>
        %dma_wait3A_135 = arith.constant 0 : i32
        %dma_wait3A_136 = tpu.memref_slice %arg9[%add3A_12, %dma_wait3A_135] : memref<10000x64xf32, #tpu.memory_space<vmem_shared>> -> memref<240x64xf32, #tpu.memory_space<vmem_shared>>
        %dma_wait3A_137 = arith.constant 0 : i32
        %dma_wait3A_138 = arith.constant 0 : i32
        %dma_wait3A_139 = tpu.memref_slice %run_scoped3A[%dma_wait3A_137, %dma_wait3A_138] : memref<400x64xf32, #tpu.memory_space<vmem>> -> memref<240x64xf32, #tpu.memory_space<vmem>>
        tpu.wait_dma2 semaphore(%run_scoped3A_119 : memref<!tpu.dma_semaphore, #tpu.memory_space<semaphore_mem>>) src(%dma_wait3A_139 : memref<240x64xf32, #tpu.memory_space<vmem>>) dst(%dma_wait3A_136 : memref<240x64xf32, #tpu.memory_space<vmem_shared>>)
        tpu.yield
      }) : () -> ()
      %barrier3A_13 = arith.constant 0 : index
      tpu.barrier barrier_id(%barrier3A_13)
      %dma_start3A = arith.constant 0 : i32
      %dma_start3A_14 = arith.constant 0 : i32
      %dma_start3A_15 = arith.constant 0 : i32
      %dma_start3A_16 = tpu.memref_slice %run_scoped3A[%dma_start3A_14, %dma_start3A_15] : memref<400x64xf32, #tpu.memory_space<vmem>> -> memref<80x64xf32, #tpu.memory_space<vmem>>
      %dma_start3A_17 = arith.constant 0 : i32
      %dma_start3A_18 = tpu.memref_slice %arg10[%dma_start3A, %dma_start3A_17] : memref<125x80xi32, #tpu.memory_space<vmem>> -> memref<1x80xi32, #tpu.memory_space<vmem>>
      %dma_start3A_19 = tpu.memref_squeeze %dma_start3A_18 : memref<1x80xi32, #tpu.memory_space<vmem>> -> memref<80xi32, #tpu.memory_space<vmem>>
      %dma_start3A_20 = arith.constant 0 : i32
      %dma_start3A_21 = arith.constant 0 : i32
      %dma_start3A_22 = tpu.memref_slice %arg6[%dma_start3A_20, %dma_start3A_21] : memref<10000x64xf32, #tpu.memory_space<hbm>> -> memref<10000x64xf32, #tpu.memory_space<hbm>>
      tpu.enqueue_indirect_dma source(%dma_start3A_22 : memref<10000x64xf32, #tpu.memory_space<hbm>>) target(%dma_start3A_16 : memref<80x64xf32, #tpu.memory_space<vmem>>) offsets(%dma_start3A_19 : memref<80xi32, #tpu.memory_space<vmem>>) semaphore(%arg13 : memref<!tpu.dma_semaphore, #tpu.memory_space<semaphore_mem>>)
      %dma_start3A_23 = arith.constant 1 : i32
      %dma_start3A_24 = arith.constant 80 : i32
      %dma_start3A_25 = arith.constant 0 : i32
      %dma_start3A_26 = tpu.memref_slice %run_scoped3A[%dma_start3A_24, %dma_start3A_25] : memref<400x64xf32, #tpu.memory_space<vmem>> -> memref<80x64xf32, #tpu.memory_space<vmem>>
      %dma_start3A_27 = arith.constant 0 : i32
      %dma_start3A_28 = tpu.memref_slice %arg10[%dma_start3A_23, %dma_start3A_27] : memref<125x80xi32, #tpu.memory_space<vmem>> -> memref<1x80xi32, #tpu.memory_space<vmem>>
      %dma_start3A_29 = tpu.memref_squeeze %dma_start3A_28 : memref<1x80xi32, #tpu.memory_space<vmem>> -> memref<80xi32, #tpu.memory_space<vmem>>
      %dma_start3A_30 = arith.constant 0 : i32
      %dma_start3A_31 = arith.constant 0 : i32
      %dma_start3A_32 = tpu.memref_slice %arg6[%dma_start3A_30, %dma_start3A_31] : memref<10000x64xf32, #tpu.memory_space<hbm>> -> memref<10000x64xf32, #tpu.memory_space<hbm>>
      tpu.enqueue_indirect_dma source(%dma_start3A_32 : memref<10000x64xf32, #tpu.memory_space<hbm>>) target(%dma_start3A_26 : memref<80x64xf32, #tpu.memory_space<vmem>>) offsets(%dma_start3A_29 : memref<80xi32, #tpu.memory_space<vmem>>) semaphore(%arg13 : memref<!tpu.dma_semaphore, #tpu.memory_space<semaphore_mem>>)
      %dma_start3A_33 = arith.constant 2 : i32
      %dma_start3A_34 = arith.constant 160 : i32
      %dma_start3A_35 = arith.constant 0 : i32
      %dma_start3A_36 = tpu.memref_slice %run_scoped3A[%dma_start3A_34, %dma_start3A_35] : memref<400x64xf32, #tpu.memory_space<vmem>> -> memref<80x64xf32, #tpu.memory_space<vmem>>
      %dma_start3A_37 = arith.constant 0 : i32
      %dma_start3A_38 = tpu.memref_slice %arg10[%dma_start3A_33, %dma_start3A_37] : memref<125x80xi32, #tpu.memory_space<vmem>> -> memref<1x80xi32, #tpu.memory_space<vmem>>
      %dma_start3A_39 = tpu.memref_squeeze %dma_start3A_38 : memref<1x80xi32, #tpu.memory_space<vmem>> -> memref<80xi32, #tpu.memory_space<vmem>>
      %dma_start3A_40 = arith.constant 0 : i32
      %dma_start3A_41 = arith.constant 0 : i32
      %dma_start3A_42 = tpu.memref_slice %arg6[%dma_start3A_40, %dma_start3A_41] : memref<10000x64xf32, #tpu.memory_space<hbm>> -> memref<10000x64xf32, #tpu.memory_space<hbm>>
      tpu.enqueue_indirect_dma source(%dma_start3A_42 : memref<10000x64xf32, #tpu.memory_space<hbm>>) target(%dma_start3A_36 : memref<80x64xf32, #tpu.memory_space<vmem>>) offsets(%dma_start3A_39 : memref<80xi32, #tpu.memory_space<vmem>>) semaphore(%arg13 : memref<!tpu.dma_semaphore, #tpu.memory_space<semaphore_mem>>)
      %dma_start3A_43 = arith.constant 3 : i32
      %dma_start3A_44 = arith.constant 240 : i32
      %dma_start3A_45 = arith.constant 0 : i32
      %dma_start3A_46 = tpu.memref_slice %run_scoped3A[%dma_start3A_44, %dma_start3A_45] : memref<400x64xf32, #tpu.memory_space<vmem>> -> memref<80x64xf32, #tpu.memory_space<vmem>>
      %dma_start3A_47 = arith.constant 0 : i32
      %dma_start3A_48 = tpu.memref_slice %arg10[%dma_start3A_43, %dma_start3A_47] : memref<125x80xi32, #tpu.memory_space<vmem>> -> memref<1x80xi32, #tpu.memory_space<vmem>>
      %dma_start3A_49 = tpu.memref_squeeze %dma_start3A_48 : memref<1x80xi32, #tpu.memory_space<vmem>> -> memref<80xi32, #tpu.memory_space<vmem>>
      %dma_start3A_50 = arith.constant 0 : i32
      %dma_start3A_51 = arith.constant 0 : i32
      %dma_start3A_52 = tpu.memref_slice %arg6[%dma_start3A_50, %dma_start3A_51] : memref<10000x64xf32, #tpu.memory_space<hbm>> -> memref<10000x64xf32, #tpu.memory_space<hbm>>
      tpu.enqueue_indirect_dma source(%dma_start3A_52 : memref<10000x64xf32, #tpu.memory_space<hbm>>) target(%dma_start3A_46 : memref<80x64xf32, #tpu.memory_space<vmem>>) offsets(%dma_start3A_49 : memref<80xi32, #tpu.memory_space<vmem>>) semaphore(%arg13 : memref<!tpu.dma_semaphore, #tpu.memory_space<semaphore_mem>>)
      %dma_start3A_53 = arith.constant 4 : i32
      %dma_start3A_54 = arith.constant 320 : i32
      %dma_start3A_55 = arith.constant 0 : i32
      %dma_start3A_56 = tpu.memref_slice %run_scoped3A[%dma_start3A_54, %dma_start3A_55] : memref<400x64xf32, #tpu.memory_space<vmem>> -> memref<80x64xf32, #tpu.memory_space<vmem>>
      %dma_start3A_57 = arith.constant 0 : i32
      %dma_start3A_58 = tpu.memref_slice %arg10[%dma_start3A_53, %dma_start3A_57] : memref<125x80xi32, #tpu.memory_space<vmem>> -> memref<1x80xi32, #tpu.memory_space<vmem>>
      %dma_start3A_59 = tpu.memref_squeeze %dma_start3A_58 : memref<1x80xi32, #tpu.memory_space<vmem>> -> memref<80xi32, #tpu.memory_space<vmem>>
      %dma_start3A_60 = arith.constant 0 : i32
      %dma_start3A_61 = arith.constant 0 : i32
      %dma_start3A_62 = tpu.memref_slice %arg6[%dma_start3A_60, %dma_start3A_61] : memref<10000x64xf32, #tpu.memory_space<hbm>> -> memref<10000x64xf32, #tpu.memory_space<hbm>>
      tpu.enqueue_indirect_dma source(%dma_start3A_62 : memref<10000x64xf32, #tpu.memory_space<hbm>>) target(%dma_start3A_56 : memref<80x64xf32, #tpu.memory_space<vmem>>) offsets(%dma_start3A_59 : memref<80xi32, #tpu.memory_space<vmem>>) semaphore(%arg13 : memref<!tpu.dma_semaphore, #tpu.memory_space<semaphore_mem>>)
      %scan3A_63 = arith.constant 0 : i32
      %scan3A_64 = arith.constant 0 : i32
      %scan3A_65 = arith.constant 25 : i32
      %scan3A_66 = arith.addi %scan3A_64, %scan3A_65 : i32
      %scan3A_67 = arith.constant 1 : i32
      %scan3A_68 = scf.for %scan3A_119 = %scan3A_64 to %scan3A_66 step %scan3A_67 iter_args(%scan3A_120 = %scan3A_63) -> (i32)  : i32 {
        %jit3A = arith.constant 2 : i32
        %eq3A = arith.constant 0 : i32
        %eq3A_121 = arith.cmpi eq, %jit3A, %eq3A : i32
        %jit3A_122 = arith.constant 1 : i32
        %select_n3A = arith.select %eq3A_121, %jit3A_122, %jit3A : i32
        %rem3A = arith.remsi %scan3A_119, %select_n3A : i32
        %ne3A = arith.constant 0 : i32
        %ne3A_123 = arith.cmpi ne, %rem3A, %ne3A : i32
        %lt3A = arith.constant 0 : i32
        %lt3A_124 = arith.cmpi slt, %rem3A, %lt3A : i32
        %lt3A_125 = arith.constant 0 : i32
        %lt3A_126 = arith.cmpi slt, %select_n3A, %lt3A_125 : i32
        %ne3A_127 = arith.xori %lt3A_124, %lt3A_126 : i1
        %and3A = arith.andi %ne3A_127, %ne3A_123 : i1
        %add3A_128 = arith.addi %rem3A, %select_n3A : i32
        %select_n3A_129 = arith.select %and3A, %add3A_128, %rem3A : i32
        %eq3A_130 = arith.constant 0 : i32
        %eq3A_131 = arith.cmpi eq, %select_n3A_129, %eq3A_130 : i32
        %convert_element_type3A = arith.extui %eq3A_131 : i1 to i32
        %cond3A = arith.constant 0 : i32
        %cond3A_132 = arith.cmpi ne, %convert_element_type3A, %cond3A : i32
        scf.if %cond3A_132 {
          %gt3A = arith.constant 0 : i32
          %gt3A_155 = arith.cmpi sgt, %scan3A_119, %gt3A : i32
          %convert_element_type3A_156 = arith.extui %gt3A_155 : i1 to i32
          %cond3A_157 = arith.constant 0 : i32
          %cond3A_158 = arith.cmpi ne, %convert_element_type3A_156, %cond3A_157 : i32
          scf.if %cond3A_158 {
            %sub3A = arith.constant 1 : i32
            %sub3A_301 = arith.subi %scan3A_119, %sub3A : i32
            %mul3A_302 = arith.constant 5 : i32
            %mul3A_303 = arith.muli %sub3A_301, %mul3A_302 : i32
            %add3A_304 = arith.constant 0 : i32
            %add3A_305 = arith.addi %mul3A_303, %add3A_304 : i32
            %dma_wait3A_306 = arith.constant 0 : i32
            %dma_wait3A_307 = arith.constant 0 : i32
            %dma_wait3A_308 = tpu.memref_slice %run_scoped3A_4[%dma_wait3A_306, %dma_wait3A_307] : memref<400x64xf32, #tpu.memory_space<vmem>> -> memref<80x64xf32, #tpu.memory_space<vmem>>
            %dma_wait3A_309 = arith.constant 0 : i32
            %dma_wait3A_310 = tpu.memref_slice %arg11[%add3A_305, %dma_wait3A_309] : memref<125x80xi32, #tpu.memory_space<vmem>> -> memref<1x80xi32, #tpu.memory_space<vmem>>
            %dma_wait3A_311 = tpu.memref_squeeze %dma_wait3A_310 : memref<1x80xi32, #tpu.memory_space<vmem>> -> memref<80xi32, #tpu.memory_space<vmem>>
            %dma_wait3A_312 = arith.constant 0 : i32
            %dma_wait3A_313 = arith.constant 0 : i32
            %dma_wait3A_314 = tpu.memref_slice %arg9[%dma_wait3A_312, %dma_wait3A_313] : memref<10000x64xf32, #tpu.memory_space<vmem_shared>> -> memref<10000x64xf32, #tpu.memory_space<vmem_shared>>
            tpu.wait_indirect_dma semaphore(%arg16 : memref<!tpu.dma_semaphore, #tpu.memory_space<semaphore_mem>>) src(%dma_wait3A_308 : memref<80x64xf32, #tpu.memory_space<vmem>>) dst(%dma_wait3A_314 : memref<10000x64xf32, #tpu.memory_space<vmem_shared>>)
            %mul3A_315 = arith.constant 5 : i32
            %mul3A_316 = arith.muli %sub3A_301, %mul3A_315 : i32
            %add3A_317 = arith.constant 1 : i32
            %add3A_318 = arith.addi %mul3A_316, %add3A_317 : i32
            %dma_wait3A_319 = arith.constant 80 : i32
            %dma_wait3A_320 = arith.constant 0 : i32
            %dma_wait3A_321 = tpu.memref_slice %run_scoped3A_4[%dma_wait3A_319, %dma_wait3A_320] : memref<400x64xf32, #tpu.memory_space<vmem>> -> memref<80x64xf32, #tpu.memory_space<vmem>>
            %dma_wait3A_322 = arith.constant 0 : i32
            %dma_wait3A_323 = tpu.memref_slice %arg11[%add3A_318, %dma_wait3A_322] : memref<125x80xi32, #tpu.memory_space<vmem>> -> memref<1x80xi32, #tpu.memory_space<vmem>>
            %dma_wait3A_324 = tpu.memref_squeeze %dma_wait3A_323 : memref<1x80xi32, #tpu.memory_space<vmem>> -> memref<80xi32, #tpu.memory_space<vmem>>
            %dma_wait3A_325 = arith.constant 0 : i32
            %dma_wait3A_326 = arith.constant 0 : i32
            %dma_wait3A_327 = tpu.memref_slice %arg9[%dma_wait3A_325, %dma_wait3A_326] : memref<10000x64xf32, #tpu.memory_space<vmem_shared>> -> memref<10000x64xf32, #tpu.memory_space<vmem_shared>>
            tpu.wait_indirect_dma semaphore(%arg16 : memref<!tpu.dma_semaphore, #tpu.memory_space<semaphore_mem>>) src(%dma_wait3A_321 : memref<80x64xf32, #tpu.memory_space<vmem>>) dst(%dma_wait3A_327 : memref<10000x64xf32, #tpu.memory_space<vmem_shared>>)
            %mul3A_328 = arith.constant 5 : i32
            %mul3A_329 = arith.muli %sub3A_301, %mul3A_328 : i32
            %add3A_330 = arith.constant 2 : i32
            %add3A_331 = arith.addi %mul3A_329, %add3A_330 : i32
            %dma_wait3A_332 = arith.constant 160 : i32
            %dma_wait3A_333 = arith.constant 0 : i32
            %dma_wait3A_334 = tpu.memref_slice %run_scoped3A_4[%dma_wait3A_332, %dma_wait3A_333] : memref<400x64xf32, #tpu.memory_space<vmem>> -> memref<80x64xf32, #tpu.memory_space<vmem>>
            %dma_wait3A_335 = arith.constant 0 : i32
            %dma_wait3A_336 = tpu.memref_slice %arg11[%add3A_331, %dma_wait3A_335] : memref<125x80xi32, #tpu.memory_space<vmem>> -> memref<1x80xi32, #tpu.memory_space<vmem>>
            %dma_wait3A_337 = tpu.memref_squeeze %dma_wait3A_336 : memref<1x80xi32, #tpu.memory_space<vmem>> -> memref<80xi32, #tpu.memory_space<vmem>>
            %dma_wait3A_338 = arith.constant 0 : i32
            %dma_wait3A_339 = arith.constant 0 : i32
            %dma_wait3A_340 = tpu.memref_slice %arg9[%dma_wait3A_338, %dma_wait3A_339] : memref<10000x64xf32, #tpu.memory_space<vmem_shared>> -> memref<10000x64xf32, #tpu.memory_space<vmem_shared>>
            tpu.wait_indirect_dma semaphore(%arg16 : memref<!tpu.dma_semaphore, #tpu.memory_space<semaphore_mem>>) src(%dma_wait3A_334 : memref<80x64xf32, #tpu.memory_space<vmem>>) dst(%dma_wait3A_340 : memref<10000x64xf32, #tpu.memory_space<vmem_shared>>)
            %mul3A_341 = arith.constant 5 : i32
            %mul3A_342 = arith.muli %sub3A_301, %mul3A_341 : i32
            %add3A_343 = arith.constant 3 : i32
            %add3A_344 = arith.addi %mul3A_342, %add3A_343 : i32
            %dma_wait3A_345 = arith.constant 240 : i32
            %dma_wait3A_346 = arith.constant 0 : i32
            %dma_wait3A_347 = tpu.memref_slice %run_scoped3A_4[%dma_wait3A_345, %dma_wait3A_346] : memref<400x64xf32, #tpu.memory_space<vmem>> -> memref<80x64xf32, #tpu.memory_space<vmem>>
            %dma_wait3A_348 = arith.constant 0 : i32
            %dma_wait3A_349 = tpu.memref_slice %arg11[%add3A_344, %dma_wait3A_348] : memref<125x80xi32, #tpu.memory_space<vmem>> -> memref<1x80xi32, #tpu.memory_space<vmem>>
            %dma_wait3A_350 = tpu.memref_squeeze %dma_wait3A_349 : memref<1x80xi32, #tpu.memory_space<vmem>> -> memref<80xi32, #tpu.memory_space<vmem>>
            %dma_wait3A_351 = arith.constant 0 : i32
            %dma_wait3A_352 = arith.constant 0 : i32
            %dma_wait3A_353 = tpu.memref_slice %arg9[%dma_wait3A_351, %dma_wait3A_352] : memref<10000x64xf32, #tpu.memory_space<vmem_shared>> -> memref<10000x64xf32, #tpu.memory_space<vmem_shared>>
            tpu.wait_indirect_dma semaphore(%arg16 : memref<!tpu.dma_semaphore, #tpu.memory_space<semaphore_mem>>) src(%dma_wait3A_347 : memref<80x64xf32, #tpu.memory_space<vmem>>) dst(%dma_wait3A_353 : memref<10000x64xf32, #tpu.memory_space<vmem_shared>>)
            %mul3A_354 = arith.constant 5 : i32
            %mul3A_355 = arith.muli %sub3A_301, %mul3A_354 : i32
            %add3A_356 = arith.constant 4 : i32
            %add3A_357 = arith.addi %mul3A_355, %add3A_356 : i32
            %dma_wait3A_358 = arith.constant 320 : i32
            %dma_wait3A_359 = arith.constant 0 : i32
            %dma_wait3A_360 = tpu.memref_slice %run_scoped3A_4[%dma_wait3A_358, %dma_wait3A_359] : memref<400x64xf32, #tpu.memory_space<vmem>> -> memref<80x64xf32, #tpu.memory_space<vmem>>
            %dma_wait3A_361 = arith.constant 0 : i32
            %dma_wait3A_362 = tpu.memref_slice %arg11[%add3A_357, %dma_wait3A_361] : memref<125x80xi32, #tpu.memory_space<vmem>> -> memref<1x80xi32, #tpu.memory_space<vmem>>
            %dma_wait3A_363 = tpu.memref_squeeze %dma_wait3A_362 : memref<1x80xi32, #tpu.memory_space<vmem>> -> memref<80xi32, #tpu.memory_space<vmem>>
            %dma_wait3A_364 = arith.constant 0 : i32
            %dma_wait3A_365 = arith.constant 0 : i32
            %dma_wait3A_366 = tpu.memref_slice %arg9[%dma_wait3A_364, %dma_wait3A_365] : memref<10000x64xf32, #tpu.memory_space<vmem_shared>> -> memref<10000x64xf32, #tpu.memory_space<vmem_shared>>
            tpu.wait_indirect_dma semaphore(%arg16 : memref<!tpu.dma_semaphore, #tpu.memory_space<semaphore_mem>>) src(%dma_wait3A_360 : memref<80x64xf32, #tpu.memory_space<vmem>>) dst(%dma_wait3A_366 : memref<10000x64xf32, #tpu.memory_space<vmem_shared>>)
          } else {
          }
          %lt3A_159 = arith.constant 24 : i32
          %lt3A_160 = arith.cmpi slt, %scan3A_119, %lt3A_159 : i32
          %convert_element_type3A_161 = arith.extui %lt3A_160 : i1 to i32
          %cond3A_162 = arith.constant 0 : i32
          %cond3A_163 = arith.cmpi ne, %convert_element_type3A_161, %cond3A_162 : i32
          scf.if %cond3A_163 {
            %add3A_301 = arith.constant 1 : i32
            %add3A_302 = arith.addi %scan3A_119, %add3A_301 : i32
            %mul3A_303 = arith.constant 5 : i32
            %mul3A_304 = arith.muli %add3A_302, %mul3A_303 : i32
            %add3A_305 = arith.constant 0 : i32
            %add3A_306 = arith.addi %mul3A_304, %add3A_305 : i32
            %dma_start3A_307 = arith.constant 0 : i32
            %dma_start3A_308 = arith.constant 0 : i32
            %dma_start3A_309 = tpu.memref_slice %run_scoped3A_4[%dma_start3A_307, %dma_start3A_308] : memref<400x64xf32, #tpu.memory_space<vmem>> -> memref<80x64xf32, #tpu.memory_space<vmem>>
            %dma_start3A_310 = arith.constant 0 : i32
            %dma_start3A_311 = tpu.memref_slice %arg10[%add3A_306, %dma_start3A_310] : memref<125x80xi32, #tpu.memory_space<vmem>> -> memref<1x80xi32, #tpu.memory_space<vmem>>
            %dma_start3A_312 = tpu.memref_squeeze %dma_start3A_311 : memref<1x80xi32, #tpu.memory_space<vmem>> -> memref<80xi32, #tpu.memory_space<vmem>>
            %dma_start3A_313 = arith.constant 0 : i32
            %dma_start3A_314 = arith.constant 0 : i32
            %dma_start3A_315 = tpu.memref_slice %arg6[%dma_start3A_313, %dma_start3A_314] : memref<10000x64xf32, #tpu.memory_space<hbm>> -> memref<10000x64xf32, #tpu.memory_space<hbm>>
            tpu.enqueue_indirect_dma source(%dma_start3A_315 : memref<10000x64xf32, #tpu.memory_space<hbm>>) target(%dma_start3A_309 : memref<80x64xf32, #tpu.memory_space<vmem>>) offsets(%dma_start3A_312 : memref<80xi32, #tpu.memory_space<vmem>>) semaphore(%arg14 : memref<!tpu.dma_semaphore, #tpu.memory_space<semaphore_mem>>)
            %mul3A_316 = arith.constant 5 : i32
            %mul3A_317 = arith.muli %add3A_302, %mul3A_316 : i32
            %add3A_318 = arith.constant 1 : i32
            %add3A_319 = arith.addi %mul3A_317, %add3A_318 : i32
            %dma_start3A_320 = arith.constant 80 : i32
            %dma_start3A_321 = arith.constant 0 : i32
            %dma_start3A_322 = tpu.memref_slice %run_scoped3A_4[%dma_start3A_320, %dma_start3A_321] : memref<400x64xf32, #tpu.memory_space<vmem>> -> memref<80x64xf32, #tpu.memory_space<vmem>>
            %dma_start3A_323 = arith.constant 0 : i32
            %dma_start3A_324 = tpu.memref_slice %arg10[%add3A_319, %dma_start3A_323] : memref<125x80xi32, #tpu.memory_space<vmem>> -> memref<1x80xi32, #tpu.memory_space<vmem>>
            %dma_start3A_325 = tpu.memref_squeeze %dma_start3A_324 : memref<1x80xi32, #tpu.memory_space<vmem>> -> memref<80xi32, #tpu.memory_space<vmem>>
            %dma_start3A_326 = arith.constant 0 : i32
            %dma_start3A_327 = arith.constant 0 : i32
            %dma_start3A_328 = tpu.memref_slice %arg6[%dma_start3A_326, %dma_start3A_327] : memref<10000x64xf32, #tpu.memory_space<hbm>> -> memref<10000x64xf32, #tpu.memory_space<hbm>>
            tpu.enqueue_indirect_dma source(%dma_start3A_328 : memref<10000x64xf32, #tpu.memory_space<hbm>>) target(%dma_start3A_322 : memref<80x64xf32, #tpu.memory_space<vmem>>) offsets(%dma_start3A_325 : memref<80xi32, #tpu.memory_space<vmem>>) semaphore(%arg14 : memref<!tpu.dma_semaphore, #tpu.memory_space<semaphore_mem>>)
            %mul3A_329 = arith.constant 5 : i32
            %mul3A_330 = arith.muli %add3A_302, %mul3A_329 : i32
            %add3A_331 = arith.constant 2 : i32
            %add3A_332 = arith.addi %mul3A_330, %add3A_331 : i32
            %dma_start3A_333 = arith.constant 160 : i32
            %dma_start3A_334 = arith.constant 0 : i32
            %dma_start3A_335 = tpu.memref_slice %run_scoped3A_4[%dma_start3A_333, %dma_start3A_334] : memref<400x64xf32, #tpu.memory_space<vmem>> -> memref<80x64xf32, #tpu.memory_space<vmem>>
            %dma_start3A_336 = arith.constant 0 : i32
            %dma_start3A_337 = tpu.memref_slice %arg10[%add3A_332, %dma_start3A_336] : memref<125x80xi32, #tpu.memory_space<vmem>> -> memref<1x80xi32, #tpu.memory_space<vmem>>
            %dma_start3A_338 = tpu.memref_squeeze %dma_start3A_337 : memref<1x80xi32, #tpu.memory_space<vmem>> -> memref<80xi32, #tpu.memory_space<vmem>>
            %dma_start3A_339 = arith.constant 0 : i32
            %dma_start3A_340 = arith.constant 0 : i32
            %dma_start3A_341 = tpu.memref_slice %arg6[%dma_start3A_339, %dma_start3A_340] : memref<10000x64xf32, #tpu.memory_space<hbm>> -> memref<10000x64xf32, #tpu.memory_space<hbm>>
            tpu.enqueue_indirect_dma source(%dma_start3A_341 : memref<10000x64xf32, #tpu.memory_space<hbm>>) target(%dma_start3A_335 : memref<80x64xf32, #tpu.memory_space<vmem>>) offsets(%dma_start3A_338 : memref<80xi32, #tpu.memory_space<vmem>>) semaphore(%arg14 : memref<!tpu.dma_semaphore, #tpu.memory_space<semaphore_mem>>)
            %mul3A_342 = arith.constant 5 : i32
            %mul3A_343 = arith.muli %add3A_302, %mul3A_342 : i32
            %add3A_344 = arith.constant 3 : i32
            %add3A_345 = arith.addi %mul3A_343, %add3A_344 : i32
            %dma_start3A_346 = arith.constant 240 : i32
            %dma_start3A_347 = arith.constant 0 : i32
            %dma_start3A_348 = tpu.memref_slice %run_scoped3A_4[%dma_start3A_346, %dma_start3A_347] : memref<400x64xf32, #tpu.memory_space<vmem>> -> memref<80x64xf32, #tpu.memory_space<vmem>>
            %dma_start3A_349 = arith.constant 0 : i32
            %dma_start3A_350 = tpu.memref_slice %arg10[%add3A_345, %dma_start3A_349] : memref<125x80xi32, #tpu.memory_space<vmem>> -> memref<1x80xi32, #tpu.memory_space<vmem>>
            %dma_start3A_351 = tpu.memref_squeeze %dma_start3A_350 : memref<1x80xi32, #tpu.memory_space<vmem>> -> memref<80xi32, #tpu.memory_space<vmem>>
            %dma_start3A_352 = arith.constant 0 : i32
            %dma_start3A_353 = arith.constant 0 : i32
            %dma_start3A_354 = tpu.memref_slice %arg6[%dma_start3A_352, %dma_start3A_353] : memref<10000x64xf32, #tpu.memory_space<hbm>> -> memref<10000x64xf32, #tpu.memory_space<hbm>>
            tpu.enqueue_indirect_dma source(%dma_start3A_354 : memref<10000x64xf32, #tpu.memory_space<hbm>>) target(%dma_start3A_348 : memref<80x64xf32, #tpu.memory_space<vmem>>) offsets(%dma_start3A_351 : memref<80xi32, #tpu.memory_space<vmem>>) semaphore(%arg14 : memref<!tpu.dma_semaphore, #tpu.memory_space<semaphore_mem>>)
            %mul3A_355 = arith.constant 5 : i32
            %mul3A_356 = arith.muli %add3A_302, %mul3A_355 : i32
            %add3A_357 = arith.constant 4 : i32
            %add3A_358 = arith.addi %mul3A_356, %add3A_357 : i32
            %dma_start3A_359 = arith.constant 320 : i32
            %dma_start3A_360 = arith.constant 0 : i32
            %dma_start3A_361 = tpu.memref_slice %run_scoped3A_4[%dma_start3A_359, %dma_start3A_360] : memref<400x64xf32, #tpu.memory_space<vmem>> -> memref<80x64xf32, #tpu.memory_space<vmem>>
            %dma_start3A_362 = arith.constant 0 : i32
            %dma_start3A_363 = tpu.memref_slice %arg10[%add3A_358, %dma_start3A_362] : memref<125x80xi32, #tpu.memory_space<vmem>> -> memref<1x80xi32, #tpu.memory_space<vmem>>
            %dma_start3A_364 = tpu.memref_squeeze %dma_start3A_363 : memref<1x80xi32, #tpu.memory_space<vmem>> -> memref<80xi32, #tpu.memory_space<vmem>>
            %dma_start3A_365 = arith.constant 0 : i32
            %dma_start3A_366 = arith.constant 0 : i32
            %dma_start3A_367 = tpu.memref_slice %arg6[%dma_start3A_365, %dma_start3A_366] : memref<10000x64xf32, #tpu.memory_space<hbm>> -> memref<10000x64xf32, #tpu.memory_space<hbm>>
            tpu.enqueue_indirect_dma source(%dma_start3A_367 : memref<10000x64xf32, #tpu.memory_space<hbm>>) target(%dma_start3A_361 : memref<80x64xf32, #tpu.memory_space<vmem>>) offsets(%dma_start3A_364 : memref<80xi32, #tpu.memory_space<vmem>>) semaphore(%arg14 : memref<!tpu.dma_semaphore, #tpu.memory_space<semaphore_mem>>)
          } else {
          }
          %mul3A_164 = arith.constant 5 : i32
          %mul3A_165 = arith.muli %scan3A_119, %mul3A_164 : i32
          %add3A_166 = arith.constant 0 : i32
          %add3A_167 = arith.addi %mul3A_165, %add3A_166 : i32
          %dma_wait3A_168 = arith.constant 0 : i32
          %dma_wait3A_169 = arith.constant 0 : i32
          %dma_wait3A_170 = tpu.memref_slice %run_scoped3A[%dma_wait3A_168, %dma_wait3A_169] : memref<400x64xf32, #tpu.memory_space<vmem>> -> memref<80x64xf32, #tpu.memory_space<vmem>>
          %dma_wait3A_171 = arith.constant 0 : i32
          %dma_wait3A_172 = tpu.memref_slice %arg10[%add3A_167, %dma_wait3A_171] : memref<125x80xi32, #tpu.memory_space<vmem>> -> memref<1x80xi32, #tpu.memory_space<vmem>>
          %dma_wait3A_173 = tpu.memref_squeeze %dma_wait3A_172 : memref<1x80xi32, #tpu.memory_space<vmem>> -> memref<80xi32, #tpu.memory_space<vmem>>
          %dma_wait3A_174 = arith.constant 0 : i32
          %dma_wait3A_175 = arith.constant 0 : i32
          %dma_wait3A_176 = tpu.memref_slice %arg6[%dma_wait3A_174, %dma_wait3A_175] : memref<10000x64xf32, #tpu.memory_space<hbm>> -> memref<10000x64xf32, #tpu.memory_space<hbm>>
          tpu.wait_indirect_dma semaphore(%arg13 : memref<!tpu.dma_semaphore, #tpu.memory_space<semaphore_mem>>) src(%dma_wait3A_176 : memref<10000x64xf32, #tpu.memory_space<hbm>>) dst(%dma_wait3A_170 : memref<80x64xf32, #tpu.memory_space<vmem>>)
          %mul3A_177 = arith.constant 5 : i32
          %mul3A_178 = arith.muli %scan3A_119, %mul3A_177 : i32
          %add3A_179 = arith.constant 1 : i32
          %add3A_180 = arith.addi %mul3A_178, %add3A_179 : i32
          %dma_wait3A_181 = arith.constant 80 : i32
          %dma_wait3A_182 = arith.constant 0 : i32
          %dma_wait3A_183 = tpu.memref_slice %run_scoped3A[%dma_wait3A_181, %dma_wait3A_182] : memref<400x64xf32, #tpu.memory_space<vmem>> -> memref<80x64xf32, #tpu.memory_space<vmem>>
          %dma_wait3A_184 = arith.constant 0 : i32
          %dma_wait3A_185 = tpu.memref_slice %arg10[%add3A_180, %dma_wait3A_184] : memref<125x80xi32, #tpu.memory_space<vmem>> -> memref<1x80xi32, #tpu.memory_space<vmem>>
          %dma_wait3A_186 = tpu.memref_squeeze %dma_wait3A_185 : memref<1x80xi32, #tpu.memory_space<vmem>> -> memref<80xi32, #tpu.memory_space<vmem>>
          %dma_wait3A_187 = arith.constant 0 : i32
          %dma_wait3A_188 = arith.constant 0 : i32
          %dma_wait3A_189 = tpu.memref_slice %arg6[%dma_wait3A_187, %dma_wait3A_188] : memref<10000x64xf32, #tpu.memory_space<hbm>> -> memref<10000x64xf32, #tpu.memory_space<hbm>>
          tpu.wait_indirect_dma semaphore(%arg13 : memref<!tpu.dma_semaphore, #tpu.memory_space<semaphore_mem>>) src(%dma_wait3A_189 : memref<10000x64xf32, #tpu.memory_space<hbm>>) dst(%dma_wait3A_183 : memref<80x64xf32, #tpu.memory_space<vmem>>)
          %mul3A_190 = arith.constant 5 : i32
          %mul3A_191 = arith.muli %scan3A_119, %mul3A_190 : i32
          %add3A_192 = arith.constant 2 : i32
          %add3A_193 = arith.addi %mul3A_191, %add3A_192 : i32
          %dma_wait3A_194 = arith.constant 160 : i32
          %dma_wait3A_195 = arith.constant 0 : i32
          %dma_wait3A_196 = tpu.memref_slice %run_scoped3A[%dma_wait3A_194, %dma_wait3A_195] : memref<400x64xf32, #tpu.memory_space<vmem>> -> memref<80x64xf32, #tpu.memory_space<vmem>>
          %dma_wait3A_197 = arith.constant 0 : i32
          %dma_wait3A_198 = tpu.memref_slice %arg10[%add3A_193, %dma_wait3A_197] : memref<125x80xi32, #tpu.memory_space<vmem>> -> memref<1x80xi32, #tpu.memory_space<vmem>>
          %dma_wait3A_199 = tpu.memref_squeeze %dma_wait3A_198 : memref<1x80xi32, #tpu.memory_space<vmem>> -> memref<80xi32, #tpu.memory_space<vmem>>
          %dma_wait3A_200 = arith.constant 0 : i32
          %dma_wait3A_201 = arith.constant 0 : i32
          %dma_wait3A_202 = tpu.memref_slice %arg6[%dma_wait3A_200, %dma_wait3A_201] : memref<10000x64xf32, #tpu.memory_space<hbm>> -> memref<10000x64xf32, #tpu.memory_space<hbm>>
          tpu.wait_indirect_dma semaphore(%arg13 : memref<!tpu.dma_semaphore, #tpu.memory_space<semaphore_mem>>) src(%dma_wait3A_202 : memref<10000x64xf32, #tpu.memory_space<hbm>>) dst(%dma_wait3A_196 : memref<80x64xf32, #tpu.memory_space<vmem>>)
          %mul3A_203 = arith.constant 5 : i32
          %mul3A_204 = arith.muli %scan3A_119, %mul3A_203 : i32
          %add3A_205 = arith.constant 3 : i32
          %add3A_206 = arith.addi %mul3A_204, %add3A_205 : i32
          %dma_wait3A_207 = arith.constant 240 : i32
          %dma_wait3A_208 = arith.constant 0 : i32
          %dma_wait3A_209 = tpu.memref_slice %run_scoped3A[%dma_wait3A_207, %dma_wait3A_208] : memref<400x64xf32, #tpu.memory_space<vmem>> -> memref<80x64xf32, #tpu.memory_space<vmem>>
          %dma_wait3A_210 = arith.constant 0 : i32
          %dma_wait3A_211 = tpu.memref_slice %arg10[%add3A_206, %dma_wait3A_210] : memref<125x80xi32, #tpu.memory_space<vmem>> -> memref<1x80xi32, #tpu.memory_space<vmem>>
          %dma_wait3A_212 = tpu.memref_squeeze %dma_wait3A_211 : memref<1x80xi32, #tpu.memory_space<vmem>> -> memref<80xi32, #tpu.memory_space<vmem>>
          %dma_wait3A_213 = arith.constant 0 : i32
          %dma_wait3A_214 = arith.constant 0 : i32
          %dma_wait3A_215 = tpu.memref_slice %arg6[%dma_wait3A_213, %dma_wait3A_214] : memref<10000x64xf32, #tpu.memory_space<hbm>> -> memref<10000x64xf32, #tpu.memory_space<hbm>>
          tpu.wait_indirect_dma semaphore(%arg13 : memref<!tpu.dma_semaphore, #tpu.memory_space<semaphore_mem>>) src(%dma_wait3A_215 : memref<10000x64xf32, #tpu.memory_space<hbm>>) dst(%dma_wait3A_209 : memref<80x64xf32, #tpu.memory_space<vmem>>)
          %mul3A_216 = arith.constant 5 : i32
          %mul3A_217 = arith.muli %scan3A_119, %mul3A_216 : i32
          %add3A_218 = arith.constant 4 : i32
          %add3A_219 = arith.addi %mul3A_217, %add3A_218 : i32
          %dma_wait3A_220 = arith.constant 320 : i32
          %dma_wait3A_221 = arith.constant 0 : i32
          %dma_wait3A_222 = tpu.memref_slice %run_scoped3A[%dma_wait3A_220, %dma_wait3A_221] : memref<400x64xf32, #tpu.memory_space<vmem>> -> memref<80x64xf32, #tpu.memory_space<vmem>>
          %dma_wait3A_223 = arith.constant 0 : i32
          %dma_wait3A_224 = tpu.memref_slice %arg10[%add3A_219, %dma_wait3A_223] : memref<125x80xi32, #tpu.memory_space<vmem>> -> memref<1x80xi32, #tpu.memory_space<vmem>>
          %dma_wait3A_225 = tpu.memref_squeeze %dma_wait3A_224 : memref<1x80xi32, #tpu.memory_space<vmem>> -> memref<80xi32, #tpu.memory_space<vmem>>
          %dma_wait3A_226 = arith.constant 0 : i32
          %dma_wait3A_227 = arith.constant 0 : i32
          %dma_wait3A_228 = tpu.memref_slice %arg6[%dma_wait3A_226, %dma_wait3A_227] : memref<10000x64xf32, #tpu.memory_space<hbm>> -> memref<10000x64xf32, #tpu.memory_space<hbm>>
          tpu.wait_indirect_dma semaphore(%arg13 : memref<!tpu.dma_semaphore, #tpu.memory_space<semaphore_mem>>) src(%dma_wait3A_228 : memref<10000x64xf32, #tpu.memory_space<hbm>>) dst(%dma_wait3A_222 : memref<80x64xf32, #tpu.memory_space<vmem>>)
          %scan3A_229 = arith.constant 0 : i32
          %scan3A_230 = arith.constant 0 : i32
          %scan3A_231 = arith.constant 400 : i32
          %scan3A_232 = arith.addi %scan3A_230, %scan3A_231 : i32
          %scan3A_233 = arith.constant 8 : i32
          %scan3A_234 = scf.for %scan3A_301 = %scan3A_230 to %scan3A_232 step %scan3A_233 iter_args(%scan3A_302 = %scan3A_229) -> (i32)  : i32 {
            %mul3A_303 = arith.constant 400 : i32
            %mul3A_304 = arith.muli %scan3A_119, %mul3A_303 : i32
            %add3A_305 = arith.addi %mul3A_304, %scan3A_301 : i32
            %broadcast_in_dim3A_306 = vector.broadcast %add3A_305 : i32 to vector<16xi32>
            %gather3A = tpu.vector_load_idx %arg12[%broadcast_in_dim3A_306] : memref<10000xf32, #tpu.memory_space<vmem>>[vector<16xi32>], vector<16xf32>,
            %get3A = arith.index_cast %scan3A_301 : i32 to index
            %get3A_307 = arith.constant 0 : index
            %get3A_308 = tpu.vector_load %run_scoped3A[%get3A, %get3A_307] {strides = array<i32>} : memref<400x64xf32, #tpu.memory_space<vmem>>, vector<16xf32>,
            %mul3A_309 = arith.mulf %get3A_308, %gather3A : vector<16xf32>
            %swap3A = arith.index_cast %scan3A_301 : i32 to index
            %swap3A_310 = arith.constant 0 : index
            %swap3A_311 = tpu.vector_load %run_scoped3A[%swap3A, %swap3A_310] {strides = array<i32>} : memref<400x64xf32, #tpu.memory_space<vmem>>, vector<16xf32>,
            tpu.vector_store %run_scoped3A[%swap3A, %swap3A_310], %mul3A_309 {strides = array<i32>} : memref<400x64xf32, #tpu.memory_space<vmem>>, vector<16xf32>,
            %get3A_312 = arith.index_cast %scan3A_301 : i32 to index
            %get3A_313 = arith.constant 16 : index
            %get3A_314 = tpu.vector_load %run_scoped3A[%get3A_312, %get3A_313] {strides = array<i32>} : memref<400x64xf32, #tpu.memory_space<vmem>>, vector<16xf32>,
            %mul3A_315 = arith.mulf %get3A_314, %gather3A : vector<16xf32>
            %swap3A_316 = arith.index_cast %scan3A_301 : i32 to index
            %swap3A_317 = arith.constant 16 : index
            %swap3A_318 = tpu.vector_load %run_scoped3A[%swap3A_316, %swap3A_317] {strides = array<i32>} : memref<400x64xf32, #tpu.memory_space<vmem>>, vector<16xf32>,
            tpu.vector_store %run_scoped3A[%swap3A_316, %swap3A_317], %mul3A_315 {strides = array<i32>} : memref<400x64xf32, #tpu.memory_space<vmem>>, vector<16xf32>,
            %get3A_319 = arith.index_cast %scan3A_301 : i32 to index
            %get3A_320 = arith.constant 32 : index
            %get3A_321 = tpu.vector_load %run_scoped3A[%get3A_319, %get3A_320] {strides = array<i32>} : memref<400x64xf32, #tpu.memory_space<vmem>>, vector<16xf32>,
            %mul3A_322 = arith.mulf %get3A_321, %gather3A : vector<16xf32>
            %swap3A_323 = arith.index_cast %scan3A_301 : i32 to index
            %swap3A_324 = arith.constant 32 : index
            %swap3A_325 = tpu.vector_load %run_scoped3A[%swap3A_323, %swap3A_324] {strides = array<i32>} : memref<400x64xf32, #tpu.memory_space<vmem>>, vector<16xf32>,
            tpu.vector_store %run_scoped3A[%swap3A_323, %swap3A_324], %mul3A_322 {strides = array<i32>} : memref<400x64xf32, #tpu.memory_space<vmem>>, vector<16xf32>,
            %get3A_326 = arith.index_cast %scan3A_301 : i32 to index
            %get3A_327 = arith.constant 48 : index
            %get3A_328 = tpu.vector_load %run_scoped3A[%get3A_326, %get3A_327] {strides = array<i32>} : memref<400x64xf32, #tpu.memory_space<vmem>>, vector<16xf32>,
            %mul3A_329 = arith.mulf %get3A_328, %gather3A : vector<16xf32>
            %swap3A_330 = arith.index_cast %scan3A_301 : i32 to index
            %swap3A_331 = arith.constant 48 : index
            %swap3A_332 = tpu.vector_load %run_scoped3A[%swap3A_330, %swap3A_331] {strides = array<i32>} : memref<400x64xf32, #tpu.memory_space<vmem>>, vector<16xf32>,
            tpu.vector_store %run_scoped3A[%swap3A_330, %swap3A_331], %mul3A_329 {strides = array<i32>} : memref<400x64xf32, #tpu.memory_space<vmem>>, vector<16xf32>,
            %scan3A_333 = arith.constant 0 : i32
            %scan3A_334 = arith.constant 1 : i32
            %scan3A_335 = arith.addi %scan3A_301, %scan3A_334 : i32
            %mul3A_336 = arith.constant 400 : i32
            %mul3A_337 = arith.muli %scan3A_119, %mul3A_336 : i32
            %add3A_338 = arith.addi %mul3A_337, %scan3A_335 : i32
            %broadcast_in_dim3A_339 = vector.broadcast %add3A_338 : i32 to vector<16xi32>
            %gather3A_340 = tpu.vector_load_idx %arg12[%broadcast_in_dim3A_339] : memref<10000xf32, #tpu.memory_space<vmem>>[vector<16xi32>], vector<16xf32>,
            %get3A_341 = arith.index_cast %scan3A_335 : i32 to index
            %get3A_342 = arith.constant 0 : index
            %get3A_343 = tpu.vector_load %run_scoped3A[%get3A_341, %get3A_342] {strides = array<i32>} : memref<400x64xf32, #tpu.memory_space<vmem>>, vector<16xf32>,
            %mul3A_344 = arith.mulf %get3A_343, %gather3A_340 : vector<16xf32>
            %swap3A_345 = arith.index_cast %scan3A_335 : i32 to index
            %swap3A_346 = arith.constant 0 : index
            %swap3A_347 = tpu.vector_load %run_scoped3A[%swap3A_345, %swap3A_346] {strides = array<i32>} : memref<400x64xf32, #tpu.memory_space<vmem>>, vector<16xf32>,
            tpu.vector_store %run_scoped3A[%swap3A_345, %swap3A_346], %mul3A_344 {strides = array<i32>} : memref<400x64xf32, #tpu.memory_space<vmem>>, vector<16xf32>,
            %get3A_348 = arith.index_cast %scan3A_335 : i32 to index
            %get3A_349 = arith.constant 16 : index
            %get3A_350 = tpu.vector_load %run_scoped3A[%get3A_348, %get3A_349] {strides = array<i32>} : memref<400x64xf32, #tpu.memory_space<vmem>>, vector<16xf32>,
            %mul3A_351 = arith.mulf %get3A_350, %gather3A_340 : vector<16xf32>
            %swap3A_352 = arith.index_cast %scan3A_335 : i32 to index
            %swap3A_353 = arith.constant 16 : index
            %swap3A_354 = tpu.vector_load %run_scoped3A[%swap3A_352, %swap3A_353] {strides = array<i32>} : memref<400x64xf32, #tpu.memory_space<vmem>>, vector<16xf32>,
            tpu.vector_store %run_scoped3A[%swap3A_352, %swap3A_353], %mul3A_351 {strides = array<i32>} : memref<400x64xf32, #tpu.memory_space<vmem>>, vector<16xf32>,
            %get3A_355 = arith.index_cast %scan3A_335 : i32 to index
            %get3A_356 = arith.constant 32 : index
            %get3A_357 = tpu.vector_load %run_scoped3A[%get3A_355, %get3A_356] {strides = array<i32>} : memref<400x64xf32, #tpu.memory_space<vmem>>, vector<16xf32>,
            %mul3A_358 = arith.mulf %get3A_357, %gather3A_340 : vector<16xf32>
            %swap3A_359 = arith.index_cast %scan3A_335 : i32 to index
            %swap3A_360 = arith.constant 32 : index
            %swap3A_361 = tpu.vector_load %run_scoped3A[%swap3A_359, %swap3A_360] {strides = array<i32>} : memref<400x64xf32, #tpu.memory_space<vmem>>, vector<16xf32>,
            tpu.vector_store %run_scoped3A[%swap3A_359, %swap3A_360], %mul3A_358 {strides = array<i32>} : memref<400x64xf32, #tpu.memory_space<vmem>>, vector<16xf32>,
            %get3A_362 = arith.index_cast %scan3A_335 : i32 to index
            %get3A_363 = arith.constant 48 : index
            %get3A_364 = tpu.vector_load %run_scoped3A[%get3A_362, %get3A_363] {strides = array<i32>} : memref<400x64xf32, #tpu.memory_space<vmem>>, vector<16xf32>,
            %mul3A_365 = arith.mulf %get3A_364, %gather3A_340 : vector<16xf32>
            %swap3A_366 = arith.index_cast %scan3A_335 : i32 to index
            %swap3A_367 = arith.constant 48 : index
            %swap3A_368 = tpu.vector_load %run_scoped3A[%swap3A_366, %swap3A_367] {strides = array<i32>} : memref<400x64xf32, #tpu.memory_space<vmem>>, vector<16xf32>,
            tpu.vector_store %run_scoped3A[%swap3A_366, %swap3A_367], %mul3A_365 {strides = array<i32>} : memref<400x64xf32, #tpu.memory_space<vmem>>, vector<16xf32>,
            %scan3A_369 = arith.constant 0 : i32
            %scan3A_370 = arith.constant 2 : i32
            %scan3A_371 = arith.addi %scan3A_301, %scan3A_370 : i32
            %mul3A_372 = arith.constant 400 : i32
            %mul3A_373 = arith.muli %scan3A_119, %mul3A_372 : i32
            %add3A_374 = arith.addi %mul3A_373, %scan3A_371 : i32
            %broadcast_in_dim3A_375 = vector.broadcast %add3A_374 : i32 to vector<16xi32>
            %gather3A_376 = tpu.vector_load_idx %arg12[%broadcast_in_dim3A_375] : memref<10000xf32, #tpu.memory_space<vmem>>[vector<16xi32>], vector<16xf32>,
            %get3A_377 = arith.index_cast %scan3A_371 : i32 to index
            %get3A_378 = arith.constant 0 : index
            %get3A_379 = tpu.vector_load %run_scoped3A[%get3A_377, %get3A_378] {strides = array<i32>} : memref<400x64xf32, #tpu.memory_space<vmem>>, vector<16xf32>,
            %mul3A_380 = arith.mulf %get3A_379, %gather3A_376 : vector<16xf32>
            %swap3A_381 = arith.index_cast %scan3A_371 : i32 to index
            %swap3A_382 = arith.constant 0 : index
            %swap3A_383 = tpu.vector_load %run_scoped3A[%swap3A_381, %swap3A_382] {strides = array<i32>} : memref<400x64xf32, #tpu.memory_space<vmem>>, vector<16xf32>,
            tpu.vector_store %run_scoped3A[%swap3A_381, %swap3A_382], %mul3A_380 {strides = array<i32>} : memref<400x64xf32, #tpu.memory_space<vmem>>, vector<16xf32>,
            %get3A_384 = arith.index_cast %scan3A_371 : i32 to index
            %get3A_385 = arith.constant 16 : index
            %get3A_386 = tpu.vector_load %run_scoped3A[%get3A_384, %get3A_385] {strides = array<i32>} : memref<400x64xf32, #tpu.memory_space<vmem>>, vector<16xf32>,
            %mul3A_387 = arith.mulf %get3A_386, %gather3A_376 : vector<16xf32>
            %swap3A_388 = arith.index_cast %scan3A_371 : i32 to index
            %swap3A_389 = arith.constant 16 : index
            %swap3A_390 = tpu.vector_load %run_scoped3A[%swap3A_388, %swap3A_389] {strides = array<i32>} : memref<400x64xf32, #tpu.memory_space<vmem>>, vector<16xf32>,
            tpu.vector_store %run_scoped3A[%swap3A_388, %swap3A_389], %mul3A_387 {strides = array<i32>} : memref<400x64xf32, #tpu.memory_space<vmem>>, vector<16xf32>,
            %get3A_391 = arith.index_cast %scan3A_371 : i32 to index
            %get3A_392 = arith.constant 32 : index
            %get3A_393 = tpu.vector_load %run_scoped3A[%get3A_391, %get3A_392] {strides = array<i32>} : memref<400x64xf32, #tpu.memory_space<vmem>>, vector<16xf32>,
            %mul3A_394 = arith.mulf %get3A_393, %gather3A_376 : vector<16xf32>
            %swap3A_395 = arith.index_cast %scan3A_371 : i32 to index
            %swap3A_396 = arith.constant 32 : index
            %swap3A_397 = tpu.vector_load %run_scoped3A[%swap3A_395, %swap3A_396] {strides = array<i32>} : memref<400x64xf32, #tpu.memory_space<vmem>>, vector<16xf32>,
            tpu.vector_store %run_scoped3A[%swap3A_395, %swap3A_396], %mul3A_394 {strides = array<i32>} : memref<400x64xf32, #tpu.memory_space<vmem>>, vector<16xf32>,
            %get3A_398 = arith.index_cast %scan3A_371 : i32 to index
            %get3A_399 = arith.constant 48 : index
            %get3A_400 = tpu.vector_load %run_scoped3A[%get3A_398, %get3A_399] {strides = array<i32>} : memref<400x64xf32, #tpu.memory_space<vmem>>, vector<16xf32>,
            %mul3A_401 = arith.mulf %get3A_400, %gather3A_376 : vector<16xf32>
            %swap3A_402 = arith.index_cast %scan3A_371 : i32 to index
            %swap3A_403 = arith.constant 48 : index
            %swap3A_404 = tpu.vector_load %run_scoped3A[%swap3A_402, %swap3A_403] {strides = array<i32>} : memref<400x64xf32, #tpu.memory_space<vmem>>, vector<16xf32>,
            tpu.vector_store %run_scoped3A[%swap3A_402, %swap3A_403], %mul3A_401 {strides = array<i32>} : memref<400x64xf32, #tpu.memory_space<vmem>>, vector<16xf32>,
            %scan3A_405 = arith.constant 0 : i32
            %scan3A_406 = arith.constant 3 : i32
            %scan3A_407 = arith.addi %scan3A_301, %scan3A_406 : i32
            %mul3A_408 = arith.constant 400 : i32
            %mul3A_409 = arith.muli %scan3A_119, %mul3A_408 : i32
            %add3A_410 = arith.addi %mul3A_409, %scan3A_407 : i32
            %broadcast_in_dim3A_411 = vector.broadcast %add3A_410 : i32 to vector<16xi32>
            %gather3A_412 = tpu.vector_load_idx %arg12[%broadcast_in_dim3A_411] : memref<10000xf32, #tpu.memory_space<vmem>>[vector<16xi32>], vector<16xf32>,
            %get3A_413 = arith.index_cast %scan3A_407 : i32 to index
            %get3A_414 = arith.constant 0 : index
            %get3A_415 = tpu.vector_load %run_scoped3A[%get3A_413, %get3A_414] {strides = array<i32>} : memref<400x64xf32, #tpu.memory_space<vmem>>, vector<16xf32>,
            %mul3A_416 = arith.mulf %get3A_415, %gather3A_412 : vector<16xf32>
            %swap3A_417 = arith.index_cast %scan3A_407 : i32 to index
            %swap3A_418 = arith.constant 0 : index
            %swap3A_419 = tpu.vector_load %run_scoped3A[%swap3A_417, %swap3A_418] {strides = array<i32>} : memref<400x64xf32, #tpu.memory_space<vmem>>, vector<16xf32>,
            tpu.vector_store %run_scoped3A[%swap3A_417, %swap3A_418], %mul3A_416 {strides = array<i32>} : memref<400x64xf32, #tpu.memory_space<vmem>>, vector<16xf32>,
            %get3A_420 = arith.index_cast %scan3A_407 : i32 to index
            %get3A_421 = arith.constant 16 : index
            %get3A_422 = tpu.vector_load %run_scoped3A[%get3A_420, %get3A_421] {strides = array<i32>} : memref<400x64xf32, #tpu.memory_space<vmem>>, vector<16xf32>,
            %mul3A_423 = arith.mulf %get3A_422, %gather3A_412 : vector<16xf32>
            %swap3A_424 = arith.index_cast %scan3A_407 : i32 to index
            %swap3A_425 = arith.constant 16 : index
            %swap3A_426 = tpu.vector_load %run_scoped3A[%swap3A_424, %swap3A_425] {strides = array<i32>} : memref<400x64xf32, #tpu.memory_space<vmem>>, vector<16xf32>,
            tpu.vector_store %run_scoped3A[%swap3A_424, %swap3A_425], %mul3A_423 {strides = array<i32>} : memref<400x64xf32, #tpu.memory_space<vmem>>, vector<16xf32>,
            %get3A_427 = arith.index_cast %scan3A_407 : i32 to index
            %get3A_428 = arith.constant 32 : index
            %get3A_429 = tpu.vector_load %run_scoped3A[%get3A_427, %get3A_428] {strides = array<i32>} : memref<400x64xf32, #tpu.memory_space<vmem>>, vector<16xf32>,
            %mul3A_430 = arith.mulf %get3A_429, %gather3A_412 : vector<16xf32>
            %swap3A_431 = arith.index_cast %scan3A_407 : i32 to index
            %swap3A_432 = arith.constant 32 : index
            %swap3A_433 = tpu.vector_load %run_scoped3A[%swap3A_431, %swap3A_432] {strides = array<i32>} : memref<400x64xf32, #tpu.memory_space<vmem>>, vector<16xf32>,
            tpu.vector_store %run_scoped3A[%swap3A_431, %swap3A_432], %mul3A_430 {strides = array<i32>} : memref<400x64xf32, #tpu.memory_space<vmem>>, vector<16xf32>,
            %get3A_434 = arith.index_cast %scan3A_407 : i32 to index
            %get3A_435 = arith.constant 48 : index
            %get3A_436 = tpu.vector_load %run_scoped3A[%get3A_434, %get3A_435] {strides = array<i32>} : memref<400x64xf32, #tpu.memory_space<vmem>>, vector<16xf32>,
            %mul3A_437 = arith.mulf %get3A_436, %gather3A_412 : vector<16xf32>
            %swap3A_438 = arith.index_cast %scan3A_407 : i32 to index
            %swap3A_439 = arith.constant 48 : index
            %swap3A_440 = tpu.vector_load %run_scoped3A[%swap3A_438, %swap3A_439] {strides = array<i32>} : memref<400x64xf32, #tpu.memory_space<vmem>>, vector<16xf32>,
            tpu.vector_store %run_scoped3A[%swap3A_438, %swap3A_439], %mul3A_437 {strides = array<i32>} : memref<400x64xf32, #tpu.memory_space<vmem>>, vector<16xf32>,
            %scan3A_441 = arith.constant 0 : i32
            %scan3A_442 = arith.constant 4 : i32
            %scan3A_443 = arith.addi %scan3A_301, %scan3A_442 : i32
            %mul3A_444 = arith.constant 400 : i32
            %mul3A_445 = arith.muli %scan3A_119, %mul3A_444 : i32
            %add3A_446 = arith.addi %mul3A_445, %scan3A_443 : i32
            %broadcast_in_dim3A_447 = vector.broadcast %add3A_446 : i32 to vector<16xi32>
            %gather3A_448 = tpu.vector_load_idx %arg12[%broadcast_in_dim3A_447] : memref<10000xf32, #tpu.memory_space<vmem>>[vector<16xi32>], vector<16xf32>,
            %get3A_449 = arith.index_cast %scan3A_443 : i32 to index
            %get3A_450 = arith.constant 0 : index
            %get3A_451 = tpu.vector_load %run_scoped3A[%get3A_449, %get3A_450] {strides = array<i32>} : memref<400x64xf32, #tpu.memory_space<vmem>>, vector<16xf32>,
            %mul3A_452 = arith.mulf %get3A_451, %gather3A_448 : vector<16xf32>
            %swap3A_453 = arith.index_cast %scan3A_443 : i32 to index
            %swap3A_454 = arith.constant 0 : index
            %swap3A_455 = tpu.vector_load %run_scoped3A[%swap3A_453, %swap3A_454] {strides = array<i32>} : memref<400x64xf32, #tpu.memory_space<vmem>>, vector<16xf32>,
            tpu.vector_store %run_scoped3A[%swap3A_453, %swap3A_454], %mul3A_452 {strides = array<i32>} : memref<400x64xf32, #tpu.memory_space<vmem>>, vector<16xf32>,
            %get3A_456 = arith.index_cast %scan3A_443 : i32 to index
            %get3A_457 = arith.constant 16 : index
            %get3A_458 = tpu.vector_load %run_scoped3A[%get3A_456, %get3A_457] {strides = array<i32>} : memref<400x64xf32, #tpu.memory_space<vmem>>, vector<16xf32>,
            %mul3A_459 = arith.mulf %get3A_458, %gather3A_448 : vector<16xf32>
            %swap3A_460 = arith.index_cast %scan3A_443 : i32 to index
            %swap3A_461 = arith.constant 16 : index
            %swap3A_462 = tpu.vector_load %run_scoped3A[%swap3A_460, %swap3A_461] {strides = array<i32>} : memref<400x64xf32, #tpu.memory_space<vmem>>, vector<16xf32>,
            tpu.vector_store %run_scoped3A[%swap3A_460, %swap3A_461], %mul3A_459 {strides = array<i32>} : memref<400x64xf32, #tpu.memory_space<vmem>>, vector<16xf32>,
            %get3A_463 = arith.index_cast %scan3A_443 : i32 to index
            %get3A_464 = arith.constant 32 : index
            %get3A_465 = tpu.vector_load %run_scoped3A[%get3A_463, %get3A_464] {strides = array<i32>} : memref<400x64xf32, #tpu.memory_space<vmem>>, vector<16xf32>,
            %mul3A_466 = arith.mulf %get3A_465, %gather3A_448 : vector<16xf32>
            %swap3A_467 = arith.index_cast %scan3A_443 : i32 to index
            %swap3A_468 = arith.constant 32 : index
            %swap3A_469 = tpu.vector_load %run_scoped3A[%swap3A_467, %swap3A_468] {strides = array<i32>} : memref<400x64xf32, #tpu.memory_space<vmem>>, vector<16xf32>,
            tpu.vector_store %run_scoped3A[%swap3A_467, %swap3A_468], %mul3A_466 {strides = array<i32>} : memref<400x64xf32, #tpu.memory_space<vmem>>, vector<16xf32>,
            %get3A_470 = arith.index_cast %scan3A_443 : i32 to index
            %get3A_471 = arith.constant 48 : index
            %get3A_472 = tpu.vector_load %run_scoped3A[%get3A_470, %get3A_471] {strides = array<i32>} : memref<400x64xf32, #tpu.memory_space<vmem>>, vector<16xf32>,
            %mul3A_473 = arith.mulf %get3A_472, %gather3A_448 : vector<16xf32>
            %swap3A_474 = arith.index_cast %scan3A_443 : i32 to index
            %swap3A_475 = arith.constant 48 : index
            %swap3A_476 = tpu.vector_load %run_scoped3A[%swap3A_474, %swap3A_475] {strides = array<i32>} : memref<400x64xf32, #tpu.memory_space<vmem>>, vector<16xf32>,
            tpu.vector_store %run_scoped3A[%swap3A_474, %swap3A_475], %mul3A_473 {strides = array<i32>} : memref<400x64xf32, #tpu.memory_space<vmem>>, vector<16xf32>,
            %scan3A_477 = arith.constant 0 : i32
            %scan3A_478 = arith.constant 5 : i32
            %scan3A_479 = arith.addi %scan3A_301, %scan3A_478 : i32
            %mul3A_480 = arith.constant 400 : i32
            %mul3A_481 = arith.muli %scan3A_119, %mul3A_480 : i32
            %add3A_482 = arith.addi %mul3A_481, %scan3A_479 : i32
            %broadcast_in_dim3A_483 = vector.broadcast %add3A_482 : i32 to vector<16xi32>
            %gather3A_484 = tpu.vector_load_idx %arg12[%broadcast_in_dim3A_483] : memref<10000xf32, #tpu.memory_space<vmem>>[vector<16xi32>], vector<16xf32>,
            %get3A_485 = arith.index_cast %scan3A_479 : i32 to index
            %get3A_486 = arith.constant 0 : index
            %get3A_487 = tpu.vector_load %run_scoped3A[%get3A_485, %get3A_486] {strides = array<i32>} : memref<400x64xf32, #tpu.memory_space<vmem>>, vector<16xf32>,
            %mul3A_488 = arith.mulf %get3A_487, %gather3A_484 : vector<16xf32>
            %swap3A_489 = arith.index_cast %scan3A_479 : i32 to index
            %swap3A_490 = arith.constant 0 : index
            %swap3A_491 = tpu.vector_load %run_scoped3A[%swap3A_489, %swap3A_490] {strides = array<i32>} : memref<400x64xf32, #tpu.memory_space<vmem>>, vector<16xf32>,
            tpu.vector_store %run_scoped3A[%swap3A_489, %swap3A_490], %mul3A_488 {strides = array<i32>} : memref<400x64xf32, #tpu.memory_space<vmem>>, vector<16xf32>,
            %get3A_492 = arith.index_cast %scan3A_479 : i32 to index
            %get3A_493 = arith.constant 16 : index
            %get3A_494 = tpu.vector_load %run_scoped3A[%get3A_492, %get3A_493] {strides = array<i32>} : memref<400x64xf32, #tpu.memory_space<vmem>>, vector<16xf32>,
            %mul3A_495 = arith.mulf %get3A_494, %gather3A_484 : vector<16xf32>
            %swap3A_496 = arith.index_cast %scan3A_479 : i32 to index
            %swap3A_497 = arith.constant 16 : index
            %swap3A_498 = tpu.vector_load %run_scoped3A[%swap3A_496, %swap3A_497] {strides = array<i32>} : memref<400x64xf32, #tpu.memory_space<vmem>>, vector<16xf32>,
            tpu.vector_store %run_scoped3A[%swap3A_496, %swap3A_497], %mul3A_495 {strides = array<i32>} : memref<400x64xf32, #tpu.memory_space<vmem>>, vector<16xf32>,
            %get3A_499 = arith.index_cast %scan3A_479 : i32 to index
            %get3A_500 = arith.constant 32 : index
            %get3A_501 = tpu.vector_load %run_scoped3A[%get3A_499, %get3A_500] {strides = array<i32>} : memref<400x64xf32, #tpu.memory_space<vmem>>, vector<16xf32>,
            %mul3A_502 = arith.mulf %get3A_501, %gather3A_484 : vector<16xf32>
            %swap3A_503 = arith.index_cast %scan3A_479 : i32 to index
            %swap3A_504 = arith.constant 32 : index
            %swap3A_505 = tpu.vector_load %run_scoped3A[%swap3A_503, %swap3A_504] {strides = array<i32>} : memref<400x64xf32, #tpu.memory_space<vmem>>, vector<16xf32>,
            tpu.vector_store %run_scoped3A[%swap3A_503, %swap3A_504], %mul3A_502 {strides = array<i32>} : memref<400x64xf32, #tpu.memory_space<vmem>>, vector<16xf32>,
            %get3A_506 = arith.index_cast %scan3A_479 : i32 to index
            %get3A_507 = arith.constant 48 : index
            %get3A_508 = tpu.vector_load %run_scoped3A[%get3A_506, %get3A_507] {strides = array<i32>} : memref<400x64xf32, #tpu.memory_space<vmem>>, vector<16xf32>,
            %mul3A_509 = arith.mulf %get3A_508, %gather3A_484 : vector<16xf32>
            %swap3A_510 = arith.index_cast %scan3A_479 : i32 to index
            %swap3A_511 = arith.constant 48 : index
            %swap3A_512 = tpu.vector_load %run_scoped3A[%swap3A_510, %swap3A_511] {strides = array<i32>} : memref<400x64xf32, #tpu.memory_space<vmem>>, vector<16xf32>,
            tpu.vector_store %run_scoped3A[%swap3A_510, %swap3A_511], %mul3A_509 {strides = array<i32>} : memref<400x64xf32, #tpu.memory_space<vmem>>, vector<16xf32>,
            %scan3A_513 = arith.constant 0 : i32
            %scan3A_514 = arith.constant 6 : i32
            %scan3A_515 = arith.addi %scan3A_301, %scan3A_514 : i32
            %mul3A_516 = arith.constant 400 : i32
            %mul3A_517 = arith.muli %scan3A_119, %mul3A_516 : i32
            %add3A_518 = arith.addi %mul3A_517, %scan3A_515 : i32
            %broadcast_in_dim3A_519 = vector.broadcast %add3A_518 : i32 to vector<16xi32>
            %gather3A_520 = tpu.vector_load_idx %arg12[%broadcast_in_dim3A_519] : memref<10000xf32, #tpu.memory_space<vmem>>[vector<16xi32>], vector<16xf32>,
            %get3A_521 = arith.index_cast %scan3A_515 : i32 to index
            %get3A_522 = arith.constant 0 : index
            %get3A_523 = tpu.vector_load %run_scoped3A[%get3A_521, %get3A_522] {strides = array<i32>} : memref<400x64xf32, #tpu.memory_space<vmem>>, vector<16xf32>,
            %mul3A_524 = arith.mulf %get3A_523, %gather3A_520 : vector<16xf32>
            %swap3A_525 = arith.index_cast %scan3A_515 : i32 to index
            %swap3A_526 = arith.constant 0 : index
            %swap3A_527 = tpu.vector_load %run_scoped3A[%swap3A_525, %swap3A_526] {strides = array<i32>} : memref<400x64xf32, #tpu.memory_space<vmem>>, vector<16xf32>,
            tpu.vector_store %run_scoped3A[%swap3A_525, %swap3A_526], %mul3A_524 {strides = array<i32>} : memref<400x64xf32, #tpu.memory_space<vmem>>, vector<16xf32>,
            %get3A_528 = arith.index_cast %scan3A_515 : i32 to index
            %get3A_529 = arith.constant 16 : index
            %get3A_530 = tpu.vector_load %run_scoped3A[%get3A_528, %get3A_529] {strides = array<i32>} : memref<400x64xf32, #tpu.memory_space<vmem>>, vector<16xf32>,
            %mul3A_531 = arith.mulf %get3A_530, %gather3A_520 : vector<16xf32>
            %swap3A_532 = arith.index_cast %scan3A_515 : i32 to index
            %swap3A_533 = arith.constant 16 : index
            %swap3A_534 = tpu.vector_load %run_scoped3A[%swap3A_532, %swap3A_533] {strides = array<i32>} : memref<400x64xf32, #tpu.memory_space<vmem>>, vector<16xf32>,
            tpu.vector_store %run_scoped3A[%swap3A_532, %swap3A_533], %mul3A_531 {strides = array<i32>} : memref<400x64xf32, #tpu.memory_space<vmem>>, vector<16xf32>,
            %get3A_535 = arith.index_cast %scan3A_515 : i32 to index
            %get3A_536 = arith.constant 32 : index
            %get3A_537 = tpu.vector_load %run_scoped3A[%get3A_535, %get3A_536] {strides = array<i32>} : memref<400x64xf32, #tpu.memory_space<vmem>>, vector<16xf32>,
            %mul3A_538 = arith.mulf %get3A_537, %gather3A_520 : vector<16xf32>
            %swap3A_539 = arith.index_cast %scan3A_515 : i32 to index
            %swap3A_540 = arith.constant 32 : index
            %swap3A_541 = tpu.vector_load %run_scoped3A[%swap3A_539, %swap3A_540] {strides = array<i32>} : memref<400x64xf32, #tpu.memory_space<vmem>>, vector<16xf32>,
            tpu.vector_store %run_scoped3A[%swap3A_539, %swap3A_540], %mul3A_538 {strides = array<i32>} : memref<400x64xf32, #tpu.memory_space<vmem>>, vector<16xf32>,
            %get3A_542 = arith.index_cast %scan3A_515 : i32 to index
            %get3A_543 = arith.constant 48 : index
            %get3A_544 = tpu.vector_load %run_scoped3A[%get3A_542, %get3A_543] {strides = array<i32>} : memref<400x64xf32, #tpu.memory_space<vmem>>, vector<16xf32>,
            %mul3A_545 = arith.mulf %get3A_544, %gather3A_520 : vector<16xf32>
            %swap3A_546 = arith.index_cast %scan3A_515 : i32 to index
            %swap3A_547 = arith.constant 48 : index
            %swap3A_548 = tpu.vector_load %run_scoped3A[%swap3A_546, %swap3A_547] {strides = array<i32>} : memref<400x64xf32, #tpu.memory_space<vmem>>, vector<16xf32>,
            tpu.vector_store %run_scoped3A[%swap3A_546, %swap3A_547], %mul3A_545 {strides = array<i32>} : memref<400x64xf32, #tpu.memory_space<vmem>>, vector<16xf32>,
            %scan3A_549 = arith.constant 0 : i32
            %scan3A_550 = arith.constant 7 : i32
            %scan3A_551 = arith.addi %scan3A_301, %scan3A_550 : i32
            %mul3A_552 = arith.constant 400 : i32
            %mul3A_553 = arith.muli %scan3A_119, %mul3A_552 : i32
            %add3A_554 = arith.addi %mul3A_553, %scan3A_551 : i32
            %broadcast_in_dim3A_555 = vector.broadcast %add3A_554 : i32 to vector<16xi32>
            %gather3A_556 = tpu.vector_load_idx %arg12[%broadcast_in_dim3A_555] : memref<10000xf32, #tpu.memory_space<vmem>>[vector<16xi32>], vector<16xf32>,
            %get3A_557 = arith.index_cast %scan3A_551 : i32 to index
            %get3A_558 = arith.constant 0 : index
            %get3A_559 = tpu.vector_load %run_scoped3A[%get3A_557, %get3A_558] {strides = array<i32>} : memref<400x64xf32, #tpu.memory_space<vmem>>, vector<16xf32>,
            %mul3A_560 = arith.mulf %get3A_559, %gather3A_556 : vector<16xf32>
            %swap3A_561 = arith.index_cast %scan3A_551 : i32 to index
            %swap3A_562 = arith.constant 0 : index
            %swap3A_563 = tpu.vector_load %run_scoped3A[%swap3A_561, %swap3A_562] {strides = array<i32>} : memref<400x64xf32, #tpu.memory_space<vmem>>, vector<16xf32>,
            tpu.vector_store %run_scoped3A[%swap3A_561, %swap3A_562], %mul3A_560 {strides = array<i32>} : memref<400x64xf32, #tpu.memory_space<vmem>>, vector<16xf32>,
            %get3A_564 = arith.index_cast %scan3A_551 : i32 to index
            %get3A_565 = arith.constant 16 : index
            %get3A_566 = tpu.vector_load %run_scoped3A[%get3A_564, %get3A_565] {strides = array<i32>} : memref<400x64xf32, #tpu.memory_space<vmem>>, vector<16xf32>,
            %mul3A_567 = arith.mulf %get3A_566, %gather3A_556 : vector<16xf32>
            %swap3A_568 = arith.index_cast %scan3A_551 : i32 to index
            %swap3A_569 = arith.constant 16 : index
            %swap3A_570 = tpu.vector_load %run_scoped3A[%swap3A_568, %swap3A_569] {strides = array<i32>} : memref<400x64xf32, #tpu.memory_space<vmem>>, vector<16xf32>,
            tpu.vector_store %run_scoped3A[%swap3A_568, %swap3A_569], %mul3A_567 {strides = array<i32>} : memref<400x64xf32, #tpu.memory_space<vmem>>, vector<16xf32>,
            %get3A_571 = arith.index_cast %scan3A_551 : i32 to index
            %get3A_572 = arith.constant 32 : index
            %get3A_573 = tpu.vector_load %run_scoped3A[%get3A_571, %get3A_572] {strides = array<i32>} : memref<400x64xf32, #tpu.memory_space<vmem>>, vector<16xf32>,
            %mul3A_574 = arith.mulf %get3A_573, %gather3A_556 : vector<16xf32>
            %swap3A_575 = arith.index_cast %scan3A_551 : i32 to index
            %swap3A_576 = arith.constant 32 : index
            %swap3A_577 = tpu.vector_load %run_scoped3A[%swap3A_575, %swap3A_576] {strides = array<i32>} : memref<400x64xf32, #tpu.memory_space<vmem>>, vector<16xf32>,
            tpu.vector_store %run_scoped3A[%swap3A_575, %swap3A_576], %mul3A_574 {strides = array<i32>} : memref<400x64xf32, #tpu.memory_space<vmem>>, vector<16xf32>,
            %get3A_578 = arith.index_cast %scan3A_551 : i32 to index
            %get3A_579 = arith.constant 48 : index
            %get3A_580 = tpu.vector_load %run_scoped3A[%get3A_578, %get3A_579] {strides = array<i32>} : memref<400x64xf32, #tpu.memory_space<vmem>>, vector<16xf32>,
            %mul3A_581 = arith.mulf %get3A_580, %gather3A_556 : vector<16xf32>
            %swap3A_582 = arith.index_cast %scan3A_551 : i32 to index
            %swap3A_583 = arith.constant 48 : index
            %swap3A_584 = tpu.vector_load %run_scoped3A[%swap3A_582, %swap3A_583] {strides = array<i32>} : memref<400x64xf32, #tpu.memory_space<vmem>>, vector<16xf32>,
            tpu.vector_store %run_scoped3A[%swap3A_582, %swap3A_583], %mul3A_581 {strides = array<i32>} : memref<400x64xf32, #tpu.memory_space<vmem>>, vector<16xf32>,
            %scan3A_585 = arith.constant 0 : i32
            scf.yield %scan3A_585 : i32
          }
          %scan3A_235 = arith.constant 400 : i32
          %mul3A_236 = arith.constant 5 : i32
          %mul3A_237 = arith.muli %scan3A_119, %mul3A_236 : i32
          %add3A_238 = arith.constant 0 : i32
          %add3A_239 = arith.addi %mul3A_237, %add3A_238 : i32
          %dma_start3A_240 = arith.constant 0 : i32
          %dma_start3A_241 = arith.constant 0 : i32
          %dma_start3A_242 = tpu.memref_slice %run_scoped3A[%dma_start3A_240, %dma_start3A_241] : memref<400x64xf32, #tpu.memory_space<vmem>> -> memref<80x64xf32, #tpu.memory_space<vmem>>
          %dma_start3A_243 = arith.constant 0 : i32
          %dma_start3A_244 = tpu.memref_slice %arg11[%add3A_239, %dma_start3A_243] : memref<125x80xi32, #tpu.memory_space<vmem>> -> memref<1x80xi32, #tpu.memory_space<vmem>>
          %dma_start3A_245 = tpu.memref_squeeze %dma_start3A_244 : memref<1x80xi32, #tpu.memory_space<vmem>> -> memref<80xi32, #tpu.memory_space<vmem>>
          %dma_start3A_246 = arith.constant 0 : i32
          %dma_start3A_247 = arith.constant 0 : i32
          %dma_start3A_248 = tpu.memref_slice %arg9[%dma_start3A_246, %dma_start3A_247] : memref<10000x64xf32, #tpu.memory_space<vmem_shared>> -> memref<10000x64xf32, #tpu.memory_space<vmem_shared>>
          tpu.enqueue_indirect_dma source(%dma_start3A_242 : memref<80x64xf32, #tpu.memory_space<vmem>>) target(%dma_start3A_248 : memref<10000x64xf32, #tpu.memory_space<vmem_shared>>) offsets(%dma_start3A_245 : memref<80xi32, #tpu.memory_space<vmem>>) semaphore(%arg15 : memref<!tpu.dma_semaphore, #tpu.memory_space<semaphore_mem>>) {add = true}
          %mul3A_249 = arith.constant 5 : i32
          %mul3A_250 = arith.muli %scan3A_119, %mul3A_249 : i32
          %add3A_251 = arith.constant 1 : i32
          %add3A_252 = arith.addi %mul3A_250, %add3A_251 : i32
          %dma_start3A_253 = arith.constant 80 : i32
          %dma_start3A_254 = arith.constant 0 : i32
          %dma_start3A_255 = tpu.memref_slice %run_scoped3A[%dma_start3A_253, %dma_start3A_254] : memref<400x64xf32, #tpu.memory_space<vmem>> -> memref<80x64xf32, #tpu.memory_space<vmem>>
          %dma_start3A_256 = arith.constant 0 : i32
          %dma_start3A_257 = tpu.memref_slice %arg11[%add3A_252, %dma_start3A_256] : memref<125x80xi32, #tpu.memory_space<vmem>> -> memref<1x80xi32, #tpu.memory_space<vmem>>
          %dma_start3A_258 = tpu.memref_squeeze %dma_start3A_257 : memref<1x80xi32, #tpu.memory_space<vmem>> -> memref<80xi32, #tpu.memory_space<vmem>>
          %dma_start3A_259 = arith.constant 0 : i32
          %dma_start3A_260 = arith.constant 0 : i32
          %dma_start3A_261 = tpu.memref_slice %arg9[%dma_start3A_259, %dma_start3A_260] : memref<10000x64xf32, #tpu.memory_space<vmem_shared>> -> memref<10000x64xf32, #tpu.memory_space<vmem_shared>>
          tpu.enqueue_indirect_dma source(%dma_start3A_255 : memref<80x64xf32, #tpu.memory_space<vmem>>) target(%dma_start3A_261 : memref<10000x64xf32, #tpu.memory_space<vmem_shared>>) offsets(%dma_start3A_258 : memref<80xi32, #tpu.memory_space<vmem>>) semaphore(%arg15 : memref<!tpu.dma_semaphore, #tpu.memory_space<semaphore_mem>>) {add = true}
          %mul3A_262 = arith.constant 5 : i32
          %mul3A_263 = arith.muli %scan3A_119, %mul3A_262 : i32
          %add3A_264 = arith.constant 2 : i32
          %add3A_265 = arith.addi %mul3A_263, %add3A_264 : i32
          %dma_start3A_266 = arith.constant 160 : i32
          %dma_start3A_267 = arith.constant 0 : i32
          %dma_start3A_268 = tpu.memref_slice %run_scoped3A[%dma_start3A_266, %dma_start3A_267] : memref<400x64xf32, #tpu.memory_space<vmem>> -> memref<80x64xf32, #tpu.memory_space<vmem>>
          %dma_start3A_269 = arith.constant 0 : i32
          %dma_start3A_270 = tpu.memref_slice %arg11[%add3A_265, %dma_start3A_269] : memref<125x80xi32, #tpu.memory_space<vmem>> -> memref<1x80xi32, #tpu.memory_space<vmem>>
          %dma_start3A_271 = tpu.memref_squeeze %dma_start3A_270 : memref<1x80xi32, #tpu.memory_space<vmem>> -> memref<80xi32, #tpu.memory_space<vmem>>
          %dma_start3A_272 = arith.constant 0 : i32
          %dma_start3A_273 = arith.constant 0 : i32
          %dma_start3A_274 = tpu.memref_slice %arg9[%dma_start3A_272, %dma_start3A_273] : memref<10000x64xf32, #tpu.memory_space<vmem_shared>> -> memref<10000x64xf32, #tpu.memory_space<vmem_shared>>
          tpu.enqueue_indirect_dma source(%dma_start3A_268 : memref<80x64xf32, #tpu.memory_space<vmem>>) target(%dma_start3A_274 : memref<10000x64xf32, #tpu.memory_space<vmem_shared>>) offsets(%dma_start3A_271 : memref<80xi32, #tpu.memory_space<vmem>>) semaphore(%arg15 : memref<!tpu.dma_semaphore, #tpu.memory_space<semaphore_mem>>) {add = true}
          %mul3A_275 = arith.constant 5 : i32
          %mul3A_276 = arith.muli %scan3A_119, %mul3A_275 : i32
          %add3A_277 = arith.constant 3 : i32
          %add3A_278 = arith.addi %mul3A_276, %add3A_277 : i32
          %dma_start3A_279 = arith.constant 240 : i32
          %dma_start3A_280 = arith.constant 0 : i32
          %dma_start3A_281 = tpu.memref_slice %run_scoped3A[%dma_start3A_279, %dma_start3A_280] : memref<400x64xf32, #tpu.memory_space<vmem>> -> memref<80x64xf32, #tpu.memory_space<vmem>>
          %dma_start3A_282 = arith.constant 0 : i32
          %dma_start3A_283 = tpu.memref_slice %arg11[%add3A_278, %dma_start3A_282] : memref<125x80xi32, #tpu.memory_space<vmem>> -> memref<1x80xi32, #tpu.memory_space<vmem>>
          %dma_start3A_284 = tpu.memref_squeeze %dma_start3A_283 : memref<1x80xi32, #tpu.memory_space<vmem>> -> memref<80xi32, #tpu.memory_space<vmem>>
          %dma_start3A_285 = arith.constant 0 : i32
          %dma_start3A_286 = arith.constant 0 : i32
          %dma_start3A_287 = tpu.memref_slice %arg9[%dma_start3A_285, %dma_start3A_286] : memref<10000x64xf32, #tpu.memory_space<vmem_shared>> -> memref<10000x64xf32, #tpu.memory_space<vmem_shared>>
          tpu.enqueue_indirect_dma source(%dma_start3A_281 : memref<80x64xf32, #tpu.memory_space<vmem>>) target(%dma_start3A_287 : memref<10000x64xf32, #tpu.memory_space<vmem_shared>>) offsets(%dma_start3A_284 : memref<80xi32, #tpu.memory_space<vmem>>) semaphore(%arg15 : memref<!tpu.dma_semaphore, #tpu.memory_space<semaphore_mem>>) {add = true}
          %mul3A_288 = arith.constant 5 : i32
          %mul3A_289 = arith.muli %scan3A_119, %mul3A_288 : i32
          %add3A_290 = arith.constant 4 : i32
          %add3A_291 = arith.addi %mul3A_289, %add3A_290 : i32
          %dma_start3A_292 = arith.constant 320 : i32
          %dma_start3A_293 = arith.constant 0 : i32
          %dma_start3A_294 = tpu.memref_slice %run_scoped3A[%dma_start3A_292, %dma_start3A_293] : memref<400x64xf32, #tpu.memory_space<vmem>> -> memref<80x64xf32, #tpu.memory_space<vmem>>
          %dma_start3A_295 = arith.constant 0 : i32
          %dma_start3A_296 = tpu.memref_slice %arg11[%add3A_291, %dma_start3A_295] : memref<125x80xi32, #tpu.memory_space<vmem>> -> memref<1x80xi32, #tpu.memory_space<vmem>>
          %dma_start3A_297 = tpu.memref_squeeze %dma_start3A_296 : memref<1x80xi32, #tpu.memory_space<vmem>> -> memref<80xi32, #tpu.memory_space<vmem>>
          %dma_start3A_298 = arith.constant 0 : i32
          %dma_start3A_299 = arith.constant 0 : i32
          %dma_start3A_300 = tpu.memref_slice %arg9[%dma_start3A_298, %dma_start3A_299] : memref<10000x64xf32, #tpu.memory_space<vmem_shared>> -> memref<10000x64xf32, #tpu.memory_space<vmem_shared>>
          tpu.enqueue_indirect_dma source(%dma_start3A_294 : memref<80x64xf32, #tpu.memory_space<vmem>>) target(%dma_start3A_300 : memref<10000x64xf32, #tpu.memory_space<vmem_shared>>) offsets(%dma_start3A_297 : memref<80xi32, #tpu.memory_space<vmem>>) semaphore(%arg15 : memref<!tpu.dma_semaphore, #tpu.memory_space<semaphore_mem>>) {add = true}
        } else {
        }
        %jit3A_133 = arith.constant 2 : i32
        %eq3A_134 = arith.constant 0 : i32
        %eq3A_135 = arith.cmpi eq, %jit3A_133, %eq3A_134 : i32
        %jit3A_136 = arith.constant 1 : i32
        %select_n3A_137 = arith.select %eq3A_135, %jit3A_136, %jit3A_133 : i32
        %rem3A_138 = arith.remsi %scan3A_119, %select_n3A_137 : i32
        %ne3A_139 = arith.constant 0 : i32
        %ne3A_140 = arith.cmpi ne, %rem3A_138, %ne3A_139 : i32
        %lt3A_141 = arith.constant 0 : i32
        %lt3A_142 = arith.cmpi slt, %rem3A_138, %lt3A_141 : i32
        %lt3A_143 = arith.constant 0 : i32
        %lt3A_144 = arith.cmpi slt, %select_n3A_137, %lt3A_143 : i32
        %ne3A_145 = arith.xori %lt3A_142, %lt3A_144 : i1
        %and3A_146 = arith.andi %ne3A_145, %ne3A_140 : i1
        %add3A_147 = arith.addi %rem3A_138, %select_n3A_137 : i32
        %select_n3A_148 = arith.select %and3A_146, %add3A_147, %rem3A_138 : i32
        %eq3A_149 = arith.constant 1 : i32
        %eq3A_150 = arith.cmpi eq, %select_n3A_148, %eq3A_149 : i32
        %convert_element_type3A_151 = arith.extui %eq3A_150 : i1 to i32
        %cond3A_152 = arith.constant 0 : i32
        %cond3A_153 = arith.cmpi ne, %convert_element_type3A_151, %cond3A_152 : i32
        scf.if %cond3A_153 {
          %gt3A = arith.constant 0 : i32
          %gt3A_155 = arith.cmpi sgt, %scan3A_119, %gt3A : i32
          %convert_element_type3A_156 = arith.extui %gt3A_155 : i1 to i32
          %cond3A_157 = arith.constant 0 : i32
          %cond3A_158 = arith.cmpi ne, %convert_element_type3A_156, %cond3A_157 : i32
          scf.if %cond3A_158 {
            %sub3A = arith.constant 1 : i32
            %sub3A_301 = arith.subi %scan3A_119, %sub3A : i32
            %mul3A_302 = arith.constant 5 : i32
            %mul3A_303 = arith.muli %sub3A_301, %mul3A_302 : i32
            %add3A_304 = arith.constant 0 : i32
            %add3A_305 = arith.addi %mul3A_303, %add3A_304 : i32
            %dma_wait3A_306 = arith.constant 0 : i32
            %dma_wait3A_307 = arith.constant 0 : i32
            %dma_wait3A_308 = tpu.memref_slice %run_scoped3A[%dma_wait3A_306, %dma_wait3A_307] : memref<400x64xf32, #tpu.memory_space<vmem>> -> memref<80x64xf32, #tpu.memory_space<vmem>>
            %dma_wait3A_309 = arith.constant 0 : i32
            %dma_wait3A_310 = tpu.memref_slice %arg11[%add3A_305, %dma_wait3A_309] : memref<125x80xi32, #tpu.memory_space<vmem>> -> memref<1x80xi32, #tpu.memory_space<vmem>>
            %dma_wait3A_311 = tpu.memref_squeeze %dma_wait3A_310 : memref<1x80xi32, #tpu.memory_space<vmem>> -> memref<80xi32, #tpu.memory_space<vmem>>
            %dma_wait3A_312 = arith.constant 0 : i32
            %dma_wait3A_313 = arith.constant 0 : i32
            %dma_wait3A_314 = tpu.memref_slice %arg9[%dma_wait3A_312, %dma_wait3A_313] : memref<10000x64xf32, #tpu.memory_space<vmem_shared>> -> memref<10000x64xf32, #tpu.memory_space<vmem_shared>>
            tpu.wait_indirect_dma semaphore(%arg15 : memref<!tpu.dma_semaphore, #tpu.memory_space<semaphore_mem>>) src(%dma_wait3A_308 : memref<80x64xf32, #tpu.memory_space<vmem>>) dst(%dma_wait3A_314 : memref<10000x64xf32, #tpu.memory_space<vmem_shared>>)
            %mul3A_315 = arith.constant 5 : i32
            %mul3A_316 = arith.muli %sub3A_301, %mul3A_315 : i32
            %add3A_317 = arith.constant 1 : i32
            %add3A_318 = arith.addi %mul3A_316, %add3A_317 : i32
            %dma_wait3A_319 = arith.constant 80 : i32
            %dma_wait3A_320 = arith.constant 0 : i32
            %dma_wait3A_321 = tpu.memref_slice %run_scoped3A[%dma_wait3A_319, %dma_wait3A_320] : memref<400x64xf32, #tpu.memory_space<vmem>> -> memref<80x64xf32, #tpu.memory_space<vmem>>
            %dma_wait3A_322 = arith.constant 0 : i32
            %dma_wait3A_323 = tpu.memref_slice %arg11[%add3A_318, %dma_wait3A_322] : memref<125x80xi32, #tpu.memory_space<vmem>> -> memref<1x80xi32, #tpu.memory_space<vmem>>
            %dma_wait3A_324 = tpu.memref_squeeze %dma_wait3A_323 : memref<1x80xi32, #tpu.memory_space<vmem>> -> memref<80xi32, #tpu.memory_space<vmem>>
            %dma_wait3A_325 = arith.constant 0 : i32
            %dma_wait3A_326 = arith.constant 0 : i32
            %dma_wait3A_327 = tpu.memref_slice %arg9[%dma_wait3A_325, %dma_wait3A_326] : memref<10000x64xf32, #tpu.memory_space<vmem_shared>> -> memref<10000x64xf32, #tpu.memory_space<vmem_shared>>
            tpu.wait_indirect_dma semaphore(%arg15 : memref<!tpu.dma_semaphore, #tpu.memory_space<semaphore_mem>>) src(%dma_wait3A_321 : memref<80x64xf32, #tpu.memory_space<vmem>>) dst(%dma_wait3A_327 : memref<10000x64xf32, #tpu.memory_space<vmem_shared>>)
            %mul3A_328 = arith.constant 5 : i32
            %mul3A_329 = arith.muli %sub3A_301, %mul3A_328 : i32
            %add3A_330 = arith.constant 2 : i32
            %add3A_331 = arith.addi %mul3A_329, %add3A_330 : i32
            %dma_wait3A_332 = arith.constant 160 : i32
            %dma_wait3A_333 = arith.constant 0 : i32
            %dma_wait3A_334 = tpu.memref_slice %run_scoped3A[%dma_wait3A_332, %dma_wait3A_333] : memref<400x64xf32, #tpu.memory_space<vmem>> -> memref<80x64xf32, #tpu.memory_space<vmem>>
            %dma_wait3A_335 = arith.constant 0 : i32
            %dma_wait3A_336 = tpu.memref_slice %arg11[%add3A_331, %dma_wait3A_335] : memref<125x80xi32, #tpu.memory_space<vmem>> -> memref<1x80xi32, #tpu.memory_space<vmem>>
            %dma_wait3A_337 = tpu.memref_squeeze %dma_wait3A_336 : memref<1x80xi32, #tpu.memory_space<vmem>> -> memref<80xi32, #tpu.memory_space<vmem>>
            %dma_wait3A_338 = arith.constant 0 : i32
            %dma_wait3A_339 = arith.constant 0 : i32
            %dma_wait3A_340 = tpu.memref_slice %arg9[%dma_wait3A_338, %dma_wait3A_339] : memref<10000x64xf32, #tpu.memory_space<vmem_shared>> -> memref<10000x64xf32, #tpu.memory_space<vmem_shared>>
            tpu.wait_indirect_dma semaphore(%arg15 : memref<!tpu.dma_semaphore, #tpu.memory_space<semaphore_mem>>) src(%dma_wait3A_334 : memref<80x64xf32, #tpu.memory_space<vmem>>) dst(%dma_wait3A_340 : memref<10000x64xf32, #tpu.memory_space<vmem_shared>>)
            %mul3A_341 = arith.constant 5 : i32
            %mul3A_342 = arith.muli %sub3A_301, %mul3A_341 : i32
            %add3A_343 = arith.constant 3 : i32
            %add3A_344 = arith.addi %mul3A_342, %add3A_343 : i32
            %dma_wait3A_345 = arith.constant 240 : i32
            %dma_wait3A_346 = arith.constant 0 : i32
            %dma_wait3A_347 = tpu.memref_slice %run_scoped3A[%dma_wait3A_345, %dma_wait3A_346] : memref<400x64xf32, #tpu.memory_space<vmem>> -> memref<80x64xf32, #tpu.memory_space<vmem>>
            %dma_wait3A_348 = arith.constant 0 : i32
            %dma_wait3A_349 = tpu.memref_slice %arg11[%add3A_344, %dma_wait3A_348] : memref<125x80xi32, #tpu.memory_space<vmem>> -> memref<1x80xi32, #tpu.memory_space<vmem>>
            %dma_wait3A_350 = tpu.memref_squeeze %dma_wait3A_349 : memref<1x80xi32, #tpu.memory_space<vmem>> -> memref<80xi32, #tpu.memory_space<vmem>>
            %dma_wait3A_351 = arith.constant 0 : i32
            %dma_wait3A_352 = arith.constant 0 : i32
            %dma_wait3A_353 = tpu.memref_slice %arg9[%dma_wait3A_351, %dma_wait3A_352] : memref<10000x64xf32, #tpu.memory_space<vmem_shared>> -> memref<10000x64xf32, #tpu.memory_space<vmem_shared>>
            tpu.wait_indirect_dma semaphore(%arg15 : memref<!tpu.dma_semaphore, #tpu.memory_space<semaphore_mem>>) src(%dma_wait3A_347 : memref<80x64xf32, #tpu.memory_space<vmem>>) dst(%dma_wait3A_353 : memref<10000x64xf32, #tpu.memory_space<vmem_shared>>)
            %mul3A_354 = arith.constant 5 : i32
            %mul3A_355 = arith.muli %sub3A_301, %mul3A_354 : i32
            %add3A_356 = arith.constant 4 : i32
            %add3A_357 = arith.addi %mul3A_355, %add3A_356 : i32
            %dma_wait3A_358 = arith.constant 320 : i32
            %dma_wait3A_359 = arith.constant 0 : i32
            %dma_wait3A_360 = tpu.memref_slice %run_scoped3A[%dma_wait3A_358, %dma_wait3A_359] : memref<400x64xf32, #tpu.memory_space<vmem>> -> memref<80x64xf32, #tpu.memory_space<vmem>>
            %dma_wait3A_361 = arith.constant 0 : i32
            %dma_wait3A_362 = tpu.memref_slice %arg11[%add3A_357, %dma_wait3A_361] : memref<125x80xi32, #tpu.memory_space<vmem>> -> memref<1x80xi32, #tpu.memory_space<vmem>>
            %dma_wait3A_363 = tpu.memref_squeeze %dma_wait3A_362 : memref<1x80xi32, #tpu.memory_space<vmem>> -> memref<80xi32, #tpu.memory_space<vmem>>
            %dma_wait3A_364 = arith.constant 0 : i32
            %dma_wait3A_365 = arith.constant 0 : i32
            %dma_wait3A_366 = tpu.memref_slice %arg9[%dma_wait3A_364, %dma_wait3A_365] : memref<10000x64xf32, #tpu.memory_space<vmem_shared>> -> memref<10000x64xf32, #tpu.memory_space<vmem_shared>>
            tpu.wait_indirect_dma semaphore(%arg15 : memref<!tpu.dma_semaphore, #tpu.memory_space<semaphore_mem>>) src(%dma_wait3A_360 : memref<80x64xf32, #tpu.memory_space<vmem>>) dst(%dma_wait3A_366 : memref<10000x64xf32, #tpu.memory_space<vmem_shared>>)
          } else {
          }
          %lt3A_159 = arith.constant 24 : i32
          %lt3A_160 = arith.cmpi slt, %scan3A_119, %lt3A_159 : i32
          %convert_element_type3A_161 = arith.extui %lt3A_160 : i1 to i32
          %cond3A_162 = arith.constant 0 : i32
          %cond3A_163 = arith.cmpi ne, %convert_element_type3A_161, %cond3A_162 : i32
          scf.if %cond3A_163 {
            %add3A_301 = arith.constant 1 : i32
            %add3A_302 = arith.addi %scan3A_119, %add3A_301 : i32
            %mul3A_303 = arith.constant 5 : i32
            %mul3A_304 = arith.muli %add3A_302, %mul3A_303 : i32
            %add3A_305 = arith.constant 0 : i32
            %add3A_306 = arith.addi %mul3A_304, %add3A_305 : i32
            %dma_start3A_307 = arith.constant 0 : i32
            %dma_start3A_308 = arith.constant 0 : i32
            %dma_start3A_309 = tpu.memref_slice %run_scoped3A[%dma_start3A_307, %dma_start3A_308] : memref<400x64xf32, #tpu.memory_space<vmem>> -> memref<80x64xf32, #tpu.memory_space<vmem>>
            %dma_start3A_310 = arith.constant 0 : i32
            %dma_start3A_311 = tpu.memref_slice %arg10[%add3A_306, %dma_start3A_310] : memref<125x80xi32, #tpu.memory_space<vmem>> -> memref<1x80xi32, #tpu.memory_space<vmem>>
            %dma_start3A_312 = tpu.memref_squeeze %dma_start3A_311 : memref<1x80xi32, #tpu.memory_space<vmem>> -> memref<80xi32, #tpu.memory_space<vmem>>
            %dma_start3A_313 = arith.constant 0 : i32
            %dma_start3A_314 = arith.constant 0 : i32
            %dma_start3A_315 = tpu.memref_slice %arg6[%dma_start3A_313, %dma_start3A_314] : memref<10000x64xf32, #tpu.memory_space<hbm>> -> memref<10000x64xf32, #tpu.memory_space<hbm>>
            tpu.enqueue_indirect_dma source(%dma_start3A_315 : memref<10000x64xf32, #tpu.memory_space<hbm>>) target(%dma_start3A_309 : memref<80x64xf32, #tpu.memory_space<vmem>>) offsets(%dma_start3A_312 : memref<80xi32, #tpu.memory_space<vmem>>) semaphore(%arg13 : memref<!tpu.dma_semaphore, #tpu.memory_space<semaphore_mem>>)
            %mul3A_316 = arith.constant 5 : i32
            %mul3A_317 = arith.muli %add3A_302, %mul3A_316 : i32
            %add3A_318 = arith.constant 1 : i32
            %add3A_319 = arith.addi %mul3A_317, %add3A_318 : i32
            %dma_start3A_320 = arith.constant 80 : i32
            %dma_start3A_321 = arith.constant 0 : i32
            %dma_start3A_322 = tpu.memref_slice %run_scoped3A[%dma_start3A_320, %dma_start3A_321] : memref<400x64xf32, #tpu.memory_space<vmem>> -> memref<80x64xf32, #tpu.memory_space<vmem>>
            %dma_start3A_323 = arith.constant 0 : i32
            %dma_start3A_324 = tpu.memref_slice %arg10[%add3A_319, %dma_start3A_323] : memref<125x80xi32, #tpu.memory_space<vmem>> -> memref<1x80xi32, #tpu.memory_space<vmem>>
            %dma_start3A_325 = tpu.memref_squeeze %dma_start3A_324 : memref<1x80xi32, #tpu.memory_space<vmem>> -> memref<80xi32, #tpu.memory_space<vmem>>
            %dma_start3A_326 = arith.constant 0 : i32
            %dma_start3A_327 = arith.constant 0 : i32
            %dma_start3A_328 = tpu.memref_slice %arg6[%dma_start3A_326, %dma_start3A_327] : memref<10000x64xf32, #tpu.memory_space<hbm>> -> memref<10000x64xf32, #tpu.memory_space<hbm>>
            tpu.enqueue_indirect_dma source(%dma_start3A_328 : memref<10000x64xf32, #tpu.memory_space<hbm>>) target(%dma_start3A_322 : memref<80x64xf32, #tpu.memory_space<vmem>>) offsets(%dma_start3A_325 : memref<80xi32, #tpu.memory_space<vmem>>) semaphore(%arg13 : memref<!tpu.dma_semaphore, #tpu.memory_space<semaphore_mem>>)
            %mul3A_329 = arith.constant 5 : i32
            %mul3A_330 = arith.muli %add3A_302, %mul3A_329 : i32
            %add3A_331 = arith.constant 2 : i32
            %add3A_332 = arith.addi %mul3A_330, %add3A_331 : i32
            %dma_start3A_333 = arith.constant 160 : i32
            %dma_start3A_334 = arith.constant 0 : i32
            %dma_start3A_335 = tpu.memref_slice %run_scoped3A[%dma_start3A_333, %dma_start3A_334] : memref<400x64xf32, #tpu.memory_space<vmem>> -> memref<80x64xf32, #tpu.memory_space<vmem>>
            %dma_start3A_336 = arith.constant 0 : i32
            %dma_start3A_337 = tpu.memref_slice %arg10[%add3A_332, %dma_start3A_336] : memref<125x80xi32, #tpu.memory_space<vmem>> -> memref<1x80xi32, #tpu.memory_space<vmem>>
            %dma_start3A_338 = tpu.memref_squeeze %dma_start3A_337 : memref<1x80xi32, #tpu.memory_space<vmem>> -> memref<80xi32, #tpu.memory_space<vmem>>
            %dma_start3A_339 = arith.constant 0 : i32
            %dma_start3A_340 = arith.constant 0 : i32
            %dma_start3A_341 = tpu.memref_slice %arg6[%dma_start3A_339, %dma_start3A_340] : memref<10000x64xf32, #tpu.memory_space<hbm>> -> memref<10000x64xf32, #tpu.memory_space<hbm>>
            tpu.enqueue_indirect_dma source(%dma_start3A_341 : memref<10000x64xf32, #tpu.memory_space<hbm>>) target(%dma_start3A_335 : memref<80x64xf32, #tpu.memory_space<vmem>>) offsets(%dma_start3A_338 : memref<80xi32, #tpu.memory_space<vmem>>) semaphore(%arg13 : memref<!tpu.dma_semaphore, #tpu.memory_space<semaphore_mem>>)
            %mul3A_342 = arith.constant 5 : i32
            %mul3A_343 = arith.muli %add3A_302, %mul3A_342 : i32
            %add3A_344 = arith.constant 3 : i32
            %add3A_345 = arith.addi %mul3A_343, %add3A_344 : i32
            %dma_start3A_346 = arith.constant 240 : i32
            %dma_start3A_347 = arith.constant 0 : i32
            %dma_start3A_348 = tpu.memref_slice %run_scoped3A[%dma_start3A_346, %dma_start3A_347] : memref<400x64xf32, #tpu.memory_space<vmem>> -> memref<80x64xf32, #tpu.memory_space<vmem>>
            %dma_start3A_349 = arith.constant 0 : i32
            %dma_start3A_350 = tpu.memref_slice %arg10[%add3A_345, %dma_start3A_349] : memref<125x80xi32, #tpu.memory_space<vmem>> -> memref<1x80xi32, #tpu.memory_space<vmem>>
            %dma_start3A_351 = tpu.memref_squeeze %dma_start3A_350 : memref<1x80xi32, #tpu.memory_space<vmem>> -> memref<80xi32, #tpu.memory_space<vmem>>
            %dma_start3A_352 = arith.constant 0 : i32
            %dma_start3A_353 = arith.constant 0 : i32
            %dma_start3A_354 = tpu.memref_slice %arg6[%dma_start3A_352, %dma_start3A_353] : memref<10000x64xf32, #tpu.memory_space<hbm>> -> memref<10000x64xf32, #tpu.memory_space<hbm>>
            tpu.enqueue_indirect_dma source(%dma_start3A_354 : memref<10000x64xf32, #tpu.memory_space<hbm>>) target(%dma_start3A_348 : memref<80x64xf32, #tpu.memory_space<vmem>>) offsets(%dma_start3A_351 : memref<80xi32, #tpu.memory_space<vmem>>) semaphore(%arg13 : memref<!tpu.dma_semaphore, #tpu.memory_space<semaphore_mem>>)
            %mul3A_355 = arith.constant 5 : i32
            %mul3A_356 = arith.muli %add3A_302, %mul3A_355 : i32
            %add3A_357 = arith.constant 4 : i32
            %add3A_358 = arith.addi %mul3A_356, %add3A_357 : i32
            %dma_start3A_359 = arith.constant 320 : i32
            %dma_start3A_360 = arith.constant 0 : i32
            %dma_start3A_361 = tpu.memref_slice %run_scoped3A[%dma_start3A_359, %dma_start3A_360] : memref<400x64xf32, #tpu.memory_space<vmem>> -> memref<80x64xf32, #tpu.memory_space<vmem>>
            %dma_start3A_362 = arith.constant 0 : i32
            %dma_start3A_363 = tpu.memref_slice %arg10[%add3A_358, %dma_start3A_362] : memref<125x80xi32, #tpu.memory_space<vmem>> -> memref<1x80xi32, #tpu.memory_space<vmem>>
            %dma_start3A_364 = tpu.memref_squeeze %dma_start3A_363 : memref<1x80xi32, #tpu.memory_space<vmem>> -> memref<80xi32, #tpu.memory_space<vmem>>
            %dma_start3A_365 = arith.constant 0 : i32
            %dma_start3A_366 = arith.constant 0 : i32
            %dma_start3A_367 = tpu.memref_slice %arg6[%dma_start3A_365, %dma_start3A_366] : memref<10000x64xf32, #tpu.memory_space<hbm>> -> memref<10000x64xf32, #tpu.memory_space<hbm>>
            tpu.enqueue_indirect_dma source(%dma_start3A_367 : memref<10000x64xf32, #tpu.memory_space<hbm>>) target(%dma_start3A_361 : memref<80x64xf32, #tpu.memory_space<vmem>>) offsets(%dma_start3A_364 : memref<80xi32, #tpu.memory_space<vmem>>) semaphore(%arg13 : memref<!tpu.dma_semaphore, #tpu.memory_space<semaphore_mem>>)
          } else {
          }
          %mul3A_164 = arith.constant 5 : i32
          %mul3A_165 = arith.muli %scan3A_119, %mul3A_164 : i32
          %add3A_166 = arith.constant 0 : i32
          %add3A_167 = arith.addi %mul3A_165, %add3A_166 : i32
          %dma_wait3A_168 = arith.constant 0 : i32
          %dma_wait3A_169 = arith.constant 0 : i32
          %dma_wait3A_170 = tpu.memref_slice %run_scoped3A_4[%dma_wait3A_168, %dma_wait3A_169] : memref<400x64xf32, #tpu.memory_space<vmem>> -> memref<80x64xf32, #tpu.memory_space<vmem>>
          %dma_wait3A_171 = arith.constant 0 : i32
          %dma_wait3A_172 = tpu.memref_slice %arg10[%add3A_167, %dma_wait3A_171] : memref<125x80xi32, #tpu.memory_space<vmem>> -> memref<1x80xi32, #tpu.memory_space<vmem>>
          %dma_wait3A_173 = tpu.memref_squeeze %dma_wait3A_172 : memref<1x80xi32, #tpu.memory_space<vmem>> -> memref<80xi32, #tpu.memory_space<vmem>>
          %dma_wait3A_174 = arith.constant 0 : i32
          %dma_wait3A_175 = arith.constant 0 : i32
          %dma_wait3A_176 = tpu.memref_slice %arg6[%dma_wait3A_174, %dma_wait3A_175] : memref<10000x64xf32, #tpu.memory_space<hbm>> -> memref<10000x64xf32, #tpu.memory_space<hbm>>
          tpu.wait_indirect_dma semaphore(%arg14 : memref<!tpu.dma_semaphore, #tpu.memory_space<semaphore_mem>>) src(%dma_wait3A_176 : memref<10000x64xf32, #tpu.memory_space<hbm>>) dst(%dma_wait3A_170 : memref<80x64xf32, #tpu.memory_space<vmem>>)
          %mul3A_177 = arith.constant 5 : i32
          %mul3A_178 = arith.muli %scan3A_119, %mul3A_177 : i32
          %add3A_179 = arith.constant 1 : i32
          %add3A_180 = arith.addi %mul3A_178, %add3A_179 : i32
          %dma_wait3A_181 = arith.constant 80 : i32
          %dma_wait3A_182 = arith.constant 0 : i32
          %dma_wait3A_183 = tpu.memref_slice %run_scoped3A_4[%dma_wait3A_181, %dma_wait3A_182] : memref<400x64xf32, #tpu.memory_space<vmem>> -> memref<80x64xf32, #tpu.memory_space<vmem>>
          %dma_wait3A_184 = arith.constant 0 : i32
          %dma_wait3A_185 = tpu.memref_slice %arg10[%add3A_180, %dma_wait3A_184] : memref<125x80xi32, #tpu.memory_space<vmem>> -> memref<1x80xi32, #tpu.memory_space<vmem>>
          %dma_wait3A_186 = tpu.memref_squeeze %dma_wait3A_185 : memref<1x80xi32, #tpu.memory_space<vmem>> -> memref<80xi32, #tpu.memory_space<vmem>>
          %dma_wait3A_187 = arith.constant 0 : i32
          %dma_wait3A_188 = arith.constant 0 : i32
          %dma_wait3A_189 = tpu.memref_slice %arg6[%dma_wait3A_187, %dma_wait3A_188] : memref<10000x64xf32, #tpu.memory_space<hbm>> -> memref<10000x64xf32, #tpu.memory_space<hbm>>
          tpu.wait_indirect_dma semaphore(%arg14 : memref<!tpu.dma_semaphore, #tpu.memory_space<semaphore_mem>>) src(%dma_wait3A_189 : memref<10000x64xf32, #tpu.memory_space<hbm>>) dst(%dma_wait3A_183 : memref<80x64xf32, #tpu.memory_space<vmem>>)
          %mul3A_190 = arith.constant 5 : i32
          %mul3A_191 = arith.muli %scan3A_119, %mul3A_190 : i32
          %add3A_192 = arith.constant 2 : i32
          %add3A_193 = arith.addi %mul3A_191, %add3A_192 : i32
          %dma_wait3A_194 = arith.constant 160 : i32
          %dma_wait3A_195 = arith.constant 0 : i32
          %dma_wait3A_196 = tpu.memref_slice %run_scoped3A_4[%dma_wait3A_194, %dma_wait3A_195] : memref<400x64xf32, #tpu.memory_space<vmem>> -> memref<80x64xf32, #tpu.memory_space<vmem>>
          %dma_wait3A_197 = arith.constant 0 : i32
          %dma_wait3A_198 = tpu.memref_slice %arg10[%add3A_193, %dma_wait3A_197] : memref<125x80xi32, #tpu.memory_space<vmem>> -> memref<1x80xi32, #tpu.memory_space<vmem>>
          %dma_wait3A_199 = tpu.memref_squeeze %dma_wait3A_198 : memref<1x80xi32, #tpu.memory_space<vmem>> -> memref<80xi32, #tpu.memory_space<vmem>>
          %dma_wait3A_200 = arith.constant 0 : i32
          %dma_wait3A_201 = arith.constant 0 : i32
          %dma_wait3A_202 = tpu.memref_slice %arg6[%dma_wait3A_200, %dma_wait3A_201] : memref<10000x64xf32, #tpu.memory_space<hbm>> -> memref<10000x64xf32, #tpu.memory_space<hbm>>
          tpu.wait_indirect_dma semaphore(%arg14 : memref<!tpu.dma_semaphore, #tpu.memory_space<semaphore_mem>>) src(%dma_wait3A_202 : memref<10000x64xf32, #tpu.memory_space<hbm>>) dst(%dma_wait3A_196 : memref<80x64xf32, #tpu.memory_space<vmem>>)
          %mul3A_203 = arith.constant 5 : i32
          %mul3A_204 = arith.muli %scan3A_119, %mul3A_203 : i32
          %add3A_205 = arith.constant 3 : i32
          %add3A_206 = arith.addi %mul3A_204, %add3A_205 : i32
          %dma_wait3A_207 = arith.constant 240 : i32
          %dma_wait3A_208 = arith.constant 0 : i32
          %dma_wait3A_209 = tpu.memref_slice %run_scoped3A_4[%dma_wait3A_207, %dma_wait3A_208] : memref<400x64xf32, #tpu.memory_space<vmem>> -> memref<80x64xf32, #tpu.memory_space<vmem>>
          %dma_wait3A_210 = arith.constant 0 : i32
          %dma_wait3A_211 = tpu.memref_slice %arg10[%add3A_206, %dma_wait3A_210] : memref<125x80xi32, #tpu.memory_space<vmem>> -> memref<1x80xi32, #tpu.memory_space<vmem>>
          %dma_wait3A_212 = tpu.memref_squeeze %dma_wait3A_211 : memref<1x80xi32, #tpu.memory_space<vmem>> -> memref<80xi32, #tpu.memory_space<vmem>>
          %dma_wait3A_213 = arith.constant 0 : i32
          %dma_wait3A_214 = arith.constant 0 : i32
          %dma_wait3A_215 = tpu.memref_slice %arg6[%dma_wait3A_213, %dma_wait3A_214] : memref<10000x64xf32, #tpu.memory_space<hbm>> -> memref<10000x64xf32, #tpu.memory_space<hbm>>
          tpu.wait_indirect_dma semaphore(%arg14 : memref<!tpu.dma_semaphore, #tpu.memory_space<semaphore_mem>>) src(%dma_wait3A_215 : memref<10000x64xf32, #tpu.memory_space<hbm>>) dst(%dma_wait3A_209 : memref<80x64xf32, #tpu.memory_space<vmem>>)
          %mul3A_216 = arith.constant 5 : i32
          %mul3A_217 = arith.muli %scan3A_119, %mul3A_216 : i32
          %add3A_218 = arith.constant 4 : i32
          %add3A_219 = arith.addi %mul3A_217, %add3A_218 : i32
          %dma_wait3A_220 = arith.constant 320 : i32
          %dma_wait3A_221 = arith.constant 0 : i32
          %dma_wait3A_222 = tpu.memref_slice %run_scoped3A_4[%dma_wait3A_220, %dma_wait3A_221] : memref<400x64xf32, #tpu.memory_space<vmem>> -> memref<80x64xf32, #tpu.memory_space<vmem>>
          %dma_wait3A_223 = arith.constant 0 : i32
          %dma_wait3A_224 = tpu.memref_slice %arg10[%add3A_219, %dma_wait3A_223] : memref<125x80xi32, #tpu.memory_space<vmem>> -> memref<1x80xi32, #tpu.memory_space<vmem>>
          %dma_wait3A_225 = tpu.memref_squeeze %dma_wait3A_224 : memref<1x80xi32, #tpu.memory_space<vmem>> -> memref<80xi32, #tpu.memory_space<vmem>>
          %dma_wait3A_226 = arith.constant 0 : i32
          %dma_wait3A_227 = arith.constant 0 : i32
          %dma_wait3A_228 = tpu.memref_slice %arg6[%dma_wait3A_226, %dma_wait3A_227] : memref<10000x64xf32, #tpu.memory_space<hbm>> -> memref<10000x64xf32, #tpu.memory_space<hbm>>
          tpu.wait_indirect_dma semaphore(%arg14 : memref<!tpu.dma_semaphore, #tpu.memory_space<semaphore_mem>>) src(%dma_wait3A_228 : memref<10000x64xf32, #tpu.memory_space<hbm>>) dst(%dma_wait3A_222 : memref<80x64xf32, #tpu.memory_space<vmem>>)
          %scan3A_229 = arith.constant 0 : i32
          %scan3A_230 = arith.constant 0 : i32
          %scan3A_231 = arith.constant 400 : i32
          %scan3A_232 = arith.addi %scan3A_230, %scan3A_231 : i32
          %scan3A_233 = arith.constant 8 : i32
          %scan3A_234 = scf.for %scan3A_301 = %scan3A_230 to %scan3A_232 step %scan3A_233 iter_args(%scan3A_302 = %scan3A_229) -> (i32)  : i32 {
            %mul3A_303 = arith.constant 400 : i32
            %mul3A_304 = arith.muli %scan3A_119, %mul3A_303 : i32
            %add3A_305 = arith.addi %mul3A_304, %scan3A_301 : i32
            %broadcast_in_dim3A_306 = vector.broadcast %add3A_305 : i32 to vector<16xi32>
            %gather3A = tpu.vector_load_idx %arg12[%broadcast_in_dim3A_306] : memref<10000xf32, #tpu.memory_space<vmem>>[vector<16xi32>], vector<16xf32>,
            %get3A = arith.index_cast %scan3A_301 : i32 to index
            %get3A_307 = arith.constant 0 : index
            %get3A_308 = tpu.vector_load %run_scoped3A_4[%get3A, %get3A_307] {strides = array<i32>} : memref<400x64xf32, #tpu.memory_space<vmem>>, vector<16xf32>,
            %mul3A_309 = arith.mulf %get3A_308, %gather3A : vector<16xf32>
            %swap3A = arith.index_cast %scan3A_301 : i32 to index
            %swap3A_310 = arith.constant 0 : index
            %swap3A_311 = tpu.vector_load %run_scoped3A_4[%swap3A, %swap3A_310] {strides = array<i32>} : memref<400x64xf32, #tpu.memory_space<vmem>>, vector<16xf32>,
            tpu.vector_store %run_scoped3A_4[%swap3A, %swap3A_310], %mul3A_309 {strides = array<i32>} : memref<400x64xf32, #tpu.memory_space<vmem>>, vector<16xf32>,
            %get3A_312 = arith.index_cast %scan3A_301 : i32 to index
            %get3A_313 = arith.constant 16 : index
            %get3A_314 = tpu.vector_load %run_scoped3A_4[%get3A_312, %get3A_313] {strides = array<i32>} : memref<400x64xf32, #tpu.memory_space<vmem>>, vector<16xf32>,
            %mul3A_315 = arith.mulf %get3A_314, %gather3A : vector<16xf32>
            %swap3A_316 = arith.index_cast %scan3A_301 : i32 to index
            %swap3A_317 = arith.constant 16 : index
            %swap3A_318 = tpu.vector_load %run_scoped3A_4[%swap3A_316, %swap3A_317] {strides = array<i32>} : memref<400x64xf32, #tpu.memory_space<vmem>>, vector<16xf32>,
            tpu.vector_store %run_scoped3A_4[%swap3A_316, %swap3A_317], %mul3A_315 {strides = array<i32>} : memref<400x64xf32, #tpu.memory_space<vmem>>, vector<16xf32>,
            %get3A_319 = arith.index_cast %scan3A_301 : i32 to index
            %get3A_320 = arith.constant 32 : index
            %get3A_321 = tpu.vector_load %run_scoped3A_4[%get3A_319, %get3A_320] {strides = array<i32>} : memref<400x64xf32, #tpu.memory_space<vmem>>, vector<16xf32>,
            %mul3A_322 = arith.mulf %get3A_321, %gather3A : vector<16xf32>
            %swap3A_323 = arith.index_cast %scan3A_301 : i32 to index
            %swap3A_324 = arith.constant 32 : index
            %swap3A_325 = tpu.vector_load %run_scoped3A_4[%swap3A_323, %swap3A_324] {strides = array<i32>} : memref<400x64xf32, #tpu.memory_space<vmem>>, vector<16xf32>,
            tpu.vector_store %run_scoped3A_4[%swap3A_323, %swap3A_324], %mul3A_322 {strides = array<i32>} : memref<400x64xf32, #tpu.memory_space<vmem>>, vector<16xf32>,
            %get3A_326 = arith.index_cast %scan3A_301 : i32 to index
            %get3A_327 = arith.constant 48 : index
            %get3A_328 = tpu.vector_load %run_scoped3A_4[%get3A_326, %get3A_327] {strides = array<i32>} : memref<400x64xf32, #tpu.memory_space<vmem>>, vector<16xf32>,
            %mul3A_329 = arith.mulf %get3A_328, %gather3A : vector<16xf32>
            %swap3A_330 = arith.index_cast %scan3A_301 : i32 to index
            %swap3A_331 = arith.constant 48 : index
            %swap3A_332 = tpu.vector_load %run_scoped3A_4[%swap3A_330, %swap3A_331] {strides = array<i32>} : memref<400x64xf32, #tpu.memory_space<vmem>>, vector<16xf32>,
            tpu.vector_store %run_scoped3A_4[%swap3A_330, %swap3A_331], %mul3A_329 {strides = array<i32>} : memref<400x64xf32, #tpu.memory_space<vmem>>, vector<16xf32>,
            %scan3A_333 = arith.constant 0 : i32
            %scan3A_334 = arith.constant 1 : i32
            %scan3A_335 = arith.addi %scan3A_301, %scan3A_334 : i32
            %mul3A_336 = arith.constant 400 : i32
            %mul3A_337 = arith.muli %scan3A_119, %mul3A_336 : i32
            %add3A_338 = arith.addi %mul3A_337, %scan3A_335 : i32
            %broadcast_in_dim3A_339 = vector.broadcast %add3A_338 : i32 to vector<16xi32>
            %gather3A_340 = tpu.vector_load_idx %arg12[%broadcast_in_dim3A_339] : memref<10000xf32, #tpu.memory_space<vmem>>[vector<16xi32>], vector<16xf32>,
            %get3A_341 = arith.index_cast %scan3A_335 : i32 to index
            %get3A_342 = arith.constant 0 : index
            %get3A_343 = tpu.vector_load %run_scoped3A_4[%get3A_341, %get3A_342] {strides = array<i32>} : memref<400x64xf32, #tpu.memory_space<vmem>>, vector<16xf32>,
            %mul3A_344 = arith.mulf %get3A_343, %gather3A_340 : vector<16xf32>
            %swap3A_345 = arith.index_cast %scan3A_335 : i32 to index
            %swap3A_346 = arith.constant 0 : index
            %swap3A_347 = tpu.vector_load %run_scoped3A_4[%swap3A_345, %swap3A_346] {strides = array<i32>} : memref<400x64xf32, #tpu.memory_space<vmem>>, vector<16xf32>,
            tpu.vector_store %run_scoped3A_4[%swap3A_345, %swap3A_346], %mul3A_344 {strides = array<i32>} : memref<400x64xf32, #tpu.memory_space<vmem>>, vector<16xf32>,
            %get3A_348 = arith.index_cast %scan3A_335 : i32 to index
            %get3A_349 = arith.constant 16 : index
            %get3A_350 = tpu.vector_load %run_scoped3A_4[%get3A_348, %get3A_349] {strides = array<i32>} : memref<400x64xf32, #tpu.memory_space<vmem>>, vector<16xf32>,
            %mul3A_351 = arith.mulf %get3A_350, %gather3A_340 : vector<16xf32>
            %swap3A_352 = arith.index_cast %scan3A_335 : i32 to index
            %swap3A_353 = arith.constant 16 : index
            %swap3A_354 = tpu.vector_load %run_scoped3A_4[%swap3A_352, %swap3A_353] {strides = array<i32>} : memref<400x64xf32, #tpu.memory_space<vmem>>, vector<16xf32>,
            tpu.vector_store %run_scoped3A_4[%swap3A_352, %swap3A_353], %mul3A_351 {strides = array<i32>} : memref<400x64xf32, #tpu.memory_space<vmem>>, vector<16xf32>,
            %get3A_355 = arith.index_cast %scan3A_335 : i32 to index
            %get3A_356 = arith.constant 32 : index
            %get3A_357 = tpu.vector_load %run_scoped3A_4[%get3A_355, %get3A_356] {strides = array<i32>} : memref<400x64xf32, #tpu.memory_space<vmem>>, vector<16xf32>,
            %mul3A_358 = arith.mulf %get3A_357, %gather3A_340 : vector<16xf32>
            %swap3A_359 = arith.index_cast %scan3A_335 : i32 to index
            %swap3A_360 = arith.constant 32 : index
            %swap3A_361 = tpu.vector_load %run_scoped3A_4[%swap3A_359, %swap3A_360] {strides = array<i32>} : memref<400x64xf32, #tpu.memory_space<vmem>>, vector<16xf32>,
            tpu.vector_store %run_scoped3A_4[%swap3A_359, %swap3A_360], %mul3A_358 {strides = array<i32>} : memref<400x64xf32, #tpu.memory_space<vmem>>, vector<16xf32>,
            %get3A_362 = arith.index_cast %scan3A_335 : i32 to index
            %get3A_363 = arith.constant 48 : index
            %get3A_364 = tpu.vector_load %run_scoped3A_4[%get3A_362, %get3A_363] {strides = array<i32>} : memref<400x64xf32, #tpu.memory_space<vmem>>, vector<16xf32>,
            %mul3A_365 = arith.mulf %get3A_364, %gather3A_340 : vector<16xf32>
            %swap3A_366 = arith.index_cast %scan3A_335 : i32 to index
            %swap3A_367 = arith.constant 48 : index
            %swap3A_368 = tpu.vector_load %run_scoped3A_4[%swap3A_366, %swap3A_367] {strides = array<i32>} : memref<400x64xf32, #tpu.memory_space<vmem>>, vector<16xf32>,
            tpu.vector_store %run_scoped3A_4[%swap3A_366, %swap3A_367], %mul3A_365 {strides = array<i32>} : memref<400x64xf32, #tpu.memory_space<vmem>>, vector<16xf32>,
            %scan3A_369 = arith.constant 0 : i32
            %scan3A_370 = arith.constant 2 : i32
            %scan3A_371 = arith.addi %scan3A_301, %scan3A_370 : i32
            %mul3A_372 = arith.constant 400 : i32
            %mul3A_373 = arith.muli %scan3A_119, %mul3A_372 : i32
            %add3A_374 = arith.addi %mul3A_373, %scan3A_371 : i32
            %broadcast_in_dim3A_375 = vector.broadcast %add3A_374 : i32 to vector<16xi32>
            %gather3A_376 = tpu.vector_load_idx %arg12[%broadcast_in_dim3A_375] : memref<10000xf32, #tpu.memory_space<vmem>>[vector<16xi32>], vector<16xf32>,
            %get3A_377 = arith.index_cast %scan3A_371 : i32 to index
            %get3A_378 = arith.constant 0 : index
            %get3A_379 = tpu.vector_load %run_scoped3A_4[%get3A_377, %get3A_378] {strides = array<i32>} : memref<400x64xf32, #tpu.memory_space<vmem>>, vector<16xf32>,
            %mul3A_380 = arith.mulf %get3A_379, %gather3A_376 : vector<16xf32>
            %swap3A_381 = arith.index_cast %scan3A_371 : i32 to index
            %swap3A_382 = arith.constant 0 : index
            %swap3A_383 = tpu.vector_load %run_scoped3A_4[%swap3A_381, %swap3A_382] {strides = array<i32>} : memref<400x64xf32, #tpu.memory_space<vmem>>, vector<16xf32>,
            tpu.vector_store %run_scoped3A_4[%swap3A_381, %swap3A_382], %mul3A_380 {strides = array<i32>} : memref<400x64xf32, #tpu.memory_space<vmem>>, vector<16xf32>,
            %get3A_384 = arith.index_cast %scan3A_371 : i32 to index
            %get3A_385 = arith.constant 16 : index
            %get3A_386 = tpu.vector_load %run_scoped3A_4[%get3A_384, %get3A_385] {strides = array<i32>} : memref<400x64xf32, #tpu.memory_space<vmem>>, vector<16xf32>,
            %mul3A_387 = arith.mulf %get3A_386, %gather3A_376 : vector<16xf32>
            %swap3A_388 = arith.index_cast %scan3A_371 : i32 to index
            %swap3A_389 = arith.constant 16 : index
            %swap3A_390 = tpu.vector_load %run_scoped3A_4[%swap3A_388, %swap3A_389] {strides = array<i32>} : memref<400x64xf32, #tpu.memory_space<vmem>>, vector<16xf32>,
            tpu.vector_store %run_scoped3A_4[%swap3A_388, %swap3A_389], %mul3A_387 {strides = array<i32>} : memref<400x64xf32, #tpu.memory_space<vmem>>, vector<16xf32>,
            %get3A_391 = arith.index_cast %scan3A_371 : i32 to index
            %get3A_392 = arith.constant 32 : index
            %get3A_393 = tpu.vector_load %run_scoped3A_4[%get3A_391, %get3A_392] {strides = array<i32>} : memref<400x64xf32, #tpu.memory_space<vmem>>, vector<16xf32>,
            %mul3A_394 = arith.mulf %get3A_393, %gather3A_376 : vector<16xf32>
            %swap3A_395 = arith.index_cast %scan3A_371 : i32 to index
            %swap3A_396 = arith.constant 32 : index
            %swap3A_397 = tpu.vector_load %run_scoped3A_4[%swap3A_395, %swap3A_396] {strides = array<i32>} : memref<400x64xf32, #tpu.memory_space<vmem>>, vector<16xf32>,
            tpu.vector_store %run_scoped3A_4[%swap3A_395, %swap3A_396], %mul3A_394 {strides = array<i32>} : memref<400x64xf32, #tpu.memory_space<vmem>>, vector<16xf32>,
            %get3A_398 = arith.index_cast %scan3A_371 : i32 to index
            %get3A_399 = arith.constant 48 : index
            %get3A_400 = tpu.vector_load %run_scoped3A_4[%get3A_398, %get3A_399] {strides = array<i32>} : memref<400x64xf32, #tpu.memory_space<vmem>>, vector<16xf32>,
            %mul3A_401 = arith.mulf %get3A_400, %gather3A_376 : vector<16xf32>
            %swap3A_402 = arith.index_cast %scan3A_371 : i32 to index
            %swap3A_403 = arith.constant 48 : index
            %swap3A_404 = tpu.vector_load %run_scoped3A_4[%swap3A_402, %swap3A_403] {strides = array<i32>} : memref<400x64xf32, #tpu.memory_space<vmem>>, vector<16xf32>,
            tpu.vector_store %run_scoped3A_4[%swap3A_402, %swap3A_403], %mul3A_401 {strides = array<i32>} : memref<400x64xf32, #tpu.memory_space<vmem>>, vector<16xf32>,
            %scan3A_405 = arith.constant 0 : i32
            %scan3A_406 = arith.constant 3 : i32
            %scan3A_407 = arith.addi %scan3A_301, %scan3A_406 : i32
            %mul3A_408 = arith.constant 400 : i32
            %mul3A_409 = arith.muli %scan3A_119, %mul3A_408 : i32
            %add3A_410 = arith.addi %mul3A_409, %scan3A_407 : i32
            %broadcast_in_dim3A_411 = vector.broadcast %add3A_410 : i32 to vector<16xi32>
            %gather3A_412 = tpu.vector_load_idx %arg12[%broadcast_in_dim3A_411] : memref<10000xf32, #tpu.memory_space<vmem>>[vector<16xi32>], vector<16xf32>,
            %get3A_413 = arith.index_cast %scan3A_407 : i32 to index
            %get3A_414 = arith.constant 0 : index
            %get3A_415 = tpu.vector_load %run_scoped3A_4[%get3A_413, %get3A_414] {strides = array<i32>} : memref<400x64xf32, #tpu.memory_space<vmem>>, vector<16xf32>,
            %mul3A_416 = arith.mulf %get3A_415, %gather3A_412 : vector<16xf32>
            %swap3A_417 = arith.index_cast %scan3A_407 : i32 to index
            %swap3A_418 = arith.constant 0 : index
            %swap3A_419 = tpu.vector_load %run_scoped3A_4[%swap3A_417, %swap3A_418] {strides = array<i32>} : memref<400x64xf32, #tpu.memory_space<vmem>>, vector<16xf32>,
            tpu.vector_store %run_scoped3A_4[%swap3A_417, %swap3A_418], %mul3A_416 {strides = array<i32>} : memref<400x64xf32, #tpu.memory_space<vmem>>, vector<16xf32>,
            %get3A_420 = arith.index_cast %scan3A_407 : i32 to index
            %get3A_421 = arith.constant 16 : index
            %get3A_422 = tpu.vector_load %run_scoped3A_4[%get3A_420, %get3A_421] {strides = array<i32>} : memref<400x64xf32, #tpu.memory_space<vmem>>, vector<16xf32>,
            %mul3A_423 = arith.mulf %get3A_422, %gather3A_412 : vector<16xf32>
            %swap3A_424 = arith.index_cast %scan3A_407 : i32 to index
            %swap3A_425 = arith.constant 16 : index
            %swap3A_426 = tpu.vector_load %run_scoped3A_4[%swap3A_424, %swap3A_425] {strides = array<i32>} : memref<400x64xf32, #tpu.memory_space<vmem>>, vector<16xf32>,
            tpu.vector_store %run_scoped3A_4[%swap3A_424, %swap3A_425], %mul3A_423 {strides = array<i32>} : memref<400x64xf32, #tpu.memory_space<vmem>>, vector<16xf32>,
            %get3A_427 = arith.index_cast %scan3A_407 : i32 to index
            %get3A_428 = arith.constant 32 : index
            %get3A_429 = tpu.vector_load %run_scoped3A_4[%get3A_427, %get3A_428] {strides = array<i32>} : memref<400x64xf32, #tpu.memory_space<vmem>>, vector<16xf32>,
            %mul3A_430 = arith.mulf %get3A_429, %gather3A_412 : vector<16xf32>
            %swap3A_431 = arith.index_cast %scan3A_407 : i32 to index
            %swap3A_432 = arith.constant 32 : index
            %swap3A_433 = tpu.vector_load %run_scoped3A_4[%swap3A_431, %swap3A_432] {strides = array<i32>} : memref<400x64xf32, #tpu.memory_space<vmem>>, vector<16xf32>,
            tpu.vector_store %run_scoped3A_4[%swap3A_431, %swap3A_432], %mul3A_430 {strides = array<i32>} : memref<400x64xf32, #tpu.memory_space<vmem>>, vector<16xf32>,
            %get3A_434 = arith.index_cast %scan3A_407 : i32 to index
            %get3A_435 = arith.constant 48 : index
            %get3A_436 = tpu.vector_load %run_scoped3A_4[%get3A_434, %get3A_435] {strides = array<i32>} : memref<400x64xf32, #tpu.memory_space<vmem>>, vector<16xf32>,
            %mul3A_437 = arith.mulf %get3A_436, %gather3A_412 : vector<16xf32>
            %swap3A_438 = arith.index_cast %scan3A_407 : i32 to index
            %swap3A_439 = arith.constant 48 : index
            %swap3A_440 = tpu.vector_load %run_scoped3A_4[%swap3A_438, %swap3A_439] {strides = array<i32>} : memref<400x64xf32, #tpu.memory_space<vmem>>, vector<16xf32>,
            tpu.vector_store %run_scoped3A_4[%swap3A_438, %swap3A_439], %mul3A_437 {strides = array<i32>} : memref<400x64xf32, #tpu.memory_space<vmem>>, vector<16xf32>,
            %scan3A_441 = arith.constant 0 : i32
            %scan3A_442 = arith.constant 4 : i32
            %scan3A_443 = arith.addi %scan3A_301, %scan3A_442 : i32
            %mul3A_444 = arith.constant 400 : i32
            %mul3A_445 = arith.muli %scan3A_119, %mul3A_444 : i32
            %add3A_446 = arith.addi %mul3A_445, %scan3A_443 : i32
            %broadcast_in_dim3A_447 = vector.broadcast %add3A_446 : i32 to vector<16xi32>
            %gather3A_448 = tpu.vector_load_idx %arg12[%broadcast_in_dim3A_447] : memref<10000xf32, #tpu.memory_space<vmem>>[vector<16xi32>], vector<16xf32>,
            %get3A_449 = arith.index_cast %scan3A_443 : i32 to index
            %get3A_450 = arith.constant 0 : index
            %get3A_451 = tpu.vector_load %run_scoped3A_4[%get3A_449, %get3A_450] {strides = array<i32>} : memref<400x64xf32, #tpu.memory_space<vmem>>, vector<16xf32>,
            %mul3A_452 = arith.mulf %get3A_451, %gather3A_448 : vector<16xf32>
            %swap3A_453 = arith.index_cast %scan3A_443 : i32 to index
            %swap3A_454 = arith.constant 0 : index
            %swap3A_455 = tpu.vector_load %run_scoped3A_4[%swap3A_453, %swap3A_454] {strides = array<i32>} : memref<400x64xf32, #tpu.memory_space<vmem>>, vector<16xf32>,
            tpu.vector_store %run_scoped3A_4[%swap3A_453, %swap3A_454], %mul3A_452 {strides = array<i32>} : memref<400x64xf32, #tpu.memory_space<vmem>>, vector<16xf32>,
            %get3A_456 = arith.index_cast %scan3A_443 : i32 to index
            %get3A_457 = arith.constant 16 : index
            %get3A_458 = tpu.vector_load %run_scoped3A_4[%get3A_456, %get3A_457] {strides = array<i32>} : memref<400x64xf32, #tpu.memory_space<vmem>>, vector<16xf32>,
            %mul3A_459 = arith.mulf %get3A_458, %gather3A_448 : vector<16xf32>
            %swap3A_460 = arith.index_cast %scan3A_443 : i32 to index
            %swap3A_461 = arith.constant 16 : index
            %swap3A_462 = tpu.vector_load %run_scoped3A_4[%swap3A_460, %swap3A_461] {strides = array<i32>} : memref<400x64xf32, #tpu.memory_space<vmem>>, vector<16xf32>,
            tpu.vector_store %run_scoped3A_4[%swap3A_460, %swap3A_461], %mul3A_459 {strides = array<i32>} : memref<400x64xf32, #tpu.memory_space<vmem>>, vector<16xf32>,
            %get3A_463 = arith.index_cast %scan3A_443 : i32 to index
            %get3A_464 = arith.constant 32 : index
            %get3A_465 = tpu.vector_load %run_scoped3A_4[%get3A_463, %get3A_464] {strides = array<i32>} : memref<400x64xf32, #tpu.memory_space<vmem>>, vector<16xf32>,
            %mul3A_466 = arith.mulf %get3A_465, %gather3A_448 : vector<16xf32>
            %swap3A_467 = arith.index_cast %scan3A_443 : i32 to index
            %swap3A_468 = arith.constant 32 : index
            %swap3A_469 = tpu.vector_load %run_scoped3A_4[%swap3A_467, %swap3A_468] {strides = array<i32>} : memref<400x64xf32, #tpu.memory_space<vmem>>, vector<16xf32>,
            tpu.vector_store %run_scoped3A_4[%swap3A_467, %swap3A_468], %mul3A_466 {strides = array<i32>} : memref<400x64xf32, #tpu.memory_space<vmem>>, vector<16xf32>,
            %get3A_470 = arith.index_cast %scan3A_443 : i32 to index
            %get3A_471 = arith.constant 48 : index
            %get3A_472 = tpu.vector_load %run_scoped3A_4[%get3A_470, %get3A_471] {strides = array<i32>} : memref<400x64xf32, #tpu.memory_space<vmem>>, vector<16xf32>,
            %mul3A_473 = arith.mulf %get3A_472, %gather3A_448 : vector<16xf32>
            %swap3A_474 = arith.index_cast %scan3A_443 : i32 to index
            %swap3A_475 = arith.constant 48 : index
            %swap3A_476 = tpu.vector_load %run_scoped3A_4[%swap3A_474, %swap3A_475] {strides = array<i32>} : memref<400x64xf32, #tpu.memory_space<vmem>>, vector<16xf32>,
            tpu.vector_store %run_scoped3A_4[%swap3A_474, %swap3A_475], %mul3A_473 {strides = array<i32>} : memref<400x64xf32, #tpu.memory_space<vmem>>, vector<16xf32>,
            %scan3A_477 = arith.constant 0 : i32
            %scan3A_478 = arith.constant 5 : i32
            %scan3A_479 = arith.addi %scan3A_301, %scan3A_478 : i32
            %mul3A_480 = arith.constant 400 : i32
            %mul3A_481 = arith.muli %scan3A_119, %mul3A_480 : i32
            %add3A_482 = arith.addi %mul3A_481, %scan3A_479 : i32
            %broadcast_in_dim3A_483 = vector.broadcast %add3A_482 : i32 to vector<16xi32>
            %gather3A_484 = tpu.vector_load_idx %arg12[%broadcast_in_dim3A_483] : memref<10000xf32, #tpu.memory_space<vmem>>[vector<16xi32>], vector<16xf32>,
            %get3A_485 = arith.index_cast %scan3A_479 : i32 to index
            %get3A_486 = arith.constant 0 : index
            %get3A_487 = tpu.vector_load %run_scoped3A_4[%get3A_485, %get3A_486] {strides = array<i32>} : memref<400x64xf32, #tpu.memory_space<vmem>>, vector<16xf32>,
            %mul3A_488 = arith.mulf %get3A_487, %gather3A_484 : vector<16xf32>
            %swap3A_489 = arith.index_cast %scan3A_479 : i32 to index
            %swap3A_490 = arith.constant 0 : index
            %swap3A_491 = tpu.vector_load %run_scoped3A_4[%swap3A_489, %swap3A_490] {strides = array<i32>} : memref<400x64xf32, #tpu.memory_space<vmem>>, vector<16xf32>,
            tpu.vector_store %run_scoped3A_4[%swap3A_489, %swap3A_490], %mul3A_488 {strides = array<i32>} : memref<400x64xf32, #tpu.memory_space<vmem>>, vector<16xf32>,
            %get3A_492 = arith.index_cast %scan3A_479 : i32 to index
            %get3A_493 = arith.constant 16 : index
            %get3A_494 = tpu.vector_load %run_scoped3A_4[%get3A_492, %get3A_493] {strides = array<i32>} : memref<400x64xf32, #tpu.memory_space<vmem>>, vector<16xf32>,
            %mul3A_495 = arith.mulf %get3A_494, %gather3A_484 : vector<16xf32>
            %swap3A_496 = arith.index_cast %scan3A_479 : i32 to index
            %swap3A_497 = arith.constant 16 : index
            %swap3A_498 = tpu.vector_load %run_scoped3A_4[%swap3A_496, %swap3A_497] {strides = array<i32>} : memref<400x64xf32, #tpu.memory_space<vmem>>, vector<16xf32>,
            tpu.vector_store %run_scoped3A_4[%swap3A_496, %swap3A_497], %mul3A_495 {strides = array<i32>} : memref<400x64xf32, #tpu.memory_space<vmem>>, vector<16xf32>,
            %get3A_499 = arith.index_cast %scan3A_479 : i32 to index
            %get3A_500 = arith.constant 32 : index
            %get3A_501 = tpu.vector_load %run_scoped3A_4[%get3A_499, %get3A_500] {strides = array<i32>} : memref<400x64xf32, #tpu.memory_space<vmem>>, vector<16xf32>,
            %mul3A_502 = arith.mulf %get3A_501, %gather3A_484 : vector<16xf32>
            %swap3A_503 = arith.index_cast %scan3A_479 : i32 to index
            %swap3A_504 = arith.constant 32 : index
            %swap3A_505 = tpu.vector_load %run_scoped3A_4[%swap3A_503, %swap3A_504] {strides = array<i32>} : memref<400x64xf32, #tpu.memory_space<vmem>>, vector<16xf32>,
            tpu.vector_store %run_scoped3A_4[%swap3A_503, %swap3A_504], %mul3A_502 {strides = array<i32>} : memref<400x64xf32, #tpu.memory_space<vmem>>, vector<16xf32>,
            %get3A_506 = arith.index_cast %scan3A_479 : i32 to index
            %get3A_507 = arith.constant 48 : index
            %get3A_508 = tpu.vector_load %run_scoped3A_4[%get3A_506, %get3A_507] {strides = array<i32>} : memref<400x64xf32, #tpu.memory_space<vmem>>, vector<16xf32>,
            %mul3A_509 = arith.mulf %get3A_508, %gather3A_484 : vector<16xf32>
            %swap3A_510 = arith.index_cast %scan3A_479 : i32 to index
            %swap3A_511 = arith.constant 48 : index
            %swap3A_512 = tpu.vector_load %run_scoped3A_4[%swap3A_510, %swap3A_511] {strides = array<i32>} : memref<400x64xf32, #tpu.memory_space<vmem>>, vector<16xf32>,
            tpu.vector_store %run_scoped3A_4[%swap3A_510, %swap3A_511], %mul3A_509 {strides = array<i32>} : memref<400x64xf32, #tpu.memory_space<vmem>>, vector<16xf32>,
            %scan3A_513 = arith.constant 0 : i32
            %scan3A_514 = arith.constant 6 : i32
            %scan3A_515 = arith.addi %scan3A_301, %scan3A_514 : i32
            %mul3A_516 = arith.constant 400 : i32
            %mul3A_517 = arith.muli %scan3A_119, %mul3A_516 : i32
            %add3A_518 = arith.addi %mul3A_517, %scan3A_515 : i32
            %broadcast_in_dim3A_519 = vector.broadcast %add3A_518 : i32 to vector<16xi32>
            %gather3A_520 = tpu.vector_load_idx %arg12[%broadcast_in_dim3A_519] : memref<10000xf32, #tpu.memory_space<vmem>>[vector<16xi32>], vector<16xf32>,
            %get3A_521 = arith.index_cast %scan3A_515 : i32 to index
            %get3A_522 = arith.constant 0 : index
            %get3A_523 = tpu.vector_load %run_scoped3A_4[%get3A_521, %get3A_522] {strides = array<i32>} : memref<400x64xf32, #tpu.memory_space<vmem>>, vector<16xf32>,
            %mul3A_524 = arith.mulf %get3A_523, %gather3A_520 : vector<16xf32>
            %swap3A_525 = arith.index_cast %scan3A_515 : i32 to index
            %swap3A_526 = arith.constant 0 : index
            %swap3A_527 = tpu.vector_load %run_scoped3A_4[%swap3A_525, %swap3A_526] {strides = array<i32>} : memref<400x64xf32, #tpu.memory_space<vmem>>, vector<16xf32>,
            tpu.vector_store %run_scoped3A_4[%swap3A_525, %swap3A_526], %mul3A_524 {strides = array<i32>} : memref<400x64xf32, #tpu.memory_space<vmem>>, vector<16xf32>,
            %get3A_528 = arith.index_cast %scan3A_515 : i32 to index
            %get3A_529 = arith.constant 16 : index
            %get3A_530 = tpu.vector_load %run_scoped3A_4[%get3A_528, %get3A_529] {strides = array<i32>} : memref<400x64xf32, #tpu.memory_space<vmem>>, vector<16xf32>,
            %mul3A_531 = arith.mulf %get3A_530, %gather3A_520 : vector<16xf32>
            %swap3A_532 = arith.index_cast %scan3A_515 : i32 to index
            %swap3A_533 = arith.constant 16 : index
            %swap3A_534 = tpu.vector_load %run_scoped3A_4[%swap3A_532, %swap3A_533] {strides = array<i32>} : memref<400x64xf32, #tpu.memory_space<vmem>>, vector<16xf32>,
            tpu.vector_store %run_scoped3A_4[%swap3A_532, %swap3A_533], %mul3A_531 {strides = array<i32>} : memref<400x64xf32, #tpu.memory_space<vmem>>, vector<16xf32>,
            %get3A_535 = arith.index_cast %scan3A_515 : i32 to index
            %get3A_536 = arith.constant 32 : index
            %get3A_537 = tpu.vector_load %run_scoped3A_4[%get3A_535, %get3A_536] {strides = array<i32>} : memref<400x64xf32, #tpu.memory_space<vmem>>, vector<16xf32>,
            %mul3A_538 = arith.mulf %get3A_537, %gather3A_520 : vector<16xf32>
            %swap3A_539 = arith.index_cast %scan3A_515 : i32 to index
            %swap3A_540 = arith.constant 32 : index
            %swap3A_541 = tpu.vector_load %run_scoped3A_4[%swap3A_539, %swap3A_540] {strides = array<i32>} : memref<400x64xf32, #tpu.memory_space<vmem>>, vector<16xf32>,
            tpu.vector_store %run_scoped3A_4[%swap3A_539, %swap3A_540], %mul3A_538 {strides = array<i32>} : memref<400x64xf32, #tpu.memory_space<vmem>>, vector<16xf32>,
            %get3A_542 = arith.index_cast %scan3A_515 : i32 to index
            %get3A_543 = arith.constant 48 : index
            %get3A_544 = tpu.vector_load %run_scoped3A_4[%get3A_542, %get3A_543] {strides = array<i32>} : memref<400x64xf32, #tpu.memory_space<vmem>>, vector<16xf32>,
            %mul3A_545 = arith.mulf %get3A_544, %gather3A_520 : vector<16xf32>
            %swap3A_546 = arith.index_cast %scan3A_515 : i32 to index
            %swap3A_547 = arith.constant 48 : index
            %swap3A_548 = tpu.vector_load %run_scoped3A_4[%swap3A_546, %swap3A_547] {strides = array<i32>} : memref<400x64xf32, #tpu.memory_space<vmem>>, vector<16xf32>,
            tpu.vector_store %run_scoped3A_4[%swap3A_546, %swap3A_547], %mul3A_545 {strides = array<i32>} : memref<400x64xf32, #tpu.memory_space<vmem>>, vector<16xf32>,
            %scan3A_549 = arith.constant 0 : i32
            %scan3A_550 = arith.constant 7 : i32
            %scan3A_551 = arith.addi %scan3A_301, %scan3A_550 : i32
            %mul3A_552 = arith.constant 400 : i32
            %mul3A_553 = arith.muli %scan3A_119, %mul3A_552 : i32
            %add3A_554 = arith.addi %mul3A_553, %scan3A_551 : i32
            %broadcast_in_dim3A_555 = vector.broadcast %add3A_554 : i32 to vector<16xi32>
            %gather3A_556 = tpu.vector_load_idx %arg12[%broadcast_in_dim3A_555] : memref<10000xf32, #tpu.memory_space<vmem>>[vector<16xi32>], vector<16xf32>,
            %get3A_557 = arith.index_cast %scan3A_551 : i32 to index
            %get3A_558 = arith.constant 0 : index
            %get3A_559 = tpu.vector_load %run_scoped3A_4[%get3A_557, %get3A_558] {strides = array<i32>} : memref<400x64xf32, #tpu.memory_space<vmem>>, vector<16xf32>,
            %mul3A_560 = arith.mulf %get3A_559, %gather3A_556 : vector<16xf32>
            %swap3A_561 = arith.index_cast %scan3A_551 : i32 to index
            %swap3A_562 = arith.constant 0 : index
            %swap3A_563 = tpu.vector_load %run_scoped3A_4[%swap3A_561, %swap3A_562] {strides = array<i32>} : memref<400x64xf32, #tpu.memory_space<vmem>>, vector<16xf32>,
            tpu.vector_store %run_scoped3A_4[%swap3A_561, %swap3A_562], %mul3A_560 {strides = array<i32>} : memref<400x64xf32, #tpu.memory_space<vmem>>, vector<16xf32>,
            %get3A_564 = arith.index_cast %scan3A_551 : i32 to index
            %get3A_565 = arith.constant 16 : index
            %get3A_566 = tpu.vector_load %run_scoped3A_4[%get3A_564, %get3A_565] {strides = array<i32>} : memref<400x64xf32, #tpu.memory_space<vmem>>, vector<16xf32>,
            %mul3A_567 = arith.mulf %get3A_566, %gather3A_556 : vector<16xf32>
            %swap3A_568 = arith.index_cast %scan3A_551 : i32 to index
            %swap3A_569 = arith.constant 16 : index
            %swap3A_570 = tpu.vector_load %run_scoped3A_4[%swap3A_568, %swap3A_569] {strides = array<i32>} : memref<400x64xf32, #tpu.memory_space<vmem>>, vector<16xf32>,
            tpu.vector_store %run_scoped3A_4[%swap3A_568, %swap3A_569], %mul3A_567 {strides = array<i32>} : memref<400x64xf32, #tpu.memory_space<vmem>>, vector<16xf32>,
            %get3A_571 = arith.index_cast %scan3A_551 : i32 to index
            %get3A_572 = arith.constant 32 : index
            %get3A_573 = tpu.vector_load %run_scoped3A_4[%get3A_571, %get3A_572] {strides = array<i32>} : memref<400x64xf32, #tpu.memory_space<vmem>>, vector<16xf32>,
            %mul3A_574 = arith.mulf %get3A_573, %gather3A_556 : vector<16xf32>
            %swap3A_575 = arith.index_cast %scan3A_551 : i32 to index
            %swap3A_576 = arith.constant 32 : index
            %swap3A_577 = tpu.vector_load %run_scoped3A_4[%swap3A_575, %swap3A_576] {strides = array<i32>} : memref<400x64xf32, #tpu.memory_space<vmem>>, vector<16xf32>,
            tpu.vector_store %run_scoped3A_4[%swap3A_575, %swap3A_576], %mul3A_574 {strides = array<i32>} : memref<400x64xf32, #tpu.memory_space<vmem>>, vector<16xf32>,
            %get3A_578 = arith.index_cast %scan3A_551 : i32 to index
            %get3A_579 = arith.constant 48 : index
            %get3A_580 = tpu.vector_load %run_scoped3A_4[%get3A_578, %get3A_579] {strides = array<i32>} : memref<400x64xf32, #tpu.memory_space<vmem>>, vector<16xf32>,
            %mul3A_581 = arith.mulf %get3A_580, %gather3A_556 : vector<16xf32>
            %swap3A_582 = arith.index_cast %scan3A_551 : i32 to index
            %swap3A_583 = arith.constant 48 : index
            %swap3A_584 = tpu.vector_load %run_scoped3A_4[%swap3A_582, %swap3A_583] {strides = array<i32>} : memref<400x64xf32, #tpu.memory_space<vmem>>, vector<16xf32>,
            tpu.vector_store %run_scoped3A_4[%swap3A_582, %swap3A_583], %mul3A_581 {strides = array<i32>} : memref<400x64xf32, #tpu.memory_space<vmem>>, vector<16xf32>,
            %scan3A_585 = arith.constant 0 : i32
            scf.yield %scan3A_585 : i32
          }
          %scan3A_235 = arith.constant 400 : i32
          %mul3A_236 = arith.constant 5 : i32
          %mul3A_237 = arith.muli %scan3A_119, %mul3A_236 : i32
          %add3A_238 = arith.constant 0 : i32
          %add3A_239 = arith.addi %mul3A_237, %add3A_238 : i32
          %dma_start3A_240 = arith.constant 0 : i32
          %dma_start3A_241 = arith.constant 0 : i32
          %dma_start3A_242 = tpu.memref_slice %run_scoped3A_4[%dma_start3A_240, %dma_start3A_241] : memref<400x64xf32, #tpu.memory_space<vmem>> -> memref<80x64xf32, #tpu.memory_space<vmem>>
          %dma_start3A_243 = arith.constant 0 : i32
          %dma_start3A_244 = tpu.memref_slice %arg11[%add3A_239, %dma_start3A_243] : memref<125x80xi32, #tpu.memory_space<vmem>> -> memref<1x80xi32, #tpu.memory_space<vmem>>
          %dma_start3A_245 = tpu.memref_squeeze %dma_start3A_244 : memref<1x80xi32, #tpu.memory_space<vmem>> -> memref<80xi32, #tpu.memory_space<vmem>>
          %dma_start3A_246 = arith.constant 0 : i32
          %dma_start3A_247 = arith.constant 0 : i32
          %dma_start3A_248 = tpu.memref_slice %arg9[%dma_start3A_246, %dma_start3A_247] : memref<10000x64xf32, #tpu.memory_space<vmem_shared>> -> memref<10000x64xf32, #tpu.memory_space<vmem_shared>>
          tpu.enqueue_indirect_dma source(%dma_start3A_242 : memref<80x64xf32, #tpu.memory_space<vmem>>) target(%dma_start3A_248 : memref<10000x64xf32, #tpu.memory_space<vmem_shared>>) offsets(%dma_start3A_245 : memref<80xi32, #tpu.memory_space<vmem>>) semaphore(%arg16 : memref<!tpu.dma_semaphore, #tpu.memory_space<semaphore_mem>>) {add = true}
          %mul3A_249 = arith.constant 5 : i32
          %mul3A_250 = arith.muli %scan3A_119, %mul3A_249 : i32
          %add3A_251 = arith.constant 1 : i32
          %add3A_252 = arith.addi %mul3A_250, %add3A_251 : i32
          %dma_start3A_253 = arith.constant 80 : i32
          %dma_start3A_254 = arith.constant 0 : i32
          %dma_start3A_255 = tpu.memref_slice %run_scoped3A_4[%dma_start3A_253, %dma_start3A_254] : memref<400x64xf32, #tpu.memory_space<vmem>> -> memref<80x64xf32, #tpu.memory_space<vmem>>
          %dma_start3A_256 = arith.constant 0 : i32
          %dma_start3A_257 = tpu.memref_slice %arg11[%add3A_252, %dma_start3A_256] : memref<125x80xi32, #tpu.memory_space<vmem>> -> memref<1x80xi32, #tpu.memory_space<vmem>>
          %dma_start3A_258 = tpu.memref_squeeze %dma_start3A_257 : memref<1x80xi32, #tpu.memory_space<vmem>> -> memref<80xi32, #tpu.memory_space<vmem>>
          %dma_start3A_259 = arith.constant 0 : i32
          %dma_start3A_260 = arith.constant 0 : i32
          %dma_start3A_261 = tpu.memref_slice %arg9[%dma_start3A_259, %dma_start3A_260] : memref<10000x64xf32, #tpu.memory_space<vmem_shared>> -> memref<10000x64xf32, #tpu.memory_space<vmem_shared>>
          tpu.enqueue_indirect_dma source(%dma_start3A_255 : memref<80x64xf32, #tpu.memory_space<vmem>>) target(%dma_start3A_261 : memref<10000x64xf32, #tpu.memory_space<vmem_shared>>) offsets(%dma_start3A_258 : memref<80xi32, #tpu.memory_space<vmem>>) semaphore(%arg16 : memref<!tpu.dma_semaphore, #tpu.memory_space<semaphore_mem>>) {add = true}
          %mul3A_262 = arith.constant 5 : i32
          %mul3A_263 = arith.muli %scan3A_119, %mul3A_262 : i32
          %add3A_264 = arith.constant 2 : i32
          %add3A_265 = arith.addi %mul3A_263, %add3A_264 : i32
          %dma_start3A_266 = arith.constant 160 : i32
          %dma_start3A_267 = arith.constant 0 : i32
          %dma_start3A_268 = tpu.memref_slice %run_scoped3A_4[%dma_start3A_266, %dma_start3A_267] : memref<400x64xf32, #tpu.memory_space<vmem>> -> memref<80x64xf32, #tpu.memory_space<vmem>>
          %dma_start3A_269 = arith.constant 0 : i32
          %dma_start3A_270 = tpu.memref_slice %arg11[%add3A_265, %dma_start3A_269] : memref<125x80xi32, #tpu.memory_space<vmem>> -> memref<1x80xi32, #tpu.memory_space<vmem>>
          %dma_start3A_271 = tpu.memref_squeeze %dma_start3A_270 : memref<1x80xi32, #tpu.memory_space<vmem>> -> memref<80xi32, #tpu.memory_space<vmem>>
          %dma_start3A_272 = arith.constant 0 : i32
          %dma_start3A_273 = arith.constant 0 : i32
          %dma_start3A_274 = tpu.memref_slice %arg9[%dma_start3A_272, %dma_start3A_273] : memref<10000x64xf32, #tpu.memory_space<vmem_shared>> -> memref<10000x64xf32, #tpu.memory_space<vmem_shared>>
          tpu.enqueue_indirect_dma source(%dma_start3A_268 : memref<80x64xf32, #tpu.memory_space<vmem>>) target(%dma_start3A_274 : memref<10000x64xf32, #tpu.memory_space<vmem_shared>>) offsets(%dma_start3A_271 : memref<80xi32, #tpu.memory_space<vmem>>) semaphore(%arg16 : memref<!tpu.dma_semaphore, #tpu.memory_space<semaphore_mem>>) {add = true}
          %mul3A_275 = arith.constant 5 : i32
          %mul3A_276 = arith.muli %scan3A_119, %mul3A_275 : i32
          %add3A_277 = arith.constant 3 : i32
          %add3A_278 = arith.addi %mul3A_276, %add3A_277 : i32
          %dma_start3A_279 = arith.constant 240 : i32
          %dma_start3A_280 = arith.constant 0 : i32
          %dma_start3A_281 = tpu.memref_slice %run_scoped3A_4[%dma_start3A_279, %dma_start3A_280] : memref<400x64xf32, #tpu.memory_space<vmem>> -> memref<80x64xf32, #tpu.memory_space<vmem>>
          %dma_start3A_282 = arith.constant 0 : i32
          %dma_start3A_283 = tpu.memref_slice %arg11[%add3A_278, %dma_start3A_282] : memref<125x80xi32, #tpu.memory_space<vmem>> -> memref<1x80xi32, #tpu.memory_space<vmem>>
          %dma_start3A_284 = tpu.memref_squeeze %dma_start3A_283 : memref<1x80xi32, #tpu.memory_space<vmem>> -> memref<80xi32, #tpu.memory_space<vmem>>
          %dma_start3A_285 = arith.constant 0 : i32
          %dma_start3A_286 = arith.constant 0 : i32
          %dma_start3A_287 = tpu.memref_slice %arg9[%dma_start3A_285, %dma_start3A_286] : memref<10000x64xf32, #tpu.memory_space<vmem_shared>> -> memref<10000x64xf32, #tpu.memory_space<vmem_shared>>
          tpu.enqueue_indirect_dma source(%dma_start3A_281 : memref<80x64xf32, #tpu.memory_space<vmem>>) target(%dma_start3A_287 : memref<10000x64xf32, #tpu.memory_space<vmem_shared>>) offsets(%dma_start3A_284 : memref<80xi32, #tpu.memory_space<vmem>>) semaphore(%arg16 : memref<!tpu.dma_semaphore, #tpu.memory_space<semaphore_mem>>) {add = true}
          %mul3A_288 = arith.constant 5 : i32
          %mul3A_289 = arith.muli %scan3A_119, %mul3A_288 : i32
          %add3A_290 = arith.constant 4 : i32
          %add3A_291 = arith.addi %mul3A_289, %add3A_290 : i32
          %dma_start3A_292 = arith.constant 320 : i32
          %dma_start3A_293 = arith.constant 0 : i32
          %dma_start3A_294 = tpu.memref_slice %run_scoped3A_4[%dma_start3A_292, %dma_start3A_293] : memref<400x64xf32, #tpu.memory_space<vmem>> -> memref<80x64xf32, #tpu.memory_space<vmem>>
          %dma_start3A_295 = arith.constant 0 : i32
          %dma_start3A_296 = tpu.memref_slice %arg11[%add3A_291, %dma_start3A_295] : memref<125x80xi32, #tpu.memory_space<vmem>> -> memref<1x80xi32, #tpu.memory_space<vmem>>
          %dma_start3A_297 = tpu.memref_squeeze %dma_start3A_296 : memref<1x80xi32, #tpu.memory_space<vmem>> -> memref<80xi32, #tpu.memory_space<vmem>>
          %dma_start3A_298 = arith.constant 0 : i32
          %dma_start3A_299 = arith.constant 0 : i32
          %dma_start3A_300 = tpu.memref_slice %arg9[%dma_start3A_298, %dma_start3A_299] : memref<10000x64xf32, #tpu.memory_space<vmem_shared>> -> memref<10000x64xf32, #tpu.memory_space<vmem_shared>>
          tpu.enqueue_indirect_dma source(%dma_start3A_294 : memref<80x64xf32, #tpu.memory_space<vmem>>) target(%dma_start3A_300 : memref<10000x64xf32, #tpu.memory_space<vmem_shared>>) offsets(%dma_start3A_297 : memref<80xi32, #tpu.memory_space<vmem>>) semaphore(%arg16 : memref<!tpu.dma_semaphore, #tpu.memory_space<semaphore_mem>>) {add = true}
        } else {
        }
        %scan3A_154 = arith.constant 0 : i32
        scf.yield %scan3A_154 : i32
      }
      %scan3A_69 = arith.constant 25 : i32
      %dma_wait3A = arith.constant 120 : i32
      %dma_wait3A_70 = arith.constant 0 : i32
      %dma_wait3A_71 = arith.constant 0 : i32
      %dma_wait3A_72 = tpu.memref_slice %run_scoped3A[%dma_wait3A_70, %dma_wait3A_71] : memref<400x64xf32, #tpu.memory_space<vmem>> -> memref<80x64xf32, #tpu.memory_space<vmem>>
      %dma_wait3A_73 = arith.constant 0 : i32
      %dma_wait3A_74 = tpu.memref_slice %arg11[%dma_wait3A, %dma_wait3A_73] : memref<125x80xi32, #tpu.memory_space<vmem>> -> memref<1x80xi32, #tpu.memory_space<vmem>>
      %dma_wait3A_75 = tpu.memref_squeeze %dma_wait3A_74 : memref<1x80xi32, #tpu.memory_space<vmem>> -> memref<80xi32, #tpu.memory_space<vmem>>
      %dma_wait3A_76 = arith.constant 0 : i32
      %dma_wait3A_77 = arith.constant 0 : i32
      %dma_wait3A_78 = tpu.memref_slice %arg9[%dma_wait3A_76, %dma_wait3A_77] : memref<10000x64xf32, #tpu.memory_space<vmem_shared>> -> memref<10000x64xf32, #tpu.memory_space<vmem_shared>>
      tpu.wait_indirect_dma semaphore(%arg15 : memref<!tpu.dma_semaphore, #tpu.memory_space<semaphore_mem>>) src(%dma_wait3A_72 : memref<80x64xf32, #tpu.memory_space<vmem>>) dst(%dma_wait3A_78 : memref<10000x64xf32, #tpu.memory_space<vmem_shared>>)
      %dma_wait3A_79 = arith.constant 121 : i32
      %dma_wait3A_80 = arith.constant 80 : i32
      %dma_wait3A_81 = arith.constant 0 : i32
      %dma_wait3A_82 = tpu.memref_slice %run_scoped3A[%dma_wait3A_80, %dma_wait3A_81] : memref<400x64xf32, #tpu.memory_space<vmem>> -> memref<80x64xf32, #tpu.memory_space<vmem>>
      %dma_wait3A_83 = arith.constant 0 : i32
      %dma_wait3A_84 = tpu.memref_slice %arg11[%dma_wait3A_79, %dma_wait3A_83] : memref<125x80xi32, #tpu.memory_space<vmem>> -> memref<1x80xi32, #tpu.memory_space<vmem>>
      %dma_wait3A_85 = tpu.memref_squeeze %dma_wait3A_84 : memref<1x80xi32, #tpu.memory_space<vmem>> -> memref<80xi32, #tpu.memory_space<vmem>>
      %dma_wait3A_86 = arith.constant 0 : i32
      %dma_wait3A_87 = arith.constant 0 : i32
      %dma_wait3A_88 = tpu.memref_slice %arg9[%dma_wait3A_86, %dma_wait3A_87] : memref<10000x64xf32, #tpu.memory_space<vmem_shared>> -> memref<10000x64xf32, #tpu.memory_space<vmem_shared>>
      tpu.wait_indirect_dma semaphore(%arg15 : memref<!tpu.dma_semaphore, #tpu.memory_space<semaphore_mem>>) src(%dma_wait3A_82 : memref<80x64xf32, #tpu.memory_space<vmem>>) dst(%dma_wait3A_88 : memref<10000x64xf32, #tpu.memory_space<vmem_shared>>)
      %dma_wait3A_89 = arith.constant 122 : i32
      %dma_wait3A_90 = arith.constant 160 : i32
      %dma_wait3A_91 = arith.constant 0 : i32
      %dma_wait3A_92 = tpu.memref_slice %run_scoped3A[%dma_wait3A_90, %dma_wait3A_91] : memref<400x64xf32, #tpu.memory_space<vmem>> -> memref<80x64xf32, #tpu.memory_space<vmem>>
      %dma_wait3A_93 = arith.constant 0 : i32
      %dma_wait3A_94 = tpu.memref_slice %arg11[%dma_wait3A_89, %dma_wait3A_93] : memref<125x80xi32, #tpu.memory_space<vmem>> -> memref<1x80xi32, #tpu.memory_space<vmem>>
      %dma_wait3A_95 = tpu.memref_squeeze %dma_wait3A_94 : memref<1x80xi32, #tpu.memory_space<vmem>> -> memref<80xi32, #tpu.memory_space<vmem>>
      %dma_wait3A_96 = arith.constant 0 : i32
      %dma_wait3A_97 = arith.constant 0 : i32
      %dma_wait3A_98 = tpu.memref_slice %arg9[%dma_wait3A_96, %dma_wait3A_97] : memref<10000x64xf32, #tpu.memory_space<vmem_shared>> -> memref<10000x64xf32, #tpu.memory_space<vmem_shared>>
      tpu.wait_indirect_dma semaphore(%arg15 : memref<!tpu.dma_semaphore, #tpu.memory_space<semaphore_mem>>) src(%dma_wait3A_92 : memref<80x64xf32, #tpu.memory_space<vmem>>) dst(%dma_wait3A_98 : memref<10000x64xf32, #tpu.memory_space<vmem_shared>>)
      %dma_wait3A_99 = arith.constant 123 : i32
      %dma_wait3A_100 = arith.constant 240 : i32
      %dma_wait3A_101 = arith.constant 0 : i32
      %dma_wait3A_102 = tpu.memref_slice %run_scoped3A[%dma_wait3A_100, %dma_wait3A_101] : memref<400x64xf32, #tpu.memory_space<vmem>> -> memref<80x64xf32, #tpu.memory_space<vmem>>
      %dma_wait3A_103 = arith.constant 0 : i32
      %dma_wait3A_104 = tpu.memref_slice %arg11[%dma_wait3A_99, %dma_wait3A_103] : memref<125x80xi32, #tpu.memory_space<vmem>> -> memref<1x80xi32, #tpu.memory_space<vmem>>
      %dma_wait3A_105 = tpu.memref_squeeze %dma_wait3A_104 : memref<1x80xi32, #tpu.memory_space<vmem>> -> memref<80xi32, #tpu.memory_space<vmem>>
      %dma_wait3A_106 = arith.constant 0 : i32
      %dma_wait3A_107 = arith.constant 0 : i32
      %dma_wait3A_108 = tpu.memref_slice %arg9[%dma_wait3A_106, %dma_wait3A_107] : memref<10000x64xf32, #tpu.memory_space<vmem_shared>> -> memref<10000x64xf32, #tpu.memory_space<vmem_shared>>
      tpu.wait_indirect_dma semaphore(%arg15 : memref<!tpu.dma_semaphore, #tpu.memory_space<semaphore_mem>>) src(%dma_wait3A_102 : memref<80x64xf32, #tpu.memory_space<vmem>>) dst(%dma_wait3A_108 : memref<10000x64xf32, #tpu.memory_space<vmem_shared>>)
      %dma_wait3A_109 = arith.constant 124 : i32
      %dma_wait3A_110 = arith.constant 320 : i32
      %dma_wait3A_111 = arith.constant 0 : i32
      %dma_wait3A_112 = tpu.memref_slice %run_scoped3A[%dma_wait3A_110, %dma_wait3A_111] : memref<400x64xf32, #tpu.memory_space<vmem>> -> memref<80x64xf32, #tpu.memory_space<vmem>>
      %dma_wait3A_113 = arith.constant 0 : i32
      %dma_wait3A_114 = tpu.memref_slice %arg11[%dma_wait3A_109, %dma_wait3A_113] : memref<125x80xi32, #tpu.memory_space<vmem>> -> memref<1x80xi32, #tpu.memory_space<vmem>>
      %dma_wait3A_115 = tpu.memref_squeeze %dma_wait3A_114 : memref<1x80xi32, #tpu.memory_space<vmem>> -> memref<80xi32, #tpu.memory_space<vmem>>
      %dma_wait3A_116 = arith.constant 0 : i32
      %dma_wait3A_117 = arith.constant 0 : i32
      %dma_wait3A_118 = tpu.memref_slice %arg9[%dma_wait3A_116, %dma_wait3A_117] : memref<10000x64xf32, #tpu.memory_space<vmem_shared>> -> memref<10000x64xf32, #tpu.memory_space<vmem_shared>>
      tpu.wait_indirect_dma semaphore(%arg15 : memref<!tpu.dma_semaphore, #tpu.memory_space<semaphore_mem>>) src(%dma_wait3A_112 : memref<80x64xf32, #tpu.memory_space<vmem>>) dst(%dma_wait3A_118 : memref<10000x64xf32, #tpu.memory_space<vmem_shared>>)
      tpu.yield
    }) : () -> ()
    %barrier3A = arith.constant 0 : index
    tpu.barrier barrier_id(%barrier3A)
    "tpu.region"() ({
      %run_scoped3A = tpu.sem_alloc : memref<!tpu.dma_semaphore, #tpu.memory_space<semaphore_mem>>
      %dma_start3A = arith.constant 0 : i32
      %dma_start3A_4 = tpu.memref_slice %arg7[%arg0, %mul3A_2, %dma_start3A] : memref<2x10000x64xf32, #tpu.memory_space<hbm>> -> memref<1x640x64xf32, #tpu.memory_space<hbm>>
      %dma_start3A_5 = tpu.memref_squeeze %dma_start3A_4 : memref<1x640x64xf32, #tpu.memory_space<hbm>> -> memref<640x64xf32, #tpu.memory_space<hbm>>
      %dma_start3A_6 = arith.constant 0 : i32
      %dma_start3A_7 = tpu.memref_slice %arg9[%mul3A_2, %dma_start3A_6] : memref<10000x64xf32, #tpu.memory_space<vmem_shared>> -> memref<640x64xf32, #tpu.memory_space<vmem_shared>>
      tpu.enqueue_dma source(%dma_start3A_7 : memref<640x64xf32, #tpu.memory_space<vmem_shared>>) target(%dma_start3A_5 : memref<640x64xf32, #tpu.memory_space<hbm>>) target_semaphore(%run_scoped3A : memref<!tpu.dma_semaphore, #tpu.memory_space<semaphore_mem>>)
      %dma_wait3A = arith.constant 0 : i32
      %dma_wait3A_8 = tpu.memref_slice %arg7[%arg0, %mul3A_2, %dma_wait3A] : memref<2x10000x64xf32, #tpu.memory_space<hbm>> -> memref<1x640x64xf32, #tpu.memory_space<hbm>>
      %dma_wait3A_9 = tpu.memref_squeeze %dma_wait3A_8 : memref<1x640x64xf32, #tpu.memory_space<hbm>> -> memref<640x64xf32, #tpu.memory_space<hbm>>
      %dma_wait3A_10 = arith.constant 0 : i32
      %dma_wait3A_11 = tpu.memref_slice %arg9[%mul3A_2, %dma_wait3A_10] : memref<10000x64xf32, #tpu.memory_space<vmem_shared>> -> memref<640x64xf32, #tpu.memory_space<vmem_shared>>
      tpu.wait_dma2 semaphore(%run_scoped3A : memref<!tpu.dma_semaphore, #tpu.memory_space<semaphore_mem>>) src(%dma_wait3A_11 : memref<640x64xf32, #tpu.memory_space<vmem_shared>>) dst(%dma_wait3A_9 : memref<640x64xf32, #tpu.memory_space<hbm>>)
      tpu.yield
    }) : () -> ()
    return
  }
}

#map = affine_map<(d0, d1) -> (0, 0, 0)>
#map1 = affine_map<(d0, d1) -> (0)>
#map2 = affine_map<(d0, d1) -> (0, 0)>
module attributes {stable_mosaic.version = 14 : i64} {
  func.func @_sc_layer_body(%arg0: i32, %arg1: i32, %arg2: memref<32x125x80xi32, #tpu.memory_space<hbm>>, %arg3: memref<32x125x80xi32, #tpu.memory_space<hbm>>, %arg4: memref<10000xf32, #tpu.memory_space<hbm>>, %arg5: memref<10000xf32, #tpu.memory_space<hbm>>, %arg6: memref<10000x64xf32, #tpu.memory_space<hbm>>, %arg7: memref<2x10000x64xf32, #tpu.memory_space<hbm>>, %arg8: memref<32x1x10000xf32, #tpu.memory_space<hbm>>, %arg9: memref<10000x64xf32, #tpu.memory_space<vmem_shared>>, %arg10: memref<125x80xi32, #tpu.memory_space<vmem>>, %arg11: memref<125x80xi32, #tpu.memory_space<vmem>>, %arg12: memref<10000xf32, #tpu.memory_space<vmem>>, %arg13: memref<!tpu.dma_semaphore, #tpu.memory_space<semaphore_mem>>, %arg14: memref<!tpu.dma_semaphore, #tpu.memory_space<semaphore_mem>>, %arg15: memref<!tpu.dma_semaphore, #tpu.memory_space<semaphore_mem>>, %arg16: memref<!tpu.dma_semaphore, #tpu.memory_space<semaphore_mem>>) attributes {dimension_semantics = [#tpu.dimension_semantics<core_parallel>, #tpu.dimension_semantics<subcore_parallel>], iteration_bounds = array<i64: 2, 16>, scalar_prefetch = 0 : i64, scratch_operands = 8 : i64, tpu.core_type = #tpu.core_type<sc_vector_subcore>, window_params = [{transform_indices = #map}, {transform_indices = #map}, {transform_indices = #map1}, {transform_indices = #map1}, {transform_indices = #map2}, {transform_indices = #map}, {transform_indices = #map}]} {
    %mul3A = arith.constant 16 : i32
    %mul3A_0 = arith.muli %arg0, %mul3A : i32
    %add3A = arith.addi %mul3A_0, %arg1 : i32
    "tpu.region"() ({
      %run_scoped3A = tpu.sem_alloc : memref<!tpu.dma_semaphore, #tpu.memory_space<semaphore_mem>>
      %dma_start3A = arith.constant 0 : i32
      %dma_start3A_4 = arith.constant 0 : i32
      %dma_start3A_5 = tpu.memref_slice %arg2[%add3A, %dma_start3A, %dma_start3A_4] : memref<32x125x80xi32, #tpu.memory_space<hbm>> -> memref<1x125x80xi32, #tpu.memory_space<hbm>>
      %dma_start3A_6 = tpu.memref_squeeze %dma_start3A_5 : memref<1x125x80xi32, #tpu.memory_space<hbm>> -> memref<125x80xi32, #tpu.memory_space<hbm>>
      %dma_start3A_7 = arith.constant 0 : i32
      %dma_start3A_8 = arith.constant 0 : i32
      %dma_start3A_9 = tpu.memref_slice %arg2[%add3A, %dma_start3A_7, %dma_start3A_8] : memref<32x125x80xi32, #tpu.memory_space<hbm>> -> memref<1x125x80xi32, #tpu.memory_space<hbm>>
      %dma_start3A_10 = tpu.memref_squeeze %dma_start3A_9 : memref<1x125x80xi32, #tpu.memory_space<hbm>> -> memref<125x80xi32, #tpu.memory_space<hbm>>
      tpu.enqueue_dma source(%dma_start3A_10 : memref<125x80xi32, #tpu.memory_space<hbm>>) target(%arg10 : memref<125x80xi32, #tpu.memory_space<vmem>>) target_semaphore(%run_scoped3A : memref<!tpu.dma_semaphore, #tpu.memory_space<semaphore_mem>>)
      %dma_wait3A = arith.constant 0 : i32
      %dma_wait3A_11 = arith.constant 0 : i32
      %dma_wait3A_12 = tpu.memref_slice %arg2[%add3A, %dma_wait3A, %dma_wait3A_11] : memref<32x125x80xi32, #tpu.memory_space<hbm>> -> memref<1x125x80xi32, #tpu.memory_space<hbm>>
      %dma_wait3A_13 = tpu.memref_squeeze %dma_wait3A_12 : memref<1x125x80xi32, #tpu.memory_space<hbm>> -> memref<125x80xi32, #tpu.memory_space<hbm>>
      %dma_wait3A_14 = arith.constant 0 : i32
      %dma_wait3A_15 = arith.constant 0 : i32
      %dma_wait3A_16 = tpu.memref_slice %arg2[%add3A, %dma_wait3A_14, %dma_wait3A_15] : memref<32x125x80xi32, #tpu.memory_space<hbm>> -> memref<1x125x80xi32, #tpu.memory_space<hbm>>
      %dma_wait3A_17 = tpu.memref_squeeze %dma_wait3A_16 : memref<1x125x80xi32, #tpu.memory_space<hbm>> -> memref<125x80xi32, #tpu.memory_space<hbm>>
      tpu.wait_dma2 semaphore(%run_scoped3A : memref<!tpu.dma_semaphore, #tpu.memory_space<semaphore_mem>>) src(%dma_wait3A_17 : memref<125x80xi32, #tpu.memory_space<hbm>>) dst(%arg10 : memref<125x80xi32, #tpu.memory_space<vmem>>)
      tpu.yield
    }) : () -> ()
    "tpu.region"() ({
      %run_scoped3A = tpu.sem_alloc : memref<!tpu.dma_semaphore, #tpu.memory_space<semaphore_mem>>
      %dma_start3A = arith.constant 0 : i32
      %dma_start3A_4 = arith.constant 0 : i32
      %dma_start3A_5 = tpu.memref_slice %arg3[%add3A, %dma_start3A, %dma_start3A_4] : memref<32x125x80xi32, #tpu.memory_space<hbm>> -> memref<1x125x80xi32, #tpu.memory_space<hbm>>
      %dma_start3A_6 = tpu.memref_squeeze %dma_start3A_5 : memref<1x125x80xi32, #tpu.memory_space<hbm>> -> memref<125x80xi32, #tpu.memory_space<hbm>>
      %dma_start3A_7 = arith.constant 0 : i32
      %dma_start3A_8 = arith.constant 0 : i32
      %dma_start3A_9 = tpu.memref_slice %arg3[%add3A, %dma_start3A_7, %dma_start3A_8] : memref<32x125x80xi32, #tpu.memory_space<hbm>> -> memref<1x125x80xi32, #tpu.memory_space<hbm>>
      %dma_start3A_10 = tpu.memref_squeeze %dma_start3A_9 : memref<1x125x80xi32, #tpu.memory_space<hbm>> -> memref<125x80xi32, #tpu.memory_space<hbm>>
      tpu.enqueue_dma source(%dma_start3A_10 : memref<125x80xi32, #tpu.memory_space<hbm>>) target(%arg11 : memref<125x80xi32, #tpu.memory_space<vmem>>) target_semaphore(%run_scoped3A : memref<!tpu.dma_semaphore, #tpu.memory_space<semaphore_mem>>)
      %dma_wait3A = arith.constant 0 : i32
      %dma_wait3A_11 = arith.constant 0 : i32
      %dma_wait3A_12 = tpu.memref_slice %arg3[%add3A, %dma_wait3A, %dma_wait3A_11] : memref<32x125x80xi32, #tpu.memory_space<hbm>> -> memref<1x125x80xi32, #tpu.memory_space<hbm>>
      %dma_wait3A_13 = tpu.memref_squeeze %dma_wait3A_12 : memref<1x125x80xi32, #tpu.memory_space<hbm>> -> memref<125x80xi32, #tpu.memory_space<hbm>>
      %dma_wait3A_14 = arith.constant 0 : i32
      %dma_wait3A_15 = arith.constant 0 : i32
      %dma_wait3A_16 = tpu.memref_slice %arg3[%add3A, %dma_wait3A_14, %dma_wait3A_15] : memref<32x125x80xi32, #tpu.memory_space<hbm>> -> memref<1x125x80xi32, #tpu.memory_space<hbm>>
      %dma_wait3A_17 = tpu.memref_squeeze %dma_wait3A_16 : memref<1x125x80xi32, #tpu.memory_space<hbm>> -> memref<125x80xi32, #tpu.memory_space<hbm>>
      tpu.wait_dma2 semaphore(%run_scoped3A : memref<!tpu.dma_semaphore, #tpu.memory_space<semaphore_mem>>) src(%dma_wait3A_17 : memref<125x80xi32, #tpu.memory_space<hbm>>) dst(%arg11 : memref<125x80xi32, #tpu.memory_space<vmem>>)
      tpu.yield
    }) : () -> ()
    %mul3A_1 = arith.constant 624 : i32
    %mul3A_2 = arith.muli %arg1, %mul3A_1 : i32
    %broadcast_in_dim3A = arith.constant 0.000000e+00 : f32
    %broadcast_in_dim3A_3 = vector.broadcast %broadcast_in_dim3A : f32 to vector<16xf32>
    "tpu.region"() ({
      %run_scoped3A = memref.alloca() : memref<10000xf32, #tpu.memory_space<vmem>>
      %run_scoped3A_4 = memref.alloca() : memref<10000xf32, #tpu.memory_space<vmem>>
      %run_scoped3A_5 = memref.alloca() : memref<10000xf32, #tpu.memory_space<vmem>>
      "tpu.region"() ({
        %run_scoped3A_20 = tpu.sem_alloc : memref<!tpu.dma_semaphore, #tpu.memory_space<semaphore_mem>>
        tpu.enqueue_dma source(%arg4 : memref<10000xf32, #tpu.memory_space<hbm>>) target(%run_scoped3A : memref<10000xf32, #tpu.memory_space<vmem>>) target_semaphore(%run_scoped3A_20 : memref<!tpu.dma_semaphore, #tpu.memory_space<semaphore_mem>>)
        tpu.wait_dma2 semaphore(%run_scoped3A_20 : memref<!tpu.dma_semaphore, #tpu.memory_space<semaphore_mem>>) src(%arg4 : memref<10000xf32, #tpu.memory_space<hbm>>) dst(%run_scoped3A : memref<10000xf32, #tpu.memory_space<vmem>>)
        tpu.yield
      }) : () -> ()
      "tpu.region"() ({
        %run_scoped3A_20 = tpu.sem_alloc : memref<!tpu.dma_semaphore, #tpu.memory_space<semaphore_mem>>
        tpu.enqueue_dma source(%arg5 : memref<10000xf32, #tpu.memory_space<hbm>>) target(%run_scoped3A_4 : memref<10000xf32, #tpu.memory_space<vmem>>) target_semaphore(%run_scoped3A_20 : memref<!tpu.dma_semaphore, #tpu.memory_space<semaphore_mem>>)
        tpu.wait_dma2 semaphore(%run_scoped3A_20 : memref<!tpu.dma_semaphore, #tpu.memory_space<semaphore_mem>>) src(%arg5 : memref<10000xf32, #tpu.memory_space<hbm>>) dst(%run_scoped3A_4 : memref<10000xf32, #tpu.memory_space<vmem>>)
        tpu.yield
      }) : () -> ()
      %scan3A = arith.constant 0 : i32
      %scan3A_6 = arith.constant 0 : i32
      %scan3A_7 = arith.constant 625 : i32
      %scan3A_8 = arith.addi %scan3A_6, %scan3A_7 : i32
      %scan3A_9 = arith.constant 1 : i32
      %scan3A_10 = scf.for %scan3A_20 = %scan3A_6 to %scan3A_8 step %scan3A_9 iter_args(%scan3A_21 = %scan3A) -> (i32)  : i32 {
        %mul3A_22 = arith.constant 16 : i32
        %mul3A_23 = arith.muli %scan3A_20, %mul3A_22 : i32
        %swap3A = arith.index_cast %mul3A_23 : i32 to index
        %swap3A_24 = tpu.vector_load %run_scoped3A_5[%swap3A] {strides = array<i32>} : memref<10000xf32, #tpu.memory_space<vmem>>, vector<16xf32>,
        tpu.vector_store %run_scoped3A_5[%swap3A], %broadcast_in_dim3A_3 {strides = array<i32>} : memref<10000xf32, #tpu.memory_space<vmem>>, vector<16xf32>,
        %scan3A_25 = arith.constant 0 : i32
        scf.yield %scan3A_25 : i32
      }
      %scan3A_11 = arith.constant 625 : i32
      %scan3A_12 = arith.constant 0 : i32
      %scan3A_13 = arith.constant 0 : i32
      %scan3A_14 = arith.constant 125 : i32
      %scan3A_15 = arith.addi %scan3A_13, %scan3A_14 : i32
      %scan3A_16 = arith.constant 1 : i32
      %scan3A_17 = scf.for %scan3A_20 = %scan3A_13 to %scan3A_15 step %scan3A_16 iter_args(%scan3A_21 = %scan3A_12) -> (i32)  : i32 {
        %get3A = arith.index_cast %scan3A_20 : i32 to index
        %get3A_22 = arith.constant 0 : index
        %get3A_23 = tpu.vector_load %arg10[%get3A, %get3A_22] {strides = array<i32>} : memref<125x80xi32, #tpu.memory_space<vmem>>, vector<16xi32>,
        %get3A_24 = arith.index_cast %scan3A_20 : i32 to index
        %get3A_25 = arith.constant 0 : index
        %get3A_26 = tpu.vector_load %arg11[%get3A_24, %get3A_25] {strides = array<i32>} : memref<125x80xi32, #tpu.memory_space<vmem>>, vector<16xi32>,
        %gather3A = tpu.vector_load_idx %run_scoped3A[%get3A_23] : memref<10000xf32, #tpu.memory_space<vmem>>[vector<16xi32>], vector<16xf32>,
        %gather3A_27 = tpu.vector_load_idx %run_scoped3A_4[%get3A_26] : memref<10000xf32, #tpu.memory_space<vmem>>[vector<16xi32>], vector<16xf32>,
        %add3A_28 = arith.addf %gather3A, %gather3A_27 : vector<16xf32>
        %gt3A = arith.constant 0.000000e+00 : f32
        %gt3A_29 = vector.broadcast %gt3A : f32 to vector<16xf32>
        %gt3A_30 = arith.cmpf ogt, %add3A_28, %gt3A_29 : vector<16xf32>
        %mul3A_31 = arith.constant 2.000000e-01 : f32
        %mul3A_32 = vector.broadcast %mul3A_31 : f32 to vector<16xf32>
        %mul3A_33 = arith.mulf %add3A_28, %mul3A_32 : vector<16xf32>
        %select_n3A = arith.select %gt3A_30, %add3A_28, %mul3A_33 : vector<16xi1>, vector<16xf32>
        %exp3A = math.exp %select_n3A : vector<16xf32>
        %mul3A_34 = arith.constant 80 : i32
        %mul3A_35 = arith.muli %scan3A_20, %mul3A_34 : i32
        %add3A_36 = arith.constant 0 : i32
        %add3A_37 = arith.addi %mul3A_35, %add3A_36 : i32
        %swap3A = arith.index_cast %add3A_37 : i32 to index
        %swap3A_38 = tpu.vector_load %arg12[%swap3A] {strides = array<i32>} : memref<10000xf32, #tpu.memory_space<vmem>>, vector<16xf32>,
        tpu.vector_store %arg12[%swap3A], %exp3A {strides = array<i32>} : memref<10000xf32, #tpu.memory_space<vmem>>, vector<16xf32>,
        tpu.vector_store_idx %run_scoped3A_5[%get3A_26], %exp3A {add = true} : memref<10000xf32, #tpu.memory_space<vmem>>[vector<16xi32>], vector<16xf32>,
        %get3A_39 = arith.index_cast %scan3A_20 : i32 to index
        %get3A_40 = arith.constant 16 : index
        %get3A_41 = tpu.vector_load %arg10[%get3A_39, %get3A_40] {strides = array<i32>} : memref<125x80xi32, #tpu.memory_space<vmem>>, vector<16xi32>,
        %get3A_42 = arith.index_cast %scan3A_20 : i32 to index
        %get3A_43 = arith.constant 16 : index
        %get3A_44 = tpu.vector_load %arg11[%get3A_42, %get3A_43] {strides = array<i32>} : memref<125x80xi32, #tpu.memory_space<vmem>>, vector<16xi32>,
        %gather3A_45 = tpu.vector_load_idx %run_scoped3A[%get3A_41] : memref<10000xf32, #tpu.memory_space<vmem>>[vector<16xi32>], vector<16xf32>,
        %gather3A_46 = tpu.vector_load_idx %run_scoped3A_4[%get3A_44] : memref<10000xf32, #tpu.memory_space<vmem>>[vector<16xi32>], vector<16xf32>,
        %add3A_47 = arith.addf %gather3A_45, %gather3A_46 : vector<16xf32>
        %gt3A_48 = arith.constant 0.000000e+00 : f32
        %gt3A_49 = vector.broadcast %gt3A_48 : f32 to vector<16xf32>
        %gt3A_50 = arith.cmpf ogt, %add3A_47, %gt3A_49 : vector<16xf32>
        %mul3A_51 = arith.constant 2.000000e-01 : f32
        %mul3A_52 = vector.broadcast %mul3A_51 : f32 to vector<16xf32>
        %mul3A_53 = arith.mulf %add3A_47, %mul3A_52 : vector<16xf32>
        %select_n3A_54 = arith.select %gt3A_50, %add3A_47, %mul3A_53 : vector<16xi1>, vector<16xf32>
        %exp3A_55 = math.exp %select_n3A_54 : vector<16xf32>
        %mul3A_56 = arith.constant 80 : i32
        %mul3A_57 = arith.muli %scan3A_20, %mul3A_56 : i32
        %add3A_58 = arith.constant 16 : i32
        %add3A_59 = arith.addi %mul3A_57, %add3A_58 : i32
        %swap3A_60 = arith.index_cast %add3A_59 : i32 to index
        %swap3A_61 = tpu.vector_load %arg12[%swap3A_60] {strides = array<i32>} : memref<10000xf32, #tpu.memory_space<vmem>>, vector<16xf32>,
        tpu.vector_store %arg12[%swap3A_60], %exp3A_55 {strides = array<i32>} : memref<10000xf32, #tpu.memory_space<vmem>>, vector<16xf32>,
        tpu.vector_store_idx %run_scoped3A_5[%get3A_44], %exp3A_55 {add = true} : memref<10000xf32, #tpu.memory_space<vmem>>[vector<16xi32>], vector<16xf32>,
        %get3A_62 = arith.index_cast %scan3A_20 : i32 to index
        %get3A_63 = arith.constant 32 : index
        %get3A_64 = tpu.vector_load %arg10[%get3A_62, %get3A_63] {strides = array<i32>} : memref<125x80xi32, #tpu.memory_space<vmem>>, vector<16xi32>,
        %get3A_65 = arith.index_cast %scan3A_20 : i32 to index
        %get3A_66 = arith.constant 32 : index
        %get3A_67 = tpu.vector_load %arg11[%get3A_65, %get3A_66] {strides = array<i32>} : memref<125x80xi32, #tpu.memory_space<vmem>>, vector<16xi32>,
        %gather3A_68 = tpu.vector_load_idx %run_scoped3A[%get3A_64] : memref<10000xf32, #tpu.memory_space<vmem>>[vector<16xi32>], vector<16xf32>,
        %gather3A_69 = tpu.vector_load_idx %run_scoped3A_4[%get3A_67] : memref<10000xf32, #tpu.memory_space<vmem>>[vector<16xi32>], vector<16xf32>,
        %add3A_70 = arith.addf %gather3A_68, %gather3A_69 : vector<16xf32>
        %gt3A_71 = arith.constant 0.000000e+00 : f32
        %gt3A_72 = vector.broadcast %gt3A_71 : f32 to vector<16xf32>
        %gt3A_73 = arith.cmpf ogt, %add3A_70, %gt3A_72 : vector<16xf32>
        %mul3A_74 = arith.constant 2.000000e-01 : f32
        %mul3A_75 = vector.broadcast %mul3A_74 : f32 to vector<16xf32>
        %mul3A_76 = arith.mulf %add3A_70, %mul3A_75 : vector<16xf32>
        %select_n3A_77 = arith.select %gt3A_73, %add3A_70, %mul3A_76 : vector<16xi1>, vector<16xf32>
        %exp3A_78 = math.exp %select_n3A_77 : vector<16xf32>
        %mul3A_79 = arith.constant 80 : i32
        %mul3A_80 = arith.muli %scan3A_20, %mul3A_79 : i32
        %add3A_81 = arith.constant 32 : i32
        %add3A_82 = arith.addi %mul3A_80, %add3A_81 : i32
        %swap3A_83 = arith.index_cast %add3A_82 : i32 to index
        %swap3A_84 = tpu.vector_load %arg12[%swap3A_83] {strides = array<i32>} : memref<10000xf32, #tpu.memory_space<vmem>>, vector<16xf32>,
        tpu.vector_store %arg12[%swap3A_83], %exp3A_78 {strides = array<i32>} : memref<10000xf32, #tpu.memory_space<vmem>>, vector<16xf32>,
        tpu.vector_store_idx %run_scoped3A_5[%get3A_67], %exp3A_78 {add = true} : memref<10000xf32, #tpu.memory_space<vmem>>[vector<16xi32>], vector<16xf32>,
        %get3A_85 = arith.index_cast %scan3A_20 : i32 to index
        %get3A_86 = arith.constant 48 : index
        %get3A_87 = tpu.vector_load %arg10[%get3A_85, %get3A_86] {strides = array<i32>} : memref<125x80xi32, #tpu.memory_space<vmem>>, vector<16xi32>,
        %get3A_88 = arith.index_cast %scan3A_20 : i32 to index
        %get3A_89 = arith.constant 48 : index
        %get3A_90 = tpu.vector_load %arg11[%get3A_88, %get3A_89] {strides = array<i32>} : memref<125x80xi32, #tpu.memory_space<vmem>>, vector<16xi32>,
        %gather3A_91 = tpu.vector_load_idx %run_scoped3A[%get3A_87] : memref<10000xf32, #tpu.memory_space<vmem>>[vector<16xi32>], vector<16xf32>,
        %gather3A_92 = tpu.vector_load_idx %run_scoped3A_4[%get3A_90] : memref<10000xf32, #tpu.memory_space<vmem>>[vector<16xi32>], vector<16xf32>,
        %add3A_93 = arith.addf %gather3A_91, %gather3A_92 : vector<16xf32>
        %gt3A_94 = arith.constant 0.000000e+00 : f32
        %gt3A_95 = vector.broadcast %gt3A_94 : f32 to vector<16xf32>
        %gt3A_96 = arith.cmpf ogt, %add3A_93, %gt3A_95 : vector<16xf32>
        %mul3A_97 = arith.constant 2.000000e-01 : f32
        %mul3A_98 = vector.broadcast %mul3A_97 : f32 to vector<16xf32>
        %mul3A_99 = arith.mulf %add3A_93, %mul3A_98 : vector<16xf32>
        %select_n3A_100 = arith.select %gt3A_96, %add3A_93, %mul3A_99 : vector<16xi1>, vector<16xf32>
        %exp3A_101 = math.exp %select_n3A_100 : vector<16xf32>
        %mul3A_102 = arith.constant 80 : i32
        %mul3A_103 = arith.muli %scan3A_20, %mul3A_102 : i32
        %add3A_104 = arith.constant 48 : i32
        %add3A_105 = arith.addi %mul3A_103, %add3A_104 : i32
        %swap3A_106 = arith.index_cast %add3A_105 : i32 to index
        %swap3A_107 = tpu.vector_load %arg12[%swap3A_106] {strides = array<i32>} : memref<10000xf32, #tpu.memory_space<vmem>>, vector<16xf32>,
        tpu.vector_store %arg12[%swap3A_106], %exp3A_101 {strides = array<i32>} : memref<10000xf32, #tpu.memory_space<vmem>>, vector<16xf32>,
        tpu.vector_store_idx %run_scoped3A_5[%get3A_90], %exp3A_101 {add = true} : memref<10000xf32, #tpu.memory_space<vmem>>[vector<16xi32>], vector<16xf32>,
        %get3A_108 = arith.index_cast %scan3A_20 : i32 to index
        %get3A_109 = arith.constant 64 : index
        %get3A_110 = tpu.vector_load %arg10[%get3A_108, %get3A_109] {strides = array<i32>} : memref<125x80xi32, #tpu.memory_space<vmem>>, vector<16xi32>,
        %get3A_111 = arith.index_cast %scan3A_20 : i32 to index
        %get3A_112 = arith.constant 64 : index
        %get3A_113 = tpu.vector_load %arg11[%get3A_111, %get3A_112] {strides = array<i32>} : memref<125x80xi32, #tpu.memory_space<vmem>>, vector<16xi32>,
        %gather3A_114 = tpu.vector_load_idx %run_scoped3A[%get3A_110] : memref<10000xf32, #tpu.memory_space<vmem>>[vector<16xi32>], vector<16xf32>,
        %gather3A_115 = tpu.vector_load_idx %run_scoped3A_4[%get3A_113] : memref<10000xf32, #tpu.memory_space<vmem>>[vector<16xi32>], vector<16xf32>,
        %add3A_116 = arith.addf %gather3A_114, %gather3A_115 : vector<16xf32>
        %gt3A_117 = arith.constant 0.000000e+00 : f32
        %gt3A_118 = vector.broadcast %gt3A_117 : f32 to vector<16xf32>
        %gt3A_119 = arith.cmpf ogt, %add3A_116, %gt3A_118 : vector<16xf32>
        %mul3A_120 = arith.constant 2.000000e-01 : f32
        %mul3A_121 = vector.broadcast %mul3A_120 : f32 to vector<16xf32>
        %mul3A_122 = arith.mulf %add3A_116, %mul3A_121 : vector<16xf32>
        %select_n3A_123 = arith.select %gt3A_119, %add3A_116, %mul3A_122 : vector<16xi1>, vector<16xf32>
        %exp3A_124 = math.exp %select_n3A_123 : vector<16xf32>
        %mul3A_125 = arith.constant 80 : i32
        %mul3A_126 = arith.muli %scan3A_20, %mul3A_125 : i32
        %add3A_127 = arith.constant 64 : i32
        %add3A_128 = arith.addi %mul3A_126, %add3A_127 : i32
        %swap3A_129 = arith.index_cast %add3A_128 : i32 to index
        %swap3A_130 = tpu.vector_load %arg12[%swap3A_129] {strides = array<i32>} : memref<10000xf32, #tpu.memory_space<vmem>>, vector<16xf32>,
        tpu.vector_store %arg12[%swap3A_129], %exp3A_124 {strides = array<i32>} : memref<10000xf32, #tpu.memory_space<vmem>>, vector<16xf32>,
        tpu.vector_store_idx %run_scoped3A_5[%get3A_113], %exp3A_124 {add = true} : memref<10000xf32, #tpu.memory_space<vmem>>[vector<16xi32>], vector<16xf32>,
        %scan3A_131 = arith.constant 0 : i32
        scf.yield %scan3A_131 : i32
      }
      %scan3A_18 = arith.constant 125 : i32
      %run_scoped3A_19 = arith.constant 0 : i32
      "tpu.region"() ({
        %run_scoped3A_20 = tpu.sem_alloc : memref<!tpu.dma_semaphore, #tpu.memory_space<semaphore_mem>>
        %dma_start3A = arith.constant 0 : i32
        %dma_start3A_21 = tpu.memref_slice %arg8[%add3A, %run_scoped3A_19, %dma_start3A] : memref<32x1x10000xf32, #tpu.memory_space<hbm>> -> memref<1x1x10000xf32, #tpu.memory_space<hbm>>
        %dma_start3A_22 = tpu.memref_squeeze %dma_start3A_21 : memref<1x1x10000xf32, #tpu.memory_space<hbm>> -> memref<10000xf32, #tpu.memory_space<hbm>>
        %dma_start3A_23 = arith.constant 0 : i32
        %dma_start3A_24 = tpu.memref_slice %arg8[%add3A, %run_scoped3A_19, %dma_start3A_23] : memref<32x1x10000xf32, #tpu.memory_space<hbm>> -> memref<1x1x10000xf32, #tpu.memory_space<hbm>>
        %dma_start3A_25 = tpu.memref_squeeze %dma_start3A_24 : memref<1x1x10000xf32, #tpu.memory_space<hbm>> -> memref<10000xf32, #tpu.memory_space<hbm>>
        tpu.enqueue_dma source(%run_scoped3A_5 : memref<10000xf32, #tpu.memory_space<vmem>>) target(%dma_start3A_25 : memref<10000xf32, #tpu.memory_space<hbm>>) target_semaphore(%run_scoped3A_20 : memref<!tpu.dma_semaphore, #tpu.memory_space<semaphore_mem>>)
        %dma_wait3A = arith.constant 0 : i32
        %dma_wait3A_26 = tpu.memref_slice %arg8[%add3A, %run_scoped3A_19, %dma_wait3A] : memref<32x1x10000xf32, #tpu.memory_space<hbm>> -> memref<1x1x10000xf32, #tpu.memory_space<hbm>>
        %dma_wait3A_27 = tpu.memref_squeeze %dma_wait3A_26 : memref<1x1x10000xf32, #tpu.memory_space<hbm>> -> memref<10000xf32, #tpu.memory_space<hbm>>
        %dma_wait3A_28 = arith.constant 0 : i32
        %dma_wait3A_29 = tpu.memref_slice %arg8[%add3A, %run_scoped3A_19, %dma_wait3A_28] : memref<32x1x10000xf32, #tpu.memory_space<hbm>> -> memref<1x1x10000xf32, #tpu.memory_space<hbm>>
        %dma_wait3A_30 = tpu.memref_squeeze %dma_wait3A_29 : memref<1x1x10000xf32, #tpu.memory_space<hbm>> -> memref<10000xf32, #tpu.memory_space<hbm>>
        tpu.wait_dma2 semaphore(%run_scoped3A_20 : memref<!tpu.dma_semaphore, #tpu.memory_space<semaphore_mem>>) src(%run_scoped3A_5 : memref<10000xf32, #tpu.memory_space<vmem>>) dst(%dma_wait3A_30 : memref<10000xf32, #tpu.memory_space<hbm>>)
        tpu.yield
      }) : () -> ()
      tpu.yield
    }) : () -> ()
    "tpu.region"() ({
      %run_scoped3A = memref.alloca() : memref<400x64xf32, #tpu.memory_space<vmem>>
      %run_scoped3A_4 = memref.alloca() : memref<400x64xf32, #tpu.memory_space<vmem>>
      %scan3A = arith.constant 0 : i32
      %scan3A_5 = arith.constant 0 : i32
      %scan3A_6 = arith.constant 400 : i32
      %scan3A_7 = arith.addi %scan3A_5, %scan3A_6 : i32
      %scan3A_8 = arith.constant 1 : i32
      %scan3A_9 = scf.for %scan3A_119 = %scan3A_5 to %scan3A_7 step %scan3A_8 iter_args(%scan3A_120 = %scan3A) -> (i32)  : i32 {
        %swap3A = arith.index_cast %scan3A_119 : i32 to index
        %swap3A_121 = arith.constant 0 : index
        %swap3A_122 = tpu.vector_load %run_scoped3A[%swap3A, %swap3A_121] {strides = array<i32>} : memref<400x64xf32, #tpu.memory_space<vmem>>, vector<16xf32>,
        tpu.vector_store %run_scoped3A[%swap3A, %swap3A_121], %broadcast_in_dim3A_3 {strides = array<i32>} : memref<400x64xf32, #tpu.memory_space<vmem>>, vector<16xf32>,
        %swap3A_123 = arith.index_cast %scan3A_119 : i32 to index
        %swap3A_124 = arith.constant 16 : index
        %swap3A_125 = tpu.vector_load %run_scoped3A[%swap3A_123, %swap3A_124] {strides = array<i32>} : memref<400x64xf32, #tpu.memory_space<vmem>>, vector<16xf32>,
        tpu.vector_store %run_scoped3A[%swap3A_123, %swap3A_124], %broadcast_in_dim3A_3 {strides = array<i32>} : memref<400x64xf32, #tpu.memory_space<vmem>>, vector<16xf32>,
        %swap3A_126 = arith.index_cast %scan3A_119 : i32 to index
        %swap3A_127 = arith.constant 32 : index
        %swap3A_128 = tpu.vector_load %run_scoped3A[%swap3A_126, %swap3A_127] {strides = array<i32>} : memref<400x64xf32, #tpu.memory_space<vmem>>, vector<16xf32>,
        tpu.vector_store %run_scoped3A[%swap3A_126, %swap3A_127], %broadcast_in_dim3A_3 {strides = array<i32>} : memref<400x64xf32, #tpu.memory_space<vmem>>, vector<16xf32>,
        %swap3A_129 = arith.index_cast %scan3A_119 : i32 to index
        %swap3A_130 = arith.constant 48 : index
        %swap3A_131 = tpu.vector_load %run_scoped3A[%swap3A_129, %swap3A_130] {strides = array<i32>} : memref<400x64xf32, #tpu.memory_space<vmem>>, vector<16xf32>,
        tpu.vector_store %run_scoped3A[%swap3A_129, %swap3A_130], %broadcast_in_dim3A_3 {strides = array<i32>} : memref<400x64xf32, #tpu.memory_space<vmem>>, vector<16xf32>,
        %scan3A_132 = arith.constant 0 : i32
        scf.yield %scan3A_132 : i32
      }
      %scan3A_10 = arith.constant 400 : i32
      "tpu.region"() ({
        %run_scoped3A_119 = tpu.sem_alloc : memref<!tpu.dma_semaphore, #tpu.memory_space<semaphore_mem>>
        %dma_start3A_120 = arith.constant 0 : i32
        %dma_start3A_121 = tpu.memref_slice %arg9[%mul3A_2, %dma_start3A_120] : memref<10000x64xf32, #tpu.memory_space<vmem_shared>> -> memref<400x64xf32, #tpu.memory_space<vmem_shared>>
        %dma_start3A_122 = arith.constant 0 : i32
        %dma_start3A_123 = tpu.memref_slice %arg9[%mul3A_2, %dma_start3A_122] : memref<10000x64xf32, #tpu.memory_space<vmem_shared>> -> memref<400x64xf32, #tpu.memory_space<vmem_shared>>
        tpu.enqueue_dma source(%run_scoped3A : memref<400x64xf32, #tpu.memory_space<vmem>>) target(%dma_start3A_123 : memref<400x64xf32, #tpu.memory_space<vmem_shared>>) target_semaphore(%run_scoped3A_119 : memref<!tpu.dma_semaphore, #tpu.memory_space<semaphore_mem>>)
        %dma_wait3A_124 = arith.constant 0 : i32
        %dma_wait3A_125 = tpu.memref_slice %arg9[%mul3A_2, %dma_wait3A_124] : memref<10000x64xf32, #tpu.memory_space<vmem_shared>> -> memref<400x64xf32, #tpu.memory_space<vmem_shared>>
        %dma_wait3A_126 = arith.constant 0 : i32
        %dma_wait3A_127 = tpu.memref_slice %arg9[%mul3A_2, %dma_wait3A_126] : memref<10000x64xf32, #tpu.memory_space<vmem_shared>> -> memref<400x64xf32, #tpu.memory_space<vmem_shared>>
        tpu.wait_dma2 semaphore(%run_scoped3A_119 : memref<!tpu.dma_semaphore, #tpu.memory_space<semaphore_mem>>) src(%run_scoped3A : memref<400x64xf32, #tpu.memory_space<vmem>>) dst(%dma_wait3A_127 : memref<400x64xf32, #tpu.memory_space<vmem_shared>>)
        tpu.yield
      }) : () -> ()
      %add3A_11 = arith.constant 400 : i32
      %add3A_12 = arith.addi %mul3A_2, %add3A_11 : i32
      "tpu.region"() ({
        %run_scoped3A_119 = tpu.sem_alloc : memref<!tpu.dma_semaphore, #tpu.memory_space<semaphore_mem>>
        %dma_start3A_120 = arith.constant 0 : i32
        %dma_start3A_121 = arith.constant 0 : i32
        %dma_start3A_122 = tpu.memref_slice %run_scoped3A[%dma_start3A_120, %dma_start3A_121] : memref<400x64xf32, #tpu.memory_space<vmem>> -> memref<240x64xf32, #tpu.memory_space<vmem>>
        %dma_start3A_123 = arith.constant 0 : i32
        %dma_start3A_124 = tpu.memref_slice %arg9[%add3A_12, %dma_start3A_123] : memref<10000x64xf32, #tpu.memory_space<vmem_shared>> -> memref<240x64xf32, #tpu.memory_space<vmem_shared>>
        %dma_start3A_125 = arith.constant 0 : i32
        %dma_start3A_126 = tpu.memref_slice %arg9[%add3A_12, %dma_start3A_125] : memref<10000x64xf32, #tpu.memory_space<vmem_shared>> -> memref<240x64xf32, #tpu.memory_space<vmem_shared>>
        %dma_start3A_127 = arith.constant 0 : i32
        %dma_start3A_128 = arith.constant 0 : i32
        %dma_start3A_129 = tpu.memref_slice %run_scoped3A[%dma_start3A_127, %dma_start3A_128] : memref<400x64xf32, #tpu.memory_space<vmem>> -> memref<240x64xf32, #tpu.memory_space<vmem>>
        tpu.enqueue_dma source(%dma_start3A_129 : memref<240x64xf32, #tpu.memory_space<vmem>>) target(%dma_start3A_126 : memref<240x64xf32, #tpu.memory_space<vmem_shared>>) target_semaphore(%run_scoped3A_119 : memref<!tpu.dma_semaphore, #tpu.memory_space<semaphore_mem>>)
        %dma_wait3A_130 = arith.constant 0 : i32
        %dma_wait3A_131 = arith.constant 0 : i32
        %dma_wait3A_132 = tpu.memref_slice %run_scoped3A[%dma_wait3A_130, %dma_wait3A_131] : memref<400x64xf32, #tpu.memory_space<vmem>> -> memref<240x64xf32, #tpu.memory_space<vmem>>
        %dma_wait3A_133 = arith.constant 0 : i32
        %dma_wait3A_134 = tpu.memref_slice %arg9[%add3A_12, %dma_wait3A_133] : memref<10000x64xf32, #tpu.memory_space<vmem_shared>> -> memref<240x64xf32, #tpu.memory_space<vmem_shared>>
        %dma_wait3A_135 = arith.constant 0 : i32
        %dma_wait3A_136 = tpu.memref_slice %arg9[%add3A_12, %dma_wait3A_135] : memref<10000x64xf32, #tpu.memory_space<vmem_shared>> -> memref<240x64xf32, #tpu.memory_space<vmem_shared>>
        %dma_wait3A_137 = arith.constant 0 : i32
        %dma_wait3A_138 = arith.constant 0 : i32
        %dma_wait3A_139 = tpu.memref_slice %run_scoped3A[%dma_wait3A_137, %dma_wait3A_138] : memref<400x64xf32, #tpu.memory_space<vmem>> -> memref<240x64xf32, #tpu.memory_space<vmem>>
        tpu.wait_dma2 semaphore(%run_scoped3A_119 : memref<!tpu.dma_semaphore, #tpu.memory_space<semaphore_mem>>) src(%dma_wait3A_139 : memref<240x64xf32, #tpu.memory_space<vmem>>) dst(%dma_wait3A_136 : memref<240x64xf32, #tpu.memory_space<vmem_shared>>)
        tpu.yield
      }) : () -> ()
      %barrier3A_13 = arith.constant 0 : index
      tpu.barrier barrier_id(%barrier3A_13)
      %dma_start3A = arith.constant 0 : i32
      %dma_start3A_14 = arith.constant 0 : i32
      %dma_start3A_15 = arith.constant 0 : i32
      %dma_start3A_16 = tpu.memref_slice %run_scoped3A[%dma_start3A_14, %dma_start3A_15] : memref<400x64xf32, #tpu.memory_space<vmem>> -> memref<80x64xf32, #tpu.memory_space<vmem>>
      %dma_start3A_17 = arith.constant 0 : i32
      %dma_start3A_18 = tpu.memref_slice %arg10[%dma_start3A, %dma_start3A_17] : memref<125x80xi32, #tpu.memory_space<vmem>> -> memref<1x80xi32, #tpu.memory_space<vmem>>
      %dma_start3A_19 = tpu.memref_squeeze %dma_start3A_18 : memref<1x80xi32, #tpu.memory_space<vmem>> -> memref<80xi32, #tpu.memory_space<vmem>>
      %dma_start3A_20 = arith.constant 0 : i32
      %dma_start3A_21 = arith.constant 0 : i32
      %dma_start3A_22 = tpu.memref_slice %arg6[%dma_start3A_20, %dma_start3A_21] : memref<10000x64xf32, #tpu.memory_space<hbm>> -> memref<10000x64xf32, #tpu.memory_space<hbm>>
      tpu.enqueue_indirect_dma source(%dma_start3A_22 : memref<10000x64xf32, #tpu.memory_space<hbm>>) target(%dma_start3A_16 : memref<80x64xf32, #tpu.memory_space<vmem>>) offsets(%dma_start3A_19 : memref<80xi32, #tpu.memory_space<vmem>>) semaphore(%arg13 : memref<!tpu.dma_semaphore, #tpu.memory_space<semaphore_mem>>)
      %dma_start3A_23 = arith.constant 1 : i32
      %dma_start3A_24 = arith.constant 80 : i32
      %dma_start3A_25 = arith.constant 0 : i32
      %dma_start3A_26 = tpu.memref_slice %run_scoped3A[%dma_start3A_24, %dma_start3A_25] : memref<400x64xf32, #tpu.memory_space<vmem>> -> memref<80x64xf32, #tpu.memory_space<vmem>>
      %dma_start3A_27 = arith.constant 0 : i32
      %dma_start3A_28 = tpu.memref_slice %arg10[%dma_start3A_23, %dma_start3A_27] : memref<125x80xi32, #tpu.memory_space<vmem>> -> memref<1x80xi32, #tpu.memory_space<vmem>>
      %dma_start3A_29 = tpu.memref_squeeze %dma_start3A_28 : memref<1x80xi32, #tpu.memory_space<vmem>> -> memref<80xi32, #tpu.memory_space<vmem>>
      %dma_start3A_30 = arith.constant 0 : i32
      %dma_start3A_31 = arith.constant 0 : i32
      %dma_start3A_32 = tpu.memref_slice %arg6[%dma_start3A_30, %dma_start3A_31] : memref<10000x64xf32, #tpu.memory_space<hbm>> -> memref<10000x64xf32, #tpu.memory_space<hbm>>
      tpu.enqueue_indirect_dma source(%dma_start3A_32 : memref<10000x64xf32, #tpu.memory_space<hbm>>) target(%dma_start3A_26 : memref<80x64xf32, #tpu.memory_space<vmem>>) offsets(%dma_start3A_29 : memref<80xi32, #tpu.memory_space<vmem>>) semaphore(%arg13 : memref<!tpu.dma_semaphore, #tpu.memory_space<semaphore_mem>>)
      %dma_start3A_33 = arith.constant 2 : i32
      %dma_start3A_34 = arith.constant 160 : i32
      %dma_start3A_35 = arith.constant 0 : i32
      %dma_start3A_36 = tpu.memref_slice %run_scoped3A[%dma_start3A_34, %dma_start3A_35] : memref<400x64xf32, #tpu.memory_space<vmem>> -> memref<80x64xf32, #tpu.memory_space<vmem>>
      %dma_start3A_37 = arith.constant 0 : i32
      %dma_start3A_38 = tpu.memref_slice %arg10[%dma_start3A_33, %dma_start3A_37] : memref<125x80xi32, #tpu.memory_space<vmem>> -> memref<1x80xi32, #tpu.memory_space<vmem>>
      %dma_start3A_39 = tpu.memref_squeeze %dma_start3A_38 : memref<1x80xi32, #tpu.memory_space<vmem>> -> memref<80xi32, #tpu.memory_space<vmem>>
      %dma_start3A_40 = arith.constant 0 : i32
      %dma_start3A_41 = arith.constant 0 : i32
      %dma_start3A_42 = tpu.memref_slice %arg6[%dma_start3A_40, %dma_start3A_41] : memref<10000x64xf32, #tpu.memory_space<hbm>> -> memref<10000x64xf32, #tpu.memory_space<hbm>>
      tpu.enqueue_indirect_dma source(%dma_start3A_42 : memref<10000x64xf32, #tpu.memory_space<hbm>>) target(%dma_start3A_36 : memref<80x64xf32, #tpu.memory_space<vmem>>) offsets(%dma_start3A_39 : memref<80xi32, #tpu.memory_space<vmem>>) semaphore(%arg13 : memref<!tpu.dma_semaphore, #tpu.memory_space<semaphore_mem>>)
      %dma_start3A_43 = arith.constant 3 : i32
      %dma_start3A_44 = arith.constant 240 : i32
      %dma_start3A_45 = arith.constant 0 : i32
      %dma_start3A_46 = tpu.memref_slice %run_scoped3A[%dma_start3A_44, %dma_start3A_45] : memref<400x64xf32, #tpu.memory_space<vmem>> -> memref<80x64xf32, #tpu.memory_space<vmem>>
      %dma_start3A_47 = arith.constant 0 : i32
      %dma_start3A_48 = tpu.memref_slice %arg10[%dma_start3A_43, %dma_start3A_47] : memref<125x80xi32, #tpu.memory_space<vmem>> -> memref<1x80xi32, #tpu.memory_space<vmem>>
      %dma_start3A_49 = tpu.memref_squeeze %dma_start3A_48 : memref<1x80xi32, #tpu.memory_space<vmem>> -> memref<80xi32, #tpu.memory_space<vmem>>
      %dma_start3A_50 = arith.constant 0 : i32
      %dma_start3A_51 = arith.constant 0 : i32
      %dma_start3A_52 = tpu.memref_slice %arg6[%dma_start3A_50, %dma_start3A_51] : memref<10000x64xf32, #tpu.memory_space<hbm>> -> memref<10000x64xf32, #tpu.memory_space<hbm>>
      tpu.enqueue_indirect_dma source(%dma_start3A_52 : memref<10000x64xf32, #tpu.memory_space<hbm>>) target(%dma_start3A_46 : memref<80x64xf32, #tpu.memory_space<vmem>>) offsets(%dma_start3A_49 : memref<80xi32, #tpu.memory_space<vmem>>) semaphore(%arg13 : memref<!tpu.dma_semaphore, #tpu.memory_space<semaphore_mem>>)
      %dma_start3A_53 = arith.constant 4 : i32
      %dma_start3A_54 = arith.constant 320 : i32
      %dma_start3A_55 = arith.constant 0 : i32
      %dma_start3A_56 = tpu.memref_slice %run_scoped3A[%dma_start3A_54, %dma_start3A_55] : memref<400x64xf32, #tpu.memory_space<vmem>> -> memref<80x64xf32, #tpu.memory_space<vmem>>
      %dma_start3A_57 = arith.constant 0 : i32
      %dma_start3A_58 = tpu.memref_slice %arg10[%dma_start3A_53, %dma_start3A_57] : memref<125x80xi32, #tpu.memory_space<vmem>> -> memref<1x80xi32, #tpu.memory_space<vmem>>
      %dma_start3A_59 = tpu.memref_squeeze %dma_start3A_58 : memref<1x80xi32, #tpu.memory_space<vmem>> -> memref<80xi32, #tpu.memory_space<vmem>>
      %dma_start3A_60 = arith.constant 0 : i32
      %dma_start3A_61 = arith.constant 0 : i32
      %dma_start3A_62 = tpu.memref_slice %arg6[%dma_start3A_60, %dma_start3A_61] : memref<10000x64xf32, #tpu.memory_space<hbm>> -> memref<10000x64xf32, #tpu.memory_space<hbm>>
      tpu.enqueue_indirect_dma source(%dma_start3A_62 : memref<10000x64xf32, #tpu.memory_space<hbm>>) target(%dma_start3A_56 : memref<80x64xf32, #tpu.memory_space<vmem>>) offsets(%dma_start3A_59 : memref<80xi32, #tpu.memory_space<vmem>>) semaphore(%arg13 : memref<!tpu.dma_semaphore, #tpu.memory_space<semaphore_mem>>)
      %scan3A_63 = arith.constant 0 : i32
      %scan3A_64 = arith.constant 0 : i32
      %scan3A_65 = arith.constant 25 : i32
      %scan3A_66 = arith.addi %scan3A_64, %scan3A_65 : i32
      %scan3A_67 = arith.constant 1 : i32
      %scan3A_68 = scf.for %scan3A_119 = %scan3A_64 to %scan3A_66 step %scan3A_67 iter_args(%scan3A_120 = %scan3A_63) -> (i32)  : i32 {
        %jit3A = arith.constant 2 : i32
        %eq3A = arith.constant 0 : i32
        %eq3A_121 = arith.cmpi eq, %jit3A, %eq3A : i32
        %jit3A_122 = arith.constant 1 : i32
        %select_n3A = arith.select %eq3A_121, %jit3A_122, %jit3A : i32
        %rem3A = arith.remsi %scan3A_119, %select_n3A : i32
        %ne3A = arith.constant 0 : i32
        %ne3A_123 = arith.cmpi ne, %rem3A, %ne3A : i32
        %lt3A = arith.constant 0 : i32
        %lt3A_124 = arith.cmpi slt, %rem3A, %lt3A : i32
        %lt3A_125 = arith.constant 0 : i32
        %lt3A_126 = arith.cmpi slt, %select_n3A, %lt3A_125 : i32
        %ne3A_127 = arith.xori %lt3A_124, %lt3A_126 : i1
        %and3A = arith.andi %ne3A_127, %ne3A_123 : i1
        %add3A_128 = arith.addi %rem3A, %select_n3A : i32
        %select_n3A_129 = arith.select %and3A, %add3A_128, %rem3A : i32
        %eq3A_130 = arith.constant 0 : i32
        %eq3A_131 = arith.cmpi eq, %select_n3A_129, %eq3A_130 : i32
        %convert_element_type3A = arith.extui %eq3A_131 : i1 to i32
        %cond3A = arith.constant 0 : i32
        %cond3A_132 = arith.cmpi ne, %convert_element_type3A, %cond3A : i32
        scf.if %cond3A_132 {
          %gt3A = arith.constant 0 : i32
          %gt3A_155 = arith.cmpi sgt, %scan3A_119, %gt3A : i32
          %convert_element_type3A_156 = arith.extui %gt3A_155 : i1 to i32
          %cond3A_157 = arith.constant 0 : i32
          %cond3A_158 = arith.cmpi ne, %convert_element_type3A_156, %cond3A_157 : i32
          scf.if %cond3A_158 {
            %sub3A = arith.constant 1 : i32
            %sub3A_301 = arith.subi %scan3A_119, %sub3A : i32
            %mul3A_302 = arith.constant 5 : i32
            %mul3A_303 = arith.muli %sub3A_301, %mul3A_302 : i32
            %add3A_304 = arith.constant 0 : i32
            %add3A_305 = arith.addi %mul3A_303, %add3A_304 : i32
            %dma_wait3A_306 = arith.constant 0 : i32
            %dma_wait3A_307 = arith.constant 0 : i32
            %dma_wait3A_308 = tpu.memref_slice %run_scoped3A_4[%dma_wait3A_306, %dma_wait3A_307] : memref<400x64xf32, #tpu.memory_space<vmem>> -> memref<80x64xf32, #tpu.memory_space<vmem>>
            %dma_wait3A_309 = arith.constant 0 : i32
            %dma_wait3A_310 = tpu.memref_slice %arg11[%add3A_305, %dma_wait3A_309] : memref<125x80xi32, #tpu.memory_space<vmem>> -> memref<1x80xi32, #tpu.memory_space<vmem>>
            %dma_wait3A_311 = tpu.memref_squeeze %dma_wait3A_310 : memref<1x80xi32, #tpu.memory_space<vmem>> -> memref<80xi32, #tpu.memory_space<vmem>>
            %dma_wait3A_312 = arith.constant 0 : i32
            %dma_wait3A_313 = arith.constant 0 : i32
            %dma_wait3A_314 = tpu.memref_slice %arg9[%dma_wait3A_312, %dma_wait3A_313] : memref<10000x64xf32, #tpu.memory_space<vmem_shared>> -> memref<10000x64xf32, #tpu.memory_space<vmem_shared>>
            tpu.wait_indirect_dma semaphore(%arg16 : memref<!tpu.dma_semaphore, #tpu.memory_space<semaphore_mem>>) src(%dma_wait3A_308 : memref<80x64xf32, #tpu.memory_space<vmem>>) dst(%dma_wait3A_314 : memref<10000x64xf32, #tpu.memory_space<vmem_shared>>)
            %mul3A_315 = arith.constant 5 : i32
            %mul3A_316 = arith.muli %sub3A_301, %mul3A_315 : i32
            %add3A_317 = arith.constant 1 : i32
            %add3A_318 = arith.addi %mul3A_316, %add3A_317 : i32
            %dma_wait3A_319 = arith.constant 80 : i32
            %dma_wait3A_320 = arith.constant 0 : i32
            %dma_wait3A_321 = tpu.memref_slice %run_scoped3A_4[%dma_wait3A_319, %dma_wait3A_320] : memref<400x64xf32, #tpu.memory_space<vmem>> -> memref<80x64xf32, #tpu.memory_space<vmem>>
            %dma_wait3A_322 = arith.constant 0 : i32
            %dma_wait3A_323 = tpu.memref_slice %arg11[%add3A_318, %dma_wait3A_322] : memref<125x80xi32, #tpu.memory_space<vmem>> -> memref<1x80xi32, #tpu.memory_space<vmem>>
            %dma_wait3A_324 = tpu.memref_squeeze %dma_wait3A_323 : memref<1x80xi32, #tpu.memory_space<vmem>> -> memref<80xi32, #tpu.memory_space<vmem>>
            %dma_wait3A_325 = arith.constant 0 : i32
            %dma_wait3A_326 = arith.constant 0 : i32
            %dma_wait3A_327 = tpu.memref_slice %arg9[%dma_wait3A_325, %dma_wait3A_326] : memref<10000x64xf32, #tpu.memory_space<vmem_shared>> -> memref<10000x64xf32, #tpu.memory_space<vmem_shared>>
            tpu.wait_indirect_dma semaphore(%arg16 : memref<!tpu.dma_semaphore, #tpu.memory_space<semaphore_mem>>) src(%dma_wait3A_321 : memref<80x64xf32, #tpu.memory_space<vmem>>) dst(%dma_wait3A_327 : memref<10000x64xf32, #tpu.memory_space<vmem_shared>>)
            %mul3A_328 = arith.constant 5 : i32
            %mul3A_329 = arith.muli %sub3A_301, %mul3A_328 : i32
            %add3A_330 = arith.constant 2 : i32
            %add3A_331 = arith.addi %mul3A_329, %add3A_330 : i32
            %dma_wait3A_332 = arith.constant 160 : i32
            %dma_wait3A_333 = arith.constant 0 : i32
            %dma_wait3A_334 = tpu.memref_slice %run_scoped3A_4[%dma_wait3A_332, %dma_wait3A_333] : memref<400x64xf32, #tpu.memory_space<vmem>> -> memref<80x64xf32, #tpu.memory_space<vmem>>
            %dma_wait3A_335 = arith.constant 0 : i32
            %dma_wait3A_336 = tpu.memref_slice %arg11[%add3A_331, %dma_wait3A_335] : memref<125x80xi32, #tpu.memory_space<vmem>> -> memref<1x80xi32, #tpu.memory_space<vmem>>
            %dma_wait3A_337 = tpu.memref_squeeze %dma_wait3A_336 : memref<1x80xi32, #tpu.memory_space<vmem>> -> memref<80xi32, #tpu.memory_space<vmem>>
            %dma_wait3A_338 = arith.constant 0 : i32
            %dma_wait3A_339 = arith.constant 0 : i32
            %dma_wait3A_340 = tpu.memref_slice %arg9[%dma_wait3A_338, %dma_wait3A_339] : memref<10000x64xf32, #tpu.memory_space<vmem_shared>> -> memref<10000x64xf32, #tpu.memory_space<vmem_shared>>
            tpu.wait_indirect_dma semaphore(%arg16 : memref<!tpu.dma_semaphore, #tpu.memory_space<semaphore_mem>>) src(%dma_wait3A_334 : memref<80x64xf32, #tpu.memory_space<vmem>>) dst(%dma_wait3A_340 : memref<10000x64xf32, #tpu.memory_space<vmem_shared>>)
            %mul3A_341 = arith.constant 5 : i32
            %mul3A_342 = arith.muli %sub3A_301, %mul3A_341 : i32
            %add3A_343 = arith.constant 3 : i32
            %add3A_344 = arith.addi %mul3A_342, %add3A_343 : i32
            %dma_wait3A_345 = arith.constant 240 : i32
            %dma_wait3A_346 = arith.constant 0 : i32
            %dma_wait3A_347 = tpu.memref_slice %run_scoped3A_4[%dma_wait3A_345, %dma_wait3A_346] : memref<400x64xf32, #tpu.memory_space<vmem>> -> memref<80x64xf32, #tpu.memory_space<vmem>>
            %dma_wait3A_348 = arith.constant 0 : i32
            %dma_wait3A_349 = tpu.memref_slice %arg11[%add3A_344, %dma_wait3A_348] : memref<125x80xi32, #tpu.memory_space<vmem>> -> memref<1x80xi32, #tpu.memory_space<vmem>>
            %dma_wait3A_350 = tpu.memref_squeeze %dma_wait3A_349 : memref<1x80xi32, #tpu.memory_space<vmem>> -> memref<80xi32, #tpu.memory_space<vmem>>
            %dma_wait3A_351 = arith.constant 0 : i32
            %dma_wait3A_352 = arith.constant 0 : i32
            %dma_wait3A_353 = tpu.memref_slice %arg9[%dma_wait3A_351, %dma_wait3A_352] : memref<10000x64xf32, #tpu.memory_space<vmem_shared>> -> memref<10000x64xf32, #tpu.memory_space<vmem_shared>>
            tpu.wait_indirect_dma semaphore(%arg16 : memref<!tpu.dma_semaphore, #tpu.memory_space<semaphore_mem>>) src(%dma_wait3A_347 : memref<80x64xf32, #tpu.memory_space<vmem>>) dst(%dma_wait3A_353 : memref<10000x64xf32, #tpu.memory_space<vmem_shared>>)
            %mul3A_354 = arith.constant 5 : i32
            %mul3A_355 = arith.muli %sub3A_301, %mul3A_354 : i32
            %add3A_356 = arith.constant 4 : i32
            %add3A_357 = arith.addi %mul3A_355, %add3A_356 : i32
            %dma_wait3A_358 = arith.constant 320 : i32
            %dma_wait3A_359 = arith.constant 0 : i32
            %dma_wait3A_360 = tpu.memref_slice %run_scoped3A_4[%dma_wait3A_358, %dma_wait3A_359] : memref<400x64xf32, #tpu.memory_space<vmem>> -> memref<80x64xf32, #tpu.memory_space<vmem>>
            %dma_wait3A_361 = arith.constant 0 : i32
            %dma_wait3A_362 = tpu.memref_slice %arg11[%add3A_357, %dma_wait3A_361] : memref<125x80xi32, #tpu.memory_space<vmem>> -> memref<1x80xi32, #tpu.memory_space<vmem>>
            %dma_wait3A_363 = tpu.memref_squeeze %dma_wait3A_362 : memref<1x80xi32, #tpu.memory_space<vmem>> -> memref<80xi32, #tpu.memory_space<vmem>>
            %dma_wait3A_364 = arith.constant 0 : i32
            %dma_wait3A_365 = arith.constant 0 : i32
            %dma_wait3A_366 = tpu.memref_slice %arg9[%dma_wait3A_364, %dma_wait3A_365] : memref<10000x64xf32, #tpu.memory_space<vmem_shared>> -> memref<10000x64xf32, #tpu.memory_space<vmem_shared>>
            tpu.wait_indirect_dma semaphore(%arg16 : memref<!tpu.dma_semaphore, #tpu.memory_space<semaphore_mem>>) src(%dma_wait3A_360 : memref<80x64xf32, #tpu.memory_space<vmem>>) dst(%dma_wait3A_366 : memref<10000x64xf32, #tpu.memory_space<vmem_shared>>)
          } else {
          }
          %lt3A_159 = arith.constant 24 : i32
          %lt3A_160 = arith.cmpi slt, %scan3A_119, %lt3A_159 : i32
          %convert_element_type3A_161 = arith.extui %lt3A_160 : i1 to i32
          %cond3A_162 = arith.constant 0 : i32
          %cond3A_163 = arith.cmpi ne, %convert_element_type3A_161, %cond3A_162 : i32
          scf.if %cond3A_163 {
            %add3A_301 = arith.constant 1 : i32
            %add3A_302 = arith.addi %scan3A_119, %add3A_301 : i32
            %mul3A_303 = arith.constant 5 : i32
            %mul3A_304 = arith.muli %add3A_302, %mul3A_303 : i32
            %add3A_305 = arith.constant 0 : i32
            %add3A_306 = arith.addi %mul3A_304, %add3A_305 : i32
            %dma_start3A_307 = arith.constant 0 : i32
            %dma_start3A_308 = arith.constant 0 : i32
            %dma_start3A_309 = tpu.memref_slice %run_scoped3A_4[%dma_start3A_307, %dma_start3A_308] : memref<400x64xf32, #tpu.memory_space<vmem>> -> memref<80x64xf32, #tpu.memory_space<vmem>>
            %dma_start3A_310 = arith.constant 0 : i32
            %dma_start3A_311 = tpu.memref_slice %arg10[%add3A_306, %dma_start3A_310] : memref<125x80xi32, #tpu.memory_space<vmem>> -> memref<1x80xi32, #tpu.memory_space<vmem>>
            %dma_start3A_312 = tpu.memref_squeeze %dma_start3A_311 : memref<1x80xi32, #tpu.memory_space<vmem>> -> memref<80xi32, #tpu.memory_space<vmem>>
            %dma_start3A_313 = arith.constant 0 : i32
            %dma_start3A_314 = arith.constant 0 : i32
            %dma_start3A_315 = tpu.memref_slice %arg6[%dma_start3A_313, %dma_start3A_314] : memref<10000x64xf32, #tpu.memory_space<hbm>> -> memref<10000x64xf32, #tpu.memory_space<hbm>>
            tpu.enqueue_indirect_dma source(%dma_start3A_315 : memref<10000x64xf32, #tpu.memory_space<hbm>>) target(%dma_start3A_309 : memref<80x64xf32, #tpu.memory_space<vmem>>) offsets(%dma_start3A_312 : memref<80xi32, #tpu.memory_space<vmem>>) semaphore(%arg14 : memref<!tpu.dma_semaphore, #tpu.memory_space<semaphore_mem>>)
            %mul3A_316 = arith.constant 5 : i32
            %mul3A_317 = arith.muli %add3A_302, %mul3A_316 : i32
            %add3A_318 = arith.constant 1 : i32
            %add3A_319 = arith.addi %mul3A_317, %add3A_318 : i32
            %dma_start3A_320 = arith.constant 80 : i32
            %dma_start3A_321 = arith.constant 0 : i32
            %dma_start3A_322 = tpu.memref_slice %run_scoped3A_4[%dma_start3A_320, %dma_start3A_321] : memref<400x64xf32, #tpu.memory_space<vmem>> -> memref<80x64xf32, #tpu.memory_space<vmem>>
            %dma_start3A_323 = arith.constant 0 : i32
            %dma_start3A_324 = tpu.memref_slice %arg10[%add3A_319, %dma_start3A_323] : memref<125x80xi32, #tpu.memory_space<vmem>> -> memref<1x80xi32, #tpu.memory_space<vmem>>
            %dma_start3A_325 = tpu.memref_squeeze %dma_start3A_324 : memref<1x80xi32, #tpu.memory_space<vmem>> -> memref<80xi32, #tpu.memory_space<vmem>>
            %dma_start3A_326 = arith.constant 0 : i32
            %dma_start3A_327 = arith.constant 0 : i32
            %dma_start3A_328 = tpu.memref_slice %arg6[%dma_start3A_326, %dma_start3A_327] : memref<10000x64xf32, #tpu.memory_space<hbm>> -> memref<10000x64xf32, #tpu.memory_space<hbm>>
            tpu.enqueue_indirect_dma source(%dma_start3A_328 : memref<10000x64xf32, #tpu.memory_space<hbm>>) target(%dma_start3A_322 : memref<80x64xf32, #tpu.memory_space<vmem>>) offsets(%dma_start3A_325 : memref<80xi32, #tpu.memory_space<vmem>>) semaphore(%arg14 : memref<!tpu.dma_semaphore, #tpu.memory_space<semaphore_mem>>)
            %mul3A_329 = arith.constant 5 : i32
            %mul3A_330 = arith.muli %add3A_302, %mul3A_329 : i32
            %add3A_331 = arith.constant 2 : i32
            %add3A_332 = arith.addi %mul3A_330, %add3A_331 : i32
            %dma_start3A_333 = arith.constant 160 : i32
            %dma_start3A_334 = arith.constant 0 : i32
            %dma_start3A_335 = tpu.memref_slice %run_scoped3A_4[%dma_start3A_333, %dma_start3A_334] : memref<400x64xf32, #tpu.memory_space<vmem>> -> memref<80x64xf32, #tpu.memory_space<vmem>>
            %dma_start3A_336 = arith.constant 0 : i32
            %dma_start3A_337 = tpu.memref_slice %arg10[%add3A_332, %dma_start3A_336] : memref<125x80xi32, #tpu.memory_space<vmem>> -> memref<1x80xi32, #tpu.memory_space<vmem>>
            %dma_start3A_338 = tpu.memref_squeeze %dma_start3A_337 : memref<1x80xi32, #tpu.memory_space<vmem>> -> memref<80xi32, #tpu.memory_space<vmem>>
            %dma_start3A_339 = arith.constant 0 : i32
            %dma_start3A_340 = arith.constant 0 : i32
            %dma_start3A_341 = tpu.memref_slice %arg6[%dma_start3A_339, %dma_start3A_340] : memref<10000x64xf32, #tpu.memory_space<hbm>> -> memref<10000x64xf32, #tpu.memory_space<hbm>>
            tpu.enqueue_indirect_dma source(%dma_start3A_341 : memref<10000x64xf32, #tpu.memory_space<hbm>>) target(%dma_start3A_335 : memref<80x64xf32, #tpu.memory_space<vmem>>) offsets(%dma_start3A_338 : memref<80xi32, #tpu.memory_space<vmem>>) semaphore(%arg14 : memref<!tpu.dma_semaphore, #tpu.memory_space<semaphore_mem>>)
            %mul3A_342 = arith.constant 5 : i32
            %mul3A_343 = arith.muli %add3A_302, %mul3A_342 : i32
            %add3A_344 = arith.constant 3 : i32
            %add3A_345 = arith.addi %mul3A_343, %add3A_344 : i32
            %dma_start3A_346 = arith.constant 240 : i32
            %dma_start3A_347 = arith.constant 0 : i32
            %dma_start3A_348 = tpu.memref_slice %run_scoped3A_4[%dma_start3A_346, %dma_start3A_347] : memref<400x64xf32, #tpu.memory_space<vmem>> -> memref<80x64xf32, #tpu.memory_space<vmem>>
            %dma_start3A_349 = arith.constant 0 : i32
            %dma_start3A_350 = tpu.memref_slice %arg10[%add3A_345, %dma_start3A_349] : memref<125x80xi32, #tpu.memory_space<vmem>> -> memref<1x80xi32, #tpu.memory_space<vmem>>
            %dma_start3A_351 = tpu.memref_squeeze %dma_start3A_350 : memref<1x80xi32, #tpu.memory_space<vmem>> -> memref<80xi32, #tpu.memory_space<vmem>>
            %dma_start3A_352 = arith.constant 0 : i32
            %dma_start3A_353 = arith.constant 0 : i32
            %dma_start3A_354 = tpu.memref_slice %arg6[%dma_start3A_352, %dma_start3A_353] : memref<10000x64xf32, #tpu.memory_space<hbm>> -> memref<10000x64xf32, #tpu.memory_space<hbm>>
            tpu.enqueue_indirect_dma source(%dma_start3A_354 : memref<10000x64xf32, #tpu.memory_space<hbm>>) target(%dma_start3A_348 : memref<80x64xf32, #tpu.memory_space<vmem>>) offsets(%dma_start3A_351 : memref<80xi32, #tpu.memory_space<vmem>>) semaphore(%arg14 : memref<!tpu.dma_semaphore, #tpu.memory_space<semaphore_mem>>)
            %mul3A_355 = arith.constant 5 : i32
            %mul3A_356 = arith.muli %add3A_302, %mul3A_355 : i32
            %add3A_357 = arith.constant 4 : i32
            %add3A_358 = arith.addi %mul3A_356, %add3A_357 : i32
            %dma_start3A_359 = arith.constant 320 : i32
            %dma_start3A_360 = arith.constant 0 : i32
            %dma_start3A_361 = tpu.memref_slice %run_scoped3A_4[%dma_start3A_359, %dma_start3A_360] : memref<400x64xf32, #tpu.memory_space<vmem>> -> memref<80x64xf32, #tpu.memory_space<vmem>>
            %dma_start3A_362 = arith.constant 0 : i32
            %dma_start3A_363 = tpu.memref_slice %arg10[%add3A_358, %dma_start3A_362] : memref<125x80xi32, #tpu.memory_space<vmem>> -> memref<1x80xi32, #tpu.memory_space<vmem>>
            %dma_start3A_364 = tpu.memref_squeeze %dma_start3A_363 : memref<1x80xi32, #tpu.memory_space<vmem>> -> memref<80xi32, #tpu.memory_space<vmem>>
            %dma_start3A_365 = arith.constant 0 : i32
            %dma_start3A_366 = arith.constant 0 : i32
            %dma_start3A_367 = tpu.memref_slice %arg6[%dma_start3A_365, %dma_start3A_366] : memref<10000x64xf32, #tpu.memory_space<hbm>> -> memref<10000x64xf32, #tpu.memory_space<hbm>>
            tpu.enqueue_indirect_dma source(%dma_start3A_367 : memref<10000x64xf32, #tpu.memory_space<hbm>>) target(%dma_start3A_361 : memref<80x64xf32, #tpu.memory_space<vmem>>) offsets(%dma_start3A_364 : memref<80xi32, #tpu.memory_space<vmem>>) semaphore(%arg14 : memref<!tpu.dma_semaphore, #tpu.memory_space<semaphore_mem>>)
          } else {
          }
          %mul3A_164 = arith.constant 5 : i32
          %mul3A_165 = arith.muli %scan3A_119, %mul3A_164 : i32
          %add3A_166 = arith.constant 0 : i32
          %add3A_167 = arith.addi %mul3A_165, %add3A_166 : i32
          %dma_wait3A_168 = arith.constant 0 : i32
          %dma_wait3A_169 = arith.constant 0 : i32
          %dma_wait3A_170 = tpu.memref_slice %run_scoped3A[%dma_wait3A_168, %dma_wait3A_169] : memref<400x64xf32, #tpu.memory_space<vmem>> -> memref<80x64xf32, #tpu.memory_space<vmem>>
          %dma_wait3A_171 = arith.constant 0 : i32
          %dma_wait3A_172 = tpu.memref_slice %arg10[%add3A_167, %dma_wait3A_171] : memref<125x80xi32, #tpu.memory_space<vmem>> -> memref<1x80xi32, #tpu.memory_space<vmem>>
          %dma_wait3A_173 = tpu.memref_squeeze %dma_wait3A_172 : memref<1x80xi32, #tpu.memory_space<vmem>> -> memref<80xi32, #tpu.memory_space<vmem>>
          %dma_wait3A_174 = arith.constant 0 : i32
          %dma_wait3A_175 = arith.constant 0 : i32
          %dma_wait3A_176 = tpu.memref_slice %arg6[%dma_wait3A_174, %dma_wait3A_175] : memref<10000x64xf32, #tpu.memory_space<hbm>> -> memref<10000x64xf32, #tpu.memory_space<hbm>>
          tpu.wait_indirect_dma semaphore(%arg13 : memref<!tpu.dma_semaphore, #tpu.memory_space<semaphore_mem>>) src(%dma_wait3A_176 : memref<10000x64xf32, #tpu.memory_space<hbm>>) dst(%dma_wait3A_170 : memref<80x64xf32, #tpu.memory_space<vmem>>)
          %mul3A_177 = arith.constant 5 : i32
          %mul3A_178 = arith.muli %scan3A_119, %mul3A_177 : i32
          %add3A_179 = arith.constant 1 : i32
          %add3A_180 = arith.addi %mul3A_178, %add3A_179 : i32
          %dma_wait3A_181 = arith.constant 80 : i32
          %dma_wait3A_182 = arith.constant 0 : i32
          %dma_wait3A_183 = tpu.memref_slice %run_scoped3A[%dma_wait3A_181, %dma_wait3A_182] : memref<400x64xf32, #tpu.memory_space<vmem>> -> memref<80x64xf32, #tpu.memory_space<vmem>>
          %dma_wait3A_184 = arith.constant 0 : i32
          %dma_wait3A_185 = tpu.memref_slice %arg10[%add3A_180, %dma_wait3A_184] : memref<125x80xi32, #tpu.memory_space<vmem>> -> memref<1x80xi32, #tpu.memory_space<vmem>>
          %dma_wait3A_186 = tpu.memref_squeeze %dma_wait3A_185 : memref<1x80xi32, #tpu.memory_space<vmem>> -> memref<80xi32, #tpu.memory_space<vmem>>
          %dma_wait3A_187 = arith.constant 0 : i32
          %dma_wait3A_188 = arith.constant 0 : i32
          %dma_wait3A_189 = tpu.memref_slice %arg6[%dma_wait3A_187, %dma_wait3A_188] : memref<10000x64xf32, #tpu.memory_space<hbm>> -> memref<10000x64xf32, #tpu.memory_space<hbm>>
          tpu.wait_indirect_dma semaphore(%arg13 : memref<!tpu.dma_semaphore, #tpu.memory_space<semaphore_mem>>) src(%dma_wait3A_189 : memref<10000x64xf32, #tpu.memory_space<hbm>>) dst(%dma_wait3A_183 : memref<80x64xf32, #tpu.memory_space<vmem>>)
          %mul3A_190 = arith.constant 5 : i32
          %mul3A_191 = arith.muli %scan3A_119, %mul3A_190 : i32
          %add3A_192 = arith.constant 2 : i32
          %add3A_193 = arith.addi %mul3A_191, %add3A_192 : i32
          %dma_wait3A_194 = arith.constant 160 : i32
          %dma_wait3A_195 = arith.constant 0 : i32
          %dma_wait3A_196 = tpu.memref_slice %run_scoped3A[%dma_wait3A_194, %dma_wait3A_195] : memref<400x64xf32, #tpu.memory_space<vmem>> -> memref<80x64xf32, #tpu.memory_space<vmem>>
          %dma_wait3A_197 = arith.constant 0 : i32
          %dma_wait3A_198 = tpu.memref_slice %arg10[%add3A_193, %dma_wait3A_197] : memref<125x80xi32, #tpu.memory_space<vmem>> -> memref<1x80xi32, #tpu.memory_space<vmem>>
          %dma_wait3A_199 = tpu.memref_squeeze %dma_wait3A_198 : memref<1x80xi32, #tpu.memory_space<vmem>> -> memref<80xi32, #tpu.memory_space<vmem>>
          %dma_wait3A_200 = arith.constant 0 : i32
          %dma_wait3A_201 = arith.constant 0 : i32
          %dma_wait3A_202 = tpu.memref_slice %arg6[%dma_wait3A_200, %dma_wait3A_201] : memref<10000x64xf32, #tpu.memory_space<hbm>> -> memref<10000x64xf32, #tpu.memory_space<hbm>>
          tpu.wait_indirect_dma semaphore(%arg13 : memref<!tpu.dma_semaphore, #tpu.memory_space<semaphore_mem>>) src(%dma_wait3A_202 : memref<10000x64xf32, #tpu.memory_space<hbm>>) dst(%dma_wait3A_196 : memref<80x64xf32, #tpu.memory_space<vmem>>)
          %mul3A_203 = arith.constant 5 : i32
          %mul3A_204 = arith.muli %scan3A_119, %mul3A_203 : i32
          %add3A_205 = arith.constant 3 : i32
          %add3A_206 = arith.addi %mul3A_204, %add3A_205 : i32
          %dma_wait3A_207 = arith.constant 240 : i32
          %dma_wait3A_208 = arith.constant 0 : i32
          %dma_wait3A_209 = tpu.memref_slice %run_scoped3A[%dma_wait3A_207, %dma_wait3A_208] : memref<400x64xf32, #tpu.memory_space<vmem>> -> memref<80x64xf32, #tpu.memory_space<vmem>>
          %dma_wait3A_210 = arith.constant 0 : i32
          %dma_wait3A_211 = tpu.memref_slice %arg10[%add3A_206, %dma_wait3A_210] : memref<125x80xi32, #tpu.memory_space<vmem>> -> memref<1x80xi32, #tpu.memory_space<vmem>>
          %dma_wait3A_212 = tpu.memref_squeeze %dma_wait3A_211 : memref<1x80xi32, #tpu.memory_space<vmem>> -> memref<80xi32, #tpu.memory_space<vmem>>
          %dma_wait3A_213 = arith.constant 0 : i32
          %dma_wait3A_214 = arith.constant 0 : i32
          %dma_wait3A_215 = tpu.memref_slice %arg6[%dma_wait3A_213, %dma_wait3A_214] : memref<10000x64xf32, #tpu.memory_space<hbm>> -> memref<10000x64xf32, #tpu.memory_space<hbm>>
          tpu.wait_indirect_dma semaphore(%arg13 : memref<!tpu.dma_semaphore, #tpu.memory_space<semaphore_mem>>) src(%dma_wait3A_215 : memref<10000x64xf32, #tpu.memory_space<hbm>>) dst(%dma_wait3A_209 : memref<80x64xf32, #tpu.memory_space<vmem>>)
          %mul3A_216 = arith.constant 5 : i32
          %mul3A_217 = arith.muli %scan3A_119, %mul3A_216 : i32
          %add3A_218 = arith.constant 4 : i32
          %add3A_219 = arith.addi %mul3A_217, %add3A_218 : i32
          %dma_wait3A_220 = arith.constant 320 : i32
          %dma_wait3A_221 = arith.constant 0 : i32
          %dma_wait3A_222 = tpu.memref_slice %run_scoped3A[%dma_wait3A_220, %dma_wait3A_221] : memref<400x64xf32, #tpu.memory_space<vmem>> -> memref<80x64xf32, #tpu.memory_space<vmem>>
          %dma_wait3A_223 = arith.constant 0 : i32
          %dma_wait3A_224 = tpu.memref_slice %arg10[%add3A_219, %dma_wait3A_223] : memref<125x80xi32, #tpu.memory_space<vmem>> -> memref<1x80xi32, #tpu.memory_space<vmem>>
          %dma_wait3A_225 = tpu.memref_squeeze %dma_wait3A_224 : memref<1x80xi32, #tpu.memory_space<vmem>> -> memref<80xi32, #tpu.memory_space<vmem>>
          %dma_wait3A_226 = arith.constant 0 : i32
          %dma_wait3A_227 = arith.constant 0 : i32
          %dma_wait3A_228 = tpu.memref_slice %arg6[%dma_wait3A_226, %dma_wait3A_227] : memref<10000x64xf32, #tpu.memory_space<hbm>> -> memref<10000x64xf32, #tpu.memory_space<hbm>>
          tpu.wait_indirect_dma semaphore(%arg13 : memref<!tpu.dma_semaphore, #tpu.memory_space<semaphore_mem>>) src(%dma_wait3A_228 : memref<10000x64xf32, #tpu.memory_space<hbm>>) dst(%dma_wait3A_222 : memref<80x64xf32, #tpu.memory_space<vmem>>)
          %scan3A_229 = arith.constant 0 : i32
          %scan3A_230 = arith.constant 0 : i32
          %scan3A_231 = arith.constant 400 : i32
          %scan3A_232 = arith.addi %scan3A_230, %scan3A_231 : i32
          %scan3A_233 = arith.constant 8 : i32
          %scan3A_234 = scf.for %scan3A_301 = %scan3A_230 to %scan3A_232 step %scan3A_233 iter_args(%scan3A_302 = %scan3A_229) -> (i32)  : i32 {
            %mul3A_303 = arith.constant 400 : i32
            %mul3A_304 = arith.muli %scan3A_119, %mul3A_303 : i32
            %add3A_305 = arith.addi %mul3A_304, %scan3A_301 : i32
            %broadcast_in_dim3A_306 = vector.broadcast %add3A_305 : i32 to vector<16xi32>
            %gather3A = tpu.vector_load_idx %arg12[%broadcast_in_dim3A_306] : memref<10000xf32, #tpu.memory_space<vmem>>[vector<16xi32>], vector<16xf32>,
            %get3A = arith.index_cast %scan3A_301 : i32 to index
            %get3A_307 = arith.constant 0 : index
            %get3A_308 = tpu.vector_load %run_scoped3A[%get3A, %get3A_307] {strides = array<i32>} : memref<400x64xf32, #tpu.memory_space<vmem>>, vector<16xf32>,
            %mul3A_309 = arith.mulf %get3A_308, %gather3A : vector<16xf32>
            %swap3A = arith.index_cast %scan3A_301 : i32 to index
            %swap3A_310 = arith.constant 0 : index
            %swap3A_311 = tpu.vector_load %run_scoped3A[%swap3A, %swap3A_310] {strides = array<i32>} : memref<400x64xf32, #tpu.memory_space<vmem>>, vector<16xf32>,
            tpu.vector_store %run_scoped3A[%swap3A, %swap3A_310], %mul3A_309 {strides = array<i32>} : memref<400x64xf32, #tpu.memory_space<vmem>>, vector<16xf32>,
            %get3A_312 = arith.index_cast %scan3A_301 : i32 to index
            %get3A_313 = arith.constant 16 : index
            %get3A_314 = tpu.vector_load %run_scoped3A[%get3A_312, %get3A_313] {strides = array<i32>} : memref<400x64xf32, #tpu.memory_space<vmem>>, vector<16xf32>,
            %mul3A_315 = arith.mulf %get3A_314, %gather3A : vector<16xf32>
            %swap3A_316 = arith.index_cast %scan3A_301 : i32 to index
            %swap3A_317 = arith.constant 16 : index
            %swap3A_318 = tpu.vector_load %run_scoped3A[%swap3A_316, %swap3A_317] {strides = array<i32>} : memref<400x64xf32, #tpu.memory_space<vmem>>, vector<16xf32>,
            tpu.vector_store %run_scoped3A[%swap3A_316, %swap3A_317], %mul3A_315 {strides = array<i32>} : memref<400x64xf32, #tpu.memory_space<vmem>>, vector<16xf32>,
            %get3A_319 = arith.index_cast %scan3A_301 : i32 to index
            %get3A_320 = arith.constant 32 : index
            %get3A_321 = tpu.vector_load %run_scoped3A[%get3A_319, %get3A_320] {strides = array<i32>} : memref<400x64xf32, #tpu.memory_space<vmem>>, vector<16xf32>,
            %mul3A_322 = arith.mulf %get3A_321, %gather3A : vector<16xf32>
            %swap3A_323 = arith.index_cast %scan3A_301 : i32 to index
            %swap3A_324 = arith.constant 32 : index
            %swap3A_325 = tpu.vector_load %run_scoped3A[%swap3A_323, %swap3A_324] {strides = array<i32>} : memref<400x64xf32, #tpu.memory_space<vmem>>, vector<16xf32>,
            tpu.vector_store %run_scoped3A[%swap3A_323, %swap3A_324], %mul3A_322 {strides = array<i32>} : memref<400x64xf32, #tpu.memory_space<vmem>>, vector<16xf32>,
            %get3A_326 = arith.index_cast %scan3A_301 : i32 to index
            %get3A_327 = arith.constant 48 : index
            %get3A_328 = tpu.vector_load %run_scoped3A[%get3A_326, %get3A_327] {strides = array<i32>} : memref<400x64xf32, #tpu.memory_space<vmem>>, vector<16xf32>,
            %mul3A_329 = arith.mulf %get3A_328, %gather3A : vector<16xf32>
            %swap3A_330 = arith.index_cast %scan3A_301 : i32 to index
            %swap3A_331 = arith.constant 48 : index
            %swap3A_332 = tpu.vector_load %run_scoped3A[%swap3A_330, %swap3A_331] {strides = array<i32>} : memref<400x64xf32, #tpu.memory_space<vmem>>, vector<16xf32>,
            tpu.vector_store %run_scoped3A[%swap3A_330, %swap3A_331], %mul3A_329 {strides = array<i32>} : memref<400x64xf32, #tpu.memory_space<vmem>>, vector<16xf32>,
            %scan3A_333 = arith.constant 0 : i32
            %scan3A_334 = arith.constant 1 : i32
            %scan3A_335 = arith.addi %scan3A_301, %scan3A_334 : i32
            %mul3A_336 = arith.constant 400 : i32
            %mul3A_337 = arith.muli %scan3A_119, %mul3A_336 : i32
            %add3A_338 = arith.addi %mul3A_337, %scan3A_335 : i32
            %broadcast_in_dim3A_339 = vector.broadcast %add3A_338 : i32 to vector<16xi32>
            %gather3A_340 = tpu.vector_load_idx %arg12[%broadcast_in_dim3A_339] : memref<10000xf32, #tpu.memory_space<vmem>>[vector<16xi32>], vector<16xf32>,
            %get3A_341 = arith.index_cast %scan3A_335 : i32 to index
            %get3A_342 = arith.constant 0 : index
            %get3A_343 = tpu.vector_load %run_scoped3A[%get3A_341, %get3A_342] {strides = array<i32>} : memref<400x64xf32, #tpu.memory_space<vmem>>, vector<16xf32>,
            %mul3A_344 = arith.mulf %get3A_343, %gather3A_340 : vector<16xf32>
            %swap3A_345 = arith.index_cast %scan3A_335 : i32 to index
            %swap3A_346 = arith.constant 0 : index
            %swap3A_347 = tpu.vector_load %run_scoped3A[%swap3A_345, %swap3A_346] {strides = array<i32>} : memref<400x64xf32, #tpu.memory_space<vmem>>, vector<16xf32>,
            tpu.vector_store %run_scoped3A[%swap3A_345, %swap3A_346], %mul3A_344 {strides = array<i32>} : memref<400x64xf32, #tpu.memory_space<vmem>>, vector<16xf32>,
            %get3A_348 = arith.index_cast %scan3A_335 : i32 to index
            %get3A_349 = arith.constant 16 : index
            %get3A_350 = tpu.vector_load %run_scoped3A[%get3A_348, %get3A_349] {strides = array<i32>} : memref<400x64xf32, #tpu.memory_space<vmem>>, vector<16xf32>,
            %mul3A_351 = arith.mulf %get3A_350, %gather3A_340 : vector<16xf32>
            %swap3A_352 = arith.index_cast %scan3A_335 : i32 to index
            %swap3A_353 = arith.constant 16 : index
            %swap3A_354 = tpu.vector_load %run_scoped3A[%swap3A_352, %swap3A_353] {strides = array<i32>} : memref<400x64xf32, #tpu.memory_space<vmem>>, vector<16xf32>,
            tpu.vector_store %run_scoped3A[%swap3A_352, %swap3A_353], %mul3A_351 {strides = array<i32>} : memref<400x64xf32, #tpu.memory_space<vmem>>, vector<16xf32>,
            %get3A_355 = arith.index_cast %scan3A_335 : i32 to index
            %get3A_356 = arith.constant 32 : index
            %get3A_357 = tpu.vector_load %run_scoped3A[%get3A_355, %get3A_356] {strides = array<i32>} : memref<400x64xf32, #tpu.memory_space<vmem>>, vector<16xf32>,
            %mul3A_358 = arith.mulf %get3A_357, %gather3A_340 : vector<16xf32>
            %swap3A_359 = arith.index_cast %scan3A_335 : i32 to index
            %swap3A_360 = arith.constant 32 : index
            %swap3A_361 = tpu.vector_load %run_scoped3A[%swap3A_359, %swap3A_360] {strides = array<i32>} : memref<400x64xf32, #tpu.memory_space<vmem>>, vector<16xf32>,
            tpu.vector_store %run_scoped3A[%swap3A_359, %swap3A_360], %mul3A_358 {strides = array<i32>} : memref<400x64xf32, #tpu.memory_space<vmem>>, vector<16xf32>,
            %get3A_362 = arith.index_cast %scan3A_335 : i32 to index
            %get3A_363 = arith.constant 48 : index
            %get3A_364 = tpu.vector_load %run_scoped3A[%get3A_362, %get3A_363] {strides = array<i32>} : memref<400x64xf32, #tpu.memory_space<vmem>>, vector<16xf32>,
            %mul3A_365 = arith.mulf %get3A_364, %gather3A_340 : vector<16xf32>
            %swap3A_366 = arith.index_cast %scan3A_335 : i32 to index
            %swap3A_367 = arith.constant 48 : index
            %swap3A_368 = tpu.vector_load %run_scoped3A[%swap3A_366, %swap3A_367] {strides = array<i32>} : memref<400x64xf32, #tpu.memory_space<vmem>>, vector<16xf32>,
            tpu.vector_store %run_scoped3A[%swap3A_366, %swap3A_367], %mul3A_365 {strides = array<i32>} : memref<400x64xf32, #tpu.memory_space<vmem>>, vector<16xf32>,
            %scan3A_369 = arith.constant 0 : i32
            %scan3A_370 = arith.constant 2 : i32
            %scan3A_371 = arith.addi %scan3A_301, %scan3A_370 : i32
            %mul3A_372 = arith.constant 400 : i32
            %mul3A_373 = arith.muli %scan3A_119, %mul3A_372 : i32
            %add3A_374 = arith.addi %mul3A_373, %scan3A_371 : i32
            %broadcast_in_dim3A_375 = vector.broadcast %add3A_374 : i32 to vector<16xi32>
            %gather3A_376 = tpu.vector_load_idx %arg12[%broadcast_in_dim3A_375] : memref<10000xf32, #tpu.memory_space<vmem>>[vector<16xi32>], vector<16xf32>,
            %get3A_377 = arith.index_cast %scan3A_371 : i32 to index
            %get3A_378 = arith.constant 0 : index
            %get3A_379 = tpu.vector_load %run_scoped3A[%get3A_377, %get3A_378] {strides = array<i32>} : memref<400x64xf32, #tpu.memory_space<vmem>>, vector<16xf32>,
            %mul3A_380 = arith.mulf %get3A_379, %gather3A_376 : vector<16xf32>
            %swap3A_381 = arith.index_cast %scan3A_371 : i32 to index
            %swap3A_382 = arith.constant 0 : index
            %swap3A_383 = tpu.vector_load %run_scoped3A[%swap3A_381, %swap3A_382] {strides = array<i32>} : memref<400x64xf32, #tpu.memory_space<vmem>>, vector<16xf32>,
            tpu.vector_store %run_scoped3A[%swap3A_381, %swap3A_382], %mul3A_380 {strides = array<i32>} : memref<400x64xf32, #tpu.memory_space<vmem>>, vector<16xf32>,
            %get3A_384 = arith.index_cast %scan3A_371 : i32 to index
            %get3A_385 = arith.constant 16 : index
            %get3A_386 = tpu.vector_load %run_scoped3A[%get3A_384, %get3A_385] {strides = array<i32>} : memref<400x64xf32, #tpu.memory_space<vmem>>, vector<16xf32>,
            %mul3A_387 = arith.mulf %get3A_386, %gather3A_376 : vector<16xf32>
            %swap3A_388 = arith.index_cast %scan3A_371 : i32 to index
            %swap3A_389 = arith.constant 16 : index
            %swap3A_390 = tpu.vector_load %run_scoped3A[%swap3A_388, %swap3A_389] {strides = array<i32>} : memref<400x64xf32, #tpu.memory_space<vmem>>, vector<16xf32>,
            tpu.vector_store %run_scoped3A[%swap3A_388, %swap3A_389], %mul3A_387 {strides = array<i32>} : memref<400x64xf32, #tpu.memory_space<vmem>>, vector<16xf32>,
            %get3A_391 = arith.index_cast %scan3A_371 : i32 to index
            %get3A_392 = arith.constant 32 : index
            %get3A_393 = tpu.vector_load %run_scoped3A[%get3A_391, %get3A_392] {strides = array<i32>} : memref<400x64xf32, #tpu.memory_space<vmem>>, vector<16xf32>,
            %mul3A_394 = arith.mulf %get3A_393, %gather3A_376 : vector<16xf32>
            %swap3A_395 = arith.index_cast %scan3A_371 : i32 to index
            %swap3A_396 = arith.constant 32 : index
            %swap3A_397 = tpu.vector_load %run_scoped3A[%swap3A_395, %swap3A_396] {strides = array<i32>} : memref<400x64xf32, #tpu.memory_space<vmem>>, vector<16xf32>,
            tpu.vector_store %run_scoped3A[%swap3A_395, %swap3A_396], %mul3A_394 {strides = array<i32>} : memref<400x64xf32, #tpu.memory_space<vmem>>, vector<16xf32>,
            %get3A_398 = arith.index_cast %scan3A_371 : i32 to index
            %get3A_399 = arith.constant 48 : index
            %get3A_400 = tpu.vector_load %run_scoped3A[%get3A_398, %get3A_399] {strides = array<i32>} : memref<400x64xf32, #tpu.memory_space<vmem>>, vector<16xf32>,
            %mul3A_401 = arith.mulf %get3A_400, %gather3A_376 : vector<16xf32>
            %swap3A_402 = arith.index_cast %scan3A_371 : i32 to index
            %swap3A_403 = arith.constant 48 : index
            %swap3A_404 = tpu.vector_load %run_scoped3A[%swap3A_402, %swap3A_403] {strides = array<i32>} : memref<400x64xf32, #tpu.memory_space<vmem>>, vector<16xf32>,
            tpu.vector_store %run_scoped3A[%swap3A_402, %swap3A_403], %mul3A_401 {strides = array<i32>} : memref<400x64xf32, #tpu.memory_space<vmem>>, vector<16xf32>,
            %scan3A_405 = arith.constant 0 : i32
            %scan3A_406 = arith.constant 3 : i32
            %scan3A_407 = arith.addi %scan3A_301, %scan3A_406 : i32
            %mul3A_408 = arith.constant 400 : i32
            %mul3A_409 = arith.muli %scan3A_119, %mul3A_408 : i32
            %add3A_410 = arith.addi %mul3A_409, %scan3A_407 : i32
            %broadcast_in_dim3A_411 = vector.broadcast %add3A_410 : i32 to vector<16xi32>
            %gather3A_412 = tpu.vector_load_idx %arg12[%broadcast_in_dim3A_411] : memref<10000xf32, #tpu.memory_space<vmem>>[vector<16xi32>], vector<16xf32>,
            %get3A_413 = arith.index_cast %scan3A_407 : i32 to index
            %get3A_414 = arith.constant 0 : index
            %get3A_415 = tpu.vector_load %run_scoped3A[%get3A_413, %get3A_414] {strides = array<i32>} : memref<400x64xf32, #tpu.memory_space<vmem>>, vector<16xf32>,
            %mul3A_416 = arith.mulf %get3A_415, %gather3A_412 : vector<16xf32>
            %swap3A_417 = arith.index_cast %scan3A_407 : i32 to index
            %swap3A_418 = arith.constant 0 : index
            %swap3A_419 = tpu.vector_load %run_scoped3A[%swap3A_417, %swap3A_418] {strides = array<i32>} : memref<400x64xf32, #tpu.memory_space<vmem>>, vector<16xf32>,
            tpu.vector_store %run_scoped3A[%swap3A_417, %swap3A_418], %mul3A_416 {strides = array<i32>} : memref<400x64xf32, #tpu.memory_space<vmem>>, vector<16xf32>,
            %get3A_420 = arith.index_cast %scan3A_407 : i32 to index
            %get3A_421 = arith.constant 16 : index
            %get3A_422 = tpu.vector_load %run_scoped3A[%get3A_420, %get3A_421] {strides = array<i32>} : memref<400x64xf32, #tpu.memory_space<vmem>>, vector<16xf32>,
            %mul3A_423 = arith.mulf %get3A_422, %gather3A_412 : vector<16xf32>
            %swap3A_424 = arith.index_cast %scan3A_407 : i32 to index
            %swap3A_425 = arith.constant 16 : index
            %swap3A_426 = tpu.vector_load %run_scoped3A[%swap3A_424, %swap3A_425] {strides = array<i32>} : memref<400x64xf32, #tpu.memory_space<vmem>>, vector<16xf32>,
            tpu.vector_store %run_scoped3A[%swap3A_424, %swap3A_425], %mul3A_423 {strides = array<i32>} : memref<400x64xf32, #tpu.memory_space<vmem>>, vector<16xf32>,
            %get3A_427 = arith.index_cast %scan3A_407 : i32 to index
            %get3A_428 = arith.constant 32 : index
            %get3A_429 = tpu.vector_load %run_scoped3A[%get3A_427, %get3A_428] {strides = array<i32>} : memref<400x64xf32, #tpu.memory_space<vmem>>, vector<16xf32>,
            %mul3A_430 = arith.mulf %get3A_429, %gather3A_412 : vector<16xf32>
            %swap3A_431 = arith.index_cast %scan3A_407 : i32 to index
            %swap3A_432 = arith.constant 32 : index
            %swap3A_433 = tpu.vector_load %run_scoped3A[%swap3A_431, %swap3A_432] {strides = array<i32>} : memref<400x64xf32, #tpu.memory_space<vmem>>, vector<16xf32>,
            tpu.vector_store %run_scoped3A[%swap3A_431, %swap3A_432], %mul3A_430 {strides = array<i32>} : memref<400x64xf32, #tpu.memory_space<vmem>>, vector<16xf32>,
            %get3A_434 = arith.index_cast %scan3A_407 : i32 to index
            %get3A_435 = arith.constant 48 : index
            %get3A_436 = tpu.vector_load %run_scoped3A[%get3A_434, %get3A_435] {strides = array<i32>} : memref<400x64xf32, #tpu.memory_space<vmem>>, vector<16xf32>,
            %mul3A_437 = arith.mulf %get3A_436, %gather3A_412 : vector<16xf32>
            %swap3A_438 = arith.index_cast %scan3A_407 : i32 to index
            %swap3A_439 = arith.constant 48 : index
            %swap3A_440 = tpu.vector_load %run_scoped3A[%swap3A_438, %swap3A_439] {strides = array<i32>} : memref<400x64xf32, #tpu.memory_space<vmem>>, vector<16xf32>,
            tpu.vector_store %run_scoped3A[%swap3A_438, %swap3A_439], %mul3A_437 {strides = array<i32>} : memref<400x64xf32, #tpu.memory_space<vmem>>, vector<16xf32>,
            %scan3A_441 = arith.constant 0 : i32
            %scan3A_442 = arith.constant 4 : i32
            %scan3A_443 = arith.addi %scan3A_301, %scan3A_442 : i32
            %mul3A_444 = arith.constant 400 : i32
            %mul3A_445 = arith.muli %scan3A_119, %mul3A_444 : i32
            %add3A_446 = arith.addi %mul3A_445, %scan3A_443 : i32
            %broadcast_in_dim3A_447 = vector.broadcast %add3A_446 : i32 to vector<16xi32>
            %gather3A_448 = tpu.vector_load_idx %arg12[%broadcast_in_dim3A_447] : memref<10000xf32, #tpu.memory_space<vmem>>[vector<16xi32>], vector<16xf32>,
            %get3A_449 = arith.index_cast %scan3A_443 : i32 to index
            %get3A_450 = arith.constant 0 : index
            %get3A_451 = tpu.vector_load %run_scoped3A[%get3A_449, %get3A_450] {strides = array<i32>} : memref<400x64xf32, #tpu.memory_space<vmem>>, vector<16xf32>,
            %mul3A_452 = arith.mulf %get3A_451, %gather3A_448 : vector<16xf32>
            %swap3A_453 = arith.index_cast %scan3A_443 : i32 to index
            %swap3A_454 = arith.constant 0 : index
            %swap3A_455 = tpu.vector_load %run_scoped3A[%swap3A_453, %swap3A_454] {strides = array<i32>} : memref<400x64xf32, #tpu.memory_space<vmem>>, vector<16xf32>,
            tpu.vector_store %run_scoped3A[%swap3A_453, %swap3A_454], %mul3A_452 {strides = array<i32>} : memref<400x64xf32, #tpu.memory_space<vmem>>, vector<16xf32>,
            %get3A_456 = arith.index_cast %scan3A_443 : i32 to index
            %get3A_457 = arith.constant 16 : index
            %get3A_458 = tpu.vector_load %run_scoped3A[%get3A_456, %get3A_457] {strides = array<i32>} : memref<400x64xf32, #tpu.memory_space<vmem>>, vector<16xf32>,
            %mul3A_459 = arith.mulf %get3A_458, %gather3A_448 : vector<16xf32>
            %swap3A_460 = arith.index_cast %scan3A_443 : i32 to index
            %swap3A_461 = arith.constant 16 : index
            %swap3A_462 = tpu.vector_load %run_scoped3A[%swap3A_460, %swap3A_461] {strides = array<i32>} : memref<400x64xf32, #tpu.memory_space<vmem>>, vector<16xf32>,
            tpu.vector_store %run_scoped3A[%swap3A_460, %swap3A_461], %mul3A_459 {strides = array<i32>} : memref<400x64xf32, #tpu.memory_space<vmem>>, vector<16xf32>,
            %get3A_463 = arith.index_cast %scan3A_443 : i32 to index
            %get3A_464 = arith.constant 32 : index
            %get3A_465 = tpu.vector_load %run_scoped3A[%get3A_463, %get3A_464] {strides = array<i32>} : memref<400x64xf32, #tpu.memory_space<vmem>>, vector<16xf32>,
            %mul3A_466 = arith.mulf %get3A_465, %gather3A_448 : vector<16xf32>
            %swap3A_467 = arith.index_cast %scan3A_443 : i32 to index
            %swap3A_468 = arith.constant 32 : index
            %swap3A_469 = tpu.vector_load %run_scoped3A[%swap3A_467, %swap3A_468] {strides = array<i32>} : memref<400x64xf32, #tpu.memory_space<vmem>>, vector<16xf32>,
            tpu.vector_store %run_scoped3A[%swap3A_467, %swap3A_468], %mul3A_466 {strides = array<i32>} : memref<400x64xf32, #tpu.memory_space<vmem>>, vector<16xf32>,
            %get3A_470 = arith.index_cast %scan3A_443 : i32 to index
            %get3A_471 = arith.constant 48 : index
            %get3A_472 = tpu.vector_load %run_scoped3A[%get3A_470, %get3A_471] {strides = array<i32>} : memref<400x64xf32, #tpu.memory_space<vmem>>, vector<16xf32>,
            %mul3A_473 = arith.mulf %get3A_472, %gather3A_448 : vector<16xf32>
            %swap3A_474 = arith.index_cast %scan3A_443 : i32 to index
            %swap3A_475 = arith.constant 48 : index
            %swap3A_476 = tpu.vector_load %run_scoped3A[%swap3A_474, %swap3A_475] {strides = array<i32>} : memref<400x64xf32, #tpu.memory_space<vmem>>, vector<16xf32>,
            tpu.vector_store %run_scoped3A[%swap3A_474, %swap3A_475], %mul3A_473 {strides = array<i32>} : memref<400x64xf32, #tpu.memory_space<vmem>>, vector<16xf32>,
            %scan3A_477 = arith.constant 0 : i32
            %scan3A_478 = arith.constant 5 : i32
            %scan3A_479 = arith.addi %scan3A_301, %scan3A_478 : i32
            %mul3A_480 = arith.constant 400 : i32
            %mul3A_481 = arith.muli %scan3A_119, %mul3A_480 : i32
            %add3A_482 = arith.addi %mul3A_481, %scan3A_479 : i32
            %broadcast_in_dim3A_483 = vector.broadcast %add3A_482 : i32 to vector<16xi32>
            %gather3A_484 = tpu.vector_load_idx %arg12[%broadcast_in_dim3A_483] : memref<10000xf32, #tpu.memory_space<vmem>>[vector<16xi32>], vector<16xf32>,
            %get3A_485 = arith.index_cast %scan3A_479 : i32 to index
            %get3A_486 = arith.constant 0 : index
            %get3A_487 = tpu.vector_load %run_scoped3A[%get3A_485, %get3A_486] {strides = array<i32>} : memref<400x64xf32, #tpu.memory_space<vmem>>, vector<16xf32>,
            %mul3A_488 = arith.mulf %get3A_487, %gather3A_484 : vector<16xf32>
            %swap3A_489 = arith.index_cast %scan3A_479 : i32 to index
            %swap3A_490 = arith.constant 0 : index
            %swap3A_491 = tpu.vector_load %run_scoped3A[%swap3A_489, %swap3A_490] {strides = array<i32>} : memref<400x64xf32, #tpu.memory_space<vmem>>, vector<16xf32>,
            tpu.vector_store %run_scoped3A[%swap3A_489, %swap3A_490], %mul3A_488 {strides = array<i32>} : memref<400x64xf32, #tpu.memory_space<vmem>>, vector<16xf32>,
            %get3A_492 = arith.index_cast %scan3A_479 : i32 to index
            %get3A_493 = arith.constant 16 : index
            %get3A_494 = tpu.vector_load %run_scoped3A[%get3A_492, %get3A_493] {strides = array<i32>} : memref<400x64xf32, #tpu.memory_space<vmem>>, vector<16xf32>,
            %mul3A_495 = arith.mulf %get3A_494, %gather3A_484 : vector<16xf32>
            %swap3A_496 = arith.index_cast %scan3A_479 : i32 to index
            %swap3A_497 = arith.constant 16 : index
            %swap3A_498 = tpu.vector_load %run_scoped3A[%swap3A_496, %swap3A_497] {strides = array<i32>} : memref<400x64xf32, #tpu.memory_space<vmem>>, vector<16xf32>,
            tpu.vector_store %run_scoped3A[%swap3A_496, %swap3A_497], %mul3A_495 {strides = array<i32>} : memref<400x64xf32, #tpu.memory_space<vmem>>, vector<16xf32>,
            %get3A_499 = arith.index_cast %scan3A_479 : i32 to index
            %get3A_500 = arith.constant 32 : index
            %get3A_501 = tpu.vector_load %run_scoped3A[%get3A_499, %get3A_500] {strides = array<i32>} : memref<400x64xf32, #tpu.memory_space<vmem>>, vector<16xf32>,
            %mul3A_502 = arith.mulf %get3A_501, %gather3A_484 : vector<16xf32>
            %swap3A_503 = arith.index_cast %scan3A_479 : i32 to index
            %swap3A_504 = arith.constant 32 : index
            %swap3A_505 = tpu.vector_load %run_scoped3A[%swap3A_503, %swap3A_504] {strides = array<i32>} : memref<400x64xf32, #tpu.memory_space<vmem>>, vector<16xf32>,
            tpu.vector_store %run_scoped3A[%swap3A_503, %swap3A_504], %mul3A_502 {strides = array<i32>} : memref<400x64xf32, #tpu.memory_space<vmem>>, vector<16xf32>,
            %get3A_506 = arith.index_cast %scan3A_479 : i32 to index
            %get3A_507 = arith.constant 48 : index
            %get3A_508 = tpu.vector_load %run_scoped3A[%get3A_506, %get3A_507] {strides = array<i32>} : memref<400x64xf32, #tpu.memory_space<vmem>>, vector<16xf32>,
            %mul3A_509 = arith.mulf %get3A_508, %gather3A_484 : vector<16xf32>
            %swap3A_510 = arith.index_cast %scan3A_479 : i32 to index
            %swap3A_511 = arith.constant 48 : index
            %swap3A_512 = tpu.vector_load %run_scoped3A[%swap3A_510, %swap3A_511] {strides = array<i32>} : memref<400x64xf32, #tpu.memory_space<vmem>>, vector<16xf32>,
            tpu.vector_store %run_scoped3A[%swap3A_510, %swap3A_511], %mul3A_509 {strides = array<i32>} : memref<400x64xf32, #tpu.memory_space<vmem>>, vector<16xf32>,
            %scan3A_513 = arith.constant 0 : i32
            %scan3A_514 = arith.constant 6 : i32
            %scan3A_515 = arith.addi %scan3A_301, %scan3A_514 : i32
            %mul3A_516 = arith.constant 400 : i32
            %mul3A_517 = arith.muli %scan3A_119, %mul3A_516 : i32
            %add3A_518 = arith.addi %mul3A_517, %scan3A_515 : i32
            %broadcast_in_dim3A_519 = vector.broadcast %add3A_518 : i32 to vector<16xi32>
            %gather3A_520 = tpu.vector_load_idx %arg12[%broadcast_in_dim3A_519] : memref<10000xf32, #tpu.memory_space<vmem>>[vector<16xi32>], vector<16xf32>,
            %get3A_521 = arith.index_cast %scan3A_515 : i32 to index
            %get3A_522 = arith.constant 0 : index
            %get3A_523 = tpu.vector_load %run_scoped3A[%get3A_521, %get3A_522] {strides = array<i32>} : memref<400x64xf32, #tpu.memory_space<vmem>>, vector<16xf32>,
            %mul3A_524 = arith.mulf %get3A_523, %gather3A_520 : vector<16xf32>
            %swap3A_525 = arith.index_cast %scan3A_515 : i32 to index
            %swap3A_526 = arith.constant 0 : index
            %swap3A_527 = tpu.vector_load %run_scoped3A[%swap3A_525, %swap3A_526] {strides = array<i32>} : memref<400x64xf32, #tpu.memory_space<vmem>>, vector<16xf32>,
            tpu.vector_store %run_scoped3A[%swap3A_525, %swap3A_526], %mul3A_524 {strides = array<i32>} : memref<400x64xf32, #tpu.memory_space<vmem>>, vector<16xf32>,
            %get3A_528 = arith.index_cast %scan3A_515 : i32 to index
            %get3A_529 = arith.constant 16 : index
            %get3A_530 = tpu.vector_load %run_scoped3A[%get3A_528, %get3A_529] {strides = array<i32>} : memref<400x64xf32, #tpu.memory_space<vmem>>, vector<16xf32>,
            %mul3A_531 = arith.mulf %get3A_530, %gather3A_520 : vector<16xf32>
            %swap3A_532 = arith.index_cast %scan3A_515 : i32 to index
            %swap3A_533 = arith.constant 16 : index
            %swap3A_534 = tpu.vector_load %run_scoped3A[%swap3A_532, %swap3A_533] {strides = array<i32>} : memref<400x64xf32, #tpu.memory_space<vmem>>, vector<16xf32>,
            tpu.vector_store %run_scoped3A[%swap3A_532, %swap3A_533], %mul3A_531 {strides = array<i32>} : memref<400x64xf32, #tpu.memory_space<vmem>>, vector<16xf32>,
            %get3A_535 = arith.index_cast %scan3A_515 : i32 to index
            %get3A_536 = arith.constant 32 : index
            %get3A_537 = tpu.vector_load %run_scoped3A[%get3A_535, %get3A_536] {strides = array<i32>} : memref<400x64xf32, #tpu.memory_space<vmem>>, vector<16xf32>,
            %mul3A_538 = arith.mulf %get3A_537, %gather3A_520 : vector<16xf32>
            %swap3A_539 = arith.index_cast %scan3A_515 : i32 to index
            %swap3A_540 = arith.constant 32 : index
            %swap3A_541 = tpu.vector_load %run_scoped3A[%swap3A_539, %swap3A_540] {strides = array<i32>} : memref<400x64xf32, #tpu.memory_space<vmem>>, vector<16xf32>,
            tpu.vector_store %run_scoped3A[%swap3A_539, %swap3A_540], %mul3A_538 {strides = array<i32>} : memref<400x64xf32, #tpu.memory_space<vmem>>, vector<16xf32>,
            %get3A_542 = arith.index_cast %scan3A_515 : i32 to index
            %get3A_543 = arith.constant 48 : index
            %get3A_544 = tpu.vector_load %run_scoped3A[%get3A_542, %get3A_543] {strides = array<i32>} : memref<400x64xf32, #tpu.memory_space<vmem>>, vector<16xf32>,
            %mul3A_545 = arith.mulf %get3A_544, %gather3A_520 : vector<16xf32>
            %swap3A_546 = arith.index_cast %scan3A_515 : i32 to index
            %swap3A_547 = arith.constant 48 : index
            %swap3A_548 = tpu.vector_load %run_scoped3A[%swap3A_546, %swap3A_547] {strides = array<i32>} : memref<400x64xf32, #tpu.memory_space<vmem>>, vector<16xf32>,
            tpu.vector_store %run_scoped3A[%swap3A_546, %swap3A_547], %mul3A_545 {strides = array<i32>} : memref<400x64xf32, #tpu.memory_space<vmem>>, vector<16xf32>,
            %scan3A_549 = arith.constant 0 : i32
            %scan3A_550 = arith.constant 7 : i32
            %scan3A_551 = arith.addi %scan3A_301, %scan3A_550 : i32
            %mul3A_552 = arith.constant 400 : i32
            %mul3A_553 = arith.muli %scan3A_119, %mul3A_552 : i32
            %add3A_554 = arith.addi %mul3A_553, %scan3A_551 : i32
            %broadcast_in_dim3A_555 = vector.broadcast %add3A_554 : i32 to vector<16xi32>
            %gather3A_556 = tpu.vector_load_idx %arg12[%broadcast_in_dim3A_555] : memref<10000xf32, #tpu.memory_space<vmem>>[vector<16xi32>], vector<16xf32>,
            %get3A_557 = arith.index_cast %scan3A_551 : i32 to index
            %get3A_558 = arith.constant 0 : index
            %get3A_559 = tpu.vector_load %run_scoped3A[%get3A_557, %get3A_558] {strides = array<i32>} : memref<400x64xf32, #tpu.memory_space<vmem>>, vector<16xf32>,
            %mul3A_560 = arith.mulf %get3A_559, %gather3A_556 : vector<16xf32>
            %swap3A_561 = arith.index_cast %scan3A_551 : i32 to index
            %swap3A_562 = arith.constant 0 : index
            %swap3A_563 = tpu.vector_load %run_scoped3A[%swap3A_561, %swap3A_562] {strides = array<i32>} : memref<400x64xf32, #tpu.memory_space<vmem>>, vector<16xf32>,
            tpu.vector_store %run_scoped3A[%swap3A_561, %swap3A_562], %mul3A_560 {strides = array<i32>} : memref<400x64xf32, #tpu.memory_space<vmem>>, vector<16xf32>,
            %get3A_564 = arith.index_cast %scan3A_551 : i32 to index
            %get3A_565 = arith.constant 16 : index
            %get3A_566 = tpu.vector_load %run_scoped3A[%get3A_564, %get3A_565] {strides = array<i32>} : memref<400x64xf32, #tpu.memory_space<vmem>>, vector<16xf32>,
            %mul3A_567 = arith.mulf %get3A_566, %gather3A_556 : vector<16xf32>
            %swap3A_568 = arith.index_cast %scan3A_551 : i32 to index
            %swap3A_569 = arith.constant 16 : index
            %swap3A_570 = tpu.vector_load %run_scoped3A[%swap3A_568, %swap3A_569] {strides = array<i32>} : memref<400x64xf32, #tpu.memory_space<vmem>>, vector<16xf32>,
            tpu.vector_store %run_scoped3A[%swap3A_568, %swap3A_569], %mul3A_567 {strides = array<i32>} : memref<400x64xf32, #tpu.memory_space<vmem>>, vector<16xf32>,
            %get3A_571 = arith.index_cast %scan3A_551 : i32 to index
            %get3A_572 = arith.constant 32 : index
            %get3A_573 = tpu.vector_load %run_scoped3A[%get3A_571, %get3A_572] {strides = array<i32>} : memref<400x64xf32, #tpu.memory_space<vmem>>, vector<16xf32>,
            %mul3A_574 = arith.mulf %get3A_573, %gather3A_556 : vector<16xf32>
            %swap3A_575 = arith.index_cast %scan3A_551 : i32 to index
            %swap3A_576 = arith.constant 32 : index
            %swap3A_577 = tpu.vector_load %run_scoped3A[%swap3A_575, %swap3A_576] {strides = array<i32>} : memref<400x64xf32, #tpu.memory_space<vmem>>, vector<16xf32>,
            tpu.vector_store %run_scoped3A[%swap3A_575, %swap3A_576], %mul3A_574 {strides = array<i32>} : memref<400x64xf32, #tpu.memory_space<vmem>>, vector<16xf32>,
            %get3A_578 = arith.index_cast %scan3A_551 : i32 to index
            %get3A_579 = arith.constant 48 : index
            %get3A_580 = tpu.vector_load %run_scoped3A[%get3A_578, %get3A_579] {strides = array<i32>} : memref<400x64xf32, #tpu.memory_space<vmem>>, vector<16xf32>,
            %mul3A_581 = arith.mulf %get3A_580, %gather3A_556 : vector<16xf32>
            %swap3A_582 = arith.index_cast %scan3A_551 : i32 to index
            %swap3A_583 = arith.constant 48 : index
            %swap3A_584 = tpu.vector_load %run_scoped3A[%swap3A_582, %swap3A_583] {strides = array<i32>} : memref<400x64xf32, #tpu.memory_space<vmem>>, vector<16xf32>,
            tpu.vector_store %run_scoped3A[%swap3A_582, %swap3A_583], %mul3A_581 {strides = array<i32>} : memref<400x64xf32, #tpu.memory_space<vmem>>, vector<16xf32>,
            %scan3A_585 = arith.constant 0 : i32
            scf.yield %scan3A_585 : i32
          }
          %scan3A_235 = arith.constant 400 : i32
          %mul3A_236 = arith.constant 5 : i32
          %mul3A_237 = arith.muli %scan3A_119, %mul3A_236 : i32
          %add3A_238 = arith.constant 0 : i32
          %add3A_239 = arith.addi %mul3A_237, %add3A_238 : i32
          %dma_start3A_240 = arith.constant 0 : i32
          %dma_start3A_241 = arith.constant 0 : i32
          %dma_start3A_242 = tpu.memref_slice %run_scoped3A[%dma_start3A_240, %dma_start3A_241] : memref<400x64xf32, #tpu.memory_space<vmem>> -> memref<80x64xf32, #tpu.memory_space<vmem>>
          %dma_start3A_243 = arith.constant 0 : i32
          %dma_start3A_244 = tpu.memref_slice %arg11[%add3A_239, %dma_start3A_243] : memref<125x80xi32, #tpu.memory_space<vmem>> -> memref<1x80xi32, #tpu.memory_space<vmem>>
          %dma_start3A_245 = tpu.memref_squeeze %dma_start3A_244 : memref<1x80xi32, #tpu.memory_space<vmem>> -> memref<80xi32, #tpu.memory_space<vmem>>
          %dma_start3A_246 = arith.constant 0 : i32
          %dma_start3A_247 = arith.constant 0 : i32
          %dma_start3A_248 = tpu.memref_slice %arg9[%dma_start3A_246, %dma_start3A_247] : memref<10000x64xf32, #tpu.memory_space<vmem_shared>> -> memref<10000x64xf32, #tpu.memory_space<vmem_shared>>
          tpu.enqueue_indirect_dma source(%dma_start3A_242 : memref<80x64xf32, #tpu.memory_space<vmem>>) target(%dma_start3A_248 : memref<10000x64xf32, #tpu.memory_space<vmem_shared>>) offsets(%dma_start3A_245 : memref<80xi32, #tpu.memory_space<vmem>>) semaphore(%arg15 : memref<!tpu.dma_semaphore, #tpu.memory_space<semaphore_mem>>) {add = true}
          %mul3A_249 = arith.constant 5 : i32
          %mul3A_250 = arith.muli %scan3A_119, %mul3A_249 : i32
          %add3A_251 = arith.constant 1 : i32
          %add3A_252 = arith.addi %mul3A_250, %add3A_251 : i32
          %dma_start3A_253 = arith.constant 80 : i32
          %dma_start3A_254 = arith.constant 0 : i32
          %dma_start3A_255 = tpu.memref_slice %run_scoped3A[%dma_start3A_253, %dma_start3A_254] : memref<400x64xf32, #tpu.memory_space<vmem>> -> memref<80x64xf32, #tpu.memory_space<vmem>>
          %dma_start3A_256 = arith.constant 0 : i32
          %dma_start3A_257 = tpu.memref_slice %arg11[%add3A_252, %dma_start3A_256] : memref<125x80xi32, #tpu.memory_space<vmem>> -> memref<1x80xi32, #tpu.memory_space<vmem>>
          %dma_start3A_258 = tpu.memref_squeeze %dma_start3A_257 : memref<1x80xi32, #tpu.memory_space<vmem>> -> memref<80xi32, #tpu.memory_space<vmem>>
          %dma_start3A_259 = arith.constant 0 : i32
          %dma_start3A_260 = arith.constant 0 : i32
          %dma_start3A_261 = tpu.memref_slice %arg9[%dma_start3A_259, %dma_start3A_260] : memref<10000x64xf32, #tpu.memory_space<vmem_shared>> -> memref<10000x64xf32, #tpu.memory_space<vmem_shared>>
          tpu.enqueue_indirect_dma source(%dma_start3A_255 : memref<80x64xf32, #tpu.memory_space<vmem>>) target(%dma_start3A_261 : memref<10000x64xf32, #tpu.memory_space<vmem_shared>>) offsets(%dma_start3A_258 : memref<80xi32, #tpu.memory_space<vmem>>) semaphore(%arg15 : memref<!tpu.dma_semaphore, #tpu.memory_space<semaphore_mem>>) {add = true}
          %mul3A_262 = arith.constant 5 : i32
          %mul3A_263 = arith.muli %scan3A_119, %mul3A_262 : i32
          %add3A_264 = arith.constant 2 : i32
          %add3A_265 = arith.addi %mul3A_263, %add3A_264 : i32
          %dma_start3A_266 = arith.constant 160 : i32
          %dma_start3A_267 = arith.constant 0 : i32
          %dma_start3A_268 = tpu.memref_slice %run_scoped3A[%dma_start3A_266, %dma_start3A_267] : memref<400x64xf32, #tpu.memory_space<vmem>> -> memref<80x64xf32, #tpu.memory_space<vmem>>
          %dma_start3A_269 = arith.constant 0 : i32
          %dma_start3A_270 = tpu.memref_slice %arg11[%add3A_265, %dma_start3A_269] : memref<125x80xi32, #tpu.memory_space<vmem>> -> memref<1x80xi32, #tpu.memory_space<vmem>>
          %dma_start3A_271 = tpu.memref_squeeze %dma_start3A_270 : memref<1x80xi32, #tpu.memory_space<vmem>> -> memref<80xi32, #tpu.memory_space<vmem>>
          %dma_start3A_272 = arith.constant 0 : i32
          %dma_start3A_273 = arith.constant 0 : i32
          %dma_start3A_274 = tpu.memref_slice %arg9[%dma_start3A_272, %dma_start3A_273] : memref<10000x64xf32, #tpu.memory_space<vmem_shared>> -> memref<10000x64xf32, #tpu.memory_space<vmem_shared>>
          tpu.enqueue_indirect_dma source(%dma_start3A_268 : memref<80x64xf32, #tpu.memory_space<vmem>>) target(%dma_start3A_274 : memref<10000x64xf32, #tpu.memory_space<vmem_shared>>) offsets(%dma_start3A_271 : memref<80xi32, #tpu.memory_space<vmem>>) semaphore(%arg15 : memref<!tpu.dma_semaphore, #tpu.memory_space<semaphore_mem>>) {add = true}
          %mul3A_275 = arith.constant 5 : i32
          %mul3A_276 = arith.muli %scan3A_119, %mul3A_275 : i32
          %add3A_277 = arith.constant 3 : i32
          %add3A_278 = arith.addi %mul3A_276, %add3A_277 : i32
          %dma_start3A_279 = arith.constant 240 : i32
          %dma_start3A_280 = arith.constant 0 : i32
          %dma_start3A_281 = tpu.memref_slice %run_scoped3A[%dma_start3A_279, %dma_start3A_280] : memref<400x64xf32, #tpu.memory_space<vmem>> -> memref<80x64xf32, #tpu.memory_space<vmem>>
          %dma_start3A_282 = arith.constant 0 : i32
          %dma_start3A_283 = tpu.memref_slice %arg11[%add3A_278, %dma_start3A_282] : memref<125x80xi32, #tpu.memory_space<vmem>> -> memref<1x80xi32, #tpu.memory_space<vmem>>
          %dma_start3A_284 = tpu.memref_squeeze %dma_start3A_283 : memref<1x80xi32, #tpu.memory_space<vmem>> -> memref<80xi32, #tpu.memory_space<vmem>>
          %dma_start3A_285 = arith.constant 0 : i32
          %dma_start3A_286 = arith.constant 0 : i32
          %dma_start3A_287 = tpu.memref_slice %arg9[%dma_start3A_285, %dma_start3A_286] : memref<10000x64xf32, #tpu.memory_space<vmem_shared>> -> memref<10000x64xf32, #tpu.memory_space<vmem_shared>>
          tpu.enqueue_indirect_dma source(%dma_start3A_281 : memref<80x64xf32, #tpu.memory_space<vmem>>) target(%dma_start3A_287 : memref<10000x64xf32, #tpu.memory_space<vmem_shared>>) offsets(%dma_start3A_284 : memref<80xi32, #tpu.memory_space<vmem>>) semaphore(%arg15 : memref<!tpu.dma_semaphore, #tpu.memory_space<semaphore_mem>>) {add = true}
          %mul3A_288 = arith.constant 5 : i32
          %mul3A_289 = arith.muli %scan3A_119, %mul3A_288 : i32
          %add3A_290 = arith.constant 4 : i32
          %add3A_291 = arith.addi %mul3A_289, %add3A_290 : i32
          %dma_start3A_292 = arith.constant 320 : i32
          %dma_start3A_293 = arith.constant 0 : i32
          %dma_start3A_294 = tpu.memref_slice %run_scoped3A[%dma_start3A_292, %dma_start3A_293] : memref<400x64xf32, #tpu.memory_space<vmem>> -> memref<80x64xf32, #tpu.memory_space<vmem>>
          %dma_start3A_295 = arith.constant 0 : i32
          %dma_start3A_296 = tpu.memref_slice %arg11[%add3A_291, %dma_start3A_295] : memref<125x80xi32, #tpu.memory_space<vmem>> -> memref<1x80xi32, #tpu.memory_space<vmem>>
          %dma_start3A_297 = tpu.memref_squeeze %dma_start3A_296 : memref<1x80xi32, #tpu.memory_space<vmem>> -> memref<80xi32, #tpu.memory_space<vmem>>
          %dma_start3A_298 = arith.constant 0 : i32
          %dma_start3A_299 = arith.constant 0 : i32
          %dma_start3A_300 = tpu.memref_slice %arg9[%dma_start3A_298, %dma_start3A_299] : memref<10000x64xf32, #tpu.memory_space<vmem_shared>> -> memref<10000x64xf32, #tpu.memory_space<vmem_shared>>
          tpu.enqueue_indirect_dma source(%dma_start3A_294 : memref<80x64xf32, #tpu.memory_space<vmem>>) target(%dma_start3A_300 : memref<10000x64xf32, #tpu.memory_space<vmem_shared>>) offsets(%dma_start3A_297 : memref<80xi32, #tpu.memory_space<vmem>>) semaphore(%arg15 : memref<!tpu.dma_semaphore, #tpu.memory_space<semaphore_mem>>) {add = true}
        } else {
        }
        %jit3A_133 = arith.constant 2 : i32
        %eq3A_134 = arith.constant 0 : i32
        %eq3A_135 = arith.cmpi eq, %jit3A_133, %eq3A_134 : i32
        %jit3A_136 = arith.constant 1 : i32
        %select_n3A_137 = arith.select %eq3A_135, %jit3A_136, %jit3A_133 : i32
        %rem3A_138 = arith.remsi %scan3A_119, %select_n3A_137 : i32
        %ne3A_139 = arith.constant 0 : i32
        %ne3A_140 = arith.cmpi ne, %rem3A_138, %ne3A_139 : i32
        %lt3A_141 = arith.constant 0 : i32
        %lt3A_142 = arith.cmpi slt, %rem3A_138, %lt3A_141 : i32
        %lt3A_143 = arith.constant 0 : i32
        %lt3A_144 = arith.cmpi slt, %select_n3A_137, %lt3A_143 : i32
        %ne3A_145 = arith.xori %lt3A_142, %lt3A_144 : i1
        %and3A_146 = arith.andi %ne3A_145, %ne3A_140 : i1
        %add3A_147 = arith.addi %rem3A_138, %select_n3A_137 : i32
        %select_n3A_148 = arith.select %and3A_146, %add3A_147, %rem3A_138 : i32
        %eq3A_149 = arith.constant 1 : i32
        %eq3A_150 = arith.cmpi eq, %select_n3A_148, %eq3A_149 : i32
        %convert_element_type3A_151 = arith.extui %eq3A_150 : i1 to i32
        %cond3A_152 = arith.constant 0 : i32
        %cond3A_153 = arith.cmpi ne, %convert_element_type3A_151, %cond3A_152 : i32
        scf.if %cond3A_153 {
          %gt3A = arith.constant 0 : i32
          %gt3A_155 = arith.cmpi sgt, %scan3A_119, %gt3A : i32
          %convert_element_type3A_156 = arith.extui %gt3A_155 : i1 to i32
          %cond3A_157 = arith.constant 0 : i32
          %cond3A_158 = arith.cmpi ne, %convert_element_type3A_156, %cond3A_157 : i32
          scf.if %cond3A_158 {
            %sub3A = arith.constant 1 : i32
            %sub3A_301 = arith.subi %scan3A_119, %sub3A : i32
            %mul3A_302 = arith.constant 5 : i32
            %mul3A_303 = arith.muli %sub3A_301, %mul3A_302 : i32
            %add3A_304 = arith.constant 0 : i32
            %add3A_305 = arith.addi %mul3A_303, %add3A_304 : i32
            %dma_wait3A_306 = arith.constant 0 : i32
            %dma_wait3A_307 = arith.constant 0 : i32
            %dma_wait3A_308 = tpu.memref_slice %run_scoped3A[%dma_wait3A_306, %dma_wait3A_307] : memref<400x64xf32, #tpu.memory_space<vmem>> -> memref<80x64xf32, #tpu.memory_space<vmem>>
            %dma_wait3A_309 = arith.constant 0 : i32
            %dma_wait3A_310 = tpu.memref_slice %arg11[%add3A_305, %dma_wait3A_309] : memref<125x80xi32, #tpu.memory_space<vmem>> -> memref<1x80xi32, #tpu.memory_space<vmem>>
            %dma_wait3A_311 = tpu.memref_squeeze %dma_wait3A_310 : memref<1x80xi32, #tpu.memory_space<vmem>> -> memref<80xi32, #tpu.memory_space<vmem>>
            %dma_wait3A_312 = arith.constant 0 : i32
            %dma_wait3A_313 = arith.constant 0 : i32
            %dma_wait3A_314 = tpu.memref_slice %arg9[%dma_wait3A_312, %dma_wait3A_313] : memref<10000x64xf32, #tpu.memory_space<vmem_shared>> -> memref<10000x64xf32, #tpu.memory_space<vmem_shared>>
            tpu.wait_indirect_dma semaphore(%arg15 : memref<!tpu.dma_semaphore, #tpu.memory_space<semaphore_mem>>) src(%dma_wait3A_308 : memref<80x64xf32, #tpu.memory_space<vmem>>) dst(%dma_wait3A_314 : memref<10000x64xf32, #tpu.memory_space<vmem_shared>>)
            %mul3A_315 = arith.constant 5 : i32
            %mul3A_316 = arith.muli %sub3A_301, %mul3A_315 : i32
            %add3A_317 = arith.constant 1 : i32
            %add3A_318 = arith.addi %mul3A_316, %add3A_317 : i32
            %dma_wait3A_319 = arith.constant 80 : i32
            %dma_wait3A_320 = arith.constant 0 : i32
            %dma_wait3A_321 = tpu.memref_slice %run_scoped3A[%dma_wait3A_319, %dma_wait3A_320] : memref<400x64xf32, #tpu.memory_space<vmem>> -> memref<80x64xf32, #tpu.memory_space<vmem>>
            %dma_wait3A_322 = arith.constant 0 : i32
            %dma_wait3A_323 = tpu.memref_slice %arg11[%add3A_318, %dma_wait3A_322] : memref<125x80xi32, #tpu.memory_space<vmem>> -> memref<1x80xi32, #tpu.memory_space<vmem>>
            %dma_wait3A_324 = tpu.memref_squeeze %dma_wait3A_323 : memref<1x80xi32, #tpu.memory_space<vmem>> -> memref<80xi32, #tpu.memory_space<vmem>>
            %dma_wait3A_325 = arith.constant 0 : i32
            %dma_wait3A_326 = arith.constant 0 : i32
            %dma_wait3A_327 = tpu.memref_slice %arg9[%dma_wait3A_325, %dma_wait3A_326] : memref<10000x64xf32, #tpu.memory_space<vmem_shared>> -> memref<10000x64xf32, #tpu.memory_space<vmem_shared>>
            tpu.wait_indirect_dma semaphore(%arg15 : memref<!tpu.dma_semaphore, #tpu.memory_space<semaphore_mem>>) src(%dma_wait3A_321 : memref<80x64xf32, #tpu.memory_space<vmem>>) dst(%dma_wait3A_327 : memref<10000x64xf32, #tpu.memory_space<vmem_shared>>)
            %mul3A_328 = arith.constant 5 : i32
            %mul3A_329 = arith.muli %sub3A_301, %mul3A_328 : i32
            %add3A_330 = arith.constant 2 : i32
            %add3A_331 = arith.addi %mul3A_329, %add3A_330 : i32
            %dma_wait3A_332 = arith.constant 160 : i32
            %dma_wait3A_333 = arith.constant 0 : i32
            %dma_wait3A_334 = tpu.memref_slice %run_scoped3A[%dma_wait3A_332, %dma_wait3A_333] : memref<400x64xf32, #tpu.memory_space<vmem>> -> memref<80x64xf32, #tpu.memory_space<vmem>>
            %dma_wait3A_335 = arith.constant 0 : i32
            %dma_wait3A_336 = tpu.memref_slice %arg11[%add3A_331, %dma_wait3A_335] : memref<125x80xi32, #tpu.memory_space<vmem>> -> memref<1x80xi32, #tpu.memory_space<vmem>>
            %dma_wait3A_337 = tpu.memref_squeeze %dma_wait3A_336 : memref<1x80xi32, #tpu.memory_space<vmem>> -> memref<80xi32, #tpu.memory_space<vmem>>
            %dma_wait3A_338 = arith.constant 0 : i32
            %dma_wait3A_339 = arith.constant 0 : i32
            %dma_wait3A_340 = tpu.memref_slice %arg9[%dma_wait3A_338, %dma_wait3A_339] : memref<10000x64xf32, #tpu.memory_space<vmem_shared>> -> memref<10000x64xf32, #tpu.memory_space<vmem_shared>>
            tpu.wait_indirect_dma semaphore(%arg15 : memref<!tpu.dma_semaphore, #tpu.memory_space<semaphore_mem>>) src(%dma_wait3A_334 : memref<80x64xf32, #tpu.memory_space<vmem>>) dst(%dma_wait3A_340 : memref<10000x64xf32, #tpu.memory_space<vmem_shared>>)
            %mul3A_341 = arith.constant 5 : i32
            %mul3A_342 = arith.muli %sub3A_301, %mul3A_341 : i32
            %add3A_343 = arith.constant 3 : i32
            %add3A_344 = arith.addi %mul3A_342, %add3A_343 : i32
            %dma_wait3A_345 = arith.constant 240 : i32
            %dma_wait3A_346 = arith.constant 0 : i32
            %dma_wait3A_347 = tpu.memref_slice %run_scoped3A[%dma_wait3A_345, %dma_wait3A_346] : memref<400x64xf32, #tpu.memory_space<vmem>> -> memref<80x64xf32, #tpu.memory_space<vmem>>
            %dma_wait3A_348 = arith.constant 0 : i32
            %dma_wait3A_349 = tpu.memref_slice %arg11[%add3A_344, %dma_wait3A_348] : memref<125x80xi32, #tpu.memory_space<vmem>> -> memref<1x80xi32, #tpu.memory_space<vmem>>
            %dma_wait3A_350 = tpu.memref_squeeze %dma_wait3A_349 : memref<1x80xi32, #tpu.memory_space<vmem>> -> memref<80xi32, #tpu.memory_space<vmem>>
            %dma_wait3A_351 = arith.constant 0 : i32
            %dma_wait3A_352 = arith.constant 0 : i32
            %dma_wait3A_353 = tpu.memref_slice %arg9[%dma_wait3A_351, %dma_wait3A_352] : memref<10000x64xf32, #tpu.memory_space<vmem_shared>> -> memref<10000x64xf32, #tpu.memory_space<vmem_shared>>
            tpu.wait_indirect_dma semaphore(%arg15 : memref<!tpu.dma_semaphore, #tpu.memory_space<semaphore_mem>>) src(%dma_wait3A_347 : memref<80x64xf32, #tpu.memory_space<vmem>>) dst(%dma_wait3A_353 : memref<10000x64xf32, #tpu.memory_space<vmem_shared>>)
            %mul3A_354 = arith.constant 5 : i32
            %mul3A_355 = arith.muli %sub3A_301, %mul3A_354 : i32
            %add3A_356 = arith.constant 4 : i32
            %add3A_357 = arith.addi %mul3A_355, %add3A_356 : i32
            %dma_wait3A_358 = arith.constant 320 : i32
            %dma_wait3A_359 = arith.constant 0 : i32
            %dma_wait3A_360 = tpu.memref_slice %run_scoped3A[%dma_wait3A_358, %dma_wait3A_359] : memref<400x64xf32, #tpu.memory_space<vmem>> -> memref<80x64xf32, #tpu.memory_space<vmem>>
            %dma_wait3A_361 = arith.constant 0 : i32
            %dma_wait3A_362 = tpu.memref_slice %arg11[%add3A_357, %dma_wait3A_361] : memref<125x80xi32, #tpu.memory_space<vmem>> -> memref<1x80xi32, #tpu.memory_space<vmem>>
            %dma_wait3A_363 = tpu.memref_squeeze %dma_wait3A_362 : memref<1x80xi32, #tpu.memory_space<vmem>> -> memref<80xi32, #tpu.memory_space<vmem>>
            %dma_wait3A_364 = arith.constant 0 : i32
            %dma_wait3A_365 = arith.constant 0 : i32
            %dma_wait3A_366 = tpu.memref_slice %arg9[%dma_wait3A_364, %dma_wait3A_365] : memref<10000x64xf32, #tpu.memory_space<vmem_shared>> -> memref<10000x64xf32, #tpu.memory_space<vmem_shared>>
            tpu.wait_indirect_dma semaphore(%arg15 : memref<!tpu.dma_semaphore, #tpu.memory_space<semaphore_mem>>) src(%dma_wait3A_360 : memref<80x64xf32, #tpu.memory_space<vmem>>) dst(%dma_wait3A_366 : memref<10000x64xf32, #tpu.memory_space<vmem_shared>>)
          } else {
          }
          %lt3A_159 = arith.constant 24 : i32
          %lt3A_160 = arith.cmpi slt, %scan3A_119, %lt3A_159 : i32
          %convert_element_type3A_161 = arith.extui %lt3A_160 : i1 to i32
          %cond3A_162 = arith.constant 0 : i32
          %cond3A_163 = arith.cmpi ne, %convert_element_type3A_161, %cond3A_162 : i32
          scf.if %cond3A_163 {
            %add3A_301 = arith.constant 1 : i32
            %add3A_302 = arith.addi %scan3A_119, %add3A_301 : i32
            %mul3A_303 = arith.constant 5 : i32
            %mul3A_304 = arith.muli %add3A_302, %mul3A_303 : i32
            %add3A_305 = arith.constant 0 : i32
            %add3A_306 = arith.addi %mul3A_304, %add3A_305 : i32
            %dma_start3A_307 = arith.constant 0 : i32
            %dma_start3A_308 = arith.constant 0 : i32
            %dma_start3A_309 = tpu.memref_slice %run_scoped3A[%dma_start3A_307, %dma_start3A_308] : memref<400x64xf32, #tpu.memory_space<vmem>> -> memref<80x64xf32, #tpu.memory_space<vmem>>
            %dma_start3A_310 = arith.constant 0 : i32
            %dma_start3A_311 = tpu.memref_slice %arg10[%add3A_306, %dma_start3A_310] : memref<125x80xi32, #tpu.memory_space<vmem>> -> memref<1x80xi32, #tpu.memory_space<vmem>>
            %dma_start3A_312 = tpu.memref_squeeze %dma_start3A_311 : memref<1x80xi32, #tpu.memory_space<vmem>> -> memref<80xi32, #tpu.memory_space<vmem>>
            %dma_start3A_313 = arith.constant 0 : i32
            %dma_start3A_314 = arith.constant 0 : i32
            %dma_start3A_315 = tpu.memref_slice %arg6[%dma_start3A_313, %dma_start3A_314] : memref<10000x64xf32, #tpu.memory_space<hbm>> -> memref<10000x64xf32, #tpu.memory_space<hbm>>
            tpu.enqueue_indirect_dma source(%dma_start3A_315 : memref<10000x64xf32, #tpu.memory_space<hbm>>) target(%dma_start3A_309 : memref<80x64xf32, #tpu.memory_space<vmem>>) offsets(%dma_start3A_312 : memref<80xi32, #tpu.memory_space<vmem>>) semaphore(%arg13 : memref<!tpu.dma_semaphore, #tpu.memory_space<semaphore_mem>>)
            %mul3A_316 = arith.constant 5 : i32
            %mul3A_317 = arith.muli %add3A_302, %mul3A_316 : i32
            %add3A_318 = arith.constant 1 : i32
            %add3A_319 = arith.addi %mul3A_317, %add3A_318 : i32
            %dma_start3A_320 = arith.constant 80 : i32
            %dma_start3A_321 = arith.constant 0 : i32
            %dma_start3A_322 = tpu.memref_slice %run_scoped3A[%dma_start3A_320, %dma_start3A_321] : memref<400x64xf32, #tpu.memory_space<vmem>> -> memref<80x64xf32, #tpu.memory_space<vmem>>
            %dma_start3A_323 = arith.constant 0 : i32
            %dma_start3A_324 = tpu.memref_slice %arg10[%add3A_319, %dma_start3A_323] : memref<125x80xi32, #tpu.memory_space<vmem>> -> memref<1x80xi32, #tpu.memory_space<vmem>>
            %dma_start3A_325 = tpu.memref_squeeze %dma_start3A_324 : memref<1x80xi32, #tpu.memory_space<vmem>> -> memref<80xi32, #tpu.memory_space<vmem>>
            %dma_start3A_326 = arith.constant 0 : i32
            %dma_start3A_327 = arith.constant 0 : i32
            %dma_start3A_328 = tpu.memref_slice %arg6[%dma_start3A_326, %dma_start3A_327] : memref<10000x64xf32, #tpu.memory_space<hbm>> -> memref<10000x64xf32, #tpu.memory_space<hbm>>
            tpu.enqueue_indirect_dma source(%dma_start3A_328 : memref<10000x64xf32, #tpu.memory_space<hbm>>) target(%dma_start3A_322 : memref<80x64xf32, #tpu.memory_space<vmem>>) offsets(%dma_start3A_325 : memref<80xi32, #tpu.memory_space<vmem>>) semaphore(%arg13 : memref<!tpu.dma_semaphore, #tpu.memory_space<semaphore_mem>>)
            %mul3A_329 = arith.constant 5 : i32
            %mul3A_330 = arith.muli %add3A_302, %mul3A_329 : i32
            %add3A_331 = arith.constant 2 : i32
            %add3A_332 = arith.addi %mul3A_330, %add3A_331 : i32
            %dma_start3A_333 = arith.constant 160 : i32
            %dma_start3A_334 = arith.constant 0 : i32
            %dma_start3A_335 = tpu.memref_slice %run_scoped3A[%dma_start3A_333, %dma_start3A_334] : memref<400x64xf32, #tpu.memory_space<vmem>> -> memref<80x64xf32, #tpu.memory_space<vmem>>
            %dma_start3A_336 = arith.constant 0 : i32
            %dma_start3A_337 = tpu.memref_slice %arg10[%add3A_332, %dma_start3A_336] : memref<125x80xi32, #tpu.memory_space<vmem>> -> memref<1x80xi32, #tpu.memory_space<vmem>>
            %dma_start3A_338 = tpu.memref_squeeze %dma_start3A_337 : memref<1x80xi32, #tpu.memory_space<vmem>> -> memref<80xi32, #tpu.memory_space<vmem>>
            %dma_start3A_339 = arith.constant 0 : i32
            %dma_start3A_340 = arith.constant 0 : i32
            %dma_start3A_341 = tpu.memref_slice %arg6[%dma_start3A_339, %dma_start3A_340] : memref<10000x64xf32, #tpu.memory_space<hbm>> -> memref<10000x64xf32, #tpu.memory_space<hbm>>
            tpu.enqueue_indirect_dma source(%dma_start3A_341 : memref<10000x64xf32, #tpu.memory_space<hbm>>) target(%dma_start3A_335 : memref<80x64xf32, #tpu.memory_space<vmem>>) offsets(%dma_start3A_338 : memref<80xi32, #tpu.memory_space<vmem>>) semaphore(%arg13 : memref<!tpu.dma_semaphore, #tpu.memory_space<semaphore_mem>>)
            %mul3A_342 = arith.constant 5 : i32
            %mul3A_343 = arith.muli %add3A_302, %mul3A_342 : i32
            %add3A_344 = arith.constant 3 : i32
            %add3A_345 = arith.addi %mul3A_343, %add3A_344 : i32
            %dma_start3A_346 = arith.constant 240 : i32
            %dma_start3A_347 = arith.constant 0 : i32
            %dma_start3A_348 = tpu.memref_slice %run_scoped3A[%dma_start3A_346, %dma_start3A_347] : memref<400x64xf32, #tpu.memory_space<vmem>> -> memref<80x64xf32, #tpu.memory_space<vmem>>
            %dma_start3A_349 = arith.constant 0 : i32
            %dma_start3A_350 = tpu.memref_slice %arg10[%add3A_345, %dma_start3A_349] : memref<125x80xi32, #tpu.memory_space<vmem>> -> memref<1x80xi32, #tpu.memory_space<vmem>>
            %dma_start3A_351 = tpu.memref_squeeze %dma_start3A_350 : memref<1x80xi32, #tpu.memory_space<vmem>> -> memref<80xi32, #tpu.memory_space<vmem>>
            %dma_start3A_352 = arith.constant 0 : i32
            %dma_start3A_353 = arith.constant 0 : i32
            %dma_start3A_354 = tpu.memref_slice %arg6[%dma_start3A_352, %dma_start3A_353] : memref<10000x64xf32, #tpu.memory_space<hbm>> -> memref<10000x64xf32, #tpu.memory_space<hbm>>
            tpu.enqueue_indirect_dma source(%dma_start3A_354 : memref<10000x64xf32, #tpu.memory_space<hbm>>) target(%dma_start3A_348 : memref<80x64xf32, #tpu.memory_space<vmem>>) offsets(%dma_start3A_351 : memref<80xi32, #tpu.memory_space<vmem>>) semaphore(%arg13 : memref<!tpu.dma_semaphore, #tpu.memory_space<semaphore_mem>>)
            %mul3A_355 = arith.constant 5 : i32
            %mul3A_356 = arith.muli %add3A_302, %mul3A_355 : i32
            %add3A_357 = arith.constant 4 : i32
            %add3A_358 = arith.addi %mul3A_356, %add3A_357 : i32
            %dma_start3A_359 = arith.constant 320 : i32
            %dma_start3A_360 = arith.constant 0 : i32
            %dma_start3A_361 = tpu.memref_slice %run_scoped3A[%dma_start3A_359, %dma_start3A_360] : memref<400x64xf32, #tpu.memory_space<vmem>> -> memref<80x64xf32, #tpu.memory_space<vmem>>
            %dma_start3A_362 = arith.constant 0 : i32
            %dma_start3A_363 = tpu.memref_slice %arg10[%add3A_358, %dma_start3A_362] : memref<125x80xi32, #tpu.memory_space<vmem>> -> memref<1x80xi32, #tpu.memory_space<vmem>>
            %dma_start3A_364 = tpu.memref_squeeze %dma_start3A_363 : memref<1x80xi32, #tpu.memory_space<vmem>> -> memref<80xi32, #tpu.memory_space<vmem>>
            %dma_start3A_365 = arith.constant 0 : i32
            %dma_start3A_366 = arith.constant 0 : i32
            %dma_start3A_367 = tpu.memref_slice %arg6[%dma_start3A_365, %dma_start3A_366] : memref<10000x64xf32, #tpu.memory_space<hbm>> -> memref<10000x64xf32, #tpu.memory_space<hbm>>
            tpu.enqueue_indirect_dma source(%dma_start3A_367 : memref<10000x64xf32, #tpu.memory_space<hbm>>) target(%dma_start3A_361 : memref<80x64xf32, #tpu.memory_space<vmem>>) offsets(%dma_start3A_364 : memref<80xi32, #tpu.memory_space<vmem>>) semaphore(%arg13 : memref<!tpu.dma_semaphore, #tpu.memory_space<semaphore_mem>>)
          } else {
          }
          %mul3A_164 = arith.constant 5 : i32
          %mul3A_165 = arith.muli %scan3A_119, %mul3A_164 : i32
          %add3A_166 = arith.constant 0 : i32
          %add3A_167 = arith.addi %mul3A_165, %add3A_166 : i32
          %dma_wait3A_168 = arith.constant 0 : i32
          %dma_wait3A_169 = arith.constant 0 : i32
          %dma_wait3A_170 = tpu.memref_slice %run_scoped3A_4[%dma_wait3A_168, %dma_wait3A_169] : memref<400x64xf32, #tpu.memory_space<vmem>> -> memref<80x64xf32, #tpu.memory_space<vmem>>
          %dma_wait3A_171 = arith.constant 0 : i32
          %dma_wait3A_172 = tpu.memref_slice %arg10[%add3A_167, %dma_wait3A_171] : memref<125x80xi32, #tpu.memory_space<vmem>> -> memref<1x80xi32, #tpu.memory_space<vmem>>
          %dma_wait3A_173 = tpu.memref_squeeze %dma_wait3A_172 : memref<1x80xi32, #tpu.memory_space<vmem>> -> memref<80xi32, #tpu.memory_space<vmem>>
          %dma_wait3A_174 = arith.constant 0 : i32
          %dma_wait3A_175 = arith.constant 0 : i32
          %dma_wait3A_176 = tpu.memref_slice %arg6[%dma_wait3A_174, %dma_wait3A_175] : memref<10000x64xf32, #tpu.memory_space<hbm>> -> memref<10000x64xf32, #tpu.memory_space<hbm>>
          tpu.wait_indirect_dma semaphore(%arg14 : memref<!tpu.dma_semaphore, #tpu.memory_space<semaphore_mem>>) src(%dma_wait3A_176 : memref<10000x64xf32, #tpu.memory_space<hbm>>) dst(%dma_wait3A_170 : memref<80x64xf32, #tpu.memory_space<vmem>>)
          %mul3A_177 = arith.constant 5 : i32
          %mul3A_178 = arith.muli %scan3A_119, %mul3A_177 : i32
          %add3A_179 = arith.constant 1 : i32
          %add3A_180 = arith.addi %mul3A_178, %add3A_179 : i32
          %dma_wait3A_181 = arith.constant 80 : i32
          %dma_wait3A_182 = arith.constant 0 : i32
          %dma_wait3A_183 = tpu.memref_slice %run_scoped3A_4[%dma_wait3A_181, %dma_wait3A_182] : memref<400x64xf32, #tpu.memory_space<vmem>> -> memref<80x64xf32, #tpu.memory_space<vmem>>
          %dma_wait3A_184 = arith.constant 0 : i32
          %dma_wait3A_185 = tpu.memref_slice %arg10[%add3A_180, %dma_wait3A_184] : memref<125x80xi32, #tpu.memory_space<vmem>> -> memref<1x80xi32, #tpu.memory_space<vmem>>
          %dma_wait3A_186 = tpu.memref_squeeze %dma_wait3A_185 : memref<1x80xi32, #tpu.memory_space<vmem>> -> memref<80xi32, #tpu.memory_space<vmem>>
          %dma_wait3A_187 = arith.constant 0 : i32
          %dma_wait3A_188 = arith.constant 0 : i32
          %dma_wait3A_189 = tpu.memref_slice %arg6[%dma_wait3A_187, %dma_wait3A_188] : memref<10000x64xf32, #tpu.memory_space<hbm>> -> memref<10000x64xf32, #tpu.memory_space<hbm>>
          tpu.wait_indirect_dma semaphore(%arg14 : memref<!tpu.dma_semaphore, #tpu.memory_space<semaphore_mem>>) src(%dma_wait3A_189 : memref<10000x64xf32, #tpu.memory_space<hbm>>) dst(%dma_wait3A_183 : memref<80x64xf32, #tpu.memory_space<vmem>>)
          %mul3A_190 = arith.constant 5 : i32
          %mul3A_191 = arith.muli %scan3A_119, %mul3A_190 : i32
          %add3A_192 = arith.constant 2 : i32
          %add3A_193 = arith.addi %mul3A_191, %add3A_192 : i32
          %dma_wait3A_194 = arith.constant 160 : i32
          %dma_wait3A_195 = arith.constant 0 : i32
          %dma_wait3A_196 = tpu.memref_slice %run_scoped3A_4[%dma_wait3A_194, %dma_wait3A_195] : memref<400x64xf32, #tpu.memory_space<vmem>> -> memref<80x64xf32, #tpu.memory_space<vmem>>
          %dma_wait3A_197 = arith.constant 0 : i32
          %dma_wait3A_198 = tpu.memref_slice %arg10[%add3A_193, %dma_wait3A_197] : memref<125x80xi32, #tpu.memory_space<vmem>> -> memref<1x80xi32, #tpu.memory_space<vmem>>
          %dma_wait3A_199 = tpu.memref_squeeze %dma_wait3A_198 : memref<1x80xi32, #tpu.memory_space<vmem>> -> memref<80xi32, #tpu.memory_space<vmem>>
          %dma_wait3A_200 = arith.constant 0 : i32
          %dma_wait3A_201 = arith.constant 0 : i32
          %dma_wait3A_202 = tpu.memref_slice %arg6[%dma_wait3A_200, %dma_wait3A_201] : memref<10000x64xf32, #tpu.memory_space<hbm>> -> memref<10000x64xf32, #tpu.memory_space<hbm>>
          tpu.wait_indirect_dma semaphore(%arg14 : memref<!tpu.dma_semaphore, #tpu.memory_space<semaphore_mem>>) src(%dma_wait3A_202 : memref<10000x64xf32, #tpu.memory_space<hbm>>) dst(%dma_wait3A_196 : memref<80x64xf32, #tpu.memory_space<vmem>>)
          %mul3A_203 = arith.constant 5 : i32
          %mul3A_204 = arith.muli %scan3A_119, %mul3A_203 : i32
          %add3A_205 = arith.constant 3 : i32
          %add3A_206 = arith.addi %mul3A_204, %add3A_205 : i32
          %dma_wait3A_207 = arith.constant 240 : i32
          %dma_wait3A_208 = arith.constant 0 : i32
          %dma_wait3A_209 = tpu.memref_slice %run_scoped3A_4[%dma_wait3A_207, %dma_wait3A_208] : memref<400x64xf32, #tpu.memory_space<vmem>> -> memref<80x64xf32, #tpu.memory_space<vmem>>
          %dma_wait3A_210 = arith.constant 0 : i32
          %dma_wait3A_211 = tpu.memref_slice %arg10[%add3A_206, %dma_wait3A_210] : memref<125x80xi32, #tpu.memory_space<vmem>> -> memref<1x80xi32, #tpu.memory_space<vmem>>
          %dma_wait3A_212 = tpu.memref_squeeze %dma_wait3A_211 : memref<1x80xi32, #tpu.memory_space<vmem>> -> memref<80xi32, #tpu.memory_space<vmem>>
          %dma_wait3A_213 = arith.constant 0 : i32
          %dma_wait3A_214 = arith.constant 0 : i32
          %dma_wait3A_215 = tpu.memref_slice %arg6[%dma_wait3A_213, %dma_wait3A_214] : memref<10000x64xf32, #tpu.memory_space<hbm>> -> memref<10000x64xf32, #tpu.memory_space<hbm>>
          tpu.wait_indirect_dma semaphore(%arg14 : memref<!tpu.dma_semaphore, #tpu.memory_space<semaphore_mem>>) src(%dma_wait3A_215 : memref<10000x64xf32, #tpu.memory_space<hbm>>) dst(%dma_wait3A_209 : memref<80x64xf32, #tpu.memory_space<vmem>>)
          %mul3A_216 = arith.constant 5 : i32
          %mul3A_217 = arith.muli %scan3A_119, %mul3A_216 : i32
          %add3A_218 = arith.constant 4 : i32
          %add3A_219 = arith.addi %mul3A_217, %add3A_218 : i32
          %dma_wait3A_220 = arith.constant 320 : i32
          %dma_wait3A_221 = arith.constant 0 : i32
          %dma_wait3A_222 = tpu.memref_slice %run_scoped3A_4[%dma_wait3A_220, %dma_wait3A_221] : memref<400x64xf32, #tpu.memory_space<vmem>> -> memref<80x64xf32, #tpu.memory_space<vmem>>
          %dma_wait3A_223 = arith.constant 0 : i32
          %dma_wait3A_224 = tpu.memref_slice %arg10[%add3A_219, %dma_wait3A_223] : memref<125x80xi32, #tpu.memory_space<vmem>> -> memref<1x80xi32, #tpu.memory_space<vmem>>
          %dma_wait3A_225 = tpu.memref_squeeze %dma_wait3A_224 : memref<1x80xi32, #tpu.memory_space<vmem>> -> memref<80xi32, #tpu.memory_space<vmem>>
          %dma_wait3A_226 = arith.constant 0 : i32
          %dma_wait3A_227 = arith.constant 0 : i32
          %dma_wait3A_228 = tpu.memref_slice %arg6[%dma_wait3A_226, %dma_wait3A_227] : memref<10000x64xf32, #tpu.memory_space<hbm>> -> memref<10000x64xf32, #tpu.memory_space<hbm>>
          tpu.wait_indirect_dma semaphore(%arg14 : memref<!tpu.dma_semaphore, #tpu.memory_space<semaphore_mem>>) src(%dma_wait3A_228 : memref<10000x64xf32, #tpu.memory_space<hbm>>) dst(%dma_wait3A_222 : memref<80x64xf32, #tpu.memory_space<vmem>>)
          %scan3A_229 = arith.constant 0 : i32
          %scan3A_230 = arith.constant 0 : i32
          %scan3A_231 = arith.constant 400 : i32
          %scan3A_232 = arith.addi %scan3A_230, %scan3A_231 : i32
          %scan3A_233 = arith.constant 8 : i32
          %scan3A_234 = scf.for %scan3A_301 = %scan3A_230 to %scan3A_232 step %scan3A_233 iter_args(%scan3A_302 = %scan3A_229) -> (i32)  : i32 {
            %mul3A_303 = arith.constant 400 : i32
            %mul3A_304 = arith.muli %scan3A_119, %mul3A_303 : i32
            %add3A_305 = arith.addi %mul3A_304, %scan3A_301 : i32
            %broadcast_in_dim3A_306 = vector.broadcast %add3A_305 : i32 to vector<16xi32>
            %gather3A = tpu.vector_load_idx %arg12[%broadcast_in_dim3A_306] : memref<10000xf32, #tpu.memory_space<vmem>>[vector<16xi32>], vector<16xf32>,
            %get3A = arith.index_cast %scan3A_301 : i32 to index
            %get3A_307 = arith.constant 0 : index
            %get3A_308 = tpu.vector_load %run_scoped3A_4[%get3A, %get3A_307] {strides = array<i32>} : memref<400x64xf32, #tpu.memory_space<vmem>>, vector<16xf32>,
            %mul3A_309 = arith.mulf %get3A_308, %gather3A : vector<16xf32>
            %swap3A = arith.index_cast %scan3A_301 : i32 to index
            %swap3A_310 = arith.constant 0 : index
            %swap3A_311 = tpu.vector_load %run_scoped3A_4[%swap3A, %swap3A_310] {strides = array<i32>} : memref<400x64xf32, #tpu.memory_space<vmem>>, vector<16xf32>,
            tpu.vector_store %run_scoped3A_4[%swap3A, %swap3A_310], %mul3A_309 {strides = array<i32>} : memref<400x64xf32, #tpu.memory_space<vmem>>, vector<16xf32>,
            %get3A_312 = arith.index_cast %scan3A_301 : i32 to index
            %get3A_313 = arith.constant 16 : index
            %get3A_314 = tpu.vector_load %run_scoped3A_4[%get3A_312, %get3A_313] {strides = array<i32>} : memref<400x64xf32, #tpu.memory_space<vmem>>, vector<16xf32>,
            %mul3A_315 = arith.mulf %get3A_314, %gather3A : vector<16xf32>
            %swap3A_316 = arith.index_cast %scan3A_301 : i32 to index
            %swap3A_317 = arith.constant 16 : index
            %swap3A_318 = tpu.vector_load %run_scoped3A_4[%swap3A_316, %swap3A_317] {strides = array<i32>} : memref<400x64xf32, #tpu.memory_space<vmem>>, vector<16xf32>,
            tpu.vector_store %run_scoped3A_4[%swap3A_316, %swap3A_317], %mul3A_315 {strides = array<i32>} : memref<400x64xf32, #tpu.memory_space<vmem>>, vector<16xf32>,
            %get3A_319 = arith.index_cast %scan3A_301 : i32 to index
            %get3A_320 = arith.constant 32 : index
            %get3A_321 = tpu.vector_load %run_scoped3A_4[%get3A_319, %get3A_320] {strides = array<i32>} : memref<400x64xf32, #tpu.memory_space<vmem>>, vector<16xf32>,
            %mul3A_322 = arith.mulf %get3A_321, %gather3A : vector<16xf32>
            %swap3A_323 = arith.index_cast %scan3A_301 : i32 to index
            %swap3A_324 = arith.constant 32 : index
            %swap3A_325 = tpu.vector_load %run_scoped3A_4[%swap3A_323, %swap3A_324] {strides = array<i32>} : memref<400x64xf32, #tpu.memory_space<vmem>>, vector<16xf32>,
            tpu.vector_store %run_scoped3A_4[%swap3A_323, %swap3A_324], %mul3A_322 {strides = array<i32>} : memref<400x64xf32, #tpu.memory_space<vmem>>, vector<16xf32>,
            %get3A_326 = arith.index_cast %scan3A_301 : i32 to index
            %get3A_327 = arith.constant 48 : index
            %get3A_328 = tpu.vector_load %run_scoped3A_4[%get3A_326, %get3A_327] {strides = array<i32>} : memref<400x64xf32, #tpu.memory_space<vmem>>, vector<16xf32>,
            %mul3A_329 = arith.mulf %get3A_328, %gather3A : vector<16xf32>
            %swap3A_330 = arith.index_cast %scan3A_301 : i32 to index
            %swap3A_331 = arith.constant 48 : index
            %swap3A_332 = tpu.vector_load %run_scoped3A_4[%swap3A_330, %swap3A_331] {strides = array<i32>} : memref<400x64xf32, #tpu.memory_space<vmem>>, vector<16xf32>,
            tpu.vector_store %run_scoped3A_4[%swap3A_330, %swap3A_331], %mul3A_329 {strides = array<i32>} : memref<400x64xf32, #tpu.memory_space<vmem>>, vector<16xf32>,
            %scan3A_333 = arith.constant 0 : i32
            %scan3A_334 = arith.constant 1 : i32
            %scan3A_335 = arith.addi %scan3A_301, %scan3A_334 : i32
            %mul3A_336 = arith.constant 400 : i32
            %mul3A_337 = arith.muli %scan3A_119, %mul3A_336 : i32
            %add3A_338 = arith.addi %mul3A_337, %scan3A_335 : i32
            %broadcast_in_dim3A_339 = vector.broadcast %add3A_338 : i32 to vector<16xi32>
            %gather3A_340 = tpu.vector_load_idx %arg12[%broadcast_in_dim3A_339] : memref<10000xf32, #tpu.memory_space<vmem>>[vector<16xi32>], vector<16xf32>,
            %get3A_341 = arith.index_cast %scan3A_335 : i32 to index
            %get3A_342 = arith.constant 0 : index
            %get3A_343 = tpu.vector_load %run_scoped3A_4[%get3A_341, %get3A_342] {strides = array<i32>} : memref<400x64xf32, #tpu.memory_space<vmem>>, vector<16xf32>,
            %mul3A_344 = arith.mulf %get3A_343, %gather3A_340 : vector<16xf32>
            %swap3A_345 = arith.index_cast %scan3A_335 : i32 to index
            %swap3A_346 = arith.constant 0 : index
            %swap3A_347 = tpu.vector_load %run_scoped3A_4[%swap3A_345, %swap3A_346] {strides = array<i32>} : memref<400x64xf32, #tpu.memory_space<vmem>>, vector<16xf32>,
            tpu.vector_store %run_scoped3A_4[%swap3A_345, %swap3A_346], %mul3A_344 {strides = array<i32>} : memref<400x64xf32, #tpu.memory_space<vmem>>, vector<16xf32>,
            %get3A_348 = arith.index_cast %scan3A_335 : i32 to index
            %get3A_349 = arith.constant 16 : index
            %get3A_350 = tpu.vector_load %run_scoped3A_4[%get3A_348, %get3A_349] {strides = array<i32>} : memref<400x64xf32, #tpu.memory_space<vmem>>, vector<16xf32>,
            %mul3A_351 = arith.mulf %get3A_350, %gather3A_340 : vector<16xf32>
            %swap3A_352 = arith.index_cast %scan3A_335 : i32 to index
            %swap3A_353 = arith.constant 16 : index
            %swap3A_354 = tpu.vector_load %run_scoped3A_4[%swap3A_352, %swap3A_353] {strides = array<i32>} : memref<400x64xf32, #tpu.memory_space<vmem>>, vector<16xf32>,
            tpu.vector_store %run_scoped3A_4[%swap3A_352, %swap3A_353], %mul3A_351 {strides = array<i32>} : memref<400x64xf32, #tpu.memory_space<vmem>>, vector<16xf32>,
            %get3A_355 = arith.index_cast %scan3A_335 : i32 to index
            %get3A_356 = arith.constant 32 : index
            %get3A_357 = tpu.vector_load %run_scoped3A_4[%get3A_355, %get3A_356] {strides = array<i32>} : memref<400x64xf32, #tpu.memory_space<vmem>>, vector<16xf32>,
            %mul3A_358 = arith.mulf %get3A_357, %gather3A_340 : vector<16xf32>
            %swap3A_359 = arith.index_cast %scan3A_335 : i32 to index
            %swap3A_360 = arith.constant 32 : index
            %swap3A_361 = tpu.vector_load %run_scoped3A_4[%swap3A_359, %swap3A_360] {strides = array<i32>} : memref<400x64xf32, #tpu.memory_space<vmem>>, vector<16xf32>,
            tpu.vector_store %run_scoped3A_4[%swap3A_359, %swap3A_360], %mul3A_358 {strides = array<i32>} : memref<400x64xf32, #tpu.memory_space<vmem>>, vector<16xf32>,
            %get3A_362 = arith.index_cast %scan3A_335 : i32 to index
            %get3A_363 = arith.constant 48 : index
            %get3A_364 = tpu.vector_load %run_scoped3A_4[%get3A_362, %get3A_363] {strides = array<i32>} : memref<400x64xf32, #tpu.memory_space<vmem>>, vector<16xf32>,
            %mul3A_365 = arith.mulf %get3A_364, %gather3A_340 : vector<16xf32>
            %swap3A_366 = arith.index_cast %scan3A_335 : i32 to index
            %swap3A_367 = arith.constant 48 : index
            %swap3A_368 = tpu.vector_load %run_scoped3A_4[%swap3A_366, %swap3A_367] {strides = array<i32>} : memref<400x64xf32, #tpu.memory_space<vmem>>, vector<16xf32>,
            tpu.vector_store %run_scoped3A_4[%swap3A_366, %swap3A_367], %mul3A_365 {strides = array<i32>} : memref<400x64xf32, #tpu.memory_space<vmem>>, vector<16xf32>,
            %scan3A_369 = arith.constant 0 : i32
            %scan3A_370 = arith.constant 2 : i32
            %scan3A_371 = arith.addi %scan3A_301, %scan3A_370 : i32
            %mul3A_372 = arith.constant 400 : i32
            %mul3A_373 = arith.muli %scan3A_119, %mul3A_372 : i32
            %add3A_374 = arith.addi %mul3A_373, %scan3A_371 : i32
            %broadcast_in_dim3A_375 = vector.broadcast %add3A_374 : i32 to vector<16xi32>
            %gather3A_376 = tpu.vector_load_idx %arg12[%broadcast_in_dim3A_375] : memref<10000xf32, #tpu.memory_space<vmem>>[vector<16xi32>], vector<16xf32>,
            %get3A_377 = arith.index_cast %scan3A_371 : i32 to index
            %get3A_378 = arith.constant 0 : index
            %get3A_379 = tpu.vector_load %run_scoped3A_4[%get3A_377, %get3A_378] {strides = array<i32>} : memref<400x64xf32, #tpu.memory_space<vmem>>, vector<16xf32>,
            %mul3A_380 = arith.mulf %get3A_379, %gather3A_376 : vector<16xf32>
            %swap3A_381 = arith.index_cast %scan3A_371 : i32 to index
            %swap3A_382 = arith.constant 0 : index
            %swap3A_383 = tpu.vector_load %run_scoped3A_4[%swap3A_381, %swap3A_382] {strides = array<i32>} : memref<400x64xf32, #tpu.memory_space<vmem>>, vector<16xf32>,
            tpu.vector_store %run_scoped3A_4[%swap3A_381, %swap3A_382], %mul3A_380 {strides = array<i32>} : memref<400x64xf32, #tpu.memory_space<vmem>>, vector<16xf32>,
            %get3A_384 = arith.index_cast %scan3A_371 : i32 to index
            %get3A_385 = arith.constant 16 : index
            %get3A_386 = tpu.vector_load %run_scoped3A_4[%get3A_384, %get3A_385] {strides = array<i32>} : memref<400x64xf32, #tpu.memory_space<vmem>>, vector<16xf32>,
            %mul3A_387 = arith.mulf %get3A_386, %gather3A_376 : vector<16xf32>
            %swap3A_388 = arith.index_cast %scan3A_371 : i32 to index
            %swap3A_389 = arith.constant 16 : index
            %swap3A_390 = tpu.vector_load %run_scoped3A_4[%swap3A_388, %swap3A_389] {strides = array<i32>} : memref<400x64xf32, #tpu.memory_space<vmem>>, vector<16xf32>,
            tpu.vector_store %run_scoped3A_4[%swap3A_388, %swap3A_389], %mul3A_387 {strides = array<i32>} : memref<400x64xf32, #tpu.memory_space<vmem>>, vector<16xf32>,
            %get3A_391 = arith.index_cast %scan3A_371 : i32 to index
            %get3A_392 = arith.constant 32 : index
            %get3A_393 = tpu.vector_load %run_scoped3A_4[%get3A_391, %get3A_392] {strides = array<i32>} : memref<400x64xf32, #tpu.memory_space<vmem>>, vector<16xf32>,
            %mul3A_394 = arith.mulf %get3A_393, %gather3A_376 : vector<16xf32>
            %swap3A_395 = arith.index_cast %scan3A_371 : i32 to index
            %swap3A_396 = arith.constant 32 : index
            %swap3A_397 = tpu.vector_load %run_scoped3A_4[%swap3A_395, %swap3A_396] {strides = array<i32>} : memref<400x64xf32, #tpu.memory_space<vmem>>, vector<16xf32>,
            tpu.vector_store %run_scoped3A_4[%swap3A_395, %swap3A_396], %mul3A_394 {strides = array<i32>} : memref<400x64xf32, #tpu.memory_space<vmem>>, vector<16xf32>,
            %get3A_398 = arith.index_cast %scan3A_371 : i32 to index
            %get3A_399 = arith.constant 48 : index
            %get3A_400 = tpu.vector_load %run_scoped3A_4[%get3A_398, %get3A_399] {strides = array<i32>} : memref<400x64xf32, #tpu.memory_space<vmem>>, vector<16xf32>,
            %mul3A_401 = arith.mulf %get3A_400, %gather3A_376 : vector<16xf32>
            %swap3A_402 = arith.index_cast %scan3A_371 : i32 to index
            %swap3A_403 = arith.constant 48 : index
            %swap3A_404 = tpu.vector_load %run_scoped3A_4[%swap3A_402, %swap3A_403] {strides = array<i32>} : memref<400x64xf32, #tpu.memory_space<vmem>>, vector<16xf32>,
            tpu.vector_store %run_scoped3A_4[%swap3A_402, %swap3A_403], %mul3A_401 {strides = array<i32>} : memref<400x64xf32, #tpu.memory_space<vmem>>, vector<16xf32>,
            %scan3A_405 = arith.constant 0 : i32
            %scan3A_406 = arith.constant 3 : i32
            %scan3A_407 = arith.addi %scan3A_301, %scan3A_406 : i32
            %mul3A_408 = arith.constant 400 : i32
            %mul3A_409 = arith.muli %scan3A_119, %mul3A_408 : i32
            %add3A_410 = arith.addi %mul3A_409, %scan3A_407 : i32
            %broadcast_in_dim3A_411 = vector.broadcast %add3A_410 : i32 to vector<16xi32>
            %gather3A_412 = tpu.vector_load_idx %arg12[%broadcast_in_dim3A_411] : memref<10000xf32, #tpu.memory_space<vmem>>[vector<16xi32>], vector<16xf32>,
            %get3A_413 = arith.index_cast %scan3A_407 : i32 to index
            %get3A_414 = arith.constant 0 : index
            %get3A_415 = tpu.vector_load %run_scoped3A_4[%get3A_413, %get3A_414] {strides = array<i32>} : memref<400x64xf32, #tpu.memory_space<vmem>>, vector<16xf32>,
            %mul3A_416 = arith.mulf %get3A_415, %gather3A_412 : vector<16xf32>
            %swap3A_417 = arith.index_cast %scan3A_407 : i32 to index
            %swap3A_418 = arith.constant 0 : index
            %swap3A_419 = tpu.vector_load %run_scoped3A_4[%swap3A_417, %swap3A_418] {strides = array<i32>} : memref<400x64xf32, #tpu.memory_space<vmem>>, vector<16xf32>,
            tpu.vector_store %run_scoped3A_4[%swap3A_417, %swap3A_418], %mul3A_416 {strides = array<i32>} : memref<400x64xf32, #tpu.memory_space<vmem>>, vector<16xf32>,
            %get3A_420 = arith.index_cast %scan3A_407 : i32 to index
            %get3A_421 = arith.constant 16 : index
            %get3A_422 = tpu.vector_load %run_scoped3A_4[%get3A_420, %get3A_421] {strides = array<i32>} : memref<400x64xf32, #tpu.memory_space<vmem>>, vector<16xf32>,
            %mul3A_423 = arith.mulf %get3A_422, %gather3A_412 : vector<16xf32>
            %swap3A_424 = arith.index_cast %scan3A_407 : i32 to index
            %swap3A_425 = arith.constant 16 : index
            %swap3A_426 = tpu.vector_load %run_scoped3A_4[%swap3A_424, %swap3A_425] {strides = array<i32>} : memref<400x64xf32, #tpu.memory_space<vmem>>, vector<16xf32>,
            tpu.vector_store %run_scoped3A_4[%swap3A_424, %swap3A_425], %mul3A_423 {strides = array<i32>} : memref<400x64xf32, #tpu.memory_space<vmem>>, vector<16xf32>,
            %get3A_427 = arith.index_cast %scan3A_407 : i32 to index
            %get3A_428 = arith.constant 32 : index
            %get3A_429 = tpu.vector_load %run_scoped3A_4[%get3A_427, %get3A_428] {strides = array<i32>} : memref<400x64xf32, #tpu.memory_space<vmem>>, vector<16xf32>,
            %mul3A_430 = arith.mulf %get3A_429, %gather3A_412 : vector<16xf32>
            %swap3A_431 = arith.index_cast %scan3A_407 : i32 to index
            %swap3A_432 = arith.constant 32 : index
            %swap3A_433 = tpu.vector_load %run_scoped3A_4[%swap3A_431, %swap3A_432] {strides = array<i32>} : memref<400x64xf32, #tpu.memory_space<vmem>>, vector<16xf32>,
            tpu.vector_store %run_scoped3A_4[%swap3A_431, %swap3A_432], %mul3A_430 {strides = array<i32>} : memref<400x64xf32, #tpu.memory_space<vmem>>, vector<16xf32>,
            %get3A_434 = arith.index_cast %scan3A_407 : i32 to index
            %get3A_435 = arith.constant 48 : index
            %get3A_436 = tpu.vector_load %run_scoped3A_4[%get3A_434, %get3A_435] {strides = array<i32>} : memref<400x64xf32, #tpu.memory_space<vmem>>, vector<16xf32>,
            %mul3A_437 = arith.mulf %get3A_436, %gather3A_412 : vector<16xf32>
            %swap3A_438 = arith.index_cast %scan3A_407 : i32 to index
            %swap3A_439 = arith.constant 48 : index
            %swap3A_440 = tpu.vector_load %run_scoped3A_4[%swap3A_438, %swap3A_439] {strides = array<i32>} : memref<400x64xf32, #tpu.memory_space<vmem>>, vector<16xf32>,
            tpu.vector_store %run_scoped3A_4[%swap3A_438, %swap3A_439], %mul3A_437 {strides = array<i32>} : memref<400x64xf32, #tpu.memory_space<vmem>>, vector<16xf32>,
            %scan3A_441 = arith.constant 0 : i32
            %scan3A_442 = arith.constant 4 : i32
            %scan3A_443 = arith.addi %scan3A_301, %scan3A_442 : i32
            %mul3A_444 = arith.constant 400 : i32
            %mul3A_445 = arith.muli %scan3A_119, %mul3A_444 : i32
            %add3A_446 = arith.addi %mul3A_445, %scan3A_443 : i32
            %broadcast_in_dim3A_447 = vector.broadcast %add3A_446 : i32 to vector<16xi32>
            %gather3A_448 = tpu.vector_load_idx %arg12[%broadcast_in_dim3A_447] : memref<10000xf32, #tpu.memory_space<vmem>>[vector<16xi32>], vector<16xf32>,
            %get3A_449 = arith.index_cast %scan3A_443 : i32 to index
            %get3A_450 = arith.constant 0 : index
            %get3A_451 = tpu.vector_load %run_scoped3A_4[%get3A_449, %get3A_450] {strides = array<i32>} : memref<400x64xf32, #tpu.memory_space<vmem>>, vector<16xf32>,
            %mul3A_452 = arith.mulf %get3A_451, %gather3A_448 : vector<16xf32>
            %swap3A_453 = arith.index_cast %scan3A_443 : i32 to index
            %swap3A_454 = arith.constant 0 : index
            %swap3A_455 = tpu.vector_load %run_scoped3A_4[%swap3A_453, %swap3A_454] {strides = array<i32>} : memref<400x64xf32, #tpu.memory_space<vmem>>, vector<16xf32>,
            tpu.vector_store %run_scoped3A_4[%swap3A_453, %swap3A_454], %mul3A_452 {strides = array<i32>} : memref<400x64xf32, #tpu.memory_space<vmem>>, vector<16xf32>,
            %get3A_456 = arith.index_cast %scan3A_443 : i32 to index
            %get3A_457 = arith.constant 16 : index
            %get3A_458 = tpu.vector_load %run_scoped3A_4[%get3A_456, %get3A_457] {strides = array<i32>} : memref<400x64xf32, #tpu.memory_space<vmem>>, vector<16xf32>,
            %mul3A_459 = arith.mulf %get3A_458, %gather3A_448 : vector<16xf32>
            %swap3A_460 = arith.index_cast %scan3A_443 : i32 to index
            %swap3A_461 = arith.constant 16 : index
            %swap3A_462 = tpu.vector_load %run_scoped3A_4[%swap3A_460, %swap3A_461] {strides = array<i32>} : memref<400x64xf32, #tpu.memory_space<vmem>>, vector<16xf32>,
            tpu.vector_store %run_scoped3A_4[%swap3A_460, %swap3A_461], %mul3A_459 {strides = array<i32>} : memref<400x64xf32, #tpu.memory_space<vmem>>, vector<16xf32>,
            %get3A_463 = arith.index_cast %scan3A_443 : i32 to index
            %get3A_464 = arith.constant 32 : index
            %get3A_465 = tpu.vector_load %run_scoped3A_4[%get3A_463, %get3A_464] {strides = array<i32>} : memref<400x64xf32, #tpu.memory_space<vmem>>, vector<16xf32>,
            %mul3A_466 = arith.mulf %get3A_465, %gather3A_448 : vector<16xf32>
            %swap3A_467 = arith.index_cast %scan3A_443 : i32 to index
            %swap3A_468 = arith.constant 32 : index
            %swap3A_469 = tpu.vector_load %run_scoped3A_4[%swap3A_467, %swap3A_468] {strides = array<i32>} : memref<400x64xf32, #tpu.memory_space<vmem>>, vector<16xf32>,
            tpu.vector_store %run_scoped3A_4[%swap3A_467, %swap3A_468], %mul3A_466 {strides = array<i32>} : memref<400x64xf32, #tpu.memory_space<vmem>>, vector<16xf32>,
            %get3A_470 = arith.index_cast %scan3A_443 : i32 to index
            %get3A_471 = arith.constant 48 : index
            %get3A_472 = tpu.vector_load %run_scoped3A_4[%get3A_470, %get3A_471] {strides = array<i32>} : memref<400x64xf32, #tpu.memory_space<vmem>>, vector<16xf32>,
            %mul3A_473 = arith.mulf %get3A_472, %gather3A_448 : vector<16xf32>
            %swap3A_474 = arith.index_cast %scan3A_443 : i32 to index
            %swap3A_475 = arith.constant 48 : index
            %swap3A_476 = tpu.vector_load %run_scoped3A_4[%swap3A_474, %swap3A_475] {strides = array<i32>} : memref<400x64xf32, #tpu.memory_space<vmem>>, vector<16xf32>,
            tpu.vector_store %run_scoped3A_4[%swap3A_474, %swap3A_475], %mul3A_473 {strides = array<i32>} : memref<400x64xf32, #tpu.memory_space<vmem>>, vector<16xf32>,
            %scan3A_477 = arith.constant 0 : i32
            %scan3A_478 = arith.constant 5 : i32
            %scan3A_479 = arith.addi %scan3A_301, %scan3A_478 : i32
            %mul3A_480 = arith.constant 400 : i32
            %mul3A_481 = arith.muli %scan3A_119, %mul3A_480 : i32
            %add3A_482 = arith.addi %mul3A_481, %scan3A_479 : i32
            %broadcast_in_dim3A_483 = vector.broadcast %add3A_482 : i32 to vector<16xi32>
            %gather3A_484 = tpu.vector_load_idx %arg12[%broadcast_in_dim3A_483] : memref<10000xf32, #tpu.memory_space<vmem>>[vector<16xi32>], vector<16xf32>,
            %get3A_485 = arith.index_cast %scan3A_479 : i32 to index
            %get3A_486 = arith.constant 0 : index
            %get3A_487 = tpu.vector_load %run_scoped3A_4[%get3A_485, %get3A_486] {strides = array<i32>} : memref<400x64xf32, #tpu.memory_space<vmem>>, vector<16xf32>,
            %mul3A_488 = arith.mulf %get3A_487, %gather3A_484 : vector<16xf32>
            %swap3A_489 = arith.index_cast %scan3A_479 : i32 to index
            %swap3A_490 = arith.constant 0 : index
            %swap3A_491 = tpu.vector_load %run_scoped3A_4[%swap3A_489, %swap3A_490] {strides = array<i32>} : memref<400x64xf32, #tpu.memory_space<vmem>>, vector<16xf32>,
            tpu.vector_store %run_scoped3A_4[%swap3A_489, %swap3A_490], %mul3A_488 {strides = array<i32>} : memref<400x64xf32, #tpu.memory_space<vmem>>, vector<16xf32>,
            %get3A_492 = arith.index_cast %scan3A_479 : i32 to index
            %get3A_493 = arith.constant 16 : index
            %get3A_494 = tpu.vector_load %run_scoped3A_4[%get3A_492, %get3A_493] {strides = array<i32>} : memref<400x64xf32, #tpu.memory_space<vmem>>, vector<16xf32>,
            %mul3A_495 = arith.mulf %get3A_494, %gather3A_484 : vector<16xf32>
            %swap3A_496 = arith.index_cast %scan3A_479 : i32 to index
            %swap3A_497 = arith.constant 16 : index
            %swap3A_498 = tpu.vector_load %run_scoped3A_4[%swap3A_496, %swap3A_497] {strides = array<i32>} : memref<400x64xf32, #tpu.memory_space<vmem>>, vector<16xf32>,
            tpu.vector_store %run_scoped3A_4[%swap3A_496, %swap3A_497], %mul3A_495 {strides = array<i32>} : memref<400x64xf32, #tpu.memory_space<vmem>>, vector<16xf32>,
            %get3A_499 = arith.index_cast %scan3A_479 : i32 to index
            %get3A_500 = arith.constant 32 : index
            %get3A_501 = tpu.vector_load %run_scoped3A_4[%get3A_499, %get3A_500] {strides = array<i32>} : memref<400x64xf32, #tpu.memory_space<vmem>>, vector<16xf32>,
            %mul3A_502 = arith.mulf %get3A_501, %gather3A_484 : vector<16xf32>
            %swap3A_503 = arith.index_cast %scan3A_479 : i32 to index
            %swap3A_504 = arith.constant 32 : index
            %swap3A_505 = tpu.vector_load %run_scoped3A_4[%swap3A_503, %swap3A_504] {strides = array<i32>} : memref<400x64xf32, #tpu.memory_space<vmem>>, vector<16xf32>,
            tpu.vector_store %run_scoped3A_4[%swap3A_503, %swap3A_504], %mul3A_502 {strides = array<i32>} : memref<400x64xf32, #tpu.memory_space<vmem>>, vector<16xf32>,
            %get3A_506 = arith.index_cast %scan3A_479 : i32 to index
            %get3A_507 = arith.constant 48 : index
            %get3A_508 = tpu.vector_load %run_scoped3A_4[%get3A_506, %get3A_507] {strides = array<i32>} : memref<400x64xf32, #tpu.memory_space<vmem>>, vector<16xf32>,
            %mul3A_509 = arith.mulf %get3A_508, %gather3A_484 : vector<16xf32>
            %swap3A_510 = arith.index_cast %scan3A_479 : i32 to index
            %swap3A_511 = arith.constant 48 : index
            %swap3A_512 = tpu.vector_load %run_scoped3A_4[%swap3A_510, %swap3A_511] {strides = array<i32>} : memref<400x64xf32, #tpu.memory_space<vmem>>, vector<16xf32>,
            tpu.vector_store %run_scoped3A_4[%swap3A_510, %swap3A_511], %mul3A_509 {strides = array<i32>} : memref<400x64xf32, #tpu.memory_space<vmem>>, vector<16xf32>,
            %scan3A_513 = arith.constant 0 : i32
            %scan3A_514 = arith.constant 6 : i32
            %scan3A_515 = arith.addi %scan3A_301, %scan3A_514 : i32
            %mul3A_516 = arith.constant 400 : i32
            %mul3A_517 = arith.muli %scan3A_119, %mul3A_516 : i32
            %add3A_518 = arith.addi %mul3A_517, %scan3A_515 : i32
            %broadcast_in_dim3A_519 = vector.broadcast %add3A_518 : i32 to vector<16xi32>
            %gather3A_520 = tpu.vector_load_idx %arg12[%broadcast_in_dim3A_519] : memref<10000xf32, #tpu.memory_space<vmem>>[vector<16xi32>], vector<16xf32>,
            %get3A_521 = arith.index_cast %scan3A_515 : i32 to index
            %get3A_522 = arith.constant 0 : index
            %get3A_523 = tpu.vector_load %run_scoped3A_4[%get3A_521, %get3A_522] {strides = array<i32>} : memref<400x64xf32, #tpu.memory_space<vmem>>, vector<16xf32>,
            %mul3A_524 = arith.mulf %get3A_523, %gather3A_520 : vector<16xf32>
            %swap3A_525 = arith.index_cast %scan3A_515 : i32 to index
            %swap3A_526 = arith.constant 0 : index
            %swap3A_527 = tpu.vector_load %run_scoped3A_4[%swap3A_525, %swap3A_526] {strides = array<i32>} : memref<400x64xf32, #tpu.memory_space<vmem>>, vector<16xf32>,
            tpu.vector_store %run_scoped3A_4[%swap3A_525, %swap3A_526], %mul3A_524 {strides = array<i32>} : memref<400x64xf32, #tpu.memory_space<vmem>>, vector<16xf32>,
            %get3A_528 = arith.index_cast %scan3A_515 : i32 to index
            %get3A_529 = arith.constant 16 : index
            %get3A_530 = tpu.vector_load %run_scoped3A_4[%get3A_528, %get3A_529] {strides = array<i32>} : memref<400x64xf32, #tpu.memory_space<vmem>>, vector<16xf32>,
            %mul3A_531 = arith.mulf %get3A_530, %gather3A_520 : vector<16xf32>
            %swap3A_532 = arith.index_cast %scan3A_515 : i32 to index
            %swap3A_533 = arith.constant 16 : index
            %swap3A_534 = tpu.vector_load %run_scoped3A_4[%swap3A_532, %swap3A_533] {strides = array<i32>} : memref<400x64xf32, #tpu.memory_space<vmem>>, vector<16xf32>,
            tpu.vector_store %run_scoped3A_4[%swap3A_532, %swap3A_533], %mul3A_531 {strides = array<i32>} : memref<400x64xf32, #tpu.memory_space<vmem>>, vector<16xf32>,
            %get3A_535 = arith.index_cast %scan3A_515 : i32 to index
            %get3A_536 = arith.constant 32 : index
            %get3A_537 = tpu.vector_load %run_scoped3A_4[%get3A_535, %get3A_536] {strides = array<i32>} : memref<400x64xf32, #tpu.memory_space<vmem>>, vector<16xf32>,
            %mul3A_538 = arith.mulf %get3A_537, %gather3A_520 : vector<16xf32>
            %swap3A_539 = arith.index_cast %scan3A_515 : i32 to index
            %swap3A_540 = arith.constant 32 : index
            %swap3A_541 = tpu.vector_load %run_scoped3A_4[%swap3A_539, %swap3A_540] {strides = array<i32>} : memref<400x64xf32, #tpu.memory_space<vmem>>, vector<16xf32>,
            tpu.vector_store %run_scoped3A_4[%swap3A_539, %swap3A_540], %mul3A_538 {strides = array<i32>} : memref<400x64xf32, #tpu.memory_space<vmem>>, vector<16xf32>,
            %get3A_542 = arith.index_cast %scan3A_515 : i32 to index
            %get3A_543 = arith.constant 48 : index
            %get3A_544 = tpu.vector_load %run_scoped3A_4[%get3A_542, %get3A_543] {strides = array<i32>} : memref<400x64xf32, #tpu.memory_space<vmem>>, vector<16xf32>,
            %mul3A_545 = arith.mulf %get3A_544, %gather3A_520 : vector<16xf32>
            %swap3A_546 = arith.index_cast %scan3A_515 : i32 to index
            %swap3A_547 = arith.constant 48 : index
            %swap3A_548 = tpu.vector_load %run_scoped3A_4[%swap3A_546, %swap3A_547] {strides = array<i32>} : memref<400x64xf32, #tpu.memory_space<vmem>>, vector<16xf32>,
            tpu.vector_store %run_scoped3A_4[%swap3A_546, %swap3A_547], %mul3A_545 {strides = array<i32>} : memref<400x64xf32, #tpu.memory_space<vmem>>, vector<16xf32>,
            %scan3A_549 = arith.constant 0 : i32
            %scan3A_550 = arith.constant 7 : i32
            %scan3A_551 = arith.addi %scan3A_301, %scan3A_550 : i32
            %mul3A_552 = arith.constant 400 : i32
            %mul3A_553 = arith.muli %scan3A_119, %mul3A_552 : i32
            %add3A_554 = arith.addi %mul3A_553, %scan3A_551 : i32
            %broadcast_in_dim3A_555 = vector.broadcast %add3A_554 : i32 to vector<16xi32>
            %gather3A_556 = tpu.vector_load_idx %arg12[%broadcast_in_dim3A_555] : memref<10000xf32, #tpu.memory_space<vmem>>[vector<16xi32>], vector<16xf32>,
            %get3A_557 = arith.index_cast %scan3A_551 : i32 to index
            %get3A_558 = arith.constant 0 : index
            %get3A_559 = tpu.vector_load %run_scoped3A_4[%get3A_557, %get3A_558] {strides = array<i32>} : memref<400x64xf32, #tpu.memory_space<vmem>>, vector<16xf32>,
            %mul3A_560 = arith.mulf %get3A_559, %gather3A_556 : vector<16xf32>
            %swap3A_561 = arith.index_cast %scan3A_551 : i32 to index
            %swap3A_562 = arith.constant 0 : index
            %swap3A_563 = tpu.vector_load %run_scoped3A_4[%swap3A_561, %swap3A_562] {strides = array<i32>} : memref<400x64xf32, #tpu.memory_space<vmem>>, vector<16xf32>,
            tpu.vector_store %run_scoped3A_4[%swap3A_561, %swap3A_562], %mul3A_560 {strides = array<i32>} : memref<400x64xf32, #tpu.memory_space<vmem>>, vector<16xf32>,
            %get3A_564 = arith.index_cast %scan3A_551 : i32 to index
            %get3A_565 = arith.constant 16 : index
            %get3A_566 = tpu.vector_load %run_scoped3A_4[%get3A_564, %get3A_565] {strides = array<i32>} : memref<400x64xf32, #tpu.memory_space<vmem>>, vector<16xf32>,
            %mul3A_567 = arith.mulf %get3A_566, %gather3A_556 : vector<16xf32>
            %swap3A_568 = arith.index_cast %scan3A_551 : i32 to index
            %swap3A_569 = arith.constant 16 : index
            %swap3A_570 = tpu.vector_load %run_scoped3A_4[%swap3A_568, %swap3A_569] {strides = array<i32>} : memref<400x64xf32, #tpu.memory_space<vmem>>, vector<16xf32>,
            tpu.vector_store %run_scoped3A_4[%swap3A_568, %swap3A_569], %mul3A_567 {strides = array<i32>} : memref<400x64xf32, #tpu.memory_space<vmem>>, vector<16xf32>,
            %get3A_571 = arith.index_cast %scan3A_551 : i32 to index
            %get3A_572 = arith.constant 32 : index
            %get3A_573 = tpu.vector_load %run_scoped3A_4[%get3A_571, %get3A_572] {strides = array<i32>} : memref<400x64xf32, #tpu.memory_space<vmem>>, vector<16xf32>,
            %mul3A_574 = arith.mulf %get3A_573, %gather3A_556 : vector<16xf32>
            %swap3A_575 = arith.index_cast %scan3A_551 : i32 to index
            %swap3A_576 = arith.constant 32 : index
            %swap3A_577 = tpu.vector_load %run_scoped3A_4[%swap3A_575, %swap3A_576] {strides = array<i32>} : memref<400x64xf32, #tpu.memory_space<vmem>>, vector<16xf32>,
            tpu.vector_store %run_scoped3A_4[%swap3A_575, %swap3A_576], %mul3A_574 {strides = array<i32>} : memref<400x64xf32, #tpu.memory_space<vmem>>, vector<16xf32>,
            %get3A_578 = arith.index_cast %scan3A_551 : i32 to index
            %get3A_579 = arith.constant 48 : index
            %get3A_580 = tpu.vector_load %run_scoped3A_4[%get3A_578, %get3A_579] {strides = array<i32>} : memref<400x64xf32, #tpu.memory_space<vmem>>, vector<16xf32>,
            %mul3A_581 = arith.mulf %get3A_580, %gather3A_556 : vector<16xf32>
            %swap3A_582 = arith.index_cast %scan3A_551 : i32 to index
            %swap3A_583 = arith.constant 48 : index
            %swap3A_584 = tpu.vector_load %run_scoped3A_4[%swap3A_582, %swap3A_583] {strides = array<i32>} : memref<400x64xf32, #tpu.memory_space<vmem>>, vector<16xf32>,
            tpu.vector_store %run_scoped3A_4[%swap3A_582, %swap3A_583], %mul3A_581 {strides = array<i32>} : memref<400x64xf32, #tpu.memory_space<vmem>>, vector<16xf32>,
            %scan3A_585 = arith.constant 0 : i32
            scf.yield %scan3A_585 : i32
          }
          %scan3A_235 = arith.constant 400 : i32
          %mul3A_236 = arith.constant 5 : i32
          %mul3A_237 = arith.muli %scan3A_119, %mul3A_236 : i32
          %add3A_238 = arith.constant 0 : i32
          %add3A_239 = arith.addi %mul3A_237, %add3A_238 : i32
          %dma_start3A_240 = arith.constant 0 : i32
          %dma_start3A_241 = arith.constant 0 : i32
          %dma_start3A_242 = tpu.memref_slice %run_scoped3A_4[%dma_start3A_240, %dma_start3A_241] : memref<400x64xf32, #tpu.memory_space<vmem>> -> memref<80x64xf32, #tpu.memory_space<vmem>>
          %dma_start3A_243 = arith.constant 0 : i32
          %dma_start3A_244 = tpu.memref_slice %arg11[%add3A_239, %dma_start3A_243] : memref<125x80xi32, #tpu.memory_space<vmem>> -> memref<1x80xi32, #tpu.memory_space<vmem>>
          %dma_start3A_245 = tpu.memref_squeeze %dma_start3A_244 : memref<1x80xi32, #tpu.memory_space<vmem>> -> memref<80xi32, #tpu.memory_space<vmem>>
          %dma_start3A_246 = arith.constant 0 : i32
          %dma_start3A_247 = arith.constant 0 : i32
          %dma_start3A_248 = tpu.memref_slice %arg9[%dma_start3A_246, %dma_start3A_247] : memref<10000x64xf32, #tpu.memory_space<vmem_shared>> -> memref<10000x64xf32, #tpu.memory_space<vmem_shared>>
          tpu.enqueue_indirect_dma source(%dma_start3A_242 : memref<80x64xf32, #tpu.memory_space<vmem>>) target(%dma_start3A_248 : memref<10000x64xf32, #tpu.memory_space<vmem_shared>>) offsets(%dma_start3A_245 : memref<80xi32, #tpu.memory_space<vmem>>) semaphore(%arg16 : memref<!tpu.dma_semaphore, #tpu.memory_space<semaphore_mem>>) {add = true}
          %mul3A_249 = arith.constant 5 : i32
          %mul3A_250 = arith.muli %scan3A_119, %mul3A_249 : i32
          %add3A_251 = arith.constant 1 : i32
          %add3A_252 = arith.addi %mul3A_250, %add3A_251 : i32
          %dma_start3A_253 = arith.constant 80 : i32
          %dma_start3A_254 = arith.constant 0 : i32
          %dma_start3A_255 = tpu.memref_slice %run_scoped3A_4[%dma_start3A_253, %dma_start3A_254] : memref<400x64xf32, #tpu.memory_space<vmem>> -> memref<80x64xf32, #tpu.memory_space<vmem>>
          %dma_start3A_256 = arith.constant 0 : i32
          %dma_start3A_257 = tpu.memref_slice %arg11[%add3A_252, %dma_start3A_256] : memref<125x80xi32, #tpu.memory_space<vmem>> -> memref<1x80xi32, #tpu.memory_space<vmem>>
          %dma_start3A_258 = tpu.memref_squeeze %dma_start3A_257 : memref<1x80xi32, #tpu.memory_space<vmem>> -> memref<80xi32, #tpu.memory_space<vmem>>
          %dma_start3A_259 = arith.constant 0 : i32
          %dma_start3A_260 = arith.constant 0 : i32
          %dma_start3A_261 = tpu.memref_slice %arg9[%dma_start3A_259, %dma_start3A_260] : memref<10000x64xf32, #tpu.memory_space<vmem_shared>> -> memref<10000x64xf32, #tpu.memory_space<vmem_shared>>
          tpu.enqueue_indirect_dma source(%dma_start3A_255 : memref<80x64xf32, #tpu.memory_space<vmem>>) target(%dma_start3A_261 : memref<10000x64xf32, #tpu.memory_space<vmem_shared>>) offsets(%dma_start3A_258 : memref<80xi32, #tpu.memory_space<vmem>>) semaphore(%arg16 : memref<!tpu.dma_semaphore, #tpu.memory_space<semaphore_mem>>) {add = true}
          %mul3A_262 = arith.constant 5 : i32
          %mul3A_263 = arith.muli %scan3A_119, %mul3A_262 : i32
          %add3A_264 = arith.constant 2 : i32
          %add3A_265 = arith.addi %mul3A_263, %add3A_264 : i32
          %dma_start3A_266 = arith.constant 160 : i32
          %dma_start3A_267 = arith.constant 0 : i32
          %dma_start3A_268 = tpu.memref_slice %run_scoped3A_4[%dma_start3A_266, %dma_start3A_267] : memref<400x64xf32, #tpu.memory_space<vmem>> -> memref<80x64xf32, #tpu.memory_space<vmem>>
          %dma_start3A_269 = arith.constant 0 : i32
          %dma_start3A_270 = tpu.memref_slice %arg11[%add3A_265, %dma_start3A_269] : memref<125x80xi32, #tpu.memory_space<vmem>> -> memref<1x80xi32, #tpu.memory_space<vmem>>
          %dma_start3A_271 = tpu.memref_squeeze %dma_start3A_270 : memref<1x80xi32, #tpu.memory_space<vmem>> -> memref<80xi32, #tpu.memory_space<vmem>>
          %dma_start3A_272 = arith.constant 0 : i32
          %dma_start3A_273 = arith.constant 0 : i32
          %dma_start3A_274 = tpu.memref_slice %arg9[%dma_start3A_272, %dma_start3A_273] : memref<10000x64xf32, #tpu.memory_space<vmem_shared>> -> memref<10000x64xf32, #tpu.memory_space<vmem_shared>>
          tpu.enqueue_indirect_dma source(%dma_start3A_268 : memref<80x64xf32, #tpu.memory_space<vmem>>) target(%dma_start3A_274 : memref<10000x64xf32, #tpu.memory_space<vmem_shared>>) offsets(%dma_start3A_271 : memref<80xi32, #tpu.memory_space<vmem>>) semaphore(%arg16 : memref<!tpu.dma_semaphore, #tpu.memory_space<semaphore_mem>>) {add = true}
          %mul3A_275 = arith.constant 5 : i32
          %mul3A_276 = arith.muli %scan3A_119, %mul3A_275 : i32
          %add3A_277 = arith.constant 3 : i32
          %add3A_278 = arith.addi %mul3A_276, %add3A_277 : i32
          %dma_start3A_279 = arith.constant 240 : i32
          %dma_start3A_280 = arith.constant 0 : i32
          %dma_start3A_281 = tpu.memref_slice %run_scoped3A_4[%dma_start3A_279, %dma_start3A_280] : memref<400x64xf32, #tpu.memory_space<vmem>> -> memref<80x64xf32, #tpu.memory_space<vmem>>
          %dma_start3A_282 = arith.constant 0 : i32
          %dma_start3A_283 = tpu.memref_slice %arg11[%add3A_278, %dma_start3A_282] : memref<125x80xi32, #tpu.memory_space<vmem>> -> memref<1x80xi32, #tpu.memory_space<vmem>>
          %dma_start3A_284 = tpu.memref_squeeze %dma_start3A_283 : memref<1x80xi32, #tpu.memory_space<vmem>> -> memref<80xi32, #tpu.memory_space<vmem>>
          %dma_start3A_285 = arith.constant 0 : i32
          %dma_start3A_286 = arith.constant 0 : i32
          %dma_start3A_287 = tpu.memref_slice %arg9[%dma_start3A_285, %dma_start3A_286] : memref<10000x64xf32, #tpu.memory_space<vmem_shared>> -> memref<10000x64xf32, #tpu.memory_space<vmem_shared>>
          tpu.enqueue_indirect_dma source(%dma_start3A_281 : memref<80x64xf32, #tpu.memory_space<vmem>>) target(%dma_start3A_287 : memref<10000x64xf32, #tpu.memory_space<vmem_shared>>) offsets(%dma_start3A_284 : memref<80xi32, #tpu.memory_space<vmem>>) semaphore(%arg16 : memref<!tpu.dma_semaphore, #tpu.memory_space<semaphore_mem>>) {add = true}
          %mul3A_288 = arith.constant 5 : i32
          %mul3A_289 = arith.muli %scan3A_119, %mul3A_288 : i32
          %add3A_290 = arith.constant 4 : i32
          %add3A_291 = arith.addi %mul3A_289, %add3A_290 : i32
          %dma_start3A_292 = arith.constant 320 : i32
          %dma_start3A_293 = arith.constant 0 : i32
          %dma_start3A_294 = tpu.memref_slice %run_scoped3A_4[%dma_start3A_292, %dma_start3A_293] : memref<400x64xf32, #tpu.memory_space<vmem>> -> memref<80x64xf32, #tpu.memory_space<vmem>>
          %dma_start3A_295 = arith.constant 0 : i32
          %dma_start3A_296 = tpu.memref_slice %arg11[%add3A_291, %dma_start3A_295] : memref<125x80xi32, #tpu.memory_space<vmem>> -> memref<1x80xi32, #tpu.memory_space<vmem>>
          %dma_start3A_297 = tpu.memref_squeeze %dma_start3A_296 : memref<1x80xi32, #tpu.memory_space<vmem>> -> memref<80xi32, #tpu.memory_space<vmem>>
          %dma_start3A_298 = arith.constant 0 : i32
          %dma_start3A_299 = arith.constant 0 : i32
          %dma_start3A_300 = tpu.memref_slice %arg9[%dma_start3A_298, %dma_start3A_299] : memref<10000x64xf32, #tpu.memory_space<vmem_shared>> -> memref<10000x64xf32, #tpu.memory_space<vmem_shared>>
          tpu.enqueue_indirect_dma source(%dma_start3A_294 : memref<80x64xf32, #tpu.memory_space<vmem>>) target(%dma_start3A_300 : memref<10000x64xf32, #tpu.memory_space<vmem_shared>>) offsets(%dma_start3A_297 : memref<80xi32, #tpu.memory_space<vmem>>) semaphore(%arg16 : memref<!tpu.dma_semaphore, #tpu.memory_space<semaphore_mem>>) {add = true}
        } else {
        }
        %scan3A_154 = arith.constant 0 : i32
        scf.yield %scan3A_154 : i32
      }
      %scan3A_69 = arith.constant 25 : i32
      %dma_wait3A = arith.constant 120 : i32
      %dma_wait3A_70 = arith.constant 0 : i32
      %dma_wait3A_71 = arith.constant 0 : i32
      %dma_wait3A_72 = tpu.memref_slice %run_scoped3A[%dma_wait3A_70, %dma_wait3A_71] : memref<400x64xf32, #tpu.memory_space<vmem>> -> memref<80x64xf32, #tpu.memory_space<vmem>>
      %dma_wait3A_73 = arith.constant 0 : i32
      %dma_wait3A_74 = tpu.memref_slice %arg11[%dma_wait3A, %dma_wait3A_73] : memref<125x80xi32, #tpu.memory_space<vmem>> -> memref<1x80xi32, #tpu.memory_space<vmem>>
      %dma_wait3A_75 = tpu.memref_squeeze %dma_wait3A_74 : memref<1x80xi32, #tpu.memory_space<vmem>> -> memref<80xi32, #tpu.memory_space<vmem>>
      %dma_wait3A_76 = arith.constant 0 : i32
      %dma_wait3A_77 = arith.constant 0 : i32
      %dma_wait3A_78 = tpu.memref_slice %arg9[%dma_wait3A_76, %dma_wait3A_77] : memref<10000x64xf32, #tpu.memory_space<vmem_shared>> -> memref<10000x64xf32, #tpu.memory_space<vmem_shared>>
      tpu.wait_indirect_dma semaphore(%arg15 : memref<!tpu.dma_semaphore, #tpu.memory_space<semaphore_mem>>) src(%dma_wait3A_72 : memref<80x64xf32, #tpu.memory_space<vmem>>) dst(%dma_wait3A_78 : memref<10000x64xf32, #tpu.memory_space<vmem_shared>>)
      %dma_wait3A_79 = arith.constant 121 : i32
      %dma_wait3A_80 = arith.constant 80 : i32
      %dma_wait3A_81 = arith.constant 0 : i32
      %dma_wait3A_82 = tpu.memref_slice %run_scoped3A[%dma_wait3A_80, %dma_wait3A_81] : memref<400x64xf32, #tpu.memory_space<vmem>> -> memref<80x64xf32, #tpu.memory_space<vmem>>
      %dma_wait3A_83 = arith.constant 0 : i32
      %dma_wait3A_84 = tpu.memref_slice %arg11[%dma_wait3A_79, %dma_wait3A_83] : memref<125x80xi32, #tpu.memory_space<vmem>> -> memref<1x80xi32, #tpu.memory_space<vmem>>
      %dma_wait3A_85 = tpu.memref_squeeze %dma_wait3A_84 : memref<1x80xi32, #tpu.memory_space<vmem>> -> memref<80xi32, #tpu.memory_space<vmem>>
      %dma_wait3A_86 = arith.constant 0 : i32
      %dma_wait3A_87 = arith.constant 0 : i32
      %dma_wait3A_88 = tpu.memref_slice %arg9[%dma_wait3A_86, %dma_wait3A_87] : memref<10000x64xf32, #tpu.memory_space<vmem_shared>> -> memref<10000x64xf32, #tpu.memory_space<vmem_shared>>
      tpu.wait_indirect_dma semaphore(%arg15 : memref<!tpu.dma_semaphore, #tpu.memory_space<semaphore_mem>>) src(%dma_wait3A_82 : memref<80x64xf32, #tpu.memory_space<vmem>>) dst(%dma_wait3A_88 : memref<10000x64xf32, #tpu.memory_space<vmem_shared>>)
      %dma_wait3A_89 = arith.constant 122 : i32
      %dma_wait3A_90 = arith.constant 160 : i32
      %dma_wait3A_91 = arith.constant 0 : i32
      %dma_wait3A_92 = tpu.memref_slice %run_scoped3A[%dma_wait3A_90, %dma_wait3A_91] : memref<400x64xf32, #tpu.memory_space<vmem>> -> memref<80x64xf32, #tpu.memory_space<vmem>>
      %dma_wait3A_93 = arith.constant 0 : i32
      %dma_wait3A_94 = tpu.memref_slice %arg11[%dma_wait3A_89, %dma_wait3A_93] : memref<125x80xi32, #tpu.memory_space<vmem>> -> memref<1x80xi32, #tpu.memory_space<vmem>>
      %dma_wait3A_95 = tpu.memref_squeeze %dma_wait3A_94 : memref<1x80xi32, #tpu.memory_space<vmem>> -> memref<80xi32, #tpu.memory_space<vmem>>
      %dma_wait3A_96 = arith.constant 0 : i32
      %dma_wait3A_97 = arith.constant 0 : i32
      %dma_wait3A_98 = tpu.memref_slice %arg9[%dma_wait3A_96, %dma_wait3A_97] : memref<10000x64xf32, #tpu.memory_space<vmem_shared>> -> memref<10000x64xf32, #tpu.memory_space<vmem_shared>>
      tpu.wait_indirect_dma semaphore(%arg15 : memref<!tpu.dma_semaphore, #tpu.memory_space<semaphore_mem>>) src(%dma_wait3A_92 : memref<80x64xf32, #tpu.memory_space<vmem>>) dst(%dma_wait3A_98 : memref<10000x64xf32, #tpu.memory_space<vmem_shared>>)
      %dma_wait3A_99 = arith.constant 123 : i32
      %dma_wait3A_100 = arith.constant 240 : i32
      %dma_wait3A_101 = arith.constant 0 : i32
      %dma_wait3A_102 = tpu.memref_slice %run_scoped3A[%dma_wait3A_100, %dma_wait3A_101] : memref<400x64xf32, #tpu.memory_space<vmem>> -> memref<80x64xf32, #tpu.memory_space<vmem>>
      %dma_wait3A_103 = arith.constant 0 : i32
      %dma_wait3A_104 = tpu.memref_slice %arg11[%dma_wait3A_99, %dma_wait3A_103] : memref<125x80xi32, #tpu.memory_space<vmem>> -> memref<1x80xi32, #tpu.memory_space<vmem>>
      %dma_wait3A_105 = tpu.memref_squeeze %dma_wait3A_104 : memref<1x80xi32, #tpu.memory_space<vmem>> -> memref<80xi32, #tpu.memory_space<vmem>>
      %dma_wait3A_106 = arith.constant 0 : i32
      %dma_wait3A_107 = arith.constant 0 : i32
      %dma_wait3A_108 = tpu.memref_slice %arg9[%dma_wait3A_106, %dma_wait3A_107] : memref<10000x64xf32, #tpu.memory_space<vmem_shared>> -> memref<10000x64xf32, #tpu.memory_space<vmem_shared>>
      tpu.wait_indirect_dma semaphore(%arg15 : memref<!tpu.dma_semaphore, #tpu.memory_space<semaphore_mem>>) src(%dma_wait3A_102 : memref<80x64xf32, #tpu.memory_space<vmem>>) dst(%dma_wait3A_108 : memref<10000x64xf32, #tpu.memory_space<vmem_shared>>)
      %dma_wait3A_109 = arith.constant 124 : i32
      %dma_wait3A_110 = arith.constant 320 : i32
      %dma_wait3A_111 = arith.constant 0 : i32
      %dma_wait3A_112 = tpu.memref_slice %run_scoped3A[%dma_wait3A_110, %dma_wait3A_111] : memref<400x64xf32, #tpu.memory_space<vmem>> -> memref<80x64xf32, #tpu.memory_space<vmem>>
      %dma_wait3A_113 = arith.constant 0 : i32
      %dma_wait3A_114 = tpu.memref_slice %arg11[%dma_wait3A_109, %dma_wait3A_113] : memref<125x80xi32, #tpu.memory_space<vmem>> -> memref<1x80xi32, #tpu.memory_space<vmem>>
      %dma_wait3A_115 = tpu.memref_squeeze %dma_wait3A_114 : memref<1x80xi32, #tpu.memory_space<vmem>> -> memref<80xi32, #tpu.memory_space<vmem>>
      %dma_wait3A_116 = arith.constant 0 : i32
      %dma_wait3A_117 = arith.constant 0 : i32
      %dma_wait3A_118 = tpu.memref_slice %arg9[%dma_wait3A_116, %dma_wait3A_117] : memref<10000x64xf32, #tpu.memory_space<vmem_shared>> -> memref<10000x64xf32, #tpu.memory_space<vmem_shared>>
      tpu.wait_indirect_dma semaphore(%arg15 : memref<!tpu.dma_semaphore, #tpu.memory_space<semaphore_mem>>) src(%dma_wait3A_112 : memref<80x64xf32, #tpu.memory_space<vmem>>) dst(%dma_wait3A_118 : memref<10000x64xf32, #tpu.memory_space<vmem_shared>>)
      tpu.yield
    }) : () -> ()
    %barrier3A = arith.constant 0 : index
    tpu.barrier barrier_id(%barrier3A)
    "tpu.region"() ({
      %run_scoped3A = tpu.sem_alloc : memref<!tpu.dma_semaphore, #tpu.memory_space<semaphore_mem>>
      %dma_start3A = arith.constant 0 : i32
      %dma_start3A_4 = tpu.memref_slice %arg7[%arg0, %mul3A_2, %dma_start3A] : memref<2x10000x64xf32, #tpu.memory_space<hbm>> -> memref<1x640x64xf32, #tpu.memory_space<hbm>>
      %dma_start3A_5 = tpu.memref_squeeze %dma_start3A_4 : memref<1x640x64xf32, #tpu.memory_space<hbm>> -> memref<640x64xf32, #tpu.memory_space<hbm>>
      %dma_start3A_6 = arith.constant 0 : i32
      %dma_start3A_7 = tpu.memref_slice %arg9[%mul3A_2, %dma_start3A_6] : memref<10000x64xf32, #tpu.memory_space<vmem_shared>> -> memref<640x64xf32, #tpu.memory_space<vmem_shared>>
      tpu.enqueue_dma source(%dma_start3A_7 : memref<640x64xf32, #tpu.memory_space<vmem_shared>>) target(%dma_start3A_5 : memref<640x64xf32, #tpu.memory_space<hbm>>) target_semaphore(%run_scoped3A : memref<!tpu.dma_semaphore, #tpu.memory_space<semaphore_mem>>)
      %dma_wait3A = arith.constant 0 : i32
      %dma_wait3A_8 = tpu.memref_slice %arg7[%arg0, %mul3A_2, %dma_wait3A] : memref<2x10000x64xf32, #tpu.memory_space<hbm>> -> memref<1x640x64xf32, #tpu.memory_space<hbm>>
      %dma_wait3A_9 = tpu.memref_squeeze %dma_wait3A_8 : memref<1x640x64xf32, #tpu.memory_space<hbm>> -> memref<640x64xf32, #tpu.memory_space<hbm>>
      %dma_wait3A_10 = arith.constant 0 : i32
      %dma_wait3A_11 = tpu.memref_slice %arg9[%mul3A_2, %dma_wait3A_10] : memref<10000x64xf32, #tpu.memory_space<vmem_shared>> -> memref<640x64xf32, #tpu.memory_space<vmem_shared>>
      tpu.wait_dma2 semaphore(%run_scoped3A : memref<!tpu.dma_semaphore, #tpu.memory_space<semaphore_mem>>) src(%dma_wait3A_11 : memref<640x64xf32, #tpu.memory_space<vmem_shared>>) dst(%dma_wait3A_9 : memref<640x64xf32, #tpu.memory_space<hbm>>)
      tpu.yield
    }) : () -> ()
    return
  }
}

module attributes {stable_mosaic.version = 14 : i64} {
  func.func @_tc_pre_body(%arg0: memref<10000x128xf32, #tpu.memory_space<vmem>>, %arg1: memref<128x64xf32, #tpu.memory_space<vmem>>, %arg2: memref<64x1xf32, #tpu.memory_space<vmem>>, %arg3: memref<64x1xf32, #tpu.memory_space<vmem>>, %arg4: memref<10000x64xf32, #tpu.memory_space<vmem>>, %arg5: memref<10000x1xf32, #tpu.memory_space<vmem>>, %arg6: memref<10000x1xf32, #tpu.memory_space<vmem>>) attributes {dimension_semantics = [], scalar_prefetch = 0 : i64, scratch_operands = 0 : i64, tpu.core_type = #tpu.core_type<tc>} {
    %get3A = arith.constant 0 : index
    %get3A_0 = arith.constant 0 : index
    %get3A_1 = vector.load %arg0[%get3A, %get3A_0] : memref<10000x128xf32, #tpu.memory_space<vmem>>, vector<10000x128xf32>
    %get3A_2 = arith.constant 0 : index
    %get3A_3 = arith.constant 0 : index
    %get3A_4 = vector.load %arg1[%get3A_2, %get3A_3] : memref<128x64xf32, #tpu.memory_space<vmem>>, vector<128x64xf32>
    %dot_general3A = arith.constant dense<0.000000e+00> : vector<10000x64xf32>
    %dot_general3A_5 = tpu.matmul %get3A_1, %get3A_4, %dot_general3A {dimension_numbers = #tpu.dot_dimension_numbers<[1], [0], [0], [1], [0, 0, 1, 1], [], []>, transpose_lhs_hint = false} : vector<10000x128xf32>, vector<128x64xf32>, vector<10000x64xf32> -> vector<10000x64xf32>
    %swap3A = arith.constant 0 : index
    %swap3A_6 = arith.constant 0 : index
    %swap3A_7 = vector.load %arg4[%swap3A, %swap3A_6] : memref<10000x64xf32, #tpu.memory_space<vmem>>, vector<10000x64xf32>
    tpu.vector_store %arg4[%swap3A, %swap3A_6], %dot_general3A_5 {strides = array<i32>} : memref<10000x64xf32, #tpu.memory_space<vmem>>, vector<10000x64xf32>,
    %get3A_8 = arith.constant 0 : index
    %get3A_9 = arith.constant 0 : index
    %get3A_10 = vector.load %arg2[%get3A_8, %get3A_9] : memref<64x1xf32, #tpu.memory_space<vmem>>, vector<64x1xf32>
    %dot_general3A_11 = arith.constant dense<0.000000e+00> : vector<10000x1xf32>
    %dot_general3A_12 = tpu.matmul %dot_general3A_5, %get3A_10, %dot_general3A_11 {dimension_numbers = #tpu.dot_dimension_numbers<[1], [0], [0], [1], [0, 0, 1, 1], [], []>, transpose_lhs_hint = false} : vector<10000x64xf32>, vector<64x1xf32>, vector<10000x1xf32> -> vector<10000x1xf32>
    %swap3A_13 = arith.constant 0 : index
    %swap3A_14 = arith.constant 0 : index
    %swap3A_15 = vector.load %arg5[%swap3A_13, %swap3A_14] : memref<10000x1xf32, #tpu.memory_space<vmem>>, vector<10000x1xf32>
    tpu.vector_store %arg5[%swap3A_13, %swap3A_14], %dot_general3A_12 {strides = array<i32>} : memref<10000x1xf32, #tpu.memory_space<vmem>>, vector<10000x1xf32>,
    %get3A_16 = arith.constant 0 : index
    %get3A_17 = arith.constant 0 : index
    %get3A_18 = vector.load %arg3[%get3A_16, %get3A_17] : memref<64x1xf32, #tpu.memory_space<vmem>>, vector<64x1xf32>
    %dot_general3A_19 = arith.constant dense<0.000000e+00> : vector<10000x1xf32>
    %dot_general3A_20 = tpu.matmul %dot_general3A_5, %get3A_18, %dot_general3A_19 {dimension_numbers = #tpu.dot_dimension_numbers<[1], [0], [0], [1], [0, 0, 1, 1], [], []>, transpose_lhs_hint = false} : vector<10000x64xf32>, vector<64x1xf32>, vector<10000x1xf32> -> vector<10000x1xf32>
    %swap3A_21 = arith.constant 0 : index
    %swap3A_22 = arith.constant 0 : index
    %swap3A_23 = vector.load %arg6[%swap3A_21, %swap3A_22] : memref<10000x1xf32, #tpu.memory_space<vmem>>, vector<10000x1xf32>
    tpu.vector_store %arg6[%swap3A_21, %swap3A_22], %dot_general3A_20 {strides = array<i32>} : memref<10000x1xf32, #tpu.memory_space<vmem>>, vector<10000x1xf32>,
    return
  }
}

module attributes {stable_mosaic.version = 14 : i64} {
  func.func @_tc_mid_body(%arg0: memref<2x10000x64xf32, #tpu.memory_space<vmem>>, %arg1: memref<32x10000xf32, #tpu.memory_space<vmem>>, %arg2: memref<10000x1xf32, #tpu.memory_space<vmem>>, %arg3: memref<10000x1xf32, #tpu.memory_space<vmem>>, %arg4: memref<10000x64xf32, #tpu.memory_space<vmem>>, %arg5: memref<1x64xf32, #tpu.memory_space<vmem>>, %arg6: memref<1x64xf32, #tpu.memory_space<vmem>>, %arg7: memref<1x64xf32, #tpu.memory_space<vmem>>, %arg8: memref<64x64xf32, #tpu.memory_space<vmem>>, %arg9: memref<64x1xf32, #tpu.memory_space<vmem>>, %arg10: memref<64x1xf32, #tpu.memory_space<vmem>>, %arg11: memref<10000x64xf32, #tpu.memory_space<vmem>>, %arg12: memref<10000x1xf32, #tpu.memory_space<vmem>>, %arg13: memref<10000x1xf32, #tpu.memory_space<vmem>>) attributes {dimension_semantics = [], scalar_prefetch = 0 : i64, scratch_operands = 0 : i64, tpu.core_type = #tpu.core_type<tc>} {
    %get3A = arith.constant 0 : index
    %get3A_0 = arith.constant 0 : index
    %get3A_1 = arith.constant 0 : index
    %get3A_2 = vector.load %arg0[%get3A, %get3A_0, %get3A_1] : memref<2x10000x64xf32, #tpu.memory_space<vmem>>, vector<2x10000x64xf32>
    %get3A_3 = arith.constant 0 : index
    %get3A_4 = arith.constant 0 : index
    %get3A_5 = vector.load %arg1[%get3A_3, %get3A_4] : memref<32x10000xf32, #tpu.memory_space<vmem>>, vector<32x10000xf32>
    %get3A_6 = arith.constant 0 : index
    %get3A_7 = arith.constant 0 : index
    %get3A_8 = vector.load %arg2[%get3A_6, %get3A_7] : memref<10000x1xf32, #tpu.memory_space<vmem>>, vector<10000x1xf32>
    %get3A_9 = arith.constant 0 : index
    %get3A_10 = arith.constant 0 : index
    %get3A_11 = vector.load %arg3[%get3A_9, %get3A_10] : memref<10000x1xf32, #tpu.memory_space<vmem>>, vector<10000x1xf32>
    %get3A_12 = arith.constant 0 : index
    %get3A_13 = arith.constant 0 : index
    %get3A_14 = vector.load %arg4[%get3A_12, %get3A_13] : memref<10000x64xf32, #tpu.memory_space<vmem>>, vector<10000x64xf32>
    %get3A_15 = arith.constant 0 : index
    %get3A_16 = arith.constant 0 : index
    %get3A_17 = vector.load %arg5[%get3A_15, %get3A_16] : memref<1x64xf32, #tpu.memory_space<vmem>>, vector<1x64xf32>
    %get3A_18 = arith.constant 0 : index
    %get3A_19 = arith.constant 0 : index
    %get3A_20 = vector.load %arg6[%get3A_18, %get3A_19] : memref<1x64xf32, #tpu.memory_space<vmem>>, vector<1x64xf32>
    %get3A_21 = arith.constant 0 : index
    %get3A_22 = arith.constant 0 : index
    %get3A_23 = vector.load %arg7[%get3A_21, %get3A_22] : memref<1x64xf32, #tpu.memory_space<vmem>>, vector<1x64xf32>
    %broadcast_in_dim3A = arith.constant 1.000000e+00 : f32
    %broadcast_in_dim3A_24 = vector.broadcast %broadcast_in_dim3A : f32 to vector<32x1xf32>
    %dot_general3A = arith.constant dense<0.000000e+00> : vector<10000x1xf32>
    %dot_general3A_25 = tpu.matmul %get3A_5, %broadcast_in_dim3A_24, %dot_general3A {dimension_numbers = #tpu.dot_dimension_numbers<[0], [0], [1], [1], [0, 1, 1, 1], [], []>, transpose_lhs_hint = false} : vector<32x10000xf32>, vector<32x1xf32>, vector<10000x1xf32> -> vector<10000x1xf32>
    %add3A = arith.addf %get3A_8, %get3A_11 : vector<10000x1xf32>
    %gt3A = arith.constant 0.000000e+00 : f32
    %gt3A_26 = vector.broadcast %gt3A : f32 to vector<10000x1xf32>
    %gt3A_27 = arith.cmpf ogt, %add3A, %gt3A_26 : vector<10000x1xf32>
    %mul3A = arith.constant 2.000000e-01 : f32
    %mul3A_28 = vector.broadcast %mul3A : f32 to vector<10000x1xf32>
    %mul3A_29 = arith.mulf %add3A, %mul3A_28 : vector<10000x1xf32>
    %select_n3A = arith.select %gt3A_27, %add3A, %mul3A_29 : vector<10000x1xi1>, vector<10000x1xf32>
    %exp3A = math.exp %select_n3A : vector<10000x1xf32>
    %add3A_30 = arith.addf %dot_general3A_25, %exp3A : vector<10000x1xf32>
    %slice3A = vector.extract_strided_slice %get3A_2 {offsets = [0, 0, 0], sizes = [1, 10000, 64], strides = [1, 1, 1]} : vector<2x10000x64xf32> to vector<1x10000x64xf32>
    %squeeze3A = vector.shape_cast %slice3A : vector<1x10000x64xf32> to vector<10000x64xf32>
    %slice3A_31 = vector.extract_strided_slice %get3A_2 {offsets = [1, 0, 0], sizes = [1, 10000, 64], strides = [1, 1, 1]} : vector<2x10000x64xf32> to vector<1x10000x64xf32>
    %squeeze3A_32 = vector.shape_cast %slice3A_31 : vector<1x10000x64xf32> to vector<10000x64xf32>
    %add3A_33 = arith.addf %squeeze3A, %squeeze3A_32 : vector<10000x64xf32>
    %mul3A_34 = vector.broadcast %exp3A : vector<10000x1xf32> to vector<10000x64xf32>
    %mul3A_35 = arith.mulf %get3A_14, %mul3A_34 : vector<10000x64xf32>
    %add3A_36 = arith.addf %add3A_33, %mul3A_35 : vector<10000x64xf32>
    %div3A = vector.broadcast %add3A_30 : vector<10000x1xf32> to vector<10000x64xf32>
    %div3A_37 = arith.divf %add3A_36, %div3A : vector<10000x64xf32>
    %add3A_38 = vector.broadcast %get3A_17 : vector<1x64xf32> to vector<10000x64xf32>
    %add3A_39 = arith.addf %div3A_37, %add3A_38 : vector<10000x64xf32>
    %max3A = arith.constant 0.000000e+00 : f32
    %max3A_40 = vector.broadcast %max3A : f32 to vector<10000x64xf32>
    %max3A_41 = arith.maximumf %add3A_39, %max3A_40 : vector<10000x64xf32>
    %mul3A_42 = vector.broadcast %get3A_20 : vector<1x64xf32> to vector<10000x64xf32>
    %mul3A_43 = arith.mulf %mul3A_42, %max3A_41 : vector<10000x64xf32>
    %mul3A_44 = arith.constant 0.999994993 : f32
    %mul3A_45 = vector.broadcast %mul3A_44 : f32 to vector<10000x64xf32>
    %mul3A_46 = arith.mulf %mul3A_43, %mul3A_45 : vector<10000x64xf32>
    %add3A_47 = vector.broadcast %get3A_23 : vector<1x64xf32> to vector<10000x64xf32>
    %add3A_48 = arith.addf %mul3A_46, %add3A_47 : vector<10000x64xf32>
    %get3A_49 = arith.constant 0 : index
    %get3A_50 = arith.constant 0 : index
    %get3A_51 = vector.load %arg8[%get3A_49, %get3A_50] : memref<64x64xf32, #tpu.memory_space<vmem>>, vector<64x64xf32>
    %dot_general3A_52 = arith.constant dense<0.000000e+00> : vector<10000x64xf32>
    %dot_general3A_53 = tpu.matmul %add3A_48, %get3A_51, %dot_general3A_52 {dimension_numbers = #tpu.dot_dimension_numbers<[1], [0], [0], [1], [0, 0, 1, 1], [], []>, transpose_lhs_hint = false} : vector<10000x64xf32>, vector<64x64xf32>, vector<10000x64xf32> -> vector<10000x64xf32>
    %swap3A = arith.constant 0 : index
    %swap3A_54 = arith.constant 0 : index
    %swap3A_55 = vector.load %arg11[%swap3A, %swap3A_54] : memref<10000x64xf32, #tpu.memory_space<vmem>>, vector<10000x64xf32>
    tpu.vector_store %arg11[%swap3A, %swap3A_54], %dot_general3A_53 {strides = array<i32>} : memref<10000x64xf32, #tpu.memory_space<vmem>>, vector<10000x64xf32>,
    %get3A_56 = arith.constant 0 : index
    %get3A_57 = arith.constant 0 : index
    %get3A_58 = vector.load %arg9[%get3A_56, %get3A_57] : memref<64x1xf32, #tpu.memory_space<vmem>>, vector<64x1xf32>
    %dot_general3A_59 = arith.constant dense<0.000000e+00> : vector<10000x1xf32>
    %dot_general3A_60 = tpu.matmul %dot_general3A_53, %get3A_58, %dot_general3A_59 {dimension_numbers = #tpu.dot_dimension_numbers<[1], [0], [0], [1], [0, 0, 1, 1], [], []>, transpose_lhs_hint = false} : vector<10000x64xf32>, vector<64x1xf32>, vector<10000x1xf32> -> vector<10000x1xf32>
    %swap3A_61 = arith.constant 0 : index
    %swap3A_62 = arith.constant 0 : index
    %swap3A_63 = vector.load %arg12[%swap3A_61, %swap3A_62] : memref<10000x1xf32, #tpu.memory_space<vmem>>, vector<10000x1xf32>
    tpu.vector_store %arg12[%swap3A_61, %swap3A_62], %dot_general3A_60 {strides = array<i32>} : memref<10000x1xf32, #tpu.memory_space<vmem>>, vector<10000x1xf32>,
    %get3A_64 = arith.constant 0 : index
    %get3A_65 = arith.constant 0 : index
    %get3A_66 = vector.load %arg10[%get3A_64, %get3A_65] : memref<64x1xf32, #tpu.memory_space<vmem>>, vector<64x1xf32>
    %dot_general3A_67 = arith.constant dense<0.000000e+00> : vector<10000x1xf32>
    %dot_general3A_68 = tpu.matmul %dot_general3A_53, %get3A_66, %dot_general3A_67 {dimension_numbers = #tpu.dot_dimension_numbers<[1], [0], [0], [1], [0, 0, 1, 1], [], []>, transpose_lhs_hint = false} : vector<10000x64xf32>, vector<64x1xf32>, vector<10000x1xf32> -> vector<10000x1xf32>
    %swap3A_69 = arith.constant 0 : index
    %swap3A_70 = arith.constant 0 : index
    %swap3A_71 = vector.load %arg13[%swap3A_69, %swap3A_70] : memref<10000x1xf32, #tpu.memory_space<vmem>>, vector<10000x1xf32>
    tpu.vector_store %arg13[%swap3A_69, %swap3A_70], %dot_general3A_68 {strides = array<i32>} : memref<10000x1xf32, #tpu.memory_space<vmem>>, vector<10000x1xf32>,
    return
  }
}

module attributes {stable_mosaic.version = 14 : i64} {
  func.func @_tc_fin_body(%arg0: memref<2x10000x64xf32, #tpu.memory_space<vmem>>, %arg1: memref<32x10000xf32, #tpu.memory_space<vmem>>, %arg2: memref<10000x1xf32, #tpu.memory_space<vmem>>, %arg3: memref<10000x1xf32, #tpu.memory_space<vmem>>, %arg4: memref<10000x64xf32, #tpu.memory_space<vmem>>, %arg5: memref<1x64xf32, #tpu.memory_space<vmem>>, %arg6: memref<1x64xf32, #tpu.memory_space<vmem>>, %arg7: memref<1x64xf32, #tpu.memory_space<vmem>>, %arg8: memref<1x10000xi32, #tpu.memory_space<vmem>>, %arg9: memref<64x64xf32, #tpu.memory_space<vmem>>, %arg10: memref<1x64xf32, #tpu.memory_space<vmem>>, %arg11: memref<64x64xf32, #tpu.memory_space<vmem>>, %arg12: memref<1x64xf32, #tpu.memory_space<vmem>>, %arg13: memref<64x64xf32, #tpu.memory_space<vmem>>, %arg14: memref<1x64xf32, #tpu.memory_space<vmem>>, %arg15: memref<64x2xf32, #tpu.memory_space<vmem>>, %arg16: memref<1x2xf32, #tpu.memory_space<vmem>>, %arg17: memref<64x2xf32, #tpu.memory_space<vmem>>) attributes {dimension_semantics = [], scalar_prefetch = 0 : i64, scratch_operands = 0 : i64, tpu.core_type = #tpu.core_type<tc>} {
    %get3A = arith.constant 0 : index
    %get3A_0 = arith.constant 0 : index
    %get3A_1 = arith.constant 0 : index
    %get3A_2 = vector.load %arg0[%get3A, %get3A_0, %get3A_1] : memref<2x10000x64xf32, #tpu.memory_space<vmem>>, vector<2x10000x64xf32>
    %get3A_3 = arith.constant 0 : index
    %get3A_4 = arith.constant 0 : index
    %get3A_5 = vector.load %arg1[%get3A_3, %get3A_4] : memref<32x10000xf32, #tpu.memory_space<vmem>>, vector<32x10000xf32>
    %get3A_6 = arith.constant 0 : index
    %get3A_7 = arith.constant 0 : index
    %get3A_8 = vector.load %arg2[%get3A_6, %get3A_7] : memref<10000x1xf32, #tpu.memory_space<vmem>>, vector<10000x1xf32>
    %get3A_9 = arith.constant 0 : index
    %get3A_10 = arith.constant 0 : index
    %get3A_11 = vector.load %arg3[%get3A_9, %get3A_10] : memref<10000x1xf32, #tpu.memory_space<vmem>>, vector<10000x1xf32>
    %get3A_12 = arith.constant 0 : index
    %get3A_13 = arith.constant 0 : index
    %get3A_14 = vector.load %arg4[%get3A_12, %get3A_13] : memref<10000x64xf32, #tpu.memory_space<vmem>>, vector<10000x64xf32>
    %get3A_15 = arith.constant 0 : index
    %get3A_16 = arith.constant 0 : index
    %get3A_17 = vector.load %arg5[%get3A_15, %get3A_16] : memref<1x64xf32, #tpu.memory_space<vmem>>, vector<1x64xf32>
    %get3A_18 = arith.constant 0 : index
    %get3A_19 = arith.constant 0 : index
    %get3A_20 = vector.load %arg6[%get3A_18, %get3A_19] : memref<1x64xf32, #tpu.memory_space<vmem>>, vector<1x64xf32>
    %get3A_21 = arith.constant 0 : index
    %get3A_22 = arith.constant 0 : index
    %get3A_23 = vector.load %arg7[%get3A_21, %get3A_22] : memref<1x64xf32, #tpu.memory_space<vmem>>, vector<1x64xf32>
    %broadcast_in_dim3A = arith.constant 1.000000e+00 : f32
    %broadcast_in_dim3A_24 = vector.broadcast %broadcast_in_dim3A : f32 to vector<32x1xf32>
    %dot_general3A = arith.constant dense<0.000000e+00> : vector<10000x1xf32>
    %dot_general3A_25 = tpu.matmul %get3A_5, %broadcast_in_dim3A_24, %dot_general3A {dimension_numbers = #tpu.dot_dimension_numbers<[0], [0], [1], [1], [0, 1, 1, 1], [], []>, transpose_lhs_hint = false} : vector<32x10000xf32>, vector<32x1xf32>, vector<10000x1xf32> -> vector<10000x1xf32>
    %add3A = arith.addf %get3A_8, %get3A_11 : vector<10000x1xf32>
    %gt3A = arith.constant 0.000000e+00 : f32
    %gt3A_26 = vector.broadcast %gt3A : f32 to vector<10000x1xf32>
    %gt3A_27 = arith.cmpf ogt, %add3A, %gt3A_26 : vector<10000x1xf32>
    %mul3A = arith.constant 2.000000e-01 : f32
    %mul3A_28 = vector.broadcast %mul3A : f32 to vector<10000x1xf32>
    %mul3A_29 = arith.mulf %add3A, %mul3A_28 : vector<10000x1xf32>
    %select_n3A = arith.select %gt3A_27, %add3A, %mul3A_29 : vector<10000x1xi1>, vector<10000x1xf32>
    %exp3A = math.exp %select_n3A : vector<10000x1xf32>
    %add3A_30 = arith.addf %dot_general3A_25, %exp3A : vector<10000x1xf32>
    %slice3A = vector.extract_strided_slice %get3A_2 {offsets = [0, 0, 0], sizes = [1, 10000, 64], strides = [1, 1, 1]} : vector<2x10000x64xf32> to vector<1x10000x64xf32>
    %squeeze3A = vector.shape_cast %slice3A : vector<1x10000x64xf32> to vector<10000x64xf32>
    %slice3A_31 = vector.extract_strided_slice %get3A_2 {offsets = [1, 0, 0], sizes = [1, 10000, 64], strides = [1, 1, 1]} : vector<2x10000x64xf32> to vector<1x10000x64xf32>
    %squeeze3A_32 = vector.shape_cast %slice3A_31 : vector<1x10000x64xf32> to vector<10000x64xf32>
    %add3A_33 = arith.addf %squeeze3A, %squeeze3A_32 : vector<10000x64xf32>
    %mul3A_34 = vector.broadcast %exp3A : vector<10000x1xf32> to vector<10000x64xf32>
    %mul3A_35 = arith.mulf %get3A_14, %mul3A_34 : vector<10000x64xf32>
    %add3A_36 = arith.addf %add3A_33, %mul3A_35 : vector<10000x64xf32>
    %div3A = vector.broadcast %add3A_30 : vector<10000x1xf32> to vector<10000x64xf32>
    %div3A_37 = arith.divf %add3A_36, %div3A : vector<10000x64xf32>
    %add3A_38 = vector.broadcast %get3A_17 : vector<1x64xf32> to vector<10000x64xf32>
    %add3A_39 = arith.addf %div3A_37, %add3A_38 : vector<10000x64xf32>
    %max3A = arith.constant 0.000000e+00 : f32
    %max3A_40 = vector.broadcast %max3A : f32 to vector<10000x64xf32>
    %max3A_41 = arith.maximumf %add3A_39, %max3A_40 : vector<10000x64xf32>
    %mul3A_42 = vector.broadcast %get3A_20 : vector<1x64xf32> to vector<10000x64xf32>
    %mul3A_43 = arith.mulf %mul3A_42, %max3A_41 : vector<10000x64xf32>
    %mul3A_44 = arith.constant 0.999994993 : f32
    %mul3A_45 = vector.broadcast %mul3A_44 : f32 to vector<10000x64xf32>
    %mul3A_46 = arith.mulf %mul3A_43, %mul3A_45 : vector<10000x64xf32>
    %add3A_47 = vector.broadcast %get3A_23 : vector<1x64xf32> to vector<10000x64xf32>
    %add3A_48 = arith.addf %mul3A_46, %add3A_47 : vector<10000x64xf32>
    %iota3A = tpu.iota {dimensions = array<i32: 0>} : vector<64x10000xi32>
    %get3A_49 = arith.constant 0 : index
    %get3A_50 = arith.constant 0 : index
    %get3A_51 = vector.load %arg8[%get3A_49, %get3A_50] : memref<1x10000xi32, #tpu.memory_space<vmem>>, vector<1x10000xi32>
    %eq3A = vector.broadcast %get3A_51 : vector<1x10000xi32> to vector<64x10000xi32>
    %eq3A_52 = arith.cmpi eq, %iota3A, %eq3A : vector<64x10000xi32>
    %jit3A = arith.constant 1.000000e+00 : f32
    %jit3A_53 = arith.constant 0.000000e+00 : f32
    %broadcast_in_dim3A_54 = vector.broadcast %jit3A : f32 to vector<64x10000xf32>
    %broadcast_in_dim3A_55 = vector.broadcast %jit3A_53 : f32 to vector<64x10000xf32>
    %select_n3A_56 = arith.select %eq3A_52, %broadcast_in_dim3A_54, %broadcast_in_dim3A_55 : vector<64x10000xi1>, vector<64x10000xf32>
    %dot_general3A_57 = arith.constant dense<0.000000e+00> : vector<64x64xf32>
    %dot_general3A_58 = tpu.matmul %select_n3A_56, %add3A_48, %dot_general3A_57 {dimension_numbers = #tpu.dot_dimension_numbers<[1], [0], [0], [1], [0, 0, 1, 1], [], []>, transpose_lhs_hint = false} : vector<64x10000xf32>, vector<10000x64xf32>, vector<64x64xf32> -> vector<64x64xf32>
    %get3A_59 = arith.constant 0 : index
    %get3A_60 = arith.constant 0 : index
    %get3A_61 = vector.load %arg9[%get3A_59, %get3A_60] : memref<64x64xf32, #tpu.memory_space<vmem>>, vector<64x64xf32>
    %dot_general3A_62 = arith.constant dense<0.000000e+00> : vector<64x64xf32>
    %dot_general3A_63 = tpu.matmul %dot_general3A_58, %get3A_61, %dot_general3A_62 {dimension_numbers = #tpu.dot_dimension_numbers<[1], [0], [0], [1], [0, 0, 1, 1], [], []>, transpose_lhs_hint = false} : vector<64x64xf32>, vector<64x64xf32>, vector<64x64xf32> -> vector<64x64xf32>
    %get3A_64 = arith.constant 0 : index
    %get3A_65 = arith.constant 0 : index
    %get3A_66 = vector.load %arg10[%get3A_64, %get3A_65] : memref<1x64xf32, #tpu.memory_space<vmem>>, vector<1x64xf32>
    %add3A_67 = vector.broadcast %get3A_66 : vector<1x64xf32> to vector<64x64xf32>
    %add3A_68 = arith.addf %dot_general3A_63, %add3A_67 : vector<64x64xf32>
    %max3A_69 = arith.constant 0.000000e+00 : f32
    %max3A_70 = vector.broadcast %max3A_69 : f32 to vector<64x64xf32>
    %max3A_71 = arith.maximumf %add3A_68, %max3A_70 : vector<64x64xf32>
    %get3A_72 = arith.constant 0 : index
    %get3A_73 = arith.constant 0 : index
    %get3A_74 = vector.load %arg11[%get3A_72, %get3A_73] : memref<64x64xf32, #tpu.memory_space<vmem>>, vector<64x64xf32>
    %dot_general3A_75 = arith.constant dense<0.000000e+00> : vector<64x64xf32>
    %dot_general3A_76 = tpu.matmul %max3A_71, %get3A_74, %dot_general3A_75 {dimension_numbers = #tpu.dot_dimension_numbers<[1], [0], [0], [1], [0, 0, 1, 1], [], []>, transpose_lhs_hint = false} : vector<64x64xf32>, vector<64x64xf32>, vector<64x64xf32> -> vector<64x64xf32>
    %get3A_77 = arith.constant 0 : index
    %get3A_78 = arith.constant 0 : index
    %get3A_79 = vector.load %arg12[%get3A_77, %get3A_78] : memref<1x64xf32, #tpu.memory_space<vmem>>, vector<1x64xf32>
    %add3A_80 = vector.broadcast %get3A_79 : vector<1x64xf32> to vector<64x64xf32>
    %add3A_81 = arith.addf %dot_general3A_76, %add3A_80 : vector<64x64xf32>
    %max3A_82 = arith.constant 0.000000e+00 : f32
    %max3A_83 = vector.broadcast %max3A_82 : f32 to vector<64x64xf32>
    %max3A_84 = arith.maximumf %add3A_81, %max3A_83 : vector<64x64xf32>
    %get3A_85 = arith.constant 0 : index
    %get3A_86 = arith.constant 0 : index
    %get3A_87 = vector.load %arg13[%get3A_85, %get3A_86] : memref<64x64xf32, #tpu.memory_space<vmem>>, vector<64x64xf32>
    %dot_general3A_88 = arith.constant dense<0.000000e+00> : vector<64x64xf32>
    %dot_general3A_89 = tpu.matmul %max3A_84, %get3A_87, %dot_general3A_88 {dimension_numbers = #tpu.dot_dimension_numbers<[1], [0], [0], [1], [0, 0, 1, 1], [], []>, transpose_lhs_hint = false} : vector<64x64xf32>, vector<64x64xf32>, vector<64x64xf32> -> vector<64x64xf32>
    %get3A_90 = arith.constant 0 : index
    %get3A_91 = arith.constant 0 : index
    %get3A_92 = vector.load %arg14[%get3A_90, %get3A_91] : memref<1x64xf32, #tpu.memory_space<vmem>>, vector<1x64xf32>
    %add3A_93 = vector.broadcast %get3A_92 : vector<1x64xf32> to vector<64x64xf32>
    %add3A_94 = arith.addf %dot_general3A_89, %add3A_93 : vector<64x64xf32>
    %max3A_95 = arith.constant 0.000000e+00 : f32
    %max3A_96 = vector.broadcast %max3A_95 : f32 to vector<64x64xf32>
    %max3A_97 = arith.maximumf %add3A_94, %max3A_96 : vector<64x64xf32>
    %get3A_98 = arith.constant 0 : index
    %get3A_99 = arith.constant 0 : index
    %get3A_100 = vector.load %arg15[%get3A_98, %get3A_99] : memref<64x2xf32, #tpu.memory_space<vmem>>, vector<64x2xf32>
    %dot_general3A_101 = arith.constant dense<0.000000e+00> : vector<64x2xf32>
    %dot_general3A_102 = tpu.matmul %max3A_97, %get3A_100, %dot_general3A_101 {dimension_numbers = #tpu.dot_dimension_numbers<[1], [0], [0], [1], [0, 0, 1, 1], [], []>, transpose_lhs_hint = false} : vector<64x64xf32>, vector<64x2xf32>, vector<64x2xf32> -> vector<64x2xf32>
    %get3A_103 = arith.constant 0 : index
    %get3A_104 = arith.constant 0 : index
    %get3A_105 = vector.load %arg16[%get3A_103, %get3A_104] : memref<1x2xf32, #tpu.memory_space<vmem>>, vector<1x2xf32>
    %add3A_106 = vector.broadcast %get3A_105 : vector<1x2xf32> to vector<64x2xf32>
    %add3A_107 = arith.addf %dot_general3A_102, %add3A_106 : vector<64x2xf32>
    %reduce_max3A = arith.constant dense<0xFF800000> : vector<64xf32>
    %reduce_max3A_108 = vector.multi_reduction <maximumf>, %add3A_107, %reduce_max3A [1] : vector<64x2xf32> to vector<64xf32>
    %broadcast_in_dim3A_109 = vector.shape_cast %reduce_max3A_108 : vector<64xf32> to vector<64x1xf32>
    %sub3A = vector.broadcast %broadcast_in_dim3A_109 : vector<64x1xf32> to vector<64x2xf32>
    %sub3A_110 = arith.subf %add3A_107, %sub3A : vector<64x2xf32>
    %exp3A_111 = math.exp %sub3A_110 : vector<64x2xf32>
    %reduce_sum3A = arith.constant dense<0.000000e+00> : vector<64xf32>
    %reduce_sum3A_112 = vector.multi_reduction <add>, %exp3A_111, %reduce_sum3A [1] : vector<64x2xf32> to vector<64xf32>
    %broadcast_in_dim3A_113 = vector.shape_cast %reduce_sum3A_112 : vector<64xf32> to vector<64x1xf32>
    %log3A = math.log %broadcast_in_dim3A_113 : vector<64x1xf32>
    %add3A_114 = arith.addf %broadcast_in_dim3A_109, %log3A : vector<64x1xf32>
    %sub3A_115 = vector.broadcast %add3A_114 : vector<64x1xf32> to vector<64x2xf32>
    %sub3A_116 = arith.subf %add3A_107, %sub3A_115 : vector<64x2xf32>
    %swap3A = arith.constant 0 : index
    %swap3A_117 = arith.constant 0 : index
    %swap3A_118 = vector.load %arg17[%swap3A, %swap3A_117] : memref<64x2xf32, #tpu.memory_space<vmem>>, vector<64x2xf32>
    tpu.vector_store %arg17[%swap3A, %swap3A_117], %sub3A_116 {strides = array<i32>} : memref<64x2xf32, #tpu.memory_space<vmem>>, vector<64x2xf32>,
    return
  }
}

</mosaic_0001>

<sc_bundles>
// kernel: kernel.10.cloned.1.call-start
scs
__scs_entry_jumppad:
0x0: {  	(pc) =	sbr.rel $0x88, $3  }
0x1: {  	(tag) =	ssettag $0x0;
	lr =	simm.s32 $0x1  }
0x2: {  	[smem:$0x3F8A] =	sst lr;
	_ =	strace $0xD0000000  }
0x3: {  	_ = 	snop  }
0x4: {  	_ = 	snop  }
0x5: {  	_ = 	snop  }
0x6: {  	_ = 	snop  }
0x7: {  	_ = 	snop  }
__scs_overlays_trampoline_lowered:
0x8: {  	[smem:$0x3F99] =	sst s0  }
0x9: {  	[smem:$0x3F9A] =	sst s1  }
0xa: {  	[smem:$0x3F9B] =	sst s2  }
0xb: {  	[smem:$0x3F9C] =	sst s3  }
0xc: {  	[smem:$0x3F9D] =	sst s4  }
0xd: {  	[smem:$0x3F9E] =	sst s5  }
0xe: {  	[smem:$0x3F9F] =	sst s6  }
0xf: {  	[smem:$0x3FA0] =	sst s7  }
0x10: {  	[smem:$0x3FA1] =	sst s8  }
0x11: {  	[smem:$0x3FA2] =	sst s9;
	s0 =	simm.s32 @!p0 $0x0  }
0x12: {  	s1 =	sld [smem:$0x3F88];
	s0 =	simm.s32 @p0 $0x1  }
0x13: {  	[smem:$0x3FA3] =	sst s0;
	s0 =	simm.s32 @!p1 $0x0  }
0x14: {  	s2 =	sld [smem:$0x3F87];
	s0 =	simm.s32 @p1 $0x1  }
0x15: {  	[smem:$0x3FA4] =	sst s0;
	s0 =	simm.s32 @!p2 $0x0  }
0x16: {  	s3 =	sld [smem:$0x3FDB];
	s0 =	simm.s32 @p2 $0x1  }
0x17: {  	s4 =	simm.s32 $0x1BF5;
	[smem:$0x3FA6] =	sst s0  }
0x18: {  	s0 =	sld [smem:$0x3F89];
	_ =	swait.ge [sflag:s4], $0x0  }
0x19: {  	s7 =	sld [smem:$0x3F8A]  }
0x1a: {  	s8 =	sadd.s32 $0xFFFFE003, lr  }
0x1b: {  	s9 =	sadd.s32 $0xFFFFFEF7, lr;
	s5 =	simm.s32 $0xFFFFFFFF;
	p2 =	slt.u32 s8, $0xFFFFF086  }
0x1c: {  	p1 =	slt.u32 s9, $0xF7A;
	s5 =	simm.s32 @!p2 $0x0  }
0x1d: {  	s5 =	simm.s32 @p1 $0x1;
	p0 =	seq.s32 s7, s2  }
0x1e: {  	s7 =	smul.u32 @!p0 $0xF7A, s2;
	p2 =	seq.s32 @!p0 s5, $0x0  }
0x1f: {  	s9 =	smul.u32 $0xF7A, s1;
	s8 =	simm.s32 @!p0 $0x1BF5;
	p2 =	por !p2, p0  }
0x20: {  	[sflag:s8] =	ssyncset.s32 @!p0 $0xFFFFF086;
	s6 =	sadd.s32 @!p0 s3, s7;
	s7 =	simm.s32 @!p0 $0x108  }
0x21: {  	s3 =	sadd.s32 s3, s9;
	s6 =	sadd.s32 @!p0 $0x88, s6;
	s7 =	simm.s32 @p2 $0x1082  }
0x22: {  	[simem:s7], [sflag:s8] =	dma.local @!p0 [hbm:s6], $0xF7A  }
0x23: {  	s9 =	sor.u32 $0xD0000000, s2;
	s6 =	simm.s32 $0x108;
	_ =	swait.ge @!p0 [sflag:s8], $0x0  }
0x24: {  	s3 =	sadd.s32 $0x88, s3;
	s6 =	simm.s32 @!p1 $0x1082;
	[sflag:s4] =	ssyncset.s32 $0xFFFFF086  }
0x25: {  	[simem:s6], [sflag:s4] =	dma.local [hbm:s3], $0xF7A  }
0x26: {  	[smem:$0x3F8A] =	sst s1;
	(tag) =	ssettag s2;
	_ =	strace s9  }
0x27: {  	s1 =	sld [smem:$0x3F9A]  }
0x28: {  	s2 =	sld [smem:$0x3F9B]  }
0x29: {  	s4 =	sld [smem:$0x3F9D]  }
0x2a: {  	p0 =	seq.s32 s5, $0x0;
	s5 =	sld [smem:$0x3F9E]  }
0x2b: {  	s6 =	sld [smem:$0x3F9F]  }
0x2c: {  	s7 =	sld [smem:$0x3FA0]  }
0x2d: {  	s3 =	simm.s32 $0x108;
	s8 =	sld [smem:$0x3FA1]  }
0x2e: {  	s3 =	simm.s32 @!p0 $0x1082;
	s9 =	sld [smem:$0x3FA2]  }
0x2f: {  	lr =	sadd.s32 s0, s3;
	s0 =	sld [smem:$0x3F99]  }
0x30: {  	s3 =	sld [smem:$0x3F9C]  }
0x31: {  	[smem:$0x3FA5] =	sst s10  }
0x32: {  	s10 =	sld [smem:$0x3FA3];
	_ =	sdelay $0x3  }
0x33: {  	p0 =	seq.s32 s10, $0x1;
	s10 =	sld [smem:$0x3FA5];
	_ =	sdelay $0x3  }
0x34: {  	[smem:$0x3FA5] =	sst s10  }
0x35: {  	s10 =	sld [smem:$0x3FA4];
	_ =	sdelay $0x3  }
0x36: {  	p1 =	seq.s32 s10, $0x1;
	s10 =	sld [smem:$0x3FA5];
	_ =	sdelay $0x3  }
0x37: {  	[smem:$0x3FA5] =	sst s10  }
0x38: {  	s10 =	sld [smem:$0x3FA6]  }
0x39: {  	_ = 	snop;
	(pc) =	sbr.ind lr, $3  }
0x3a: {  	_ = 	snop  }
0x3b: {  	_ = 	snop  }
0x3c: {  	p2 =	seq.s32 s10, $0x1;
	s10 =	sld [smem:$0x3FA5]  }
0x3d: {  	_ =	shalt  }
0x3e: {  	_ =	shalt  }
0x3f: {  	_ =	shalt  }
0x40: {  	_ =	shalt  }
0x41: {  	_ =	shalt  }
0x42: {  	_ =	shalt  }
0x43: {  	_ =	shalt  }
0x44: {  	_ =	shalt  }
0x45: {  	_ =	shalt  }
0x46: {  	_ =	shalt  }
0x47: {  	_ =	shalt  }
0x48: {  	_ =	shalt  }
0x49: {  	_ =	shalt  }
0x4a: {  	_ =	shalt  }
0x4b: {  	_ =	shalt  }
0x4c: {  	_ =	shalt  }
0x4d: {  	_ =	shalt  }
0x4e: {  	_ =	shalt  }
0x4f: {  	_ =	shalt  }
0x50: {  	_ =	shalt  }
0x51: {  	_ =	shalt  }
0x52: {  	_ =	shalt  }
0x53: {  	_ =	shalt  }
0x54: {  	_ =	shalt  }
0x55: {  	_ =	shalt  }
0x56: {  	_ =	shalt  }
0x57: {  	_ =	shalt  }
0x58: {  	_ =	shalt  }
0x59: {  	_ =	shalt  }
0x5a: {  	_ =	shalt  }
0x5b: {  	_ =	shalt  }
0x5c: {  	_ =	shalt  }
0x5d: {  	_ =	shalt  }
0x5e: {  	_ =	shalt  }
0x5f: {  	_ =	shalt  }
0x60: {  	_ =	shalt  }
0x61: {  	_ =	shalt  }
0x62: {  	_ =	shalt  }
0x63: {  	_ =	shalt  }
0x64: {  	_ =	shalt  }
0x65: {  	_ =	shalt  }
0x66: {  	_ =	shalt  }
0x67: {  	_ =	shalt  }
0x68: {  	_ =	shalt  }
0x69: {  	_ =	shalt  }
0x6a: {  	_ =	shalt  }
0x6b: {  	_ =	shalt  }
0x6c: {  	_ =	shalt  }
0x6d: {  	_ =	shalt  }
0x6e: {  	_ =	shalt  }
0x6f: {  	_ =	shalt  }
0x70: {  	_ =	shalt  }
0x71: {  	_ =	shalt  }
0x72: {  	_ =	shalt  }
0x73: {  	_ =	shalt  }
0x74: {  	_ =	shalt  }
0x75: {  	_ =	shalt  }
0x76: {  	_ =	shalt  }
0x77: {  	_ =	shalt  }
0x78: {  	_ =	shalt  }
0x79: {  	_ =	shalt  }
0x7a: {  	_ =	shalt  }
0x7b: {  	_ =	shalt  }
0x7c: {  	_ =	shalt  }
0x7d: {  	_ =	shalt  }
0x7e: {  	_ =	shalt  }
0x7f: {  	_ =	shalt  }
0x80: {  	_ =	shalt  }
0x81: {  	_ =	shalt  }
0x82: {  	_ =	shalt  }
0x83: {  	_ =	shalt  }
0x84: {  	_ =	shalt  }
0x85: {  	_ =	shalt  }
0x86: {  	_ =	shalt  }
0x87: {  	_ =	shalt  }
.Lfunc_end0:
.L_simem_size_0:
called_computation.1_lowered:
.L_overlay_start_0:
0x88: {  	s2 =	sld [smem:$0x3FD9]  }
0x89: {  	s3 =	sld [smem:$0x3FFE];
	_ =	sdelay $0x1  }
0x8a: {  	s1 =	srdreg.scid  }
0x8b: {  	s0 =	sand.u32 $0x1, s1  }
0x8c: {  	s16 =	sshll.u32 s0, $0xA;
	s2 =	sadd.s32 s3, s2  }
0x8d: {  	s2 =	sadd.s32 s2, s16  }
0x8e: {  	[smem:$0x3FB1] =	sst s2  }
0x8f: {  	_ = 	snop  }
0x90: {  	(tm) =	ssettm $0x1  }
0x91: {  	s17 =	sld [smem:$0x3FFB];
	_ =	sdelay $0x3  }
0x92: {  	_ =	strace s17  }
0x93: {  	s2 =	sld [smem:$0x3FFC];
	_ =	sdelay $0x3  }
0x94: {  	_ =	strace s2  }
0x95: {  	s2 =	sld [smem:$0x3FFD];
	_ =	sdelay $0x3  }
0x96: {  	_ =	strace s2  }
0x97: {  	_ =	strace $0x8FFFFFFF  }
0x98: {  	s18 =	sld [smem:$0x3FDB];
	_ =	sdelay $0x1  }
0x99: {  	s19 =	simm.s32 $_scs_section_size  }
0x9a: {  	s4 =	simm.s32 $_size__tile_overlayer_lowered;
	s5 =	simm.s32 $_tile_overlayer_lowered  }
0x9b: {  	s22 =	simm.s32 $0x1BFF;
	s21 =	sshll.u32 s5, $0x1;
	s2 =	sadd.s32 s19, s18  }
0x9c: {  	s6 =	simm.s32 $0x0;
	s20 =	sshll.u32 s4, $0x1;
	s4 =	sadd.s32 s21, s2  }
0x9d: {  	[timem:s6], [sflag:s22] =	dma.local [hbm:s4], s20  }
0x9e: {  	_ =	swait.ge [sflag:s22], s20  }
0x9f: {  	s3 =	ssub.s32 $0x0, s20;
	[sflag:s22] =	ssyncset.done $0x0  }
0xa0: {  	[sflag:s22] =	ssyncadd.s32 s3;
	_ =	sdelay $0x1  }
0xa1: {  	s23 =	simm.s32 $0x1B8B  }
0xa2: {  	_ =	swait.ge [sflag:s23], $0x1  }
0xa3: {  	[sflag:s23] =	ssyncset.done $0x0  }
0xa4: {  	s25 =	simm.s32 $0x1B8E;
	s24 =	sld [smem:$0x3FFE];
	[sflag:s23] =	ssyncadd.s32 $0xFFFFFFFF  }
0xa5: {  	s26 =	simm.s32 $execute0_lowered;
	[smem:$0x3FD2] =	sst s25  }
0xa6: {  	s4 =	sshll.u32 s26, $0x1;
	_ =	strace $0x80000049;
	[dreg:$0x1] =	wrdreg $0xFFFFFFFF  }
0xa7: {  	s28 =	simm.s32 $_size_execute0_lowered;
	s2 =	sadd.s32 s2, s4;
	[dreg:$0x0] =	wrdreg $0x0  }
0xa8: {  	s4 =	sshll.u32 s28, $0x1;
	[dreg:$0x2] =	wrdreg s2  }
0xa9: {  	[dreg:$0x3] =	wrdreg s4  }
0xaa: {  	[dreg:$0x4] =	wrdreg $0xC0  }
0xab: {  	_ =	task [dreg:s6], $0x5FFFF  }
0xac: {  	[dreg:$0x1] =	wrdreg $0xFFFFFFFF  }
0xad: {  	[dreg:$0x0] =	wrdreg $0x60  }
0xae: {  	[dreg:$0x2] =	wrdreg s24  }
0xaf: {  	[dreg:$0x3] =	wrdreg $0x0  }
0xb0: {  	[dreg:$0x4] =	wrdreg $0x9  }
0xb1: {  	_ =	task.clear_ibuf [dreg:s6], $0x5FFFF;
	_ =	strace $0x90000049  }
0xb2: {  	s29 =	simm.s32 $0x9;
	_ =	strace $0x8000004B  }
0xb3: {  	_ =	swait.ge [sflag:s29], $0x1  }
0xb4: {  	[sflag:s29] =	ssyncadd.s32 $0xFFFFFFFF  }
0xb5: {  	_ =	strace $0x9000004B  }
0xb6: {  	_ =	sfence  }
0xb7: {  	s30 =	sld [smem:$0x0];
	_ =	sdelay $0x2  }
0xb8: {  	s31 =	sshll.u32 s1, $0xD;
	s1 =	sshrl.u32 s1, $0x2  }
0xb9: {  	s3 =	sand.u32 $0x4000, s31;
	s1 =	sadd.s32 s1, s30  }
0xba: {  	s0 =	sor.u32 s3, s0;
	s1 =	sshll.u32 s1, $0x11  }
0xbb: {  	s0 =	sor.u32 s1, s0  }
0xbc: {  	s0 =	sadd.s32 $0x8F2B, s0  }
0xbd: {  	[sflag:s0] =	ssyncadd.remote.s32 $0x1  }
0xbe: {  	_ =	sfence.sel $0xFFFF  }
0xbf: {  	[dreg:$0x0] =	wrdreg $0xFFFFFFFF;
	(pc) =	sbr.abs _section_cstart, $3  }
0xc0: {  	[dreg:$0x1] =	wrdreg $0xFFFFFFFF  }
0xc1: {  	_ =	task.clear_ibuf [dreg:s6], $0x2FFFF;
	_ =	strace $0x9FFFFFFF  }
0xc2: {  	(tm) =	ssettm $0x7FFFFFFF  }
0xc3: {  	_ =	shalt  }
tec
execute0_lowered:
.L_overlay_start_1:
0x0: {  	(tag) =	ssettag $0x1  }
0x1: {  	s0 =	rddreg [dreg:$0x0]  }
0x2: {  	s2 =	rddreg [dreg:$0x1];
	s1 =	srdreg.scid  }
0x3: {  	s3 =	stileid.u32;
	s5 =	simm.s32 $0x0;
	s10 =	simm.s32 $0x9C40  }
0x4: {  	s15 =	simm.s32 $0x5;
	s17 =	simm.s32 $0x11170;
	s29 =	simm.s32 $0x16170  }
0x5: {  	s30 =	simm.s32 $0x3;
	s31 =	simm.s32 $0x2;
	s16 =	simm.s32 $0x17570  }
0x6: {  	s28 =	simm.s32 $0x1C570;
	s1 =	sand.u32 $0x1, s1;
	s4 =	smul.u32 $0x9C00, s3  }
0x7: {  	[smem:$0x7FF] =	sst s5;
	s7 =	sadd.s32 $0x16400, s0;
	s19 =	sadd.s32 $0x15E00, s0  }
0x8: {  	s8 =	smul.u32 $0x27000, s3;
	_ =	strace $0x8000004A;
	[dreg:$0x3] =	wrdreg s7  }
0x9: {  	s18 =	smul.u32 $0x9C400, s1;
	s6 =	sshll.u32 s1, $0x4;
	[dreg:$0x4] =	wrdreg s19  }
0xa: {  	s1 =	ssub.s32 $0x2, s1;
	s19 =	simm.s32 $0x15F90;
	s6 =	sor.u32 s3, s6  }
0xb: {  	s9 =	sshrl.u32 s1, $0x1;
	s21 =	sshrl.u32 s8, $0x2;
	s5 =	sadd.s32 s4, s18  }
0xc: {  	s20 =	smul.u32 $0x4E2, s6;
	s6 =	sadd.s32 $0x2400, s0;
	s1 =	ssub.s32 s1, s9  }
0xd: {  	s7 =	sadd.s32 s21, s2;
	s9 =	sadd.s32 s4, s2;
	s18 =	simm.s32 $0x13880  }
0xe: {  	s21 =	simm.s32 $0x18970;
	s4 =	simm.s32 $0x0;
	s5 =	sshrl.u32 s5, $0x3  }
0xf: {  	s24 =	sadd.s32 $0x6400, s7;
	s26 =	smax.u32 s1, $0x1;
	[dreg:$0x8] =	wrdreg s9  }
0x10: {  	s5 =	sadd.s32 s5, s0;
	s0 =	sadd.s32 s20, s0;
	[dreg:$0x9] =	wrdreg s24  }
0x11: {  	s1 =	simm.s32 $0x1;
	[dreg:$0xb] =	wrdreg s26;
	s22 =	sadd.s32 $0x6EC00, s0  }
.Ltmp0:
0x12: {  	s23 =	sadd.s32 $0x64E00, s0;
	[dreg:$0x5] =	wrdreg s22;
	(pc) =	sbr.rel .LBB2_1-.Ltmp0, $4  }
0x13: {  	s20 =	simm.s32 $0x50;
	s0 =	sadd.s32 $0x3DC00, s0;
	[dreg:$0x6] =	wrdreg s23  }
0x14: {  	s24 =	simm.s32 $0x13970;
	s25 =	sadd.s32 $0x16A00, s5;
	[dreg:$0x7] =	wrdreg s0  }
0x15: {  	v1 =	vimm.s32 $0x0;
	vm0 =	vcmask $0x300;
	s26 =	simm.s32 $0x14D70;
	[dreg:$0xa] =	wrdreg s25;
	s22 =	simm.s32 $0x12570  }
0x16: {  	v0 =	vimm.f32 $0.0e+00;
	v1 =	vsel vm0, $0x3, v1;
	s0 =	simm.s32 $0xEA60;
	s23 =	simm.s32 $0x19D70;
	s25 =	simm.s32 $0x1B170  }
.LBB2_16:
0x17: {  	_ =	swait.ge [sflag:s30], $0x1400  }
0x18: {  	[sflag:s30] =	ssyncset.done $0x0  }
0x19: {  	[sflag:s30] =	ssyncadd.s32 $0xFFFFEC00  }
0x1a: {  	_ =	swait.ge [sflag:s30], $0x1400  }
0x1b: {  	[sflag:s30] =	ssyncset.done $0x0  }
0x1c: {  	[sflag:s30] =	ssyncadd.s32 $0xFFFFEC00  }
0x1d: {  	_ =	swait.ge [sflag:s30], $0x1400  }
0x1e: {  	[sflag:s30] =	ssyncset.done $0x0  }
0x1f: {  	[sflag:s30] =	ssyncadd.s32 $0xFFFFEC00  }
0x20: {  	_ =	swait.ge [sflag:s30], $0x1400  }
0x21: {  	[sflag:s30] =	ssyncset.done $0x0  }
0x22: {  	[sflag:s30] =	ssyncadd.s32 $0xFFFFEC00  }
0x23: {  	_ =	swait.ge [sflag:s30], $0x1400  }
0x24: {  	[sflag:s30] =	ssyncset.done $0x0  }
0x25: {  	[sflag:s30] =	ssyncadd.s32 $0xFFFFEC00  }
0x26: {  	s3 =	stileid.u32;
	[bflag:$0x0] =	sbarrier.arrive $0xFFFF  }
0x27: {  	s3 =	sshll.u32 s3, $0x6;
	s9 =	rddreg [dreg:$0x8]  }
0x28: {  	s3 =	sor.u32 $0x1C05, s3;
	s5 =	rddreg [dreg:$0xa];
	s4 =	sshrl.u32 s9, $0x3  }
0x29: {  	[hbm:s5], [sflag:s3] =	dma.local [spmem:s4], $0x1400  }
0x2a: {  	_ =	swait.ge [sflag:s15], $0x1400  }
0x2b: {  	s13 =	rddreg [dreg:$0xc]  }
0x2c: {  	s14 =	rddreg [dreg:$0xb];
	s4 =	sadd.s32 $0x1, s13  }
0x2d: {  	p0 =	sne.s32 s4, s14  }
.Ltmp1:
0x2e: {  	_ = 	snop;
	(pc) =	sbr.rel @!p0 .LBB2_17-.Ltmp1, $3  }
0x2f: {  	_ =	sdelay $0x1  }
0x30: {  	[sflag:s15] =	ssyncset.done $0x0  }
0x31: {  	s10 =	simm.s32 $0x9C40;
	[sflag:s15] =	ssyncadd.s32 $0xFFFFEC00  }
.LBB2_1:
0x32: {  	[dreg:$0xc] =	wrdreg s4  }
0x33: {  	s3 =	simm.s32 $0x0;
	s11 =	rddreg [dreg:$0x5]  }
0x34: {  	[tilespmem:s10], [sflag:$0x5] =	stream.linear.gather [hbm4b:s11+s3], $0x2710, $0x38;
	[tilespmem:$0x1D970] =	vst v63  }
0x35: {  	_ =	swait.ge [sflag:s15], $0x2710  }
0x36: {  	[sflag:s15] =	ssyncset.done $0x0  }
0x37: {  	s5 =	simm.s32 $0xC350;
	s12 =	rddreg [dreg:$0x6];
	[sflag:s15] =	ssyncadd.s32 $0xFFFFD8F0  }
0x38: {  	[tilespmem:s5], [sflag:$0x5] =	stream.linear.gather [hbm4b:s12+s3], $0x2710, $0x38;
	[tilespmem:$0x1D970] =	vst v63  }
0x39: {  	_ =	swait.ge [sflag:s15], $0x2710  }
0x3a: {  	[sflag:s15] =	ssyncset.done $0x0  }
0x3b: {  	s13 =	rddreg [dreg:$0x3];
	[sflag:s15] =	ssyncadd.s32 $0xFFFFD8F0  }
0x3c: {  	[tilespmem:s17], [sflag:$0x5] =	stream.linear.gather [hbm4b:s13+s3], $0x2710, $0x38;
	[tilespmem:$0x1D970] =	vst v63  }
0x3d: {  	_ =	swait.ge [sflag:s15], $0x2710  }
0x3e: {  	[sflag:s15] =	ssyncset.done $0x0  }
0x3f: {  	s14 =	rddreg [dreg:$0x4];
	[sflag:s15] =	ssyncadd.s32 $0xFFFFD8F0  }
0x40: {  	[tilespmem:s18], [sflag:$0x5] =	stream.linear.gather [hbm4b:s14+s3], $0x2710, $0x38;
	[tilespmem:$0x1D970] =	vst v63  }
0x41: {  	_ =	swait.ge [sflag:s15], $0x2710  }
0x42: {  	[sflag:s15] =	ssyncset.done $0x0  }
0x43: {  	s5 =	simm.s32 $0x0;
	[sflag:s15] =	ssyncadd.s32 $0xFFFFD8F0  }
.LBB2_2:
0x44: {  	p0 =	sne.s32 s5, $0x9C00  }
.Ltmp2:
0x45: {  	_ = 	snop;
	(pc) =	sbr.rel @p0 .LBB2_2-.Ltmp2, $3  }
0x46: {  	_ =	sdelay $0x1  }
0x47: {  	s7 =	sshra.s32 s5, $0x2  }
0x48: {  	s5 =	sadd.s32 $0x40, s5;
	[tilespmem:s7+$0x15F90] =	vst v0  }
0x49: {  	s5 =	simm.s32 $0x100  }
.LBB2_4:
0x4a: {  	s7 =	sshra.s32 s5, $0x2  }
0x4b: {  	v2 =	vld [tilespmem:s7+$0x9C00]  }
0x4c: {  	v3 =	vld [tilespmem:s7+$0xC310];
	_ =	sdelay $0x6  }
0x4d: {  	v2 =	vld.idx.msk [tilespmem:v2+s17+$0x0], $0xffff  }
0x4e: {  	v4 =	vld.idx.msk [tilespmem:v3+s18+$0x0], $0xffff;
	_ =	sdelay $0x4  }
0x4f: {  	v2 =	vadd.f32 v4, v2;
	_ =	sdelay $0x1  }
0x50: {  	v4 =	vmul.f32 $2.000000030e-01, v2  }
0x51: {  	vm0 =	vgt.f32 v2, $0.0e+00  }
0x52: {  	v2 =	vsel vm0, v2, v4  }
0x53: {  	v2 =	vmul.f32 $1.442695020e+00, v2;
	_ =	sdelay $0x1  }
0x54: {  	(erf) = vpow2.f32 v2;
	_ =	sdelay $0x8  }
0x55: {  	v2 =	vpop (erf)  }
0x56: {  	[tilespmem:s7+$0xEA20] =	vst v2  }
0x57: {  	[tilespmem:v3+s19+$0x0] =	vst.idx.add.f32.msk $0xffff, v2  }
0x58: {  	v2 =	vld [tilespmem:s7+$0x9C10]  }
0x59: {  	v3 =	vld [tilespmem:s7+$0xC320];
	_ =	sdelay $0x6  }
0x5a: {  	v2 =	vld.idx.msk [tilespmem:v2+s17+$0x0], $0xffff  }
0x5b: {  	v60 =	vld.idx.msk [tilespmem:v3+s18+$0x0], $0xffff;
	_ =	sdelay $0x4  }
0x5c: {  	v2 =	vadd.f32 v60, v2;
	_ =	sdelay $0x1  }
0x5d: {  	v4 =	vmul.f32 $2.000000030e-01, v2  }
0x5e: {  	vm12 =	vgt.f32 v2, $0.0e+00  }
0x5f: {  	v2 =	vsel vm12, v2, v4  }
0x60: {  	v2 =	vmul.f32 $1.442695020e+00, v2;
	_ =	sdelay $0x1  }
0x61: {  	(erf) = vpow2.f32 v2;
	_ =	sdelay $0x8  }
0x62: {  	v2 =	vpop (erf)  }
0x63: {  	[tilespmem:s7+$0xEA30] =	vst v2  }
0x64: {  	[tilespmem:v3+s19+$0x0] =	vst.idx.add.f32.msk $0xffff, v2  }
0x65: {  	v2 =	vld [tilespmem:s7+$0x9C20]  }
0x66: {  	v3 =	vld [tilespmem:s7+$0xC330];
	_ =	sdelay $0x6  }
0x67: {  	v2 =	vld.idx.msk [tilespmem:v2+s17+$0x0], $0xffff  }
0x68: {  	v61 =	vld.idx.msk [tilespmem:v3+s18+$0x0], $0xffff;
	_ =	sdelay $0x4  }
0x69: {  	v2 =	vadd.f32 v61, v2;
	_ =	sdelay $0x1  }
0x6a: {  	v4 =	vmul.f32 $2.000000030e-01, v2  }
0x6b: {  	vm13 =	vgt.f32 v2, $0.0e+00  }
0x6c: {  	v2 =	vsel vm13, v2, v4  }
0x6d: {  	v2 =	vmul.f32 $1.442695020e+00, v2;
	_ =	sdelay $0x1  }
0x6e: {  	(erf) = vpow2.f32 v2;
	_ =	sdelay $0x8  }
0x6f: {  	v2 =	vpop (erf)  }
0x70: {  	[tilespmem:s7+$0xEA40] =	vst v2  }
0x71: {  	[tilespmem:v3+s19+$0x0] =	vst.idx.add.f32.msk $0xffff, v2  }
0x72: {  	v2 =	vld [tilespmem:s7+$0x9C30]  }
0x73: {  	v3 =	vld [tilespmem:s7+$0xC340];
	_ =	sdelay $0x6  }
0x74: {  	v2 =	vld.idx.msk [tilespmem:v2+s17+$0x0], $0xffff  }
0x75: {  	v62 =	vld.idx.msk [tilespmem:v3+s18+$0x0], $0xffff;
	_ =	sdelay $0x4  }
0x76: {  	v2 =	vadd.f32 v62, v2;
	_ =	sdelay $0x1  }
0x77: {  	v4 =	vmul.f32 $2.000000030e-01, v2  }
0x78: {  	vm14 =	vgt.f32 v2, $0.0e+00  }
0x79: {  	v2 =	vsel vm14, v2, v4  }
0x7a: {  	v2 =	vmul.f32 $1.442695020e+00, v2;
	_ =	sdelay $0x1  }
0x7b: {  	(erf) = vpow2.f32 v2;
	_ =	sdelay $0x8  }
0x7c: {  	v2 =	vpop (erf)  }
0x7d: {  	[tilespmem:s7+$0xEA50] =	vst v2  }
0x7e: {  	[tilespmem:v3+s19+$0x0] =	vst.idx.add.f32.msk $0xffff, v2  }
0x7f: {  	v2 =	vld [tilespmem:s7+$0x9C40]  }
0x80: {  	v3 =	vld [tilespmem:s7+$0xC350];
	_ =	sdelay $0x6  }
0x81: {  	v2 =	vld.idx.msk [tilespmem:v2+s17+$0x0], $0xffff  }
0x82: {  	v63 =	vld.idx.msk [tilespmem:v3+s18+$0x0], $0xffff;
	_ =	sdelay $0x4  }
0x83: {  	v2 =	vadd.f32 v63, v2;
	_ =	sdelay $0x1  }
0x84: {  	v4 =	vmul.f32 $2.000000030e-01, v2  }
0x85: {  	vm15 =	vgt.f32 v2, $0.0e+00  }
0x86: {  	v2 =	vsel vm15, v2, v4  }
0x87: {  	v2 =	vmul.f32 $1.442695020e+00, v2;
	_ =	sdelay $0x1  }
0x88: {  	(erf) = vpow2.f32 v2;
	_ =	sdelay $0x5  }
0x89: {  	p0 =	sne.s32 s5, $0x9C00  }
.Ltmp3:
0x8a: {  	_ = 	snop;
	(pc) =	sbr.rel @p0 .LBB2_4-.Ltmp3, $4  }
0x8b: {  	_ = 	snop  }
0x8c: {  	v2 =	vpop (erf)  }
0x8d: {  	[tilespmem:s7+$0xEA60] =	vst v2  }
0x8e: {  	s5 =	sadd.s32 $0x140, s5;
	[tilespmem:v3+s19+$0x0] =	vst.idx.add.f32.msk $0xffff, v2  }
0x8f: {  	s5 =	simm.s32 $0x0;
	s3 =	rddreg [dreg:$0x7]  }
0x90: {  	[hbm4b:s3+s5] =	stream.linear.scatter [tilespmem:s19], [sflag:$0x5], $0x2710, $0x38;
	[tilespmem:$0x1D970] =	vst v63  }
0x91: {  	_ =	swait.ge [sflag:s15], $0x2710  }
0x92: {  	[sflag:s15] =	ssyncset.done $0x0  }
0x93: {  	s7 =	simm.s32 $0x100;
	s5 =	simm.s32 $0x0;
	[sflag:s15] =	ssyncadd.s32 $0xFFFFD8F0  }
.LBB2_6:
0x94: {  	p0 =	sne.s32 s7, $0x18F00;
	[tilespmem:s5+$0x111A0] =	vst v0;
	s8 =	smov.u32 s7;
	s7 =	sadd.s32 $0x100, s7  }
.Ltmp4:
0x95: {  	[tilespmem:s5+$0x11190] =	vst v0;
	(pc) =	sbr.rel @p0 .LBB2_6-.Ltmp4, $3  }
0x96: {  	[tilespmem:s5+$0x11170] =	vst v0  }
0x97: {  	[tilespmem:s5+$0x11180] =	vst v0;
	_ =	sdelay $0x1  }
0x98: {  	s5 =	sshra.s32 s8, $0x2  }
0x99: {  	[tilespmem:s5+$0x111A0] =	vst v0  }
0x9a: {  	[tilespmem:s5+$0x11190] =	vst v0  }
0x9b: {  	[tilespmem:s5+$0x11170] =	vst v0  }
0x9c: {  	[tilespmem:s5+$0x11180] =	vst v0  }
0x9d: {  	[spmem:s9] =	stream.linear.scatter [tilespmem:s17], [sflag:$0x5], $0x6400, $0x38;
	[tilespmem:$0x1D970] =	vst v63  }
0x9e: {  	_ =	swait.ge [sflag:s15], $0x6400  }
0x9f: {  	[sflag:s15] =	ssyncset.done $0x0  }
0xa0: {  	s3 =	rddreg [dreg:$0x9];
	[sflag:s15] =	ssyncadd.s32 $0xFFFF9C00  }
0xa1: {  	[spmem:s3] =	stream.linear.scatter [tilespmem:s17], [sflag:$0x5], $0x3C00, $0x38;
	[tilespmem:$0x1D970] =	vst v63  }
0xa2: {  	_ =	swait.ge [sflag:s15], $0x3C00  }
0xa3: {  	[sflag:s15] =	ssyncset.done $0x0  }
0xa4: {  	[sflag:s15] =	ssyncadd.s32 $0xFFFFC400  }
0xa5: {  	[bflag:$0x0] =	sbarrier.arrive $0xFFFF  }
0xa6: {  	[tilespmem:s17], [sflag:$0x1] =	stream.indirect.gather [hbm4b:s6+s20], $0x40, s10, s20, $0xb8;
	[tilespmem:$0x1D970] =	vst v63  }
0xa7: {  	s11 =	simm.s32 $0x9C90  }
0xa8: {  	[tilespmem:s22], [sflag:$0x1] =	stream.indirect.gather [hbm4b:s6+s20], $0x40, s11, s20, $0xb8;
	[tilespmem:$0x1D970] =	vst v63  }
0xa9: {  	s12 =	simm.s32 $0x9CE0  }
0xaa: {  	[tilespmem:s24], [sflag:$0x1] =	stream.indirect.gather [hbm4b:s6+s20], $0x40, s12, s20, $0xb8;
	[tilespmem:$0x1D970] =	vst v63  }
.Ltmp5:
0xab: {  	s13 =	simm.s32 $0x9D30;
	(pc) =	sbr.rel .LBB2_8-.Ltmp5, $4  }
0xac: {  	[tilespmem:s26], [sflag:$0x1] =	stream.indirect.gather [hbm4b:s6+s20], $0x40, s13, s20, $0xb8;
	[tilespmem:$0x1D970] =	vst v63  }
0xad: {  	s14 =	simm.s32 $0x9D80  }
0xae: {  	[tilespmem:s29], [sflag:$0x1] =	stream.indirect.gather [hbm4b:s6+s20], $0x40, s14, s20, $0xb8;
	[tilespmem:$0x1D970] =	vst v63  }
0xaf: {  	s5 =	simm.s32 $0x0;
	s14 =	simm.s32 $0x0  }
.LBB2_15:
0xb0: {  	s14 =	sadd.s32 $0x1, s14  }
0xb1: {  	p0 =	sne.s32 s14, $0x19  }
.Ltmp6:
0xb2: {  	_ = 	snop;
	(pc) =	sbr.rel @!p0 .LBB2_16-.Ltmp6, $2  }
0xb3: {  	_ =	sdelay $0x2  }
0xb4: {  	s5 =	sadd.s32 $0x190, s5  }
.LBB2_8:
0xb5: {  	s7 =	sand.u32 $0x1, s14  }
0xb6: {  	p0 =	seq.s32 s7, $0x1  }
.Ltmp7:
0xb7: {  	_ = 	snop;
	(pc) =	sbr.rel @p0 .LBB2_12-.Ltmp7, $1  }
0xb8: {  	_ =	sdelay $0x3  }
0xb9: {  	p0 =	seq.s32 s14, $0x0  }
0xba: {  	s8 =	simm.s32 @!p0 $0x4  }
0xbb: {  	_ =	swait.ge @!p0 [sflag:s8], $0x1400  }
0xbc: {  	[sflag:s8] =	ssyncset.done @!p0 $0x0  }
0xbd: {  	[sflag:s8] =	ssyncadd.s32 @!p0 $0xFFFFEC00  }
0xbe: {  	_ =	swait.ge @!p0 [sflag:s8], $0x1400  }
0xbf: {  	[sflag:s8] =	ssyncset.done @!p0 $0x0  }
0xc0: {  	[sflag:s8] =	ssyncadd.s32 @!p0 $0xFFFFEC00  }
0xc1: {  	_ =	swait.ge @!p0 [sflag:s8], $0x1400  }
0xc2: {  	[sflag:s8] =	ssyncset.done @!p0 $0x0  }
0xc3: {  	[sflag:s8] =	ssyncadd.s32 @!p0 $0xFFFFEC00  }
0xc4: {  	_ =	swait.ge @!p0 [sflag:s8], $0x1400  }
0xc5: {  	[sflag:s8] =	ssyncset.done @!p0 $0x0  }
0xc6: {  	[sflag:s8] =	ssyncadd.s32 @!p0 $0xFFFFEC00  }
0xc7: {  	p1 =	seq.s32 @!p0 s14, $0x18;
	_ =	swait.ge @!p0 [sflag:s8], $0x1400  }
0xc8: {  	p1 =	por p0, !p1;
	[sflag:s8] =	ssyncset.done @!p0 $0x0  }
0xc9: {  	[sflag:s8] =	ssyncadd.s32 @!p0 $0xFFFFEC00;
	s8 =	smul.u32 @p1 $0x640, s14;
	_ =	sdelay $0x1  }
0xca: {  	s8 =	sshra.s32 @p1 s8, $0x2  }
0xcb: {  	s9 =	sadd.s32 @p1 $0x9DD0, s8  }
0xcc: {  	[tilespmem:s16], [sflag:$0x2] =	stream.indirect.gather @p1 [hbm4b:s6+s20], $0x40, s9, s20, $0xb8;
	[tilespmem:$0x1D970] =	vst v63  }
0xcd: {  	s9 =	sadd.s32 @p1 $0x9E20, s8  }
0xce: {  	[tilespmem:s21], [sflag:$0x2] =	stream.indirect.gather @p1 [hbm4b:s6+s20], $0x40, s9, s20, $0xb8;
	[tilespmem:$0x1D970] =	vst v63  }
0xcf: {  	s9 =	sadd.s32 @p1 $0x9E70, s8  }
0xd0: {  	[tilespmem:s23], [sflag:$0x2] =	stream.indirect.gather @p1 [hbm4b:s6+s20], $0x40, s9, s20, $0xb8;
	[tilespmem:$0x1D970] =	vst v63  }
0xd1: {  	s9 =	sadd.s32 @p1 $0x9EC0, s8  }
0xd2: {  	[tilespmem:s25], [sflag:$0x2] =	stream.indirect.gather @p1 [hbm4b:s6+s20], $0x40, s9, s20, $0xb8;
	[tilespmem:$0x1D970] =	vst v63  }
0xd3: {  	s8 =	sadd.s32 @p1 $0x9F10, s8  }
0xd4: {  	[tilespmem:s28], [sflag:$0x2] =	stream.indirect.gather @p1 [hbm4b:s6+s20], $0x40, s8, s20, $0xb8;
	[tilespmem:$0x1D970] =	vst v63  }
0xd5: {  	_ =	swait.ge [sflag:s1], $0x1400  }
0xd6: {  	[sflag:s1] =	ssyncset.done $0x0  }
0xd7: {  	[sflag:s1] =	ssyncadd.s32 $0xFFFFEC00  }
0xd8: {  	_ =	swait.ge [sflag:s1], $0x1400  }
0xd9: {  	[sflag:s1] =	ssyncset.done $0x0  }
0xda: {  	s9 =	sadd.s32 $0xFFFFFFF8, s5;
	[sflag:s1] =	ssyncadd.s32 $0xFFFFEC00  }
0xdb: {  	s13 =	sadd.s32 $0x8, s9;
	_ =	swait.ge [sflag:s1], $0x1400  }
0xdc: {  	v2 =	vmov s13;
	[sflag:s1] =	ssyncset.done $0x0  }
0xdd: {  	v2 =	vshrl.u32 v2, $0x3;
	[sflag:s1] =	ssyncadd.s32 $0xFFFFEC00  }
0xde: {  	v2 =	vshll.u32 v2, v1;
	_ =	swait.ge [sflag:s1], $0x1400  }
0xdf: {  	v2 =	vbroadcast v2, $0x0;
	[sflag:s1] =	ssyncset.done $0x0  }
0xe0: {  	[sflag:s1] =	ssyncadd.s32 $0xFFFFEC00  }
0xe1: {  	_ =	swait.ge [sflag:s1], $0x1400  }
0xe2: {  	[sflag:s1] =	ssyncset.done $0x0  }
0xe3: {  	s8 =	simm.s32 $0x11270;
	[sflag:s1] =	ssyncadd.s32 $0xFFFFEC00  }
0xe4: {  	v3 =	vld [tilespmem:s8+$0xFFFFFF30]  }
0xe5: {  	s11 =	sadd.s32 $0x9, s9;
	v2 =	vld.idx.msk [tilespmem:v2+s0+$0x0], $0xffff  }
0xe6: {  	v4 =	vmov s11;
	v5 =	vld [tilespmem:s8+$0xFFFFFF00]  }
0xe7: {  	v4 =	vshrl.u32 v4, $0x3;
	v6 =	vld [tilespmem:s8+$0xFFFFFF10]  }
0xe8: {  	v4 =	vshll.u32 v4, v1;
	v7 =	vld [tilespmem:s8+$0xFFFFFF20]  }
0xe9: {  	v4 =	vadd.s32 $0x1, v4  }
0xea: {  	v4 =	vbroadcast v4, $0x0;
	v3 =	vmul.f32 v3, v2  }
0xeb: {  	v5 =	vmul.f32 v5, v2  }
0xec: {  	v6 =	vmul.f32 v6, v2;
	[tilespmem:s8+$0xFFFFFF30] =	vst v3  }
0xed: {  	v2 =	vmul.f32 v7, v2;
	[tilespmem:s8+$0xFFFFFF00] =	vst v5  }
0xee: {  	[tilespmem:s8+$0xFFFFFF10] =	vst v6  }
0xef: {  	[tilespmem:s8+$0xFFFFFF20] =	vst v2;
	v3 =	vld [tilespmem:s8+$0xFFFFFF40]  }
0xf0: {  	s3 =	sadd.s32 $0xA, s9;
	v2 =	vld.idx.msk [tilespmem:v4+s0+$0x0], $0xffff  }
0xf1: {  	v5 =	vld [tilespmem:s8+$0xFFFFFF50];
	v4 =	vmov s3  }
0xf2: {  	v6 =	vld [tilespmem:s8+$0xFFFFFF70];
	v4 =	vshrl.u32 v4, $0x3  }
0xf3: {  	v7 =	vld [tilespmem:s8+$0xFFFFFF60];
	v4 =	vshll.u32 v4, v1  }
0xf4: {  	v4 =	vadd.s32 $0x2, v4  }
0xf5: {  	v4 =	vbroadcast v4, $0x0;
	v3 =	vmul.f32 v3, v2  }
0xf6: {  	v5 =	vmul.f32 v5, v2  }
0xf7: {  	v6 =	vmul.f32 v6, v2;
	[tilespmem:s8+$0xFFFFFF40] =	vst v3  }
0xf8: {  	v2 =	vmul.f32 v7, v2;
	[tilespmem:s8+$0xFFFFFF50] =	vst v5  }
0xf9: {  	[tilespmem:s8+$0xFFFFFF70] =	vst v6  }
0xfa: {  	[tilespmem:s8+$0xFFFFFF60] =	vst v2;
	v3 =	vld [tilespmem:s8+$0xFFFFFF80]  }
0xfb: {  	s4 =	sadd.s32 $0xB, s9;
	v2 =	vld.idx.msk [tilespmem:v4+s0+$0x0], $0xffff  }
0xfc: {  	v5 =	vld [tilespmem:s8+$0xFFFFFFB0];
	v4 =	vmov s4  }
0xfd: {  	v6 =	vld [tilespmem:s8+$0xFFFFFF90];
	v4 =	vshrl.u32 v4, $0x3  }
0xfe: {  	v7 =	vld [tilespmem:s8+$0xFFFFFFA0];
	v4 =	vshll.u32 v4, v1  }
0xff: {  	v4 =	vadd.s32 $0x3, v4  }
0x100: {  	v4 =	vbroadcast v4, $0x0;
	v3 =	vmul.f32 v3, v2  }
0x101: {  	v5 =	vmul.f32 v5, v2  }
0x102: {  	v6 =	vmul.f32 v6, v2;
	[tilespmem:s8+$0xFFFFFF80] =	vst v3  }
0x103: {  	v2 =	vmul.f32 v7, v2;
	[tilespmem:s8+$0xFFFFFFB0] =	vst v5  }
0x104: {  	[tilespmem:s8+$0xFFFFFF90] =	vst v6  }
0x105: {  	[tilespmem:s8+$0xFFFFFFA0] =	vst v2;
	v3 =	vld [tilespmem:s8+$0xFFFFFFC0]  }
0x106: {  	s10 =	sadd.s32 $0xC, s9;
	v2 =	vld.idx.msk [tilespmem:v4+s0+$0x0], $0xffff  }
0x107: {  	v5 =	vld [tilespmem:s8+$0xFFFFFFD0];
	v4 =	vmov s10  }
0x108: {  	v6 =	vld [tilespmem:s8+$0xFFFFFFE0];
	v4 =	vshrl.u32 v4, $0x3  }
0x109: {  	v7 =	vld [tilespmem:s8+$0xFFFFFFF0];
	v4 =	vshll.u32 v4, v1  }
0x10a: {  	v4 =	vadd.s32 $0x4, v4  }
0x10b: {  	v4 =	vbroadcast v4, $0x0;
	v3 =	vmul.f32 v3, v2  }
0x10c: {  	v5 =	vmul.f32 v5, v2  }
0x10d: {  	v6 =	vmul.f32 v6, v2;
	[tilespmem:s8+$0xFFFFFFC0] =	vst v3  }
0x10e: {  	v2 =	vmul.f32 v7, v2;
	[tilespmem:s8+$0xFFFFFFD0] =	vst v5  }
0x10f: {  	v7 =	vld [tilespmem:s8+$0x20];
	[tilespmem:s8+$0xFFFFFFE0] =	vst v6  }
0x110: {  	[tilespmem:s8+$0xFFFFFFF0] =	vst v2;
	v3 =	vld [tilespmem:s8+$0x0]  }
0x111: {  	s12 =	sadd.s32 $0xD, s9;
	v2 =	vld.idx.msk [tilespmem:v4+s0+$0x0], $0xffff  }
0x112: {  	v5 =	vmov s12;
	v4 =	vld [tilespmem:s8+$0x10]  }
0x113: {  	v6 =	vld [tilespmem:s8+$0x30];
	v5 =	vshrl.u32 v5, $0x3  }
0x114: {  	v5 =	vshll.u32 v5, v1  }
0x115: {  	v5 =	vadd.s32 $0x5, v5  }
0x116: {  	v5 =	vbroadcast v5, $0x0;
	v3 =	vmul.f32 v3, v2  }
0x117: {  	v4 =	vmul.f32 v4, v2  }
0x118: {  	v6 =	vmul.f32 v6, v2;
	v2 =	vmul.f32 v7, v2;
	[tilespmem:s8+$0x0] =	vst v3  }
0x119: {  	[tilespmem:s8+$0x10] =	vst v4  }
0x11a: {  	[tilespmem:s8+$0x20] =	vst v2;
	v2 =	vld [tilespmem:s8+$0x40]  }
0x11b: {  	[tilespmem:s8+$0x30] =	vst v6;
	v4 =	vld [tilespmem:s8+$0x70]  }
0x11c: {  	v3 =	vld.idx.msk [tilespmem:v5+s0+$0x0], $0xffff  }
0x11d: {  	v5 =	vld [tilespmem:s8+$0x60]  }
0x11e: {  	s13 =	sadd.s32 $0xE, s9;
	v6 =	vld [tilespmem:s8+$0x50]  }
0x11f: {  	v7 =	vmov s13  }
0x120: {  	s9 =	sadd.s32 $0xF, s9;
	v7 =	vshrl.u32 v7, $0x3  }
0x121: {  	v8 =	vmov s9;
	v7 =	vshll.u32 v7, v1;
	v4 =	vmul.f32 v4, v3  }
0x122: {  	v7 =	vadd.s32 $0x6, v7;
	v2 =	vmul.f32 v2, v3;
	v5 =	vmul.f32 v5, v3  }
0x123: {  	v8 =	vshrl.u32 v8, $0x3;
	[tilespmem:s8+$0x70] =	vst v4;
	v4 =	vmul.f32 v6, v3;
	v3 =	vbroadcast v7, $0x0  }
0x124: {  	[tilespmem:s8+$0x40] =	vst v2;
	v2 =	vshll.u32 v8, v1  }
0x125: {  	s11 =	simm.s32 $0x11270;
	s9 =	simm.s32 $0x0;
	[tilespmem:s8+$0x60] =	vst v5;
	v2 =	vadd.s32 $0x7, v2  }
.LBB2_10:
0x126: {  	[tilespmem:s8+$0x50] =	vst v4;
	s11 =	sadd.s32 $0x200, s11;
	s12 =	smov.u32 s9;
	s9 =	sadd.s32 $0x8, s9  }
0x127: {  	p0 =	slt.u32 s9, $0x188;
	v4 =	vld [tilespmem:s8+$0xB0]  }
0x128: {  	v5 =	vld [tilespmem:s8+$0x90]  }
0x129: {  	v3 =	vld.idx.msk [tilespmem:v3+s0+$0x0], $0xffff  }
0x12a: {  	v6 =	vld [tilespmem:s8+$0x80]  }
0x12b: {  	v7 =	vld [tilespmem:s8+$0xA0];
	_ =	sdelay $0x2  }
0x12c: {  	v2 =	vbroadcast v2, $0x0  }
0x12d: {  	v4 =	vmul.f32 v4, v3;
	v6 =	vmul.f32 v6, v3  }
0x12e: {  	v5 =	vmul.f32 v5, v3;
	v3 =	vmul.f32 v7, v3  }
0x12f: {  	[tilespmem:s8+$0xB0] =	vst v4  }
0x130: {  	[tilespmem:s8+$0x80] =	vst v6  }
0x131: {  	[tilespmem:s8+$0x90] =	vst v5  }
0x132: {  	[tilespmem:s8+$0xA0] =	vst v3;
	v3 =	vld [tilespmem:s8+$0xD0]  }
0x133: {  	v2 =	vld.idx.msk [tilespmem:v2+s0+$0x0], $0xffff  }
0x134: {  	s12 =	sadd.s32 s12, s5;
	v4 =	vld [tilespmem:s8+$0xC0]  }
0x135: {  	s13 =	sadd.s32 $0x8, s12;
	s3 =	sadd.s32 $0x9, s12;
	s10 =	sadd.s32 $0xA, s12;
	v5 =	vld [tilespmem:s8+$0xE0]  }
0x136: {  	v8 =	vmov s10;
	s10 =	sadd.s32 $0xC, s12;
	v7 =	vmov s3;
	s3 =	sadd.s32 $0xB, s12;
	v6 =	vmov s13;
	s13 =	sadd.s32 $0xD, s12;
	v9 =	vld [tilespmem:s8+$0xF0]  }
0x137: {  	s4 =	sadd.s32 $0xE, s12;
	v8 =	vshrl.u32 v8, $0x3;
	v7 =	vshrl.u32 v7, $0x3;
	s12 =	sadd.s32 $0xF, s12;
	v6 =	vshrl.u32 v6, $0x3  }
0x138: {  	v8 =	vshll.u32 v8, v1;
	v7 =	vshll.u32 v7, v1;
	v6 =	vshll.u32 v6, v1  }
0x139: {  	v7 =	vadd.s32 $0x1, v7;
	v6 =	vbroadcast v6, $0x0;
	v4 =	vmul.f32 v4, v2  }
0x13a: {  	v8 =	vadd.s32 $0x2, v8;
	v3 =	vmul.f32 v3, v2;
	v5 =	vmul.f32 v5, v2  }
0x13b: {  	v11 =	vmov s10;
	v10 =	vmov s3;
	[tilespmem:s8+$0xC0] =	vst v4;
	v2 =	vmul.f32 v9, v2  }
0x13c: {  	v4 =	vshrl.u32 v10, $0x3;
	v9 =	vshrl.u32 v11, $0x3;
	v10 =	vmov s13;
	[tilespmem:s8+$0xD0] =	vst v3  }
0x13d: {  	v3 =	vshll.u32 v4, v1;
	v4 =	vshll.u32 v9, v1;
	v9 =	vshrl.u32 v10, $0x3;
	v11 =	vld [tilespmem:s11+$0xFFFFFF20];
	[tilespmem:s8+$0xF0] =	vst v2  }
0x13e: {  	v12 =	vadd.s32 $0x3, v3;
	v4 =	vadd.s32 $0x4, v4;
	v2 =	vshll.u32 v9, v1;
	v10 =	vld [tilespmem:s11+$0xFFFFFF30];
	[tilespmem:s8+$0xE0] =	vst v5;
	s8 =	smov.u32 s11  }
0x13f: {  	v3 =	vmov s12;
	v5 =	vld.idx.msk [tilespmem:v6+s0+$0x0], $0xffff;
	v6 =	vadd.s32 $0x5, v2;
	v2 =	vmov s4  }
0x140: {  	v3 =	vshrl.u32 v3, $0x3;
	v9 =	vld [tilespmem:s11+$0xFFFFFF00];
	v2 =	vshrl.u32 v2, $0x3  }
0x141: {  	v14 =	vshll.u32 v3, v1;
	v13 =	vld [tilespmem:s11+$0xFFFFFF10];
	v2 =	vshll.u32 v2, v1  }
0x142: {  	v3 =	vadd.s32 $0x6, v2;
	v2 =	vadd.s32 $0x7, v14;
	_ =	sdelay $0x1  }
0x143: {  	v7 =	vbroadcast v7, $0x0  }
0x144: {  	v10 =	vmul.f32 v10, v5;
	v9 =	vmul.f32 v9, v5  }
0x145: {  	v13 =	vmul.f32 v13, v5;
	v5 =	vmul.f32 v11, v5  }
0x146: {  	[tilespmem:s11+$0xFFFFFF30] =	vst v10  }
0x147: {  	[tilespmem:s11+$0xFFFFFF00] =	vst v9  }
0x148: {  	[tilespmem:s11+$0xFFFFFF10] =	vst v13;
	v9 =	vld [tilespmem:s11+$0xFFFFFF70]  }
0x149: {  	[tilespmem:s11+$0xFFFFFF20] =	vst v5;
	v5 =	vld [tilespmem:s11+$0xFFFFFF50]  }
0x14a: {  	v7 =	vld.idx.msk [tilespmem:v7+s0+$0x0], $0xffff  }
0x14b: {  	v10 =	vld [tilespmem:s11+$0xFFFFFF40]  }
0x14c: {  	v11 =	vld [tilespmem:s11+$0xFFFFFF60];
	_ =	sdelay $0x2  }
0x14d: {  	v8 =	vbroadcast v8, $0x0  }
0x14e: {  	v5 =	vmul.f32 v5, v7;
	v10 =	vmul.f32 v10, v7  }
0x14f: {  	v11 =	vmul.f32 v11, v7;
	v7 =	vmul.f32 v9, v7  }
0x150: {  	[tilespmem:s11+$0xFFFFFF40] =	vst v10  }
0x151: {  	[tilespmem:s11+$0xFFFFFF50] =	vst v5  }
0x152: {  	[tilespmem:s11+$0xFFFFFF70] =	vst v7;
	v5 =	vld [tilespmem:s11+$0xFFFFFFB0]  }
0x153: {  	[tilespmem:s11+$0xFFFFFF60] =	vst v11;
	v7 =	vld [tilespmem:s11+$0xFFFFFF90]  }
0x154: {  	v8 =	vld.idx.msk [tilespmem:v8+s0+$0x0], $0xffff  }
0x155: {  	v9 =	vld [tilespmem:s11+$0xFFFFFF80]  }
0x156: {  	v10 =	vld [tilespmem:s11+$0xFFFFFFA0];
	_ =	sdelay $0x2  }
0x157: {  	v11 =	vbroadcast v12, $0x0  }
0x158: {  	v7 =	vmul.f32 v7, v8;
	v9 =	vmul.f32 v9, v8  }
0x159: {  	v5 =	vmul.f32 v5, v8;
	v10 =	vmul.f32 v10, v8  }
0x15a: {  	[tilespmem:s11+$0xFFFFFF80] =	vst v9  }
0x15b: {  	[tilespmem:s11+$0xFFFFFFB0] =	vst v5  }
0x15c: {  	[tilespmem:s11+$0xFFFFFF90] =	vst v7;
	v5 =	vld [tilespmem:s11+$0xFFFFFFF0]  }
0x15d: {  	[tilespmem:s11+$0xFFFFFFA0] =	vst v10;
	v7 =	vld [tilespmem:s11+$0xFFFFFFD0]  }
0x15e: {  	v8 =	vld.idx.msk [tilespmem:v11+s0+$0x0], $0xffff  }
0x15f: {  	v9 =	vld [tilespmem:s11+$0xFFFFFFC0]  }
0x160: {  	v10 =	vld [tilespmem:s11+$0xFFFFFFE0];
	_ =	sdelay $0x2  }
0x161: {  	v4 =	vbroadcast v4, $0x0  }
0x162: {  	v7 =	vmul.f32 v7, v8;
	v9 =	vmul.f32 v9, v8  }
0x163: {  	v5 =	vmul.f32 v5, v8;
	v10 =	vmul.f32 v10, v8  }
0x164: {  	[tilespmem:s11+$0xFFFFFFC0] =	vst v9  }
0x165: {  	[tilespmem:s11+$0xFFFFFFD0] =	vst v7  }
0x166: {  	[tilespmem:s11+$0xFFFFFFE0] =	vst v10;
	v7 =	vld [tilespmem:s11+$0x30]  }
0x167: {  	[tilespmem:s11+$0xFFFFFFF0] =	vst v5;
	v5 =	vld [tilespmem:s11+$0x10]  }
0x168: {  	v4 =	vld.idx.msk [tilespmem:v4+s0+$0x0], $0xffff  }
0x169: {  	v8 =	vld [tilespmem:s11+$0x0]  }
0x16a: {  	v9 =	vld [tilespmem:s11+$0x20];
	_ =	sdelay $0x2  }
0x16b: {  	v6 =	vbroadcast v6, $0x0  }
0x16c: {  	v5 =	vmul.f32 v5, v4;
	v8 =	vmul.f32 v8, v4  }
0x16d: {  	v9 =	vmul.f32 v9, v4;
	v4 =	vmul.f32 v7, v4  }
0x16e: {  	[tilespmem:s11+$0x0] =	vst v8  }
0x16f: {  	[tilespmem:s11+$0x10] =	vst v5  }
0x170: {  	[tilespmem:s11+$0x30] =	vst v4;
	v5 =	vld [tilespmem:s11+$0x70]  }
0x171: {  	[tilespmem:s11+$0x20] =	vst v9;
	v4 =	vld [tilespmem:s11+$0x40]  }
0x172: {  	v6 =	vld.idx.msk [tilespmem:v6+s0+$0x0], $0xffff  }
0x173: {  	v7 =	vld [tilespmem:s11+$0x50]  }
0x174: {  	v8 =	vld [tilespmem:s11+$0x60];
	_ =	sdelay $0x3  }
.Ltmp8:
0x175: {  	v9 =	vmul.f32 v4, v6;
	v4 =	vmul.f32 v7, v6;
	(pc) =	sbr.rel @p0 .LBB2_10-.Ltmp8, $4  }
0x176: {  	v5 =	vmul.f32 v5, v6;
	v7 =	vmul.f32 v8, v6  }
0x177: {  	v3 =	vbroadcast v3, $0x0;
	[tilespmem:s11+$0x40] =	vst v9  }
0x178: {  	[tilespmem:s11+$0x70] =	vst v5  }
0x179: {  	[tilespmem:s11+$0x60] =	vst v7  }
0x17a: {  	_ =	sdelay $0x2  }
0x17b: {  	[tilespmem:s8+$0x50] =	vst v4;
	v60 =	vld [tilespmem:s8+$0xB0]  }
0x17c: {  	v3 =	vld.idx.msk [tilespmem:v3+s0+$0x0], $0xffff  }
0x17d: {  	v5 =	vld [tilespmem:s8+$0x80]  }
0x17e: {  	v6 =	vld [tilespmem:s8+$0x90]  }
0x17f: {  	v7 =	vld [tilespmem:s8+$0xA0];
	_ =	sdelay $0x1  }
0x180: {  	v2 =	vbroadcast v2, $0x0;
	v4 =	vmul.f32 v60, v3  }
0x181: {  	v5 =	vmul.f32 v5, v3  }
0x182: {  	v6 =	vmul.f32 v6, v3;
	[tilespmem:s8+$0xB0] =	vst v4  }
0x183: {  	v3 =	vmul.f32 v7, v3;
	[tilespmem:s8+$0x80] =	vst v5  }
0x184: {  	[tilespmem:s8+$0x90] =	vst v6  }
0x185: {  	[tilespmem:s8+$0xA0] =	vst v3;
	v3 =	vld [tilespmem:s8+$0xC0]  }
0x186: {  	v2 =	vld.idx.msk [tilespmem:v2+s0+$0x0], $0xffff  }
0x187: {  	v61 =	vld [tilespmem:s8+$0xD0]  }
0x188: {  	v62 =	vld [tilespmem:s8+$0xF0]  }
0x189: {  	v63 =	vld [tilespmem:s8+$0xE0];
	_ =	sdelay $0x1  }
0x18a: {  	v3 =	vmul.f32 v3, v2  }
0x18b: {  	v4 =	vmul.f32 v61, v2  }
0x18c: {  	s3 =	smul.u32 $0x640, s14;
	[tilespmem:s8+$0xC0] =	vst v3;
	v3 =	vmul.f32 v62, v2  }
0x18d: {  	v2 =	vmul.f32 v63, v2;
	[tilespmem:s8+$0xD0] =	vst v4  }
0x18e: {  	s3 =	sshra.s32 s3, $0x2;
	[tilespmem:s8+$0xF0] =	vst v3  }
0x18f: {  	s4 =	sadd.s32 $0xC350, s3;
	[tilespmem:s8+$0xE0] =	vst v2  }
0x190: {  	[spmem:s2] =	stream.indirect.scatter.add.f32 [tilespmem:s17], [sflag:$0x3], $0x40, s4, s20, $0xb8;
	[tilespmem:$0x1D970] =	vst v63  }
0x191: {  	s11 =	sadd.s32 $0xC3A0, s3  }
0x192: {  	[spmem:s2] =	stream.indirect.scatter.add.f32 [tilespmem:s22], [sflag:$0x3], $0x40, s11, s20, $0xb8;
	[tilespmem:$0x1D970] =	vst v63  }
0x193: {  	p0 =	seq.s32 s7, $0x0;
	s12 =	sadd.s32 $0xC3F0, s3  }
0x194: {  	[spmem:s2] =	stream.indirect.scatter.add.f32 [tilespmem:s24], [sflag:$0x3], $0x40, s12, s20, $0xb8;
	[tilespmem:$0x1D970] =	vst v63  }
.Ltmp9:
0x195: {  	_ = 	snop;
	(pc) =	sbr.rel @p0 .LBB2_15-.Ltmp9, $4  }
0x196: {  	s13 =	sadd.s32 $0xC440, s3  }
0x197: {  	[spmem:s2] =	stream.indirect.scatter.add.f32 [tilespmem:s26], [sflag:$0x3], $0x40, s13, s20, $0xb8;
	[tilespmem:$0x1D970] =	vst v63  }
0x198: {  	s3 =	sadd.s32 $0xC490, s3  }
0x199: {  	[spmem:s2] =	stream.indirect.scatter.add.f32 [tilespmem:s29], [sflag:$0x3], $0x40, s3, s20, $0xb8;
	[tilespmem:$0x1D970] =	vst v63  }
.LBB2_12:
0x19a: {  	_ =	swait.ge [sflag:s30], $0x1400  }
0x19b: {  	[sflag:s30] =	ssyncset.done $0x0  }
0x19c: {  	[sflag:s30] =	ssyncadd.s32 $0xFFFFEC00  }
0x19d: {  	_ =	swait.ge [sflag:s30], $0x1400  }
0x19e: {  	[sflag:s30] =	ssyncset.done $0x0  }
0x19f: {  	[sflag:s30] =	ssyncadd.s32 $0xFFFFEC00  }
0x1a0: {  	_ =	swait.ge [sflag:s30], $0x1400  }
0x1a1: {  	[sflag:s30] =	ssyncset.done $0x0  }
0x1a2: {  	[sflag:s30] =	ssyncadd.s32 $0xFFFFEC00  }
0x1a3: {  	_ =	swait.ge [sflag:s30], $0x1400  }
0x1a4: {  	p0 =	seq.s32 s14, $0x18;
	[sflag:s30] =	ssyncset.done $0x0  }
0x1a5: {  	s3 =	smul.u32 @!p0 $0x640, s14;
	[sflag:s30] =	ssyncadd.s32 $0xFFFFEC00  }
0x1a6: {  	_ =	swait.ge [sflag:s30], $0x1400  }
0x1a7: {  	s7 =	simm.s32 @!p0 $0x50;
	s3 =	sshra.s32 @!p0 s3, $0x2;
	[sflag:s30] =	ssyncset.done $0x0  }
0x1a8: {  	s8 =	simm.s32 @!p0 $0x11170;
	s4 =	sadd.s32 @!p0 $0x9DD0, s3;
	[sflag:s30] =	ssyncadd.s32 $0xFFFFEC00  }
0x1a9: {  	[tilespmem:s8], [sflag:$0x1] =	stream.indirect.gather @!p0 [hbm4b:s6+s7], $0x40, s4, s7, $0xb8;
	[tilespmem:$0x1D970] =	vst v63  }
0x1aa: {  	s4 =	sadd.s32 @!p0 $0x9E20, s3;
	s8 =	simm.s32 @!p0 $0x12570  }
0x1ab: {  	[tilespmem:s8], [sflag:$0x1] =	stream.indirect.gather @!p0 [hbm4b:s6+s7], $0x40, s4, s7, $0xb8;
	[tilespmem:$0x1D970] =	vst v63  }
0x1ac: {  	s4 =	sadd.s32 @!p0 $0x9E70, s3;
	s8 =	simm.s32 @!p0 $0x13970  }
0x1ad: {  	[tilespmem:s8], [sflag:$0x1] =	stream.indirect.gather @!p0 [hbm4b:s6+s7], $0x40, s4, s7, $0xb8;
	[tilespmem:$0x1D970] =	vst v63  }
0x1ae: {  	s4 =	sadd.s32 @!p0 $0x9EC0, s3;
	s8 =	simm.s32 @!p0 $0x14D70  }
0x1af: {  	[tilespmem:s8], [sflag:$0x1] =	stream.indirect.gather @!p0 [hbm4b:s6+s7], $0x40, s4, s7, $0xb8;
	[tilespmem:$0x1D970] =	vst v63  }
0x1b0: {  	s3 =	sadd.s32 @!p0 $0x9F10, s3;
	s4 =	simm.s32 @!p0 $0x16170  }
0x1b1: {  	[tilespmem:s4], [sflag:$0x1] =	stream.indirect.gather @!p0 [hbm4b:s6+s7], $0x40, s3, s7, $0xb8;
	[tilespmem:$0x1D970] =	vst v63  }
0x1b2: {  	_ =	swait.ge [sflag:s31], $0x1400  }
0x1b3: {  	[sflag:s31] =	ssyncset.done $0x0  }
0x1b4: {  	[sflag:s31] =	ssyncadd.s32 $0xFFFFEC00  }
0x1b5: {  	_ =	swait.ge [sflag:s31], $0x1400  }
0x1b6: {  	[sflag:s31] =	ssyncset.done $0x0  }
0x1b7: {  	s8 =	sadd.s32 $0xFFFFFFF8, s5;
	[sflag:s31] =	ssyncadd.s32 $0xFFFFEC00  }
0x1b8: {  	s12 =	sadd.s32 $0x8, s8;
	_ =	swait.ge [sflag:s31], $0x1400  }
0x1b9: {  	v2 =	vmov s12;
	[sflag:s31] =	ssyncset.done $0x0  }
0x1ba: {  	v2 =	vshrl.u32 v2, $0x3;
	[sflag:s31] =	ssyncadd.s32 $0xFFFFEC00  }
0x1bb: {  	v2 =	vshll.u32 v2, v1;
	_ =	swait.ge [sflag:s31], $0x1400  }
0x1bc: {  	v2 =	vbroadcast v2, $0x0;
	[sflag:s31] =	ssyncset.done $0x0  }
0x1bd: {  	[sflag:s31] =	ssyncadd.s32 $0xFFFFEC00  }
0x1be: {  	_ =	swait.ge [sflag:s31], $0x1400  }
0x1bf: {  	[sflag:s31] =	ssyncset.done $0x0  }
0x1c0: {  	s7 =	simm.s32 $0x17670;
	[sflag:s31] =	ssyncadd.s32 $0xFFFFEC00  }
0x1c1: {  	v3 =	vld [tilespmem:s7+$0xFFFFFF30]  }
0x1c2: {  	s13 =	sadd.s32 $0x9, s8;
	v2 =	vld.idx.msk [tilespmem:v2+s0+$0x0], $0xffff  }
0x1c3: {  	v4 =	vmov s13;
	v5 =	vld [tilespmem:s7+$0xFFFFFF00]  }
0x1c4: {  	v4 =	vshrl.u32 v4, $0x3;
	v6 =	vld [tilespmem:s7+$0xFFFFFF10]  }
0x1c5: {  	v4 =	vshll.u32 v4, v1;
	v7 =	vld [tilespmem:s7+$0xFFFFFF20]  }
0x1c6: {  	v4 =	vadd.s32 $0x1, v4  }
0x1c7: {  	v4 =	vbroadcast v4, $0x0;
	v3 =	vmul.f32 v3, v2  }
0x1c8: {  	v5 =	vmul.f32 v5, v2  }
0x1c9: {  	v6 =	vmul.f32 v6, v2;
	[tilespmem:s7+$0xFFFFFF30] =	vst v3  }
0x1ca: {  	v2 =	vmul.f32 v7, v2;
	[tilespmem:s7+$0xFFFFFF00] =	vst v5  }
0x1cb: {  	[tilespmem:s7+$0xFFFFFF10] =	vst v6  }
0x1cc: {  	[tilespmem:s7+$0xFFFFFF20] =	vst v2;
	v3 =	vld [tilespmem:s7+$0xFFFFFF40]  }
0x1cd: {  	s4 =	sadd.s32 $0xA, s8;
	v2 =	vld.idx.msk [tilespmem:v4+s0+$0x0], $0xffff  }
0x1ce: {  	v5 =	vld [tilespmem:s7+$0xFFFFFF50];
	v4 =	vmov s4  }
0x1cf: {  	v6 =	vld [tilespmem:s7+$0xFFFFFF70];
	v4 =	vshrl.u32 v4, $0x3  }
0x1d0: {  	v7 =	vld [tilespmem:s7+$0xFFFFFF60];
	v4 =	vshll.u32 v4, v1  }
0x1d1: {  	v4 =	vadd.s32 $0x2, v4  }
0x1d2: {  	v4 =	vbroadcast v4, $0x0;
	v3 =	vmul.f32 v3, v2  }
0x1d3: {  	v5 =	vmul.f32 v5, v2  }
0x1d4: {  	v6 =	vmul.f32 v6, v2;
	[tilespmem:s7+$0xFFFFFF40] =	vst v3  }
0x1d5: {  	v2 =	vmul.f32 v7, v2;
	[tilespmem:s7+$0xFFFFFF50] =	vst v5  }
0x1d6: {  	[tilespmem:s7+$0xFFFFFF70] =	vst v6  }
0x1d7: {  	[tilespmem:s7+$0xFFFFFF60] =	vst v2;
	v3 =	vld [tilespmem:s7+$0xFFFFFF80]  }
0x1d8: {  	s9 =	sadd.s32 $0xB, s8;
	v2 =	vld.idx.msk [tilespmem:v4+s0+$0x0], $0xffff  }
0x1d9: {  	v5 =	vld [tilespmem:s7+$0xFFFFFFB0];
	v4 =	vmov s9  }
0x1da: {  	v6 =	vld [tilespmem:s7+$0xFFFFFF90];
	v4 =	vshrl.u32 v4, $0x3  }
0x1db: {  	v7 =	vld [tilespmem:s7+$0xFFFFFFA0];
	v4 =	vshll.u32 v4, v1  }
0x1dc: {  	v4 =	vadd.s32 $0x3, v4  }
0x1dd: {  	v4 =	vbroadcast v4, $0x0;
	v3 =	vmul.f32 v3, v2  }
0x1de: {  	v5 =	vmul.f32 v5, v2  }
0x1df: {  	v6 =	vmul.f32 v6, v2;
	[tilespmem:s7+$0xFFFFFF80] =	vst v3  }
0x1e0: {  	v2 =	vmul.f32 v7, v2;
	[tilespmem:s7+$0xFFFFFFB0] =	vst v5  }
0x1e1: {  	[tilespmem:s7+$0xFFFFFF90] =	vst v6  }
0x1e2: {  	[tilespmem:s7+$0xFFFFFFA0] =	vst v2;
	v3 =	vld [tilespmem:s7+$0xFFFFFFC0]  }
0x1e3: {  	s10 =	sadd.s32 $0xC, s8;
	v2 =	vld.idx.msk [tilespmem:v4+s0+$0x0], $0xffff  }
0x1e4: {  	v5 =	vld [tilespmem:s7+$0xFFFFFFD0];
	v4 =	vmov s10  }
0x1e5: {  	v6 =	vld [tilespmem:s7+$0xFFFFFFE0];
	v4 =	vshrl.u32 v4, $0x3  }
0x1e6: {  	v7 =	vld [tilespmem:s7+$0xFFFFFFF0];
	v4 =	vshll.u32 v4, v1  }
0x1e7: {  	v4 =	vadd.s32 $0x4, v4  }
0x1e8: {  	v4 =	vbroadcast v4, $0x0;
	v3 =	vmul.f32 v3, v2  }
0x1e9: {  	v5 =	vmul.f32 v5, v2  }
0x1ea: {  	v6 =	vmul.f32 v6, v2;
	[tilespmem:s7+$0xFFFFFFC0] =	vst v3  }
0x1eb: {  	v2 =	vmul.f32 v7, v2;
	[tilespmem:s7+$0xFFFFFFD0] =	vst v5  }
0x1ec: {  	v7 =	vld [tilespmem:s7+$0x20];
	[tilespmem:s7+$0xFFFFFFE0] =	vst v6  }
0x1ed: {  	[tilespmem:s7+$0xFFFFFFF0] =	vst v2;
	v3 =	vld [tilespmem:s7+$0x0]  }
0x1ee: {  	s11 =	sadd.s32 $0xD, s8;
	v2 =	vld.idx.msk [tilespmem:v4+s0+$0x0], $0xffff  }
0x1ef: {  	v5 =	vmov s11;
	v4 =	vld [tilespmem:s7+$0x10]  }
0x1f0: {  	v6 =	vld [tilespmem:s7+$0x30];
	v5 =	vshrl.u32 v5, $0x3  }
0x1f1: {  	v5 =	vshll.u32 v5, v1  }
0x1f2: {  	v5 =	vadd.s32 $0x5, v5  }
0x1f3: {  	v5 =	vbroadcast v5, $0x0;
	v3 =	vmul.f32 v3, v2  }
0x1f4: {  	v4 =	vmul.f32 v4, v2  }
0x1f5: {  	v6 =	vmul.f32 v6, v2;
	v2 =	vmul.f32 v7, v2;
	[tilespmem:s7+$0x0] =	vst v3  }
0x1f6: {  	[tilespmem:s7+$0x10] =	vst v4  }
0x1f7: {  	[tilespmem:s7+$0x20] =	vst v2;
	v2 =	vld [tilespmem:s7+$0x40]  }
0x1f8: {  	[tilespmem:s7+$0x30] =	vst v6;
	v4 =	vld [tilespmem:s7+$0x70]  }
0x1f9: {  	v3 =	vld.idx.msk [tilespmem:v5+s0+$0x0], $0xffff  }
0x1fa: {  	v5 =	vld [tilespmem:s7+$0x60]  }
0x1fb: {  	s12 =	sadd.s32 $0xE, s8;
	v6 =	vld [tilespmem:s7+$0x50]  }
0x1fc: {  	v7 =	vmov s12  }
0x1fd: {  	s13 =	sadd.s32 $0xF, s8;
	v7 =	vshrl.u32 v7, $0x3  }
0x1fe: {  	v8 =	vmov s13;
	v7 =	vshll.u32 v7, v1;
	v4 =	vmul.f32 v4, v3  }
0x1ff: {  	v7 =	vadd.s32 $0x6, v7;
	v2 =	vmul.f32 v2, v3;
	v5 =	vmul.f32 v5, v3  }
0x200: {  	v8 =	vshrl.u32 v8, $0x3;
	[tilespmem:s7+$0x70] =	vst v4;
	v4 =	vmul.f32 v6, v3;
	v3 =	vbroadcast v7, $0x0  }
0x201: {  	[tilespmem:s7+$0x40] =	vst v2;
	v2 =	vshll.u32 v8, v1  }
0x202: {  	s8 =	simm.s32 $0x0;
	s9 =	simm.s32 $0x17670;
	[tilespmem:s7+$0x60] =	vst v5;
	v2 =	vadd.s32 $0x7, v2  }
.LBB2_13:
0x203: {  	[tilespmem:s7+$0x50] =	vst v4;
	s9 =	sadd.s32 $0x200, s9;
	s3 =	smov.u32 s8;
	s8 =	sadd.s32 $0x8, s8  }
0x204: {  	p0 =	slt.u32 s8, $0x188;
	v4 =	vld [tilespmem:s7+$0xB0]  }
0x205: {  	v5 =	vld [tilespmem:s7+$0x90]  }
0x206: {  	v3 =	vld.idx.msk [tilespmem:v3+s0+$0x0], $0xffff  }
0x207: {  	v6 =	vld [tilespmem:s7+$0x80]  }
0x208: {  	v7 =	vld [tilespmem:s7+$0xA0];
	_ =	sdelay $0x2  }
0x209: {  	v2 =	vbroadcast v2, $0x0  }
0x20a: {  	v4 =	vmul.f32 v4, v3;
	v6 =	vmul.f32 v6, v3  }
0x20b: {  	v5 =	vmul.f32 v5, v3;
	v3 =	vmul.f32 v7, v3  }
0x20c: {  	[tilespmem:s7+$0xB0] =	vst v4  }
0x20d: {  	[tilespmem:s7+$0x80] =	vst v6  }
0x20e: {  	[tilespmem:s7+$0x90] =	vst v5  }
0x20f: {  	[tilespmem:s7+$0xA0] =	vst v3;
	v3 =	vld [tilespmem:s7+$0xD0]  }
0x210: {  	v2 =	vld.idx.msk [tilespmem:v2+s0+$0x0], $0xffff  }
0x211: {  	s3 =	sadd.s32 s3, s5;
	v4 =	vld [tilespmem:s7+$0xC0]  }
0x212: {  	s4 =	sadd.s32 $0x8, s3;
	s10 =	sadd.s32 $0x9, s3;
	s11 =	sadd.s32 $0xA, s3;
	v5 =	vld [tilespmem:s7+$0xE0]  }
0x213: {  	v8 =	vmov s11;
	s11 =	sadd.s32 $0xD, s3;
	v7 =	vmov s10;
	s10 =	sadd.s32 $0xC, s3;
	v6 =	vmov s4;
	s4 =	sadd.s32 $0xB, s3;
	v9 =	vld [tilespmem:s7+$0xF0]  }
0x214: {  	s12 =	sadd.s32 $0xE, s3;
	v8 =	vshrl.u32 v8, $0x3;
	v7 =	vshrl.u32 v7, $0x3;
	s3 =	sadd.s32 $0xF, s3;
	v6 =	vshrl.u32 v6, $0x3  }
0x215: {  	v8 =	vshll.u32 v8, v1;
	v7 =	vshll.u32 v7, v1;
	v6 =	vshll.u32 v6, v1  }
0x216: {  	v7 =	vadd.s32 $0x1, v7;
	v6 =	vbroadcast v6, $0x0;
	v4 =	vmul.f32 v4, v2  }
0x217: {  	v8 =	vadd.s32 $0x2, v8;
	v3 =	vmul.f32 v3, v2;
	v5 =	vmul.f32 v5, v2  }
0x218: {  	v11 =	vmov s10;
	v10 =	vmov s4;
	[tilespmem:s7+$0xC0] =	vst v4;
	v2 =	vmul.f32 v9, v2  }
0x219: {  	v4 =	vshrl.u32 v10, $0x3;
	v9 =	vshrl.u32 v11, $0x3;
	v10 =	vmov s11;
	[tilespmem:s7+$0xD0] =	vst v3  }
0x21a: {  	v3 =	vshll.u32 v4, v1;
	v4 =	vshll.u32 v9, v1;
	v9 =	vshrl.u32 v10, $0x3;
	v11 =	vld [tilespmem:s9+$0xFFFFFF20];
	[tilespmem:s7+$0xF0] =	vst v2  }
0x21b: {  	v12 =	vadd.s32 $0x3, v3;
	v4 =	vadd.s32 $0x4, v4;
	v2 =	vshll.u32 v9, v1;
	v10 =	vld [tilespmem:s9+$0xFFFFFF30];
	[tilespmem:s7+$0xE0] =	vst v5;
	s7 =	smov.u32 s9  }
0x21c: {  	v3 =	vmov s3;
	v5 =	vld.idx.msk [tilespmem:v6+s0+$0x0], $0xffff;
	v6 =	vadd.s32 $0x5, v2;
	v2 =	vmov s12  }
0x21d: {  	v3 =	vshrl.u32 v3, $0x3;
	v9 =	vld [tilespmem:s9+$0xFFFFFF00];
	v2 =	vshrl.u32 v2, $0x3  }
0x21e: {  	v14 =	vshll.u32 v3, v1;
	v13 =	vld [tilespmem:s9+$0xFFFFFF10];
	v2 =	vshll.u32 v2, v1  }
0x21f: {  	v3 =	vadd.s32 $0x6, v2;
	v2 =	vadd.s32 $0x7, v14;
	_ =	sdelay $0x1  }
0x220: {  	v7 =	vbroadcast v7, $0x0  }
0x221: {  	v10 =	vmul.f32 v10, v5;
	v9 =	vmul.f32 v9, v5  }
0x222: {  	v13 =	vmul.f32 v13, v5;
	v5 =	vmul.f32 v11, v5  }
0x223: {  	[tilespmem:s9+$0xFFFFFF30] =	vst v10  }
0x224: {  	[tilespmem:s9+$0xFFFFFF00] =	vst v9  }
0x225: {  	[tilespmem:s9+$0xFFFFFF10] =	vst v13;
	v9 =	vld [tilespmem:s9+$0xFFFFFF70]  }
0x226: {  	[tilespmem:s9+$0xFFFFFF20] =	vst v5;
	v5 =	vld [tilespmem:s9+$0xFFFFFF50]  }
0x227: {  	v7 =	vld.idx.msk [tilespmem:v7+s0+$0x0], $0xffff  }
0x228: {  	v10 =	vld [tilespmem:s9+$0xFFFFFF40]  }
0x229: {  	v11 =	vld [tilespmem:s9+$0xFFFFFF60];
	_ =	sdelay $0x2  }
0x22a: {  	v8 =	vbroadcast v8, $0x0  }
0x22b: {  	v5 =	vmul.f32 v5, v7;
	v10 =	vmul.f32 v10, v7  }
0x22c: {  	v11 =	vmul.f32 v11, v7;
	v7 =	vmul.f32 v9, v7  }
0x22d: {  	[tilespmem:s9+$0xFFFFFF40] =	vst v10  }
0x22e: {  	[tilespmem:s9+$0xFFFFFF50] =	vst v5  }
0x22f: {  	[tilespmem:s9+$0xFFFFFF70] =	vst v7;
	v5 =	vld [tilespmem:s9+$0xFFFFFFB0]  }
0x230: {  	[tilespmem:s9+$0xFFFFFF60] =	vst v11;
	v7 =	vld [tilespmem:s9+$0xFFFFFF90]  }
0x231: {  	v8 =	vld.idx.msk [tilespmem:v8+s0+$0x0], $0xffff  }
0x232: {  	v9 =	vld [tilespmem:s9+$0xFFFFFF80]  }
0x233: {  	v10 =	vld [tilespmem:s9+$0xFFFFFFA0];
	_ =	sdelay $0x2  }
0x234: {  	v11 =	vbroadcast v12, $0x0  }
0x235: {  	v7 =	vmul.f32 v7, v8;
	v9 =	vmul.f32 v9, v8  }
0x236: {  	v5 =	vmul.f32 v5, v8;
	v10 =	vmul.f32 v10, v8  }
0x237: {  	[tilespmem:s9+$0xFFFFFF80] =	vst v9  }
0x238: {  	[tilespmem:s9+$0xFFFFFFB0] =	vst v5  }
0x239: {  	[tilespmem:s9+$0xFFFFFF90] =	vst v7;
	v5 =	vld [tilespmem:s9+$0xFFFFFFF0]  }
0x23a: {  	[tilespmem:s9+$0xFFFFFFA0] =	vst v10;
	v7 =	vld [tilespmem:s9+$0xFFFFFFD0]  }
0x23b: {  	v8 =	vld.idx.msk [tilespmem:v11+s0+$0x0], $0xffff  }
0x23c: {  	v9 =	vld [tilespmem:s9+$0xFFFFFFC0]  }
0x23d: {  	v10 =	vld [tilespmem:s9+$0xFFFFFFE0];
	_ =	sdelay $0x2  }
0x23e: {  	v4 =	vbroadcast v4, $0x0  }
0x23f: {  	v7 =	vmul.f32 v7, v8;
	v9 =	vmul.f32 v9, v8  }
0x240: {  	v5 =	vmul.f32 v5, v8;
	v10 =	vmul.f32 v10, v8  }
0x241: {  	[tilespmem:s9+$0xFFFFFFC0] =	vst v9  }
0x242: {  	[tilespmem:s9+$0xFFFFFFD0] =	vst v7  }
0x243: {  	[tilespmem:s9+$0xFFFFFFE0] =	vst v10;
	v7 =	vld [tilespmem:s9+$0x30]  }
0x244: {  	[tilespmem:s9+$0xFFFFFFF0] =	vst v5;
	v5 =	vld [tilespmem:s9+$0x10]  }
0x245: {  	v4 =	vld.idx.msk [tilespmem:v4+s0+$0x0], $0xffff  }
0x246: {  	v8 =	vld [tilespmem:s9+$0x0]  }
0x247: {  	v9 =	vld [tilespmem:s9+$0x20];
	_ =	sdelay $0x2  }
0x248: {  	v6 =	vbroadcast v6, $0x0  }
0x249: {  	v5 =	vmul.f32 v5, v4;
	v8 =	vmul.f32 v8, v4  }
0x24a: {  	v9 =	vmul.f32 v9, v4;
	v4 =	vmul.f32 v7, v4  }
0x24b: {  	[tilespmem:s9+$0x0] =	vst v8  }
0x24c: {  	[tilespmem:s9+$0x10] =	vst v5  }
0x24d: {  	[tilespmem:s9+$0x30] =	vst v4;
	v5 =	vld [tilespmem:s9+$0x70]  }
0x24e: {  	[tilespmem:s9+$0x20] =	vst v9;
	v4 =	vld [tilespmem:s9+$0x40]  }
0x24f: {  	v6 =	vld.idx.msk [tilespmem:v6+s0+$0x0], $0xffff  }
0x250: {  	v7 =	vld [tilespmem:s9+$0x50]  }
0x251: {  	v8 =	vld [tilespmem:s9+$0x60];
	_ =	sdelay $0x3  }
.Ltmp10:
0x252: {  	v9 =	vmul.f32 v4, v6;
	v4 =	vmul.f32 v7, v6;
	(pc) =	sbr.rel @p0 .LBB2_13-.Ltmp10, $4  }
0x253: {  	v5 =	vmul.f32 v5, v6;
	v7 =	vmul.f32 v8, v6  }
0x254: {  	v3 =	vbroadcast v3, $0x0;
	[tilespmem:s9+$0x40] =	vst v9  }
0x255: {  	[tilespmem:s9+$0x70] =	vst v5  }
0x256: {  	[tilespmem:s9+$0x60] =	vst v7  }
0x257: {  	_ =	sdelay $0x2  }
0x258: {  	[tilespmem:s7+$0x50] =	vst v4;
	v60 =	vld [tilespmem:s7+$0xB0]  }
0x259: {  	v3 =	vld.idx.msk [tilespmem:v3+s0+$0x0], $0xffff  }
0x25a: {  	v5 =	vld [tilespmem:s7+$0x80]  }
0x25b: {  	v6 =	vld [tilespmem:s7+$0x90]  }
0x25c: {  	v7 =	vld [tilespmem:s7+$0xA0];
	_ =	sdelay $0x1  }
0x25d: {  	v2 =	vbroadcast v2, $0x0;
	v4 =	vmul.f32 v60, v3  }
0x25e: {  	v5 =	vmul.f32 v5, v3  }
0x25f: {  	v6 =	vmul.f32 v6, v3;
	[tilespmem:s7+$0xB0] =	vst v4  }
0x260: {  	v3 =	vmul.f32 v7, v3;
	[tilespmem:s7+$0x80] =	vst v5  }
0x261: {  	[tilespmem:s7+$0x90] =	vst v6  }
0x262: {  	[tilespmem:s7+$0xA0] =	vst v3;
	v3 =	vld [tilespmem:s7+$0xC0]  }
0x263: {  	v2 =	vld.idx.msk [tilespmem:v2+s0+$0x0], $0xffff  }
0x264: {  	v61 =	vld [tilespmem:s7+$0xD0]  }
0x265: {  	v62 =	vld [tilespmem:s7+$0xF0]  }
0x266: {  	v63 =	vld [tilespmem:s7+$0xE0];
	_ =	sdelay $0x1  }
0x267: {  	v3 =	vmul.f32 v3, v2  }
0x268: {  	v4 =	vmul.f32 v61, v2  }
0x269: {  	s3 =	smul.u32 $0x640, s14;
	[tilespmem:s7+$0xC0] =	vst v3;
	v3 =	vmul.f32 v62, v2  }
0x26a: {  	v2 =	vmul.f32 v63, v2;
	[tilespmem:s7+$0xD0] =	vst v4  }
0x26b: {  	s3 =	sshra.s32 s3, $0x2;
	[tilespmem:s7+$0xF0] =	vst v3  }
0x26c: {  	s4 =	sadd.s32 $0xC350, s3;
	[tilespmem:s7+$0xE0] =	vst v2  }
0x26d: {  	[spmem:s2] =	stream.indirect.scatter.add.f32 [tilespmem:s16], [sflag:$0x4], $0x40, s4, s20, $0xb8;
	[tilespmem:$0x1D970] =	vst v63  }
0x26e: {  	s11 =	sadd.s32 $0xC3A0, s3  }
0x26f: {  	[spmem:s2] =	stream.indirect.scatter.add.f32 [tilespmem:s21], [sflag:$0x4], $0x40, s11, s20, $0xb8;
	[tilespmem:$0x1D970] =	vst v63  }
0x270: {  	s12 =	sadd.s32 $0xC3F0, s3  }
0x271: {  	[spmem:s2] =	stream.indirect.scatter.add.f32 [tilespmem:s23], [sflag:$0x4], $0x40, s12, s20, $0xb8;
	[tilespmem:$0x1D970] =	vst v63  }
.Ltmp11:
0x272: {  	_ = 	snop;
	(pc) =	sbr.rel .LBB2_15-.Ltmp11, $4  }
0x273: {  	s13 =	sadd.s32 $0xC440, s3  }
0x274: {  	[spmem:s2] =	stream.indirect.scatter.add.f32 [tilespmem:s25], [sflag:$0x4], $0x40, s13, s20, $0xb8;
	[tilespmem:$0x1D970] =	vst v63  }
0x275: {  	s3 =	sadd.s32 $0xC490, s3  }
0x276: {  	[spmem:s2] =	stream.indirect.scatter.add.f32 [tilespmem:s28], [sflag:$0x4], $0x40, s3, s20, $0xb8;
	[tilespmem:$0x1D970] =	vst v63  }
.LBB2_17:
0x277: {  	_ =	sfence.sel $0x180000  }
0x278: {  	[bflag:$0x0] =	sbarrier.arrive $0xFFFF  }
0x279: {  	_ =	strace $0x9000004A  }
0x27a: {  	s0 =	stileid.u32;
	[bflag:$0x2] =	sbarrier.arrive $0xFFFF  }
0x27b: {  	p0 =	sne.s32 s0, $0x0;
	s0 =	rddreg [dreg:$0x2]  }
0x27c: {  	s0 =	sadd.s32 @!p0 $0x100000, s0  }
0x27d: {  	[sflag:s0] =	ssyncadd.tile.s32 @!p0 $0x1;
	_ =	shalt  }
.Lfunc_end2:
_tile_overlayer_lowered:
.L_overlay_start_2:
0x27e: {  	(tag) =	ssettag $0x2  }
0x27f: {  	s0 =	rddreg [dreg:$0x0];
	s2 =	stileid.u32  }
0x280: {  	s1 =	rddreg [dreg:$0x1];
	p0 =	sne.s32 s2, $0x0  }
0x281: {  	s3 =	rddreg [dreg:$0x2];
	[bflag:$0x3] =	sbarrier.arrive $0xFFFF;
	s2 =	simm.s32 @!p0 $0x1C05  }
0x282: {  	[timem:s3], [sflag:s2] =	dma.local @!p0 [hbm:s0], s1  }
0x283: {  	s0 =	simm.s32 @!p0 $0x5  }
0x284: {  	_ =	swait.ge @!p0 [sflag:s0], s1  }
0x285: {  	s1 =	ssub.s32 @!p0 $0x0, s1;
	[sflag:s0] =	ssyncset.done @!p0 $0x0  }
0x286: {  	[sflag:s0] =	ssyncadd.s32 @!p0 s1  }
0x287: {  	[bflag:$0x3] =	sbarrier.arrive $0xFFFF  }
0x288: {  	_ =	shalt  }

// kernel: kernel.7.cloned.1.call-start
scs
__scs_entry_jumppad:
0x0: {  	(pc) =	sbr.rel $0x88, $3  }
0x1: {  	(tag) =	ssettag $0x0;
	lr =	simm.s32 $0x1  }
0x2: {  	[smem:$0x3F8A] =	sst lr;
	_ =	strace $0xD0000000  }
0x3: {  	_ = 	snop  }
0x4: {  	_ = 	snop  }
0x5: {  	_ = 	snop  }
0x6: {  	_ = 	snop  }
0x7: {  	_ = 	snop  }
__scs_overlays_trampoline_lowered:
0x8: {  	[smem:$0x3F99] =	sst s0  }
0x9: {  	[smem:$0x3F9A] =	sst s1  }
0xa: {  	[smem:$0x3F9B] =	sst s2  }
0xb: {  	[smem:$0x3F9C] =	sst s3  }
0xc: {  	[smem:$0x3F9D] =	sst s4  }
0xd: {  	[smem:$0x3F9E] =	sst s5  }
0xe: {  	[smem:$0x3F9F] =	sst s6  }
0xf: {  	[smem:$0x3FA0] =	sst s7  }
0x10: {  	[smem:$0x3FA1] =	sst s8  }
0x11: {  	[smem:$0x3FA2] =	sst s9;
	s0 =	simm.s32 @!p0 $0x0  }
0x12: {  	s1 =	sld [smem:$0x3F88];
	s0 =	simm.s32 @p0 $0x1  }
0x13: {  	[smem:$0x3FA3] =	sst s0;
	s0 =	simm.s32 @!p1 $0x0  }
0x14: {  	s2 =	sld [smem:$0x3F87];
	s0 =	simm.s32 @p1 $0x1  }
0x15: {  	[smem:$0x3FA4] =	sst s0;
	s0 =	simm.s32 @!p2 $0x0  }
0x16: {  	s3 =	sld [smem:$0x3FDB];
	s0 =	simm.s32 @p2 $0x1  }
0x17: {  	s4 =	simm.s32 $0x1BF5;
	[smem:$0x3FA6] =	sst s0  }
0x18: {  	s0 =	sld [smem:$0x3F89];
	_ =	swait.ge [sflag:s4], $0x0  }
0x19: {  	s7 =	sld [smem:$0x3F8A]  }
0x1a: {  	s8 =	sadd.s32 $0xFFFFE003, lr  }
0x1b: {  	s9 =	sadd.s32 $0xFFFFFEF7, lr;
	s5 =	simm.s32 $0xFFFFFFFF;
	p2 =	slt.u32 s8, $0xFFFFF086  }
0x1c: {  	p1 =	slt.u32 s9, $0xF7A;
	s5 =	simm.s32 @!p2 $0x0  }
0x1d: {  	s5 =	simm.s32 @p1 $0x1;
	p0 =	seq.s32 s7, s2  }
0x1e: {  	s7 =	smul.u32 @!p0 $0xF7A, s2;
	p2 =	seq.s32 @!p0 s5, $0x0  }
0x1f: {  	s9 =	smul.u32 $0xF7A, s1;
	s8 =	simm.s32 @!p0 $0x1BF5;
	p2 =	por !p2, p0  }
0x20: {  	[sflag:s8] =	ssyncset.s32 @!p0 $0xFFFFF086;
	s6 =	sadd.s32 @!p0 s3, s7;
	s7 =	simm.s32 @!p0 $0x108  }
0x21: {  	s3 =	sadd.s32 s3, s9;
	s6 =	sadd.s32 @!p0 $0x88, s6;
	s7 =	simm.s32 @p2 $0x1082  }
0x22: {  	[simem:s7], [sflag:s8] =	dma.local @!p0 [hbm:s6], $0xF7A  }
0x23: {  	s9 =	sor.u32 $0xD0000000, s2;
	s6 =	simm.s32 $0x108;
	_ =	swait.ge @!p0 [sflag:s8], $0x0  }
0x24: {  	s3 =	sadd.s32 $0x88, s3;
	s6 =	simm.s32 @!p1 $0x1082;
	[sflag:s4] =	ssyncset.s32 $0xFFFFF086  }
0x25: {  	[simem:s6], [sflag:s4] =	dma.local [hbm:s3], $0xF7A  }
0x26: {  	[smem:$0x3F8A] =	sst s1;
	(tag) =	ssettag s2;
	_ =	strace s9  }
0x27: {  	s1 =	sld [smem:$0x3F9A]  }
0x28: {  	s2 =	sld [smem:$0x3F9B]  }
0x29: {  	s4 =	sld [smem:$0x3F9D]  }
0x2a: {  	p0 =	seq.s32 s5, $0x0;
	s5 =	sld [smem:$0x3F9E]  }
0x2b: {  	s6 =	sld [smem:$0x3F9F]  }
0x2c: {  	s7 =	sld [smem:$0x3FA0]  }
0x2d: {  	s3 =	simm.s32 $0x108;
	s8 =	sld [smem:$0x3FA1]  }
0x2e: {  	s3 =	simm.s32 @!p0 $0x1082;
	s9 =	sld [smem:$0x3FA2]  }
0x2f: {  	lr =	sadd.s32 s0, s3;
	s0 =	sld [smem:$0x3F99]  }
0x30: {  	s3 =	sld [smem:$0x3F9C]  }
0x31: {  	[smem:$0x3FA5] =	sst s10  }
0x32: {  	s10 =	sld [smem:$0x3FA3];
	_ =	sdelay $0x3  }
0x33: {  	p0 =	seq.s32 s10, $0x1;
	s10 =	sld [smem:$0x3FA5];
	_ =	sdelay $0x3  }
0x34: {  	[smem:$0x3FA5] =	sst s10  }
0x35: {  	s10 =	sld [smem:$0x3FA4];
	_ =	sdelay $0x3  }
0x36: {  	p1 =	seq.s32 s10, $0x1;
	s10 =	sld [smem:$0x3FA5];
	_ =	sdelay $0x3  }
0x37: {  	[smem:$0x3FA5] =	sst s10  }
0x38: {  	s10 =	sld [smem:$0x3FA6]  }
0x39: {  	_ = 	snop;
	(pc) =	sbr.ind lr, $3  }
0x3a: {  	_ = 	snop  }
0x3b: {  	_ = 	snop  }
0x3c: {  	p2 =	seq.s32 s10, $0x1;
	s10 =	sld [smem:$0x3FA5]  }
0x3d: {  	_ =	shalt  }
0x3e: {  	_ =	shalt  }
0x3f: {  	_ =	shalt  }
0x40: {  	_ =	shalt  }
0x41: {  	_ =	shalt  }
0x42: {  	_ =	shalt  }
0x43: {  	_ =	shalt  }
0x44: {  	_ =	shalt  }
0x45: {  	_ =	shalt  }
0x46: {  	_ =	shalt  }
0x47: {  	_ =	shalt  }
0x48: {  	_ =	shalt  }
0x49: {  	_ =	shalt  }
0x4a: {  	_ =	shalt  }
0x4b: {  	_ =	shalt  }
0x4c: {  	_ =	shalt  }
0x4d: {  	_ =	shalt  }
0x4e: {  	_ =	shalt  }
0x4f: {  	_ =	shalt  }
0x50: {  	_ =	shalt  }
0x51: {  	_ =	shalt  }
0x52: {  	_ =	shalt  }
0x53: {  	_ =	shalt  }
0x54: {  	_ =	shalt  }
0x55: {  	_ =	shalt  }
0x56: {  	_ =	shalt  }
0x57: {  	_ =	shalt  }
0x58: {  	_ =	shalt  }
0x59: {  	_ =	shalt  }
0x5a: {  	_ =	shalt  }
0x5b: {  	_ =	shalt  }
0x5c: {  	_ =	shalt  }
0x5d: {  	_ =	shalt  }
0x5e: {  	_ =	shalt  }
0x5f: {  	_ =	shalt  }
0x60: {  	_ =	shalt  }
0x61: {  	_ =	shalt  }
0x62: {  	_ =	shalt  }
0x63: {  	_ =	shalt  }
0x64: {  	_ =	shalt  }
0x65: {  	_ =	shalt  }
0x66: {  	_ =	shalt  }
0x67: {  	_ =	shalt  }
0x68: {  	_ =	shalt  }
0x69: {  	_ =	shalt  }
0x6a: {  	_ =	shalt  }
0x6b: {  	_ =	shalt  }
0x6c: {  	_ =	shalt  }
0x6d: {  	_ =	shalt  }
0x6e: {  	_ =	shalt  }
0x6f: {  	_ =	shalt  }
0x70: {  	_ =	shalt  }
0x71: {  	_ =	shalt  }
0x72: {  	_ =	shalt  }
0x73: {  	_ =	shalt  }
0x74: {  	_ =	shalt  }
0x75: {  	_ =	shalt  }
0x76: {  	_ =	shalt  }
0x77: {  	_ =	shalt  }
0x78: {  	_ =	shalt  }
0x79: {  	_ =	shalt  }
0x7a: {  	_ =	shalt  }
0x7b: {  	_ =	shalt  }
0x7c: {  	_ =	shalt  }
0x7d: {  	_ =	shalt  }
0x7e: {  	_ =	shalt  }
0x7f: {  	_ =	shalt  }
0x80: {  	_ =	shalt  }
0x81: {  	_ =	shalt  }
0x82: {  	_ =	shalt  }
0x83: {  	_ =	shalt  }
0x84: {  	_ =	shalt  }
0x85: {  	_ =	shalt  }
0x86: {  	_ =	shalt  }
0x87: {  	_ =	shalt  }
.Lfunc_end0:
.L_simem_size_0:
called_computation_lowered:
.L_overlay_start_0:
0x88: {  	s2 =	sld [smem:$0x3FD9]  }
0x89: {  	s3 =	sld [smem:$0x3FFE];
	_ =	sdelay $0x1  }
0x8a: {  	s1 =	srdreg.scid  }
0x8b: {  	s0 =	sand.u32 $0x1, s1  }
0x8c: {  	s16 =	sshll.u32 s0, $0xA;
	s2 =	sadd.s32 s3, s2  }
0x8d: {  	s2 =	sadd.s32 s2, s16  }
0x8e: {  	[smem:$0x3FB1] =	sst s2  }
0x8f: {  	_ = 	snop  }
0x90: {  	(tm) =	ssettm $0x1  }
0x91: {  	s17 =	sld [smem:$0x3FFB];
	_ =	sdelay $0x3  }
0x92: {  	_ =	strace s17  }
0x93: {  	s2 =	sld [smem:$0x3FFC];
	_ =	sdelay $0x3  }
0x94: {  	_ =	strace s2  }
0x95: {  	s2 =	sld [smem:$0x3FFD];
	_ =	sdelay $0x3  }
0x96: {  	_ =	strace s2  }
0x97: {  	_ =	strace $0x8FFFFFFF  }
0x98: {  	s18 =	sld [smem:$0x3FDB];
	_ =	sdelay $0x1  }
0x99: {  	s19 =	simm.s32 $_scs_section_size  }
0x9a: {  	s4 =	simm.s32 $_size__tile_overlayer_lowered;
	s5 =	simm.s32 $_tile_overlayer_lowered  }
0x9b: {  	s22 =	simm.s32 $0x1BFF;
	s21 =	sshll.u32 s5, $0x1;
	s2 =	sadd.s32 s19, s18  }
0x9c: {  	s6 =	simm.s32 $0x0;
	s20 =	sshll.u32 s4, $0x1;
	s4 =	sadd.s32 s21, s2  }
0x9d: {  	[timem:s6], [sflag:s22] =	dma.local [hbm:s4], s20  }
0x9e: {  	_ =	swait.ge [sflag:s22], s20  }
0x9f: {  	s3 =	ssub.s32 $0x0, s20;
	[sflag:s22] =	ssyncset.done $0x0  }
0xa0: {  	[sflag:s22] =	ssyncadd.s32 s3;
	_ =	sdelay $0x1  }
0xa1: {  	s23 =	simm.s32 $0x1B8B  }
0xa2: {  	_ =	swait.ge [sflag:s23], $0x1  }
0xa3: {  	[sflag:s23] =	ssyncset.done $0x0  }
0xa4: {  	s25 =	simm.s32 $0x1B8E;
	s24 =	sld [smem:$0x3FFE];
	[sflag:s23] =	ssyncadd.s32 $0xFFFFFFFF  }
0xa5: {  	s26 =	simm.s32 $execute0_lowered;
	[smem:$0x3FD2] =	sst s25  }
0xa6: {  	s4 =	sshll.u32 s26, $0x1;
	_ =	strace $0x80000046;
	[dreg:$0x1] =	wrdreg $0xFFFFFFFF  }
0xa7: {  	s28 =	simm.s32 $_size_execute0_lowered;
	s2 =	sadd.s32 s2, s4;
	[dreg:$0x0] =	wrdreg $0x0  }
0xa8: {  	s4 =	sshll.u32 s28, $0x1;
	[dreg:$0x2] =	wrdreg s2  }
0xa9: {  	[dreg:$0x3] =	wrdreg s4  }
0xaa: {  	[dreg:$0x4] =	wrdreg $0xC0  }
0xab: {  	_ =	task [dreg:s6], $0x5FFFF  }
0xac: {  	[dreg:$0x1] =	wrdreg $0xFFFFFFFF  }
0xad: {  	[dreg:$0x0] =	wrdreg $0x60  }
0xae: {  	[dreg:$0x2] =	wrdreg s24  }
0xaf: {  	[dreg:$0x3] =	wrdreg $0x0  }
0xb0: {  	[dreg:$0x4] =	wrdreg $0x9  }
0xb1: {  	_ =	task.clear_ibuf [dreg:s6], $0x5FFFF;
	_ =	strace $0x90000046  }
0xb2: {  	s29 =	simm.s32 $0x9;
	_ =	strace $0x80000048  }
0xb3: {  	_ =	swait.ge [sflag:s29], $0x1  }
0xb4: {  	[sflag:s29] =	ssyncadd.s32 $0xFFFFFFFF  }
0xb5: {  	_ =	strace $0x90000048  }
0xb6: {  	_ =	sfence  }
0xb7: {  	s30 =	sld [smem:$0x0];
	_ =	sdelay $0x2  }
0xb8: {  	s31 =	sshll.u32 s1, $0xD;
	s1 =	sshrl.u32 s1, $0x2  }
0xb9: {  	s3 =	sand.u32 $0x4000, s31;
	s1 =	sadd.s32 s1, s30  }
0xba: {  	s0 =	sor.u32 s3, s0;
	s1 =	sshll.u32 s1, $0x11  }
0xbb: {  	s0 =	sor.u32 s1, s0  }
0xbc: {  	s0 =	sadd.s32 $0x8F2B, s0  }
0xbd: {  	[sflag:s0] =	ssyncadd.remote.s32 $0x1  }
0xbe: {  	_ =	sfence.sel $0xFFFF  }
0xbf: {  	[dreg:$0x0] =	wrdreg $0xFFFFFFFF;
	(pc) =	sbr.abs _section_cstart, $3  }
0xc0: {  	[dreg:$0x1] =	wrdreg $0xFFFFFFFF  }
0xc1: {  	_ =	task.clear_ibuf [dreg:s6], $0x2FFFF;
	_ =	strace $0x9FFFFFFF  }
0xc2: {  	(tm) =	ssettm $0x7FFFFFFF  }
0xc3: {  	_ =	shalt  }
tec
execute0_lowered:
.L_overlay_start_1:
0x0: {  	(tag) =	ssettag $0x1  }
0x1: {  	s0 =	rddreg [dreg:$0x0]  }
0x2: {  	s2 =	rddreg [dreg:$0x1];
	s1 =	srdreg.scid  }
0x3: {  	s3 =	stileid.u32;
	s5 =	simm.s32 $0x0;
	s10 =	simm.s32 $0x9C40  }
0x4: {  	s15 =	simm.s32 $0x5;
	s17 =	simm.s32 $0x11170;
	s29 =	simm.s32 $0x16170  }
0x5: {  	s30 =	simm.s32 $0x3;
	s31 =	simm.s32 $0x2;
	s16 =	simm.s32 $0x17570  }
0x6: {  	s28 =	simm.s32 $0x1C570;
	s1 =	sand.u32 $0x1, s1;
	s4 =	smul.u32 $0x9C00, s3  }
0x7: {  	[smem:$0x7FF] =	sst s5;
	s7 =	sadd.s32 $0x64800, s0;
	s19 =	sadd.s32 $0x64200, s0  }
0x8: {  	s8 =	smul.u32 $0x27000, s3;
	_ =	strace $0x80000047;
	[dreg:$0x3] =	wrdreg s7  }
0x9: {  	s18 =	smul.u32 $0x9C400, s1;
	s6 =	sshll.u32 s1, $0x4;
	[dreg:$0x4] =	wrdreg s19  }
0xa: {  	s1 =	ssub.s32 $0x2, s1;
	s19 =	simm.s32 $0x15F90;
	s6 =	sor.u32 s3, s6  }
0xb: {  	s9 =	sshrl.u32 s1, $0x1;
	s21 =	sshrl.u32 s8, $0x2;
	s5 =	sadd.s32 s4, s18  }
0xc: {  	s20 =	smul.u32 $0x4E2, s6;
	s6 =	sadd.s32 $0x50800, s0;
	s1 =	ssub.s32 s1, s9  }
0xd: {  	s7 =	sadd.s32 s21, s2;
	s9 =	sadd.s32 s4, s2;
	s18 =	simm.s32 $0x13880  }
0xe: {  	s21 =	simm.s32 $0x18970;
	s4 =	simm.s32 $0x0;
	s5 =	sshrl.u32 s5, $0x3  }
0xf: {  	s24 =	sadd.s32 $0x6400, s7;
	s26 =	smax.u32 s1, $0x1;
	[dreg:$0x8] =	wrdreg s9  }
0x10: {  	s5 =	sadd.s32 s5, s0;
	s0 =	sadd.s32 s20, s0;
	[dreg:$0x9] =	wrdreg s24  }
0x11: {  	s1 =	simm.s32 $0x1;
	[dreg:$0xb] =	wrdreg s26;
	s22 =	sadd.s32 $0x6EC00, s0  }
.Ltmp0:
0x12: {  	s23 =	sadd.s32 $0x64E00, s0;
	[dreg:$0x5] =	wrdreg s22;
	(pc) =	sbr.rel .LBB2_1-.Ltmp0, $4  }
0x13: {  	s20 =	simm.s32 $0x50;
	s0 =	sadd.s32 $0x9FC00, s0;
	[dreg:$0x6] =	wrdreg s23  }
0x14: {  	s24 =	simm.s32 $0x13970;
	s25 =	sadd.s32 $0x78A00, s5;
	[dreg:$0x7] =	wrdreg s0  }
0x15: {  	v1 =	vimm.s32 $0x0;
	vm0 =	vcmask $0x300;
	s26 =	simm.s32 $0x14D70;
	[dreg:$0xa] =	wrdreg s25;
	s22 =	simm.s32 $0x12570  }
0x16: {  	v0 =	vimm.f32 $0.0e+00;
	v1 =	vsel vm0, $0x3, v1;
	s0 =	simm.s32 $0xEA60;
	s23 =	simm.s32 $0x19D70;
	s25 =	simm.s32 $0x1B170  }
.LBB2_16:
0x17: {  	_ =	swait.ge [sflag:s30], $0x1400  }
0x18: {  	[sflag:s30] =	ssyncset.done $0x0  }
0x19: {  	[sflag:s30] =	ssyncadd.s32 $0xFFFFEC00  }
0x1a: {  	_ =	swait.ge [sflag:s30], $0x1400  }
0x1b: {  	[sflag:s30] =	ssyncset.done $0x0  }
0x1c: {  	[sflag:s30] =	ssyncadd.s32 $0xFFFFEC00  }
0x1d: {  	_ =	swait.ge [sflag:s30], $0x1400  }
0x1e: {  	[sflag:s30] =	ssyncset.done $0x0  }
0x1f: {  	[sflag:s30] =	ssyncadd.s32 $0xFFFFEC00  }
0x20: {  	_ =	swait.ge [sflag:s30], $0x1400  }
0x21: {  	[sflag:s30] =	ssyncset.done $0x0  }
0x22: {  	[sflag:s30] =	ssyncadd.s32 $0xFFFFEC00  }
0x23: {  	_ =	swait.ge [sflag:s30], $0x1400  }
0x24: {  	[sflag:s30] =	ssyncset.done $0x0  }
0x25: {  	[sflag:s30] =	ssyncadd.s32 $0xFFFFEC00  }
0x26: {  	s3 =	stileid.u32;
	[bflag:$0x0] =	sbarrier.arrive $0xFFFF  }
0x27: {  	s3 =	sshll.u32 s3, $0x6;
	s9 =	rddreg [dreg:$0x8]  }
0x28: {  	s3 =	sor.u32 $0x1C05, s3;
	s5 =	rddreg [dreg:$0xa];
	s4 =	sshrl.u32 s9, $0x3  }
0x29: {  	[hbm:s5], [sflag:s3] =	dma.local [spmem:s4], $0x1400  }
0x2a: {  	_ =	swait.ge [sflag:s15], $0x1400  }
0x2b: {  	s13 =	rddreg [dreg:$0xc]  }
0x2c: {  	s14 =	rddreg [dreg:$0xb];
	s4 =	sadd.s32 $0x1, s13  }
0x2d: {  	p0 =	sne.s32 s4, s14  }
.Ltmp1:
0x2e: {  	_ = 	snop;
	(pc) =	sbr.rel @!p0 .LBB2_17-.Ltmp1, $3  }
0x2f: {  	_ =	sdelay $0x1  }
0x30: {  	[sflag:s15] =	ssyncset.done $0x0  }
0x31: {  	s10 =	simm.s32 $0x9C40;
	[sflag:s15] =	ssyncadd.s32 $0xFFFFEC00  }
.LBB2_1:
0x32: {  	[dreg:$0xc] =	wrdreg s4  }
0x33: {  	s3 =	simm.s32 $0x0;
	s11 =	rddreg [dreg:$0x5]  }
0x34: {  	[tilespmem:s10], [sflag:$0x5] =	stream.linear.gather [hbm4b:s11+s3], $0x2710, $0x38;
	[tilespmem:$0x1D970] =	vst v63  }
0x35: {  	_ =	swait.ge [sflag:s15], $0x2710  }
0x36: {  	[sflag:s15] =	ssyncset.done $0x0  }
0x37: {  	s5 =	simm.s32 $0xC350;
	s12 =	rddreg [dreg:$0x6];
	[sflag:s15] =	ssyncadd.s32 $0xFFFFD8F0  }
0x38: {  	[tilespmem:s5], [sflag:$0x5] =	stream.linear.gather [hbm4b:s12+s3], $0x2710, $0x38;
	[tilespmem:$0x1D970] =	vst v63  }
0x39: {  	_ =	swait.ge [sflag:s15], $0x2710  }
0x3a: {  	[sflag:s15] =	ssyncset.done $0x0  }
0x3b: {  	s13 =	rddreg [dreg:$0x3];
	[sflag:s15] =	ssyncadd.s32 $0xFFFFD8F0  }
0x3c: {  	[tilespmem:s17], [sflag:$0x5] =	stream.linear.gather [hbm4b:s13+s3], $0x2710, $0x38;
	[tilespmem:$0x1D970] =	vst v63  }
0x3d: {  	_ =	swait.ge [sflag:s15], $0x2710  }
0x3e: {  	[sflag:s15] =	ssyncset.done $0x0  }
0x3f: {  	s14 =	rddreg [dreg:$0x4];
	[sflag:s15] =	ssyncadd.s32 $0xFFFFD8F0  }
0x40: {  	[tilespmem:s18], [sflag:$0x5] =	stream.linear.gather [hbm4b:s14+s3], $0x2710, $0x38;
	[tilespmem:$0x1D970] =	vst v63  }
0x41: {  	_ =	swait.ge [sflag:s15], $0x2710  }
0x42: {  	[sflag:s15] =	ssyncset.done $0x0  }
0x43: {  	s5 =	simm.s32 $0x0;
	[sflag:s15] =	ssyncadd.s32 $0xFFFFD8F0  }
.LBB2_2:
0x44: {  	p0 =	sne.s32 s5, $0x9C00  }
.Ltmp2:
0x45: {  	_ = 	snop;
	(pc) =	sbr.rel @p0 .LBB2_2-.Ltmp2, $3  }
0x46: {  	_ =	sdelay $0x1  }
0x47: {  	s7 =	sshra.s32 s5, $0x2  }
0x48: {  	s5 =	sadd.s32 $0x40, s5;
	[tilespmem:s7+$0x15F90] =	vst v0  }
0x49: {  	s5 =	simm.s32 $0x100  }
.LBB2_4:
0x4a: {  	s7 =	sshra.s32 s5, $0x2  }
0x4b: {  	v2 =	vld [tilespmem:s7+$0x9C00]  }
0x4c: {  	v3 =	vld [tilespmem:s7+$0xC310];
	_ =	sdelay $0x6  }
0x4d: {  	v2 =	vld.idx.msk [tilespmem:v2+s17+$0x0], $0xffff  }
0x4e: {  	v4 =	vld.idx.msk [tilespmem:v3+s18+$0x0], $0xffff;
	_ =	sdelay $0x4  }
0x4f: {  	v2 =	vadd.f32 v4, v2;
	_ =	sdelay $0x1  }
0x50: {  	v4 =	vmul.f32 $2.000000030e-01, v2  }
0x51: {  	vm0 =	vgt.f32 v2, $0.0e+00  }
0x52: {  	v2 =	vsel vm0, v2, v4  }
0x53: {  	v2 =	vmul.f32 $1.442695020e+00, v2;
	_ =	sdelay $0x1  }
0x54: {  	(erf) = vpow2.f32 v2;
	_ =	sdelay $0x8  }
0x55: {  	v2 =	vpop (erf)  }
0x56: {  	[tilespmem:s7+$0xEA20] =	vst v2  }
0x57: {  	[tilespmem:v3+s19+$0x0] =	vst.idx.add.f32.msk $0xffff, v2  }
0x58: {  	v2 =	vld [tilespmem:s7+$0x9C10]  }
0x59: {  	v3 =	vld [tilespmem:s7+$0xC320];
	_ =	sdelay $0x6  }
0x5a: {  	v2 =	vld.idx.msk [tilespmem:v2+s17+$0x0], $0xffff  }
0x5b: {  	v60 =	vld.idx.msk [tilespmem:v3+s18+$0x0], $0xffff;
	_ =	sdelay $0x4  }
0x5c: {  	v2 =	vadd.f32 v60, v2;
	_ =	sdelay $0x1  }
0x5d: {  	v4 =	vmul.f32 $2.000000030e-01, v2  }
0x5e: {  	vm12 =	vgt.f32 v2, $0.0e+00  }
0x5f: {  	v2 =	vsel vm12, v2, v4  }
0x60: {  	v2 =	vmul.f32 $1.442695020e+00, v2;
	_ =	sdelay $0x1  }
0x61: {  	(erf) = vpow2.f32 v2;
	_ =	sdelay $0x8  }
0x62: {  	v2 =	vpop (erf)  }
0x63: {  	[tilespmem:s7+$0xEA30] =	vst v2  }
0x64: {  	[tilespmem:v3+s19+$0x0] =	vst.idx.add.f32.msk $0xffff, v2  }
0x65: {  	v2 =	vld [tilespmem:s7+$0x9C20]  }
0x66: {  	v3 =	vld [tilespmem:s7+$0xC330];
	_ =	sdelay $0x6  }
0x67: {  	v2 =	vld.idx.msk [tilespmem:v2+s17+$0x0], $0xffff  }
0x68: {  	v61 =	vld.idx.msk [tilespmem:v3+s18+$0x0], $0xffff;
	_ =	sdelay $0x4  }
0x69: {  	v2 =	vadd.f32 v61, v2;
	_ =	sdelay $0x1  }
0x6a: {  	v4 =	vmul.f32 $2.000000030e-01, v2  }
0x6b: {  	vm13 =	vgt.f32 v2, $0.0e+00  }
0x6c: {  	v2 =	vsel vm13, v2, v4  }
0x6d: {  	v2 =	vmul.f32 $1.442695020e+00, v2;
	_ =	sdelay $0x1  }
0x6e: {  	(erf) = vpow2.f32 v2;
	_ =	sdelay $0x8  }
0x6f: {  	v2 =	vpop (erf)  }
0x70: {  	[tilespmem:s7+$0xEA40] =	vst v2  }
0x71: {  	[tilespmem:v3+s19+$0x0] =	vst.idx.add.f32.msk $0xffff, v2  }
0x72: {  	v2 =	vld [tilespmem:s7+$0x9C30]  }
0x73: {  	v3 =	vld [tilespmem:s7+$0xC340];
	_ =	sdelay $0x6  }
0x74: {  	v2 =	vld.idx.msk [tilespmem:v2+s17+$0x0], $0xffff  }
0x75: {  	v62 =	vld.idx.msk [tilespmem:v3+s18+$0x0], $0xffff;
	_ =	sdelay $0x4  }
0x76: {  	v2 =	vadd.f32 v62, v2;
	_ =	sdelay $0x1  }
0x77: {  	v4 =	vmul.f32 $2.000000030e-01, v2  }
0x78: {  	vm14 =	vgt.f32 v2, $0.0e+00  }
0x79: {  	v2 =	vsel vm14, v2, v4  }
0x7a: {  	v2 =	vmul.f32 $1.442695020e+00, v2;
	_ =	sdelay $0x1  }
0x7b: {  	(erf) = vpow2.f32 v2;
	_ =	sdelay $0x8  }
0x7c: {  	v2 =	vpop (erf)  }
0x7d: {  	[tilespmem:s7+$0xEA50] =	vst v2  }
0x7e: {  	[tilespmem:v3+s19+$0x0] =	vst.idx.add.f32.msk $0xffff, v2  }
0x7f: {  	v2 =	vld [tilespmem:s7+$0x9C40]  }
0x80: {  	v3 =	vld [tilespmem:s7+$0xC350];
	_ =	sdelay $0x6  }
0x81: {  	v2 =	vld.idx.msk [tilespmem:v2+s17+$0x0], $0xffff  }
0x82: {  	v63 =	vld.idx.msk [tilespmem:v3+s18+$0x0], $0xffff;
	_ =	sdelay $0x4  }
0x83: {  	v2 =	vadd.f32 v63, v2;
	_ =	sdelay $0x1  }
0x84: {  	v4 =	vmul.f32 $2.000000030e-01, v2  }
0x85: {  	vm15 =	vgt.f32 v2, $0.0e+00  }
0x86: {  	v2 =	vsel vm15, v2, v4  }
0x87: {  	v2 =	vmul.f32 $1.442695020e+00, v2;
	_ =	sdelay $0x1  }
0x88: {  	(erf) = vpow2.f32 v2;
	_ =	sdelay $0x5  }
0x89: {  	p0 =	sne.s32 s5, $0x9C00  }
.Ltmp3:
0x8a: {  	_ = 	snop;
	(pc) =	sbr.rel @p0 .LBB2_4-.Ltmp3, $4  }
0x8b: {  	_ = 	snop  }
0x8c: {  	v2 =	vpop (erf)  }
0x8d: {  	[tilespmem:s7+$0xEA60] =	vst v2  }
0x8e: {  	s5 =	sadd.s32 $0x140, s5;
	[tilespmem:v3+s19+$0x0] =	vst.idx.add.f32.msk $0xffff, v2  }
0x8f: {  	s5 =	simm.s32 $0x0;
	s3 =	rddreg [dreg:$0x7]  }
0x90: {  	[hbm4b:s3+s5] =	stream.linear.scatter [tilespmem:s19], [sflag:$0x5], $0x2710, $0x38;
	[tilespmem:$0x1D970] =	vst v63  }
0x91: {  	_ =	swait.ge [sflag:s15], $0x2710  }
0x92: {  	[sflag:s15] =	ssyncset.done $0x0  }
0x93: {  	s7 =	simm.s32 $0x100;
	s5 =	simm.s32 $0x0;
	[sflag:s15] =	ssyncadd.s32 $0xFFFFD8F0  }
.LBB2_6:
0x94: {  	p0 =	sne.s32 s7, $0x18F00;
	[tilespmem:s5+$0x111A0] =	vst v0;
	s8 =	smov.u32 s7;
	s7 =	sadd.s32 $0x100, s7  }
.Ltmp4:
0x95: {  	[tilespmem:s5+$0x11190] =	vst v0;
	(pc) =	sbr.rel @p0 .LBB2_6-.Ltmp4, $3  }
0x96: {  	[tilespmem:s5+$0x11170] =	vst v0  }
0x97: {  	[tilespmem:s5+$0x11180] =	vst v0;
	_ =	sdelay $0x1  }
0x98: {  	s5 =	sshra.s32 s8, $0x2  }
0x99: {  	[tilespmem:s5+$0x111A0] =	vst v0  }
0x9a: {  	[tilespmem:s5+$0x11190] =	vst v0  }
0x9b: {  	[tilespmem:s5+$0x11170] =	vst v0  }
0x9c: {  	[tilespmem:s5+$0x11180] =	vst v0  }
0x9d: {  	[spmem:s9] =	stream.linear.scatter [tilespmem:s17], [sflag:$0x5], $0x6400, $0x38;
	[tilespmem:$0x1D970] =	vst v63  }
0x9e: {  	_ =	swait.ge [sflag:s15], $0x6400  }
0x9f: {  	[sflag:s15] =	ssyncset.done $0x0  }
0xa0: {  	s3 =	rddreg [dreg:$0x9];
	[sflag:s15] =	ssyncadd.s32 $0xFFFF9C00  }
0xa1: {  	[spmem:s3] =	stream.linear.scatter [tilespmem:s17], [sflag:$0x5], $0x3C00, $0x38;
	[tilespmem:$0x1D970] =	vst v63  }
0xa2: {  	_ =	swait.ge [sflag:s15], $0x3C00  }
0xa3: {  	[sflag:s15] =	ssyncset.done $0x0  }
0xa4: {  	[sflag:s15] =	ssyncadd.s32 $0xFFFFC400  }
0xa5: {  	[bflag:$0x0] =	sbarrier.arrive $0xFFFF  }
0xa6: {  	[tilespmem:s17], [sflag:$0x1] =	stream.indirect.gather [hbm4b:s6+s20], $0x40, s10, s20, $0xb8;
	[tilespmem:$0x1D970] =	vst v63  }
0xa7: {  	s11 =	simm.s32 $0x9C90  }
0xa8: {  	[tilespmem:s22], [sflag:$0x1] =	stream.indirect.gather [hbm4b:s6+s20], $0x40, s11, s20, $0xb8;
	[tilespmem:$0x1D970] =	vst v63  }
0xa9: {  	s12 =	simm.s32 $0x9CE0  }
0xaa: {  	[tilespmem:s24], [sflag:$0x1] =	stream.indirect.gather [hbm4b:s6+s20], $0x40, s12, s20, $0xb8;
	[tilespmem:$0x1D970] =	vst v63  }
.Ltmp5:
0xab: {  	s13 =	simm.s32 $0x9D30;
	(pc) =	sbr.rel .LBB2_8-.Ltmp5, $4  }
0xac: {  	[tilespmem:s26], [sflag:$0x1] =	stream.indirect.gather [hbm4b:s6+s20], $0x40, s13, s20, $0xb8;
	[tilespmem:$0x1D970] =	vst v63  }
0xad: {  	s14 =	simm.s32 $0x9D80  }
0xae: {  	[tilespmem:s29], [sflag:$0x1] =	stream.indirect.gather [hbm4b:s6+s20], $0x40, s14, s20, $0xb8;
	[tilespmem:$0x1D970] =	vst v63  }
0xaf: {  	s5 =	simm.s32 $0x0;
	s14 =	simm.s32 $0x0  }
.LBB2_15:
0xb0: {  	s14 =	sadd.s32 $0x1, s14  }
0xb1: {  	p0 =	sne.s32 s14, $0x19  }
.Ltmp6:
0xb2: {  	_ = 	snop;
	(pc) =	sbr.rel @!p0 .LBB2_16-.Ltmp6, $2  }
0xb3: {  	_ =	sdelay $0x2  }
0xb4: {  	s5 =	sadd.s32 $0x190, s5  }
.LBB2_8:
0xb5: {  	s7 =	sand.u32 $0x1, s14  }
0xb6: {  	p0 =	seq.s32 s7, $0x1  }
.Ltmp7:
0xb7: {  	_ = 	snop;
	(pc) =	sbr.rel @p0 .LBB2_12-.Ltmp7, $1  }
0xb8: {  	_ =	sdelay $0x3  }
0xb9: {  	p0 =	seq.s32 s14, $0x0  }
0xba: {  	s8 =	simm.s32 @!p0 $0x4  }
0xbb: {  	_ =	swait.ge @!p0 [sflag:s8], $0x1400  }
0xbc: {  	[sflag:s8] =	ssyncset.done @!p0 $0x0  }
0xbd: {  	[sflag:s8] =	ssyncadd.s32 @!p0 $0xFFFFEC00  }
0xbe: {  	_ =	swait.ge @!p0 [sflag:s8], $0x1400  }
0xbf: {  	[sflag:s8] =	ssyncset.done @!p0 $0x0  }
0xc0: {  	[sflag:s8] =	ssyncadd.s32 @!p0 $0xFFFFEC00  }
0xc1: {  	_ =	swait.ge @!p0 [sflag:s8], $0x1400  }
0xc2: {  	[sflag:s8] =	ssyncset.done @!p0 $0x0  }
0xc3: {  	[sflag:s8] =	ssyncadd.s32 @!p0 $0xFFFFEC00  }
0xc4: {  	_ =	swait.ge @!p0 [sflag:s8], $0x1400  }
0xc5: {  	[sflag:s8] =	ssyncset.done @!p0 $0x0  }
0xc6: {  	[sflag:s8] =	ssyncadd.s32 @!p0 $0xFFFFEC00  }
0xc7: {  	p1 =	seq.s32 @!p0 s14, $0x18;
	_ =	swait.ge @!p0 [sflag:s8], $0x1400  }
0xc8: {  	p1 =	por p0, !p1;
	[sflag:s8] =	ssyncset.done @!p0 $0x0  }
0xc9: {  	[sflag:s8] =	ssyncadd.s32 @!p0 $0xFFFFEC00;
	s8 =	smul.u32 @p1 $0x640, s14;
	_ =	sdelay $0x1  }
0xca: {  	s8 =	sshra.s32 @p1 s8, $0x2  }
0xcb: {  	s9 =	sadd.s32 @p1 $0x9DD0, s8  }
0xcc: {  	[tilespmem:s16], [sflag:$0x2] =	stream.indirect.gather @p1 [hbm4b:s6+s20], $0x40, s9, s20, $0xb8;
	[tilespmem:$0x1D970] =	vst v63  }
0xcd: {  	s9 =	sadd.s32 @p1 $0x9E20, s8  }
0xce: {  	[tilespmem:s21], [sflag:$0x2] =	stream.indirect.gather @p1 [hbm4b:s6+s20], $0x40, s9, s20, $0xb8;
	[tilespmem:$0x1D970] =	vst v63  }
0xcf: {  	s9 =	sadd.s32 @p1 $0x9E70, s8  }
0xd0: {  	[tilespmem:s23], [sflag:$0x2] =	stream.indirect.gather @p1 [hbm4b:s6+s20], $0x40, s9, s20, $0xb8;
	[tilespmem:$0x1D970] =	vst v63  }
0xd1: {  	s9 =	sadd.s32 @p1 $0x9EC0, s8  }
0xd2: {  	[tilespmem:s25], [sflag:$0x2] =	stream.indirect.gather @p1 [hbm4b:s6+s20], $0x40, s9, s20, $0xb8;
	[tilespmem:$0x1D970] =	vst v63  }
0xd3: {  	s8 =	sadd.s32 @p1 $0x9F10, s8  }
0xd4: {  	[tilespmem:s28], [sflag:$0x2] =	stream.indirect.gather @p1 [hbm4b:s6+s20], $0x40, s8, s20, $0xb8;
	[tilespmem:$0x1D970] =	vst v63  }
0xd5: {  	_ =	swait.ge [sflag:s1], $0x1400  }
0xd6: {  	[sflag:s1] =	ssyncset.done $0x0  }
0xd7: {  	[sflag:s1] =	ssyncadd.s32 $0xFFFFEC00  }
0xd8: {  	_ =	swait.ge [sflag:s1], $0x1400  }
0xd9: {  	[sflag:s1] =	ssyncset.done $0x0  }
0xda: {  	s9 =	sadd.s32 $0xFFFFFFF8, s5;
	[sflag:s1] =	ssyncadd.s32 $0xFFFFEC00  }
0xdb: {  	s13 =	sadd.s32 $0x8, s9;
	_ =	swait.ge [sflag:s1], $0x1400  }
0xdc: {  	v2 =	vmov s13;
	[sflag:s1] =	ssyncset.done $0x0  }
0xdd: {  	v2 =	vshrl.u32 v2, $0x3;
	[sflag:s1] =	ssyncadd.s32 $0xFFFFEC00  }
0xde: {  	v2 =	vshll.u32 v2, v1;
	_ =	swait.ge [sflag:s1], $0x1400  }
0xdf: {  	v2 =	vbroadcast v2, $0x0;
	[sflag:s1] =	ssyncset.done $0x0  }
0xe0: {  	[sflag:s1] =	ssyncadd.s32 $0xFFFFEC00  }
0xe1: {  	_ =	swait.ge [sflag:s1], $0x1400  }
0xe2: {  	[sflag:s1] =	ssyncset.done $0x0  }
0xe3: {  	s8 =	simm.s32 $0x11270;
	[sflag:s1] =	ssyncadd.s32 $0xFFFFEC00  }
0xe4: {  	v3 =	vld [tilespmem:s8+$0xFFFFFF30]  }
0xe5: {  	s11 =	sadd.s32 $0x9, s9;
	v2 =	vld.idx.msk [tilespmem:v2+s0+$0x0], $0xffff  }
0xe6: {  	v4 =	vmov s11;
	v5 =	vld [tilespmem:s8+$0xFFFFFF00]  }
0xe7: {  	v4 =	vshrl.u32 v4, $0x3;
	v6 =	vld [tilespmem:s8+$0xFFFFFF10]  }
0xe8: {  	v4 =	vshll.u32 v4, v1;
	v7 =	vld [tilespmem:s8+$0xFFFFFF20]  }
0xe9: {  	v4 =	vadd.s32 $0x1, v4  }
0xea: {  	v4 =	vbroadcast v4, $0x0;
	v3 =	vmul.f32 v3, v2  }
0xeb: {  	v5 =	vmul.f32 v5, v2  }
0xec: {  	v6 =	vmul.f32 v6, v2;
	[tilespmem:s8+$0xFFFFFF30] =	vst v3  }
0xed: {  	v2 =	vmul.f32 v7, v2;
	[tilespmem:s8+$0xFFFFFF00] =	vst v5  }
0xee: {  	[tilespmem:s8+$0xFFFFFF10] =	vst v6  }
0xef: {  	[tilespmem:s8+$0xFFFFFF20] =	vst v2;
	v3 =	vld [tilespmem:s8+$0xFFFFFF40]  }
0xf0: {  	s3 =	sadd.s32 $0xA, s9;
	v2 =	vld.idx.msk [tilespmem:v4+s0+$0x0], $0xffff  }
0xf1: {  	v5 =	vld [tilespmem:s8+$0xFFFFFF50];
	v4 =	vmov s3  }
0xf2: {  	v6 =	vld [tilespmem:s8+$0xFFFFFF70];
	v4 =	vshrl.u32 v4, $0x3  }
0xf3: {  	v7 =	vld [tilespmem:s8+$0xFFFFFF60];
	v4 =	vshll.u32 v4, v1  }
0xf4: {  	v4 =	vadd.s32 $0x2, v4  }
0xf5: {  	v4 =	vbroadcast v4, $0x0;
	v3 =	vmul.f32 v3, v2  }
0xf6: {  	v5 =	vmul.f32 v5, v2  }
0xf7: {  	v6 =	vmul.f32 v6, v2;
	[tilespmem:s8+$0xFFFFFF40] =	vst v3  }
0xf8: {  	v2 =	vmul.f32 v7, v2;
	[tilespmem:s8+$0xFFFFFF50] =	vst v5  }
0xf9: {  	[tilespmem:s8+$0xFFFFFF70] =	vst v6  }
0xfa: {  	[tilespmem:s8+$0xFFFFFF60] =	vst v2;
	v3 =	vld [tilespmem:s8+$0xFFFFFF80]  }
0xfb: {  	s4 =	sadd.s32 $0xB, s9;
	v2 =	vld.idx.msk [tilespmem:v4+s0+$0x0], $0xffff  }
0xfc: {  	v5 =	vld [tilespmem:s8+$0xFFFFFFB0];
	v4 =	vmov s4  }
0xfd: {  	v6 =	vld [tilespmem:s8+$0xFFFFFF90];
	v4 =	vshrl.u32 v4, $0x3  }
0xfe: {  	v7 =	vld [tilespmem:s8+$0xFFFFFFA0];
	v4 =	vshll.u32 v4, v1  }
0xff: {  	v4 =	vadd.s32 $0x3, v4  }
0x100: {  	v4 =	vbroadcast v4, $0x0;
	v3 =	vmul.f32 v3, v2  }
0x101: {  	v5 =	vmul.f32 v5, v2  }
0x102: {  	v6 =	vmul.f32 v6, v2;
	[tilespmem:s8+$0xFFFFFF80] =	vst v3  }
0x103: {  	v2 =	vmul.f32 v7, v2;
	[tilespmem:s8+$0xFFFFFFB0] =	vst v5  }
0x104: {  	[tilespmem:s8+$0xFFFFFF90] =	vst v6  }
0x105: {  	[tilespmem:s8+$0xFFFFFFA0] =	vst v2;
	v3 =	vld [tilespmem:s8+$0xFFFFFFC0]  }
0x106: {  	s10 =	sadd.s32 $0xC, s9;
	v2 =	vld.idx.msk [tilespmem:v4+s0+$0x0], $0xffff  }
0x107: {  	v5 =	vld [tilespmem:s8+$0xFFFFFFD0];
	v4 =	vmov s10  }
0x108: {  	v6 =	vld [tilespmem:s8+$0xFFFFFFE0];
	v4 =	vshrl.u32 v4, $0x3  }
0x109: {  	v7 =	vld [tilespmem:s8+$0xFFFFFFF0];
	v4 =	vshll.u32 v4, v1  }
0x10a: {  	v4 =	vadd.s32 $0x4, v4  }
0x10b: {  	v4 =	vbroadcast v4, $0x0;
	v3 =	vmul.f32 v3, v2  }
0x10c: {  	v5 =	vmul.f32 v5, v2  }
0x10d: {  	v6 =	vmul.f32 v6, v2;
	[tilespmem:s8+$0xFFFFFFC0] =	vst v3  }
0x10e: {  	v2 =	vmul.f32 v7, v2;
	[tilespmem:s8+$0xFFFFFFD0] =	vst v5  }
0x10f: {  	v7 =	vld [tilespmem:s8+$0x20];
	[tilespmem:s8+$0xFFFFFFE0] =	vst v6  }
0x110: {  	[tilespmem:s8+$0xFFFFFFF0] =	vst v2;
	v3 =	vld [tilespmem:s8+$0x0]  }
0x111: {  	s12 =	sadd.s32 $0xD, s9;
	v2 =	vld.idx.msk [tilespmem:v4+s0+$0x0], $0xffff  }
0x112: {  	v5 =	vmov s12;
	v4 =	vld [tilespmem:s8+$0x10]  }
0x113: {  	v6 =	vld [tilespmem:s8+$0x30];
	v5 =	vshrl.u32 v5, $0x3  }
0x114: {  	v5 =	vshll.u32 v5, v1  }
0x115: {  	v5 =	vadd.s32 $0x5, v5  }
0x116: {  	v5 =	vbroadcast v5, $0x0;
	v3 =	vmul.f32 v3, v2  }
0x117: {  	v4 =	vmul.f32 v4, v2  }
0x118: {  	v6 =	vmul.f32 v6, v2;
	v2 =	vmul.f32 v7, v2;
	[tilespmem:s8+$0x0] =	vst v3  }
0x119: {  	[tilespmem:s8+$0x10] =	vst v4  }
0x11a: {  	[tilespmem:s8+$0x20] =	vst v2;
	v2 =	vld [tilespmem:s8+$0x40]  }
0x11b: {  	[tilespmem:s8+$0x30] =	vst v6;
	v4 =	vld [tilespmem:s8+$0x70]  }
0x11c: {  	v3 =	vld.idx.msk [tilespmem:v5+s0+$0x0], $0xffff  }
0x11d: {  	v5 =	vld [tilespmem:s8+$0x60]  }
0x11e: {  	s13 =	sadd.s32 $0xE, s9;
	v6 =	vld [tilespmem:s8+$0x50]  }
0x11f: {  	v7 =	vmov s13  }
0x120: {  	s9 =	sadd.s32 $0xF, s9;
	v7 =	vshrl.u32 v7, $0x3  }
0x121: {  	v8 =	vmov s9;
	v7 =	vshll.u32 v7, v1;
	v4 =	vmul.f32 v4, v3  }
0x122: {  	v7 =	vadd.s32 $0x6, v7;
	v2 =	vmul.f32 v2, v3;
	v5 =	vmul.f32 v5, v3  }
0x123: {  	v8 =	vshrl.u32 v8, $0x3;
	[tilespmem:s8+$0x70] =	vst v4;
	v4 =	vmul.f32 v6, v3;
	v3 =	vbroadcast v7, $0x0  }
0x124: {  	[tilespmem:s8+$0x40] =	vst v2;
	v2 =	vshll.u32 v8, v1  }
0x125: {  	s11 =	simm.s32 $0x11270;
	s9 =	simm.s32 $0x0;
	[tilespmem:s8+$0x60] =	vst v5;
	v2 =	vadd.s32 $0x7, v2  }
.LBB2_10:
0x126: {  	[tilespmem:s8+$0x50] =	vst v4;
	s11 =	sadd.s32 $0x200, s11;
	s12 =	smov.u32 s9;
	s9 =	sadd.s32 $0x8, s9  }
0x127: {  	p0 =	slt.u32 s9, $0x188;
	v4 =	vld [tilespmem:s8+$0xB0]  }
0x128: {  	v5 =	vld [tilespmem:s8+$0x90]  }
0x129: {  	v3 =	vld.idx.msk [tilespmem:v3+s0+$0x0], $0xffff  }
0x12a: {  	v6 =	vld [tilespmem:s8+$0x80]  }
0x12b: {  	v7 =	vld [tilespmem:s8+$0xA0];
	_ =	sdelay $0x2  }
0x12c: {  	v2 =	vbroadcast v2, $0x0  }
0x12d: {  	v4 =	vmul.f32 v4, v3;
	v6 =	vmul.f32 v6, v3  }
0x12e: {  	v5 =	vmul.f32 v5, v3;
	v3 =	vmul.f32 v7, v3  }
0x12f: {  	[tilespmem:s8+$0xB0] =	vst v4  }
0x130: {  	[tilespmem:s8+$0x80] =	vst v6  }
0x131: {  	[tilespmem:s8+$0x90] =	vst v5  }
0x132: {  	[tilespmem:s8+$0xA0] =	vst v3;
	v3 =	vld [tilespmem:s8+$0xD0]  }
0x133: {  	v2 =	vld.idx.msk [tilespmem:v2+s0+$0x0], $0xffff  }
0x134: {  	s12 =	sadd.s32 s12, s5;
	v4 =	vld [tilespmem:s8+$0xC0]  }
0x135: {  	s13 =	sadd.s32 $0x8, s12;
	s3 =	sadd.s32 $0x9, s12;
	s10 =	sadd.s32 $0xA, s12;
	v5 =	vld [tilespmem:s8+$0xE0]  }
0x136: {  	v8 =	vmov s10;
	s10 =	sadd.s32 $0xC, s12;
	v7 =	vmov s3;
	s3 =	sadd.s32 $0xB, s12;
	v6 =	vmov s13;
	s13 =	sadd.s32 $0xD, s12;
	v9 =	vld [tilespmem:s8+$0xF0]  }
0x137: {  	s4 =	sadd.s32 $0xE, s12;
	v8 =	vshrl.u32 v8, $0x3;
	v7 =	vshrl.u32 v7, $0x3;
	s12 =	sadd.s32 $0xF, s12;
	v6 =	vshrl.u32 v6, $0x3  }
0x138: {  	v8 =	vshll.u32 v8, v1;
	v7 =	vshll.u32 v7, v1;
	v6 =	vshll.u32 v6, v1  }
0x139: {  	v7 =	vadd.s32 $0x1, v7;
	v6 =	vbroadcast v6, $0x0;
	v4 =	vmul.f32 v4, v2  }
0x13a: {  	v8 =	vadd.s32 $0x2, v8;
	v3 =	vmul.f32 v3, v2;
	v5 =	vmul.f32 v5, v2  }
0x13b: {  	v11 =	vmov s10;
	v10 =	vmov s3;
	[tilespmem:s8+$0xC0] =	vst v4;
	v2 =	vmul.f32 v9, v2  }
0x13c: {  	v4 =	vshrl.u32 v10, $0x3;
	v9 =	vshrl.u32 v11, $0x3;
	v10 =	vmov s13;
	[tilespmem:s8+$0xD0] =	vst v3  }
0x13d: {  	v3 =	vshll.u32 v4, v1;
	v4 =	vshll.u32 v9, v1;
	v9 =	vshrl.u32 v10, $0x3;
	v11 =	vld [tilespmem:s11+$0xFFFFFF20];
	[tilespmem:s8+$0xF0] =	vst v2  }
0x13e: {  	v12 =	vadd.s32 $0x3, v3;
	v4 =	vadd.s32 $0x4, v4;
	v2 =	vshll.u32 v9, v1;
	v10 =	vld [tilespmem:s11+$0xFFFFFF30];
	[tilespmem:s8+$0xE0] =	vst v5;
	s8 =	smov.u32 s11  }
0x13f: {  	v3 =	vmov s12;
	v5 =	vld.idx.msk [tilespmem:v6+s0+$0x0], $0xffff;
	v6 =	vadd.s32 $0x5, v2;
	v2 =	vmov s4  }
0x140: {  	v3 =	vshrl.u32 v3, $0x3;
	v9 =	vld [tilespmem:s11+$0xFFFFFF00];
	v2 =	vshrl.u32 v2, $0x3  }
0x141: {  	v14 =	vshll.u32 v3, v1;
	v13 =	vld [tilespmem:s11+$0xFFFFFF10];
	v2 =	vshll.u32 v2, v1  }
0x142: {  	v3 =	vadd.s32 $0x6, v2;
	v2 =	vadd.s32 $0x7, v14;
	_ =	sdelay $0x1  }
0x143: {  	v7 =	vbroadcast v7, $0x0  }
0x144: {  	v10 =	vmul.f32 v10, v5;
	v9 =	vmul.f32 v9, v5  }
0x145: {  	v13 =	vmul.f32 v13, v5;
	v5 =	vmul.f32 v11, v5  }
0x146: {  	[tilespmem:s11+$0xFFFFFF30] =	vst v10  }
0x147: {  	[tilespmem:s11+$0xFFFFFF00] =	vst v9  }
0x148: {  	[tilespmem:s11+$0xFFFFFF10] =	vst v13;
	v9 =	vld [tilespmem:s11+$0xFFFFFF70]  }
0x149: {  	[tilespmem:s11+$0xFFFFFF20] =	vst v5;
	v5 =	vld [tilespmem:s11+$0xFFFFFF50]  }
0x14a: {  	v7 =	vld.idx.msk [tilespmem:v7+s0+$0x0], $0xffff  }
0x14b: {  	v10 =	vld [tilespmem:s11+$0xFFFFFF40]  }
0x14c: {  	v11 =	vld [tilespmem:s11+$0xFFFFFF60];
	_ =	sdelay $0x2  }
0x14d: {  	v8 =	vbroadcast v8, $0x0  }
0x14e: {  	v5 =	vmul.f32 v5, v7;
	v10 =	vmul.f32 v10, v7  }
0x14f: {  	v11 =	vmul.f32 v11, v7;
	v7 =	vmul.f32 v9, v7  }
0x150: {  	[tilespmem:s11+$0xFFFFFF40] =	vst v10  }
0x151: {  	[tilespmem:s11+$0xFFFFFF50] =	vst v5  }
0x152: {  	[tilespmem:s11+$0xFFFFFF70] =	vst v7;
	v5 =	vld [tilespmem:s11+$0xFFFFFFB0]  }
0x153: {  	[tilespmem:s11+$0xFFFFFF60] =	vst v11;
	v7 =	vld [tilespmem:s11+$0xFFFFFF90]  }
0x154: {  	v8 =	vld.idx.msk [tilespmem:v8+s0+$0x0], $0xffff  }
0x155: {  	v9 =	vld [tilespmem:s11+$0xFFFFFF80]  }
0x156: {  	v10 =	vld [tilespmem:s11+$0xFFFFFFA0];
	_ =	sdelay $0x2  }
0x157: {  	v11 =	vbroadcast v12, $0x0  }
0x158: {  	v7 =	vmul.f32 v7, v8;
	v9 =	vmul.f32 v9, v8  }
0x159: {  	v5 =	vmul.f32 v5, v8;
	v10 =	vmul.f32 v10, v8  }
0x15a: {  	[tilespmem:s11+$0xFFFFFF80] =	vst v9  }
0x15b: {  	[tilespmem:s11+$0xFFFFFFB0] =	vst v5  }
0x15c: {  	[tilespmem:s11+$0xFFFFFF90] =	vst v7;
	v5 =	vld [tilespmem:s11+$0xFFFFFFF0]  }
0x15d: {  	[tilespmem:s11+$0xFFFFFFA0] =	vst v10;
	v7 =	vld [tilespmem:s11+$0xFFFFFFD0]  }
0x15e: {  	v8 =	vld.idx.msk [tilespmem:v11+s0+$0x0], $0xffff  }
0x15f: {  	v9 =	vld [tilespmem:s11+$0xFFFFFFC0]  }
0x160: {  	v10 =	vld [tilespmem:s11+$0xFFFFFFE0];
	_ =	sdelay $0x2  }
0x161: {  	v4 =	vbroadcast v4, $0x0  }
0x162: {  	v7 =	vmul.f32 v7, v8;
	v9 =	vmul.f32 v9, v8  }
0x163: {  	v5 =	vmul.f32 v5, v8;
	v10 =	vmul.f32 v10, v8  }
0x164: {  	[tilespmem:s11+$0xFFFFFFC0] =	vst v9  }
0x165: {  	[tilespmem:s11+$0xFFFFFFD0] =	vst v7  }
0x166: {  	[tilespmem:s11+$0xFFFFFFE0] =	vst v10;
	v7 =	vld [tilespmem:s11+$0x30]  }
0x167: {  	[tilespmem:s11+$0xFFFFFFF0] =	vst v5;
	v5 =	vld [tilespmem:s11+$0x10]  }
0x168: {  	v4 =	vld.idx.msk [tilespmem:v4+s0+$0x0], $0xffff  }
0x169: {  	v8 =	vld [tilespmem:s11+$0x0]  }
0x16a: {  	v9 =	vld [tilespmem:s11+$0x20];
	_ =	sdelay $0x2  }
0x16b: {  	v6 =	vbroadcast v6, $0x0  }
0x16c: {  	v5 =	vmul.f32 v5, v4;
	v8 =	vmul.f32 v8, v4  }
0x16d: {  	v9 =	vmul.f32 v9, v4;
	v4 =	vmul.f32 v7, v4  }
0x16e: {  	[tilespmem:s11+$0x0] =	vst v8  }
0x16f: {  	[tilespmem:s11+$0x10] =	vst v5  }
0x170: {  	[tilespmem:s11+$0x30] =	vst v4;
	v5 =	vld [tilespmem:s11+$0x70]  }
0x171: {  	[tilespmem:s11+$0x20] =	vst v9;
	v4 =	vld [tilespmem:s11+$0x40]  }
0x172: {  	v6 =	vld.idx.msk [tilespmem:v6+s0+$0x0], $0xffff  }
0x173: {  	v7 =	vld [tilespmem:s11+$0x50]  }
0x174: {  	v8 =	vld [tilespmem:s11+$0x60];
	_ =	sdelay $0x3  }
.Ltmp8:
0x175: {  	v9 =	vmul.f32 v4, v6;
	v4 =	vmul.f32 v7, v6;
	(pc) =	sbr.rel @p0 .LBB2_10-.Ltmp8, $4  }
0x176: {  	v5 =	vmul.f32 v5, v6;
	v7 =	vmul.f32 v8, v6  }
0x177: {  	v3 =	vbroadcast v3, $0x0;
	[tilespmem:s11+$0x40] =	vst v9  }
0x178: {  	[tilespmem:s11+$0x70] =	vst v5  }
0x179: {  	[tilespmem:s11+$0x60] =	vst v7  }
0x17a: {  	_ =	sdelay $0x2  }
0x17b: {  	[tilespmem:s8+$0x50] =	vst v4;
	v60 =	vld [tilespmem:s8+$0xB0]  }
0x17c: {  	v3 =	vld.idx.msk [tilespmem:v3+s0+$0x0], $0xffff  }
0x17d: {  	v5 =	vld [tilespmem:s8+$0x80]  }
0x17e: {  	v6 =	vld [tilespmem:s8+$0x90]  }
0x17f: {  	v7 =	vld [tilespmem:s8+$0xA0];
	_ =	sdelay $0x1  }
0x180: {  	v2 =	vbroadcast v2, $0x0;
	v4 =	vmul.f32 v60, v3  }
0x181: {  	v5 =	vmul.f32 v5, v3  }
0x182: {  	v6 =	vmul.f32 v6, v3;
	[tilespmem:s8+$0xB0] =	vst v4  }
0x183: {  	v3 =	vmul.f32 v7, v3;
	[tilespmem:s8+$0x80] =	vst v5  }
0x184: {  	[tilespmem:s8+$0x90] =	vst v6  }
0x185: {  	[tilespmem:s8+$0xA0] =	vst v3;
	v3 =	vld [tilespmem:s8+$0xC0]  }
0x186: {  	v2 =	vld.idx.msk [tilespmem:v2+s0+$0x0], $0xffff  }
0x187: {  	v61 =	vld [tilespmem:s8+$0xD0]  }
0x188: {  	v62 =	vld [tilespmem:s8+$0xF0]  }
0x189: {  	v63 =	vld [tilespmem:s8+$0xE0];
	_ =	sdelay $0x1  }
0x18a: {  	v3 =	vmul.f32 v3, v2  }
0x18b: {  	v4 =	vmul.f32 v61, v2  }
0x18c: {  	s3 =	smul.u32 $0x640, s14;
	[tilespmem:s8+$0xC0] =	vst v3;
	v3 =	vmul.f32 v62, v2  }
0x18d: {  	v2 =	vmul.f32 v63, v2;
	[tilespmem:s8+$0xD0] =	vst v4  }
0x18e: {  	s3 =	sshra.s32 s3, $0x2;
	[tilespmem:s8+$0xF0] =	vst v3  }
0x18f: {  	s4 =	sadd.s32 $0xC350, s3;
	[tilespmem:s8+$0xE0] =	vst v2  }
0x190: {  	[spmem:s2] =	stream.indirect.scatter.add.f32 [tilespmem:s17], [sflag:$0x3], $0x40, s4, s20, $0xb8;
	[tilespmem:$0x1D970] =	vst v63  }
0x191: {  	s11 =	sadd.s32 $0xC3A0, s3  }
0x192: {  	[spmem:s2] =	stream.indirect.scatter.add.f32 [tilespmem:s22], [sflag:$0x3], $0x40, s11, s20, $0xb8;
	[tilespmem:$0x1D970] =	vst v63  }
0x193: {  	p0 =	seq.s32 s7, $0x0;
	s12 =	sadd.s32 $0xC3F0, s3  }
0x194: {  	[spmem:s2] =	stream.indirect.scatter.add.f32 [tilespmem:s24], [sflag:$0x3], $0x40, s12, s20, $0xb8;
	[tilespmem:$0x1D970] =	vst v63  }
.Ltmp9:
0x195: {  	_ = 	snop;
	(pc) =	sbr.rel @p0 .LBB2_15-.Ltmp9, $4  }
0x196: {  	s13 =	sadd.s32 $0xC440, s3  }
0x197: {  	[spmem:s2] =	stream.indirect.scatter.add.f32 [tilespmem:s26], [sflag:$0x3], $0x40, s13, s20, $0xb8;
	[tilespmem:$0x1D970] =	vst v63  }
0x198: {  	s3 =	sadd.s32 $0xC490, s3  }
0x199: {  	[spmem:s2] =	stream.indirect.scatter.add.f32 [tilespmem:s29], [sflag:$0x3], $0x40, s3, s20, $0xb8;
	[tilespmem:$0x1D970] =	vst v63  }
.LBB2_12:
0x19a: {  	_ =	swait.ge [sflag:s30], $0x1400  }
0x19b: {  	[sflag:s30] =	ssyncset.done $0x0  }
0x19c: {  	[sflag:s30] =	ssyncadd.s32 $0xFFFFEC00  }
0x19d: {  	_ =	swait.ge [sflag:s30], $0x1400  }
0x19e: {  	[sflag:s30] =	ssyncset.done $0x0  }
0x19f: {  	[sflag:s30] =	ssyncadd.s32 $0xFFFFEC00  }
0x1a0: {  	_ =	swait.ge [sflag:s30], $0x1400  }
0x1a1: {  	[sflag:s30] =	ssyncset.done $0x0  }
0x1a2: {  	[sflag:s30] =	ssyncadd.s32 $0xFFFFEC00  }
0x1a3: {  	_ =	swait.ge [sflag:s30], $0x1400  }
0x1a4: {  	p0 =	seq.s32 s14, $0x18;
	[sflag:s30] =	ssyncset.done $0x0  }
0x1a5: {  	s3 =	smul.u32 @!p0 $0x640, s14;
	[sflag:s30] =	ssyncadd.s32 $0xFFFFEC00  }
0x1a6: {  	_ =	swait.ge [sflag:s30], $0x1400  }
0x1a7: {  	s7 =	simm.s32 @!p0 $0x50;
	s3 =	sshra.s32 @!p0 s3, $0x2;
	[sflag:s30] =	ssyncset.done $0x0  }
0x1a8: {  	s8 =	simm.s32 @!p0 $0x11170;
	s4 =	sadd.s32 @!p0 $0x9DD0, s3;
	[sflag:s30] =	ssyncadd.s32 $0xFFFFEC00  }
0x1a9: {  	[tilespmem:s8], [sflag:$0x1] =	stream.indirect.gather @!p0 [hbm4b:s6+s7], $0x40, s4, s7, $0xb8;
	[tilespmem:$0x1D970] =	vst v63  }
0x1aa: {  	s4 =	sadd.s32 @!p0 $0x9E20, s3;
	s8 =	simm.s32 @!p0 $0x12570  }
0x1ab: {  	[tilespmem:s8], [sflag:$0x1] =	stream.indirect.gather @!p0 [hbm4b:s6+s7], $0x40, s4, s7, $0xb8;
	[tilespmem:$0x1D970] =	vst v63  }
0x1ac: {  	s4 =	sadd.s32 @!p0 $0x9E70, s3;
	s8 =	simm.s32 @!p0 $0x13970  }
0x1ad: {  	[tilespmem:s8], [sflag:$0x1] =	stream.indirect.gather @!p0 [hbm4b:s6+s7], $0x40, s4, s7, $0xb8;
	[tilespmem:$0x1D970] =	vst v63  }
0x1ae: {  	s4 =	sadd.s32 @!p0 $0x9EC0, s3;
	s8 =	simm.s32 @!p0 $0x14D70  }
0x1af: {  	[tilespmem:s8], [sflag:$0x1] =	stream.indirect.gather @!p0 [hbm4b:s6+s7], $0x40, s4, s7, $0xb8;
	[tilespmem:$0x1D970] =	vst v63  }
0x1b0: {  	s3 =	sadd.s32 @!p0 $0x9F10, s3;
	s4 =	simm.s32 @!p0 $0x16170  }
0x1b1: {  	[tilespmem:s4], [sflag:$0x1] =	stream.indirect.gather @!p0 [hbm4b:s6+s7], $0x40, s3, s7, $0xb8;
	[tilespmem:$0x1D970] =	vst v63  }
0x1b2: {  	_ =	swait.ge [sflag:s31], $0x1400  }
0x1b3: {  	[sflag:s31] =	ssyncset.done $0x0  }
0x1b4: {  	[sflag:s31] =	ssyncadd.s32 $0xFFFFEC00  }
0x1b5: {  	_ =	swait.ge [sflag:s31], $0x1400  }
0x1b6: {  	[sflag:s31] =	ssyncset.done $0x0  }
0x1b7: {  	s8 =	sadd.s32 $0xFFFFFFF8, s5;
	[sflag:s31] =	ssyncadd.s32 $0xFFFFEC00  }
0x1b8: {  	s12 =	sadd.s32 $0x8, s8;
	_ =	swait.ge [sflag:s31], $0x1400  }
0x1b9: {  	v2 =	vmov s12;
	[sflag:s31] =	ssyncset.done $0x0  }
0x1ba: {  	v2 =	vshrl.u32 v2, $0x3;
	[sflag:s31] =	ssyncadd.s32 $0xFFFFEC00  }
0x1bb: {  	v2 =	vshll.u32 v2, v1;
	_ =	swait.ge [sflag:s31], $0x1400  }
0x1bc: {  	v2 =	vbroadcast v2, $0x0;
	[sflag:s31] =	ssyncset.done $0x0  }
0x1bd: {  	[sflag:s31] =	ssyncadd.s32 $0xFFFFEC00  }
0x1be: {  	_ =	swait.ge [sflag:s31], $0x1400  }
0x1bf: {  	[sflag:s31] =	ssyncset.done $0x0  }
0x1c0: {  	s7 =	simm.s32 $0x17670;
	[sflag:s31] =	ssyncadd.s32 $0xFFFFEC00  }
0x1c1: {  	v3 =	vld [tilespmem:s7+$0xFFFFFF30]  }
0x1c2: {  	s13 =	sadd.s32 $0x9, s8;
	v2 =	vld.idx.msk [tilespmem:v2+s0+$0x0], $0xffff  }
0x1c3: {  	v4 =	vmov s13;
	v5 =	vld [tilespmem:s7+$0xFFFFFF00]  }
0x1c4: {  	v4 =	vshrl.u32 v4, $0x3;
	v6 =	vld [tilespmem:s7+$0xFFFFFF10]  }
0x1c5: {  	v4 =	vshll.u32 v4, v1;
	v7 =	vld [tilespmem:s7+$0xFFFFFF20]  }
0x1c6: {  	v4 =	vadd.s32 $0x1, v4  }
0x1c7: {  	v4 =	vbroadcast v4, $0x0;
	v3 =	vmul.f32 v3, v2  }
0x1c8: {  	v5 =	vmul.f32 v5, v2  }
0x1c9: {  	v6 =	vmul.f32 v6, v2;
	[tilespmem:s7+$0xFFFFFF30] =	vst v3  }
0x1ca: {  	v2 =	vmul.f32 v7, v2;
	[tilespmem:s7+$0xFFFFFF00] =	vst v5  }
0x1cb: {  	[tilespmem:s7+$0xFFFFFF10] =	vst v6  }
0x1cc: {  	[tilespmem:s7+$0xFFFFFF20] =	vst v2;
	v3 =	vld [tilespmem:s7+$0xFFFFFF40]  }
0x1cd: {  	s4 =	sadd.s32 $0xA, s8;
	v2 =	vld.idx.msk [tilespmem:v4+s0+$0x0], $0xffff  }
0x1ce: {  	v5 =	vld [tilespmem:s7+$0xFFFFFF50];
	v4 =	vmov s4  }
0x1cf: {  	v6 =	vld [tilespmem:s7+$0xFFFFFF70];
	v4 =	vshrl.u32 v4, $0x3  }
0x1d0: {  	v7 =	vld [tilespmem:s7+$0xFFFFFF60];
	v4 =	vshll.u32 v4, v1  }
0x1d1: {  	v4 =	vadd.s32 $0x2, v4  }
0x1d2: {  	v4 =	vbroadcast v4, $0x0;
	v3 =	vmul.f32 v3, v2  }
0x1d3: {  	v5 =	vmul.f32 v5, v2  }
0x1d4: {  	v6 =	vmul.f32 v6, v2;
	[tilespmem:s7+$0xFFFFFF40] =	vst v3  }
0x1d5: {  	v2 =	vmul.f32 v7, v2;
	[tilespmem:s7+$0xFFFFFF50] =	vst v5  }
0x1d6: {  	[tilespmem:s7+$0xFFFFFF70] =	vst v6  }
0x1d7: {  	[tilespmem:s7+$0xFFFFFF60] =	vst v2;
	v3 =	vld [tilespmem:s7+$0xFFFFFF80]  }
0x1d8: {  	s9 =	sadd.s32 $0xB, s8;
	v2 =	vld.idx.msk [tilespmem:v4+s0+$0x0], $0xffff  }
0x1d9: {  	v5 =	vld [tilespmem:s7+$0xFFFFFFB0];
	v4 =	vmov s9  }
0x1da: {  	v6 =	vld [tilespmem:s7+$0xFFFFFF90];
	v4 =	vshrl.u32 v4, $0x3  }
0x1db: {  	v7 =	vld [tilespmem:s7+$0xFFFFFFA0];
	v4 =	vshll.u32 v4, v1  }
0x1dc: {  	v4 =	vadd.s32 $0x3, v4  }
0x1dd: {  	v4 =	vbroadcast v4, $0x0;
	v3 =	vmul.f32 v3, v2  }
0x1de: {  	v5 =	vmul.f32 v5, v2  }
0x1df: {  	v6 =	vmul.f32 v6, v2;
	[tilespmem:s7+$0xFFFFFF80] =	vst v3  }
0x1e0: {  	v2 =	vmul.f32 v7, v2;
	[tilespmem:s7+$0xFFFFFFB0] =	vst v5  }
0x1e1: {  	[tilespmem:s7+$0xFFFFFF90] =	vst v6  }
0x1e2: {  	[tilespmem:s7+$0xFFFFFFA0] =	vst v2;
	v3 =	vld [tilespmem:s7+$0xFFFFFFC0]  }
0x1e3: {  	s10 =	sadd.s32 $0xC, s8;
	v2 =	vld.idx.msk [tilespmem:v4+s0+$0x0], $0xffff  }
0x1e4: {  	v5 =	vld [tilespmem:s7+$0xFFFFFFD0];
	v4 =	vmov s10  }
0x1e5: {  	v6 =	vld [tilespmem:s7+$0xFFFFFFE0];
	v4 =	vshrl.u32 v4, $0x3  }
0x1e6: {  	v7 =	vld [tilespmem:s7+$0xFFFFFFF0];
	v4 =	vshll.u32 v4, v1  }
0x1e7: {  	v4 =	vadd.s32 $0x4, v4  }
0x1e8: {  	v4 =	vbroadcast v4, $0x0;
	v3 =	vmul.f32 v3, v2  }
0x1e9: {  	v5 =	vmul.f32 v5, v2  }
0x1ea: {  	v6 =	vmul.f32 v6, v2;
	[tilespmem:s7+$0xFFFFFFC0] =	vst v3  }
0x1eb: {  	v2 =	vmul.f32 v7, v2;
	[tilespmem:s7+$0xFFFFFFD0] =	vst v5  }
0x1ec: {  	v7 =	vld [tilespmem:s7+$0x20];
	[tilespmem:s7+$0xFFFFFFE0] =	vst v6  }
0x1ed: {  	[tilespmem:s7+$0xFFFFFFF0] =	vst v2;
	v3 =	vld [tilespmem:s7+$0x0]  }
0x1ee: {  	s11 =	sadd.s32 $0xD, s8;
	v2 =	vld.idx.msk [tilespmem:v4+s0+$0x0], $0xffff  }
0x1ef: {  	v5 =	vmov s11;
	v4 =	vld [tilespmem:s7+$0x10]  }
0x1f0: {  	v6 =	vld [tilespmem:s7+$0x30];
	v5 =	vshrl.u32 v5, $0x3  }
0x1f1: {  	v5 =	vshll.u32 v5, v1  }
0x1f2: {  	v5 =	vadd.s32 $0x5, v5  }
0x1f3: {  	v5 =	vbroadcast v5, $0x0;
	v3 =	vmul.f32 v3, v2  }
0x1f4: {  	v4 =	vmul.f32 v4, v2  }
0x1f5: {  	v6 =	vmul.f32 v6, v2;
	v2 =	vmul.f32 v7, v2;
	[tilespmem:s7+$0x0] =	vst v3  }
0x1f6: {  	[tilespmem:s7+$0x10] =	vst v4  }
0x1f7: {  	[tilespmem:s7+$0x20] =	vst v2;
	v2 =	vld [tilespmem:s7+$0x40]  }
0x1f8: {  	[tilespmem:s7+$0x30] =	vst v6;
	v4 =	vld [tilespmem:s7+$0x70]  }
0x1f9: {  	v3 =	vld.idx.msk [tilespmem:v5+s0+$0x0], $0xffff  }
0x1fa: {  	v5 =	vld [tilespmem:s7+$0x60]  }
0x1fb: {  	s12 =	sadd.s32 $0xE, s8;
	v6 =	vld [tilespmem:s7+$0x50]  }
0x1fc: {  	v7 =	vmov s12  }
0x1fd: {  	s13 =	sadd.s32 $0xF, s8;
	v7 =	vshrl.u32 v7, $0x3  }
0x1fe: {  	v8 =	vmov s13;
	v7 =	vshll.u32 v7, v1;
	v4 =	vmul.f32 v4, v3  }
0x1ff: {  	v7 =	vadd.s32 $0x6, v7;
	v2 =	vmul.f32 v2, v3;
	v5 =	vmul.f32 v5, v3  }
0x200: {  	v8 =	vshrl.u32 v8, $0x3;
	[tilespmem:s7+$0x70] =	vst v4;
	v4 =	vmul.f32 v6, v3;
	v3 =	vbroadcast v7, $0x0  }
0x201: {  	[tilespmem:s7+$0x40] =	vst v2;
	v2 =	vshll.u32 v8, v1  }
0x202: {  	s8 =	simm.s32 $0x0;
	s9 =	simm.s32 $0x17670;
	[tilespmem:s7+$0x60] =	vst v5;
	v2 =	vadd.s32 $0x7, v2  }
.LBB2_13:
0x203: {  	[tilespmem:s7+$0x50] =	vst v4;
	s9 =	sadd.s32 $0x200, s9;
	s3 =	smov.u32 s8;
	s8 =	sadd.s32 $0x8, s8  }
0x204: {  	p0 =	slt.u32 s8, $0x188;
	v4 =	vld [tilespmem:s7+$0xB0]  }
0x205: {  	v5 =	vld [tilespmem:s7+$0x90]  }
0x206: {  	v3 =	vld.idx.msk [tilespmem:v3+s0+$0x0], $0xffff  }
0x207: {  	v6 =	vld [tilespmem:s7+$0x80]  }
0x208: {  	v7 =	vld [tilespmem:s7+$0xA0];
	_ =	sdelay $0x2  }
0x209: {  	v2 =	vbroadcast v2, $0x0  }
0x20a: {  	v4 =	vmul.f32 v4, v3;
	v6 =	vmul.f32 v6, v3  }
0x20b: {  	v5 =	vmul.f32 v5, v3;
	v3 =	vmul.f32 v7, v3  }
0x20c: {  	[tilespmem:s7+$0xB0] =	vst v4  }
0x20d: {  	[tilespmem:s7+$0x80] =	vst v6  }
0x20e: {  	[tilespmem:s7+$0x90] =	vst v5  }
0x20f: {  	[tilespmem:s7+$0xA0] =	vst v3;
	v3 =	vld [tilespmem:s7+$0xD0]  }
0x210: {  	v2 =	vld.idx.msk [tilespmem:v2+s0+$0x0], $0xffff  }
0x211: {  	s3 =	sadd.s32 s3, s5;
	v4 =	vld [tilespmem:s7+$0xC0]  }
0x212: {  	s4 =	sadd.s32 $0x8, s3;
	s10 =	sadd.s32 $0x9, s3;
	s11 =	sadd.s32 $0xA, s3;
	v5 =	vld [tilespmem:s7+$0xE0]  }
0x213: {  	v8 =	vmov s11;
	s11 =	sadd.s32 $0xD, s3;
	v7 =	vmov s10;
	s10 =	sadd.s32 $0xC, s3;
	v6 =	vmov s4;
	s4 =	sadd.s32 $0xB, s3;
	v9 =	vld [tilespmem:s7+$0xF0]  }
0x214: {  	s12 =	sadd.s32 $0xE, s3;
	v8 =	vshrl.u32 v8, $0x3;
	v7 =	vshrl.u32 v7, $0x3;
	s3 =	sadd.s32 $0xF, s3;
	v6 =	vshrl.u32 v6, $0x3  }
0x215: {  	v8 =	vshll.u32 v8, v1;
	v7 =	vshll.u32 v7, v1;
	v6 =	vshll.u32 v6, v1  }
0x216: {  	v7 =	vadd.s32 $0x1, v7;
	v6 =	vbroadcast v6, $0x0;
	v4 =	vmul.f32 v4, v2  }
0x217: {  	v8 =	vadd.s32 $0x2, v8;
	v3 =	vmul.f32 v3, v2;
	v5 =	vmul.f32 v5, v2  }
0x218: {  	v11 =	vmov s10;
	v10 =	vmov s4;
	[tilespmem:s7+$0xC0] =	vst v4;
	v2 =	vmul.f32 v9, v2  }
0x219: {  	v4 =	vshrl.u32 v10, $0x3;
	v9 =	vshrl.u32 v11, $0x3;
	v10 =	vmov s11;
	[tilespmem:s7+$0xD0] =	vst v3  }
0x21a: {  	v3 =	vshll.u32 v4, v1;
	v4 =	vshll.u32 v9, v1;
	v9 =	vshrl.u32 v10, $0x3;
	v11 =	vld [tilespmem:s9+$0xFFFFFF20];
	[tilespmem:s7+$0xF0] =	vst v2  }
0x21b: {  	v12 =	vadd.s32 $0x3, v3;
	v4 =	vadd.s32 $0x4, v4;
	v2 =	vshll.u32 v9, v1;
	v10 =	vld [tilespmem:s9+$0xFFFFFF30];
	[tilespmem:s7+$0xE0] =	vst v5;
	s7 =	smov.u32 s9  }
0x21c: {  	v3 =	vmov s3;
	v5 =	vld.idx.msk [tilespmem:v6+s0+$0x0], $0xffff;
	v6 =	vadd.s32 $0x5, v2;
	v2 =	vmov s12  }
0x21d: {  	v3 =	vshrl.u32 v3, $0x3;
	v9 =	vld [tilespmem:s9+$0xFFFFFF00];
	v2 =	vshrl.u32 v2, $0x3  }
0x21e: {  	v14 =	vshll.u32 v3, v1;
	v13 =	vld [tilespmem:s9+$0xFFFFFF10];
	v2 =	vshll.u32 v2, v1  }
0x21f: {  	v3 =	vadd.s32 $0x6, v2;
	v2 =	vadd.s32 $0x7, v14;
	_ =	sdelay $0x1  }
0x220: {  	v7 =	vbroadcast v7, $0x0  }
0x221: {  	v10 =	vmul.f32 v10, v5;
	v9 =	vmul.f32 v9, v5  }
0x222: {  	v13 =	vmul.f32 v13, v5;
	v5 =	vmul.f32 v11, v5  }
0x223: {  	[tilespmem:s9+$0xFFFFFF30] =	vst v10  }
0x224: {  	[tilespmem:s9+$0xFFFFFF00] =	vst v9  }
0x225: {  	[tilespmem:s9+$0xFFFFFF10] =	vst v13;
	v9 =	vld [tilespmem:s9+$0xFFFFFF70]  }
0x226: {  	[tilespmem:s9+$0xFFFFFF20] =	vst v5;
	v5 =	vld [tilespmem:s9+$0xFFFFFF50]  }
0x227: {  	v7 =	vld.idx.msk [tilespmem:v7+s0+$0x0], $0xffff  }
0x228: {  	v10 =	vld [tilespmem:s9+$0xFFFFFF40]  }
0x229: {  	v11 =	vld [tilespmem:s9+$0xFFFFFF60];
	_ =	sdelay $0x2  }
0x22a: {  	v8 =	vbroadcast v8, $0x0  }
0x22b: {  	v5 =	vmul.f32 v5, v7;
	v10 =	vmul.f32 v10, v7  }
0x22c: {  	v11 =	vmul.f32 v11, v7;
	v7 =	vmul.f32 v9, v7  }
0x22d: {  	[tilespmem:s9+$0xFFFFFF40] =	vst v10  }
0x22e: {  	[tilespmem:s9+$0xFFFFFF50] =	vst v5  }
0x22f: {  	[tilespmem:s9+$0xFFFFFF70] =	vst v7;
	v5 =	vld [tilespmem:s9+$0xFFFFFFB0]  }
0x230: {  	[tilespmem:s9+$0xFFFFFF60] =	vst v11;
	v7 =	vld [tilespmem:s9+$0xFFFFFF90]  }
0x231: {  	v8 =	vld.idx.msk [tilespmem:v8+s0+$0x0], $0xffff  }
0x232: {  	v9 =	vld [tilespmem:s9+$0xFFFFFF80]  }
0x233: {  	v10 =	vld [tilespmem:s9+$0xFFFFFFA0];
	_ =	sdelay $0x2  }
0x234: {  	v11 =	vbroadcast v12, $0x0  }
0x235: {  	v7 =	vmul.f32 v7, v8;
	v9 =	vmul.f32 v9, v8  }
0x236: {  	v5 =	vmul.f32 v5, v8;
	v10 =	vmul.f32 v10, v8  }
0x237: {  	[tilespmem:s9+$0xFFFFFF80] =	vst v9  }
0x238: {  	[tilespmem:s9+$0xFFFFFFB0] =	vst v5  }
0x239: {  	[tilespmem:s9+$0xFFFFFF90] =	vst v7;
	v5 =	vld [tilespmem:s9+$0xFFFFFFF0]  }
0x23a: {  	[tilespmem:s9+$0xFFFFFFA0] =	vst v10;
	v7 =	vld [tilespmem:s9+$0xFFFFFFD0]  }
0x23b: {  	v8 =	vld.idx.msk [tilespmem:v11+s0+$0x0], $0xffff  }
0x23c: {  	v9 =	vld [tilespmem:s9+$0xFFFFFFC0]  }
0x23d: {  	v10 =	vld [tilespmem:s9+$0xFFFFFFE0];
	_ =	sdelay $0x2  }
0x23e: {  	v4 =	vbroadcast v4, $0x0  }
0x23f: {  	v7 =	vmul.f32 v7, v8;
	v9 =	vmul.f32 v9, v8  }
0x240: {  	v5 =	vmul.f32 v5, v8;
	v10 =	vmul.f32 v10, v8  }
0x241: {  	[tilespmem:s9+$0xFFFFFFC0] =	vst v9  }
0x242: {  	[tilespmem:s9+$0xFFFFFFD0] =	vst v7  }
0x243: {  	[tilespmem:s9+$0xFFFFFFE0] =	vst v10;
	v7 =	vld [tilespmem:s9+$0x30]  }
0x244: {  	[tilespmem:s9+$0xFFFFFFF0] =	vst v5;
	v5 =	vld [tilespmem:s9+$0x10]  }
0x245: {  	v4 =	vld.idx.msk [tilespmem:v4+s0+$0x0], $0xffff  }
0x246: {  	v8 =	vld [tilespmem:s9+$0x0]  }
0x247: {  	v9 =	vld [tilespmem:s9+$0x20];
	_ =	sdelay $0x2  }
0x248: {  	v6 =	vbroadcast v6, $0x0  }
0x249: {  	v5 =	vmul.f32 v5, v4;
	v8 =	vmul.f32 v8, v4  }
0x24a: {  	v9 =	vmul.f32 v9, v4;
	v4 =	vmul.f32 v7, v4  }
0x24b: {  	[tilespmem:s9+$0x0] =	vst v8  }
0x24c: {  	[tilespmem:s9+$0x10] =	vst v5  }
0x24d: {  	[tilespmem:s9+$0x30] =	vst v4;
	v5 =	vld [tilespmem:s9+$0x70]  }
0x24e: {  	[tilespmem:s9+$0x20] =	vst v9;
	v4 =	vld [tilespmem:s9+$0x40]  }
0x24f: {  	v6 =	vld.idx.msk [tilespmem:v6+s0+$0x0], $0xffff  }
0x250: {  	v7 =	vld [tilespmem:s9+$0x50]  }
0x251: {  	v8 =	vld [tilespmem:s9+$0x60];
	_ =	sdelay $0x3  }
.Ltmp10:
0x252: {  	v9 =	vmul.f32 v4, v6;
	v4 =	vmul.f32 v7, v6;
	(pc) =	sbr.rel @p0 .LBB2_13-.Ltmp10, $4  }
0x253: {  	v5 =	vmul.f32 v5, v6;
	v7 =	vmul.f32 v8, v6  }
0x254: {  	v3 =	vbroadcast v3, $0x0;
	[tilespmem:s9+$0x40] =	vst v9  }
0x255: {  	[tilespmem:s9+$0x70] =	vst v5  }
0x256: {  	[tilespmem:s9+$0x60] =	vst v7  }
0x257: {  	_ =	sdelay $0x2  }
0x258: {  	[tilespmem:s7+$0x50] =	vst v4;
	v60 =	vld [tilespmem:s7+$0xB0]  }
0x259: {  	v3 =	vld.idx.msk [tilespmem:v3+s0+$0x0], $0xffff  }
0x25a: {  	v5 =	vld [tilespmem:s7+$0x80]  }
0x25b: {  	v6 =	vld [tilespmem:s7+$0x90]  }
0x25c: {  	v7 =	vld [tilespmem:s7+$0xA0];
	_ =	sdelay $0x1  }
0x25d: {  	v2 =	vbroadcast v2, $0x0;
	v4 =	vmul.f32 v60, v3  }
0x25e: {  	v5 =	vmul.f32 v5, v3  }
0x25f: {  	v6 =	vmul.f32 v6, v3;
	[tilespmem:s7+$0xB0] =	vst v4  }
0x260: {  	v3 =	vmul.f32 v7, v3;
	[tilespmem:s7+$0x80] =	vst v5  }
0x261: {  	[tilespmem:s7+$0x90] =	vst v6  }
0x262: {  	[tilespmem:s7+$0xA0] =	vst v3;
	v3 =	vld [tilespmem:s7+$0xC0]  }
0x263: {  	v2 =	vld.idx.msk [tilespmem:v2+s0+$0x0], $0xffff  }
0x264: {  	v61 =	vld [tilespmem:s7+$0xD0]  }
0x265: {  	v62 =	vld [tilespmem:s7+$0xF0]  }
0x266: {  	v63 =	vld [tilespmem:s7+$0xE0];
	_ =	sdelay $0x1  }
0x267: {  	v3 =	vmul.f32 v3, v2  }
0x268: {  	v4 =	vmul.f32 v61, v2  }
0x269: {  	s3 =	smul.u32 $0x640, s14;
	[tilespmem:s7+$0xC0] =	vst v3;
	v3 =	vmul.f32 v62, v2  }
0x26a: {  	v2 =	vmul.f32 v63, v2;
	[tilespmem:s7+$0xD0] =	vst v4  }
0x26b: {  	s3 =	sshra.s32 s3, $0x2;
	[tilespmem:s7+$0xF0] =	vst v3  }
0x26c: {  	s4 =	sadd.s32 $0xC350, s3;
	[tilespmem:s7+$0xE0] =	vst v2  }
0x26d: {  	[spmem:s2] =	stream.indirect.scatter.add.f32 [tilespmem:s16], [sflag:$0x4], $0x40, s4, s20, $0xb8;
	[tilespmem:$0x1D970] =	vst v63  }
0x26e: {  	s11 =	sadd.s32 $0xC3A0, s3  }
0x26f: {  	[spmem:s2] =	stream.indirect.scatter.add.f32 [tilespmem:s21], [sflag:$0x4], $0x40, s11, s20, $0xb8;
	[tilespmem:$0x1D970] =	vst v63  }
0x270: {  	s12 =	sadd.s32 $0xC3F0, s3  }
0x271: {  	[spmem:s2] =	stream.indirect.scatter.add.f32 [tilespmem:s23], [sflag:$0x4], $0x40, s12, s20, $0xb8;
	[tilespmem:$0x1D970] =	vst v63  }
.Ltmp11:
0x272: {  	_ = 	snop;
	(pc) =	sbr.rel .LBB2_15-.Ltmp11, $4  }
0x273: {  	s13 =	sadd.s32 $0xC440, s3  }
0x274: {  	[spmem:s2] =	stream.indirect.scatter.add.f32 [tilespmem:s25], [sflag:$0x4], $0x40, s13, s20, $0xb8;
	[tilespmem:$0x1D970] =	vst v63  }
0x275: {  	s3 =	sadd.s32 $0xC490, s3  }
0x276: {  	[spmem:s2] =	stream.indirect.scatter.add.f32 [tilespmem:s28], [sflag:$0x4], $0x40, s3, s20, $0xb8;
	[tilespmem:$0x1D970] =	vst v63  }
.LBB2_17:
0x277: {  	_ =	sfence.sel $0x180000  }
0x278: {  	[bflag:$0x0] =	sbarrier.arrive $0xFFFF  }
0x279: {  	_ =	strace $0x90000047  }
0x27a: {  	s0 =	stileid.u32;
	[bflag:$0x2] =	sbarrier.arrive $0xFFFF  }
0x27b: {  	p0 =	sne.s32 s0, $0x0;
	s0 =	rddreg [dreg:$0x2]  }
0x27c: {  	s0 =	sadd.s32 @!p0 $0x100000, s0  }
0x27d: {  	[sflag:s0] =	ssyncadd.tile.s32 @!p0 $0x1;
	_ =	shalt  }
.Lfunc_end2:
_tile_overlayer_lowered:
.L_overlay_start_2:
0x27e: {  	(tag) =	ssettag $0x2  }
0x27f: {  	s0 =	rddreg [dreg:$0x0];
	s2 =	stileid.u32  }
0x280: {  	s1 =	rddreg [dreg:$0x1];
	p0 =	sne.s32 s2, $0x0  }
0x281: {  	s3 =	rddreg [dreg:$0x2];
	[bflag:$0x3] =	sbarrier.arrive $0xFFFF;
	s2 =	simm.s32 @!p0 $0x1C05  }
0x282: {  	[timem:s3], [sflag:s2] =	dma.local @!p0 [hbm:s0], s1  }
0x283: {  	s0 =	simm.s32 @!p0 $0x5  }
0x284: {  	_ =	swait.ge @!p0 [sflag:s0], s1  }
0x285: {  	s1 =	ssub.s32 @!p0 $0x0, s1;
	[sflag:s0] =	ssyncset.done @!p0 $0x0  }
0x286: {  	[sflag:s0] =	ssyncadd.s32 @!p0 s1  }
0x287: {  	[bflag:$0x3] =	sbarrier.arrive $0xFFFF  }
0x288: {  	_ =	shalt  }

</sc_bundles>
